<compile_context>
chip_gen: v7x
topology: tpu7x:2x2x1
jax: 0.10.2.dev20260603
libtpu: 0.0.44.dev20260713+nightly
codegen_flags: <defaults>
</compile_context>

<pallas_src>
import functools

import jax
import jax.numpy as jnp
from jax import lax
from jax.experimental import pallas as pl
from jax.experimental.pallas import tpu as pltpu
from jax.experimental.pallas import tpu_sc as plsc

_N = 10000
_E = 320000
_D = 128
_H = 256
_Q = 64
_NC = 2
_NS = 16
_LANES = 16
_C = 128
_NB = 2
_NCH = 160
_EPAD = _NS * _NCH * _C
_NPAD = 10240
_RPT = _NPAD // _NS
_RZ = 128
_NRZ = _RPT // _RZ
_R = 1000


def _fill_vmem_2d(ref, nrows, ncols, val):
    v = jnp.full((_LANES,), val, jnp.float32)

    def row(r, carry):
        for k in range(ncols // _LANES):
            ref[r, pl.ds(k * _LANES, _LANES)] = v
        return carry

    lax.fori_loop(0, nrows, row, 0)


def _zero_acc(acc, stage_v, s):
    for i in range(_NRZ):
        pltpu.sync_copy(stage_v, acc.at[pl.ds(s * _RPT + i * _RZ, _RZ)])


def _agg_edges(table_hbm, acc, src_v, dst_v, bufs, gsem,
               ones_v=None, degacc=None):
    rows0_v, rows1_v = bufs

    def gather(j, buf):
        pltpu.async_copy(table_hbm.at[src_v.at[j]], buf, gsem)

    def wait_gather(j, buf):
        pltpu.make_async_copy(table_hbm.at[src_v.at[j]], buf, gsem).wait()

    def scatter(j, buf):
        pltpu.sync_copy(buf, acc.at[dst_v.at[j]], add=True)
        if degacc is not None:
            pltpu.sync_copy(ones_v, degacc.at[dst_v.at[j]], add=True)

    gather(0, rows0_v)

    def body(i, carry):
        j = 2 * i
        gather(j + 1, rows1_v)
        wait_gather(j, rows0_v)
        scatter(j, rows0_v)

        @pl.when(j + 2 < _NCH)
        def _():
            gather(j + 2, rows0_v)

        wait_gather(j + 1, rows1_v)
        scatter(j + 1, rows1_v)
        return carry

    lax.fori_loop(0, _NCH // 2, body, 0)


def _export(acc, stage_v, out_hbm, s):
    for i in range(_NRZ):
        row0 = s * _RPT + i * _RZ
        pltpu.sync_copy(acc.at[pl.ds(row0, _RZ)], stage_v)
        pltpu.sync_copy(stage_v, out_hbm.at[pl.ds(row0, _RZ)])


@functools.partial(
    pl.kernel,
    mesh=plsc.VectorSubcoreMesh(core_axis_name="c", subcore_axis_name="s"),
    out_type=(
        jax.ShapeDtypeStruct((_NPAD, _Q), jnp.float32),
        jax.ShapeDtypeStruct((_NPAD, _Q), jnp.float32),
        jax.ShapeDtypeStruct((_NPAD, _LANES), jnp.float32),
    ),
    scratch_types=(
        pltpu.VMEM((_NCH, _C), jnp.int32),
        pltpu.VMEM((_NCH, _C), jnp.int32),
        pltpu.VMEM((_C, _Q), jnp.float32),
        pltpu.VMEM((_C, _Q), jnp.float32),
        pltpu.VMEM((_RZ, _Q), jnp.float32),
        pltpu.VMEM((_C, _LANES), jnp.float32),
        pltpu.VMEM((_RZ, _LANES), jnp.float32),
        pltpu.VMEM_SHARED((_NPAD, _Q), jnp.float32),
        pltpu.VMEM_SHARED((_NPAD, _LANES), jnp.float32),
        pltpu.SemaphoreType.DMA,
    ),
    compiler_params=pltpu.CompilerParams(use_tc_tiling_on_sc=False),
)
def _sc_agg1(x0_hbm, x1_hbm, src_hbm, dst_hbm, q0_hbm, q1_hbm, degp_hbm,
             src_v, dst_v, rows0_v, rows1_v, stage_v, ones_v, degstage_v,
             acc, degacc, gsem):
    c = lax.axis_index("c")
    s = lax.axis_index("s")
    _fill_vmem_2d(stage_v, _RZ, _Q, 0.0)
    _fill_vmem_2d(ones_v, _C, _LANES, 1.0)
    _fill_vmem_2d(degstage_v, _RZ, _LANES, 0.0)
    _zero_acc(acc, stage_v, s)

    @pl.when(c == 0)
    def _():
        for i in range(_NRZ):
            pltpu.sync_copy(degstage_v,
                            degacc.at[pl.ds(s * _RPT + i * _RZ, _RZ)])

    pltpu.sync_copy(src_hbm.at[s], src_v)
    pltpu.sync_copy(dst_hbm.at[s], dst_v)
    plsc.subcore_barrier()

    @pl.when(c == 0)
    def _():
        _agg_edges(x0_hbm, acc, src_v, dst_v, (rows0_v, rows1_v), gsem,
                   ones_v=ones_v, degacc=degacc)

    @pl.when(c == 1)
    def _():
        _agg_edges(x1_hbm, acc, src_v, dst_v, (rows0_v, rows1_v), gsem)

    plsc.subcore_barrier()

    @pl.when(c == 0)
    def _():
        _export(acc, stage_v, q0_hbm, s)
        for i in range(_NRZ):
            row0 = s * _RPT + i * _RZ
            pltpu.sync_copy(degacc.at[pl.ds(row0, _RZ)], degstage_v)
            pltpu.sync_copy(degstage_v, degp_hbm.at[pl.ds(row0, _RZ)])

    @pl.when(c == 1)
    def _():
        _export(acc, stage_v, q1_hbm, s)


@functools.partial(
    pl.kernel,
    mesh=plsc.VectorSubcoreMesh(core_axis_name="c", subcore_axis_name="s"),
    out_type=tuple(
        jax.ShapeDtypeStruct((_NPAD, _Q), jnp.float32) for _ in range(4)
    ),
    scratch_types=(
        pltpu.VMEM((_NCH, _C), jnp.int32),
        pltpu.VMEM((_NCH, _C), jnp.int32),
        pltpu.VMEM((_C, _Q), jnp.float32),
        pltpu.VMEM((_C, _Q), jnp.float32),
        pltpu.VMEM((_RZ, _Q), jnp.float32),
        pltpu.VMEM((_RZ, _Q), jnp.float32),
        pltpu.VMEM_SHARED((_NPAD, _Q), jnp.float32),
        pltpu.SemaphoreType.DMA,
    ),
    compiler_params=pltpu.CompilerParams(use_tc_tiling_on_sc=False),
)
def _sc_agg2(h0_hbm, h1_hbm, h2_hbm, h3_hbm, src_hbm, dst_hbm,
             a0_hbm, a1_hbm, a2_hbm, a3_hbm,
             src_v, dst_v, rows0_v, rows1_v, stage_v, zeros_v, acc, gsem):
    c = lax.axis_index("c")
    s = lax.axis_index("s")
    _fill_vmem_2d(zeros_v, _RZ, _Q, 0.0)
    pltpu.sync_copy(src_hbm.at[s], src_v)
    pltpu.sync_copy(dst_hbm.at[s], dst_v)

    def two_passes(ra, rb, oa, ob):
        _zero_acc(acc, zeros_v, s)
        plsc.subcore_barrier()
        _agg_edges(ra, acc, src_v, dst_v, (rows0_v, rows1_v), gsem)
        plsc.subcore_barrier()
        _export(acc, stage_v, oa, s)
        _zero_acc(acc, zeros_v, s)
        plsc.subcore_barrier()
        _agg_edges(rb, acc, src_v, dst_v, (rows0_v, rows1_v), gsem)
        plsc.subcore_barrier()
        _export(acc, stage_v, ob, s)

    @pl.when(c == 0)
    def _():
        two_passes(h0_hbm, h1_hbm, a0_hbm, a1_hbm)

    @pl.when(c == 1)
    def _():
        two_passes(h2_hbm, h3_hbm, a2_hbm, a3_hbm)


def _root1_body(x, wr, b, out):
    r = jnp.dot(x[...], wr[...], preferred_element_type=jnp.float32)
    out[...] = r + b[...]


def _combine1_body(q0, q1, degp, root, wl, h0_out, h1_out, h2_out, h3_out):
    deg = degp[:, 0:1]
    rdeg = 1.0 / jnp.maximum(deg, 1.0)
    aggm = jnp.concatenate([q0[...], q1[...]], axis=1) * rdeg
    h = jnp.dot(aggm, wl[...], preferred_element_type=jnp.float32)
    h = jnp.maximum(h + root[...], 0.0)
    h0_out[...] = h[:, 0 * _Q:1 * _Q]
    h1_out[...] = h[:, 1 * _Q:2 * _Q]
    h2_out[...] = h[:, 2 * _Q:3 * _Q]
    h3_out[...] = h[:, 3 * _Q:4 * _Q]


def _root2_body(h0, h1, h2, h3, wr, b, out):
    root = jnp.concatenate([h0[...], h1[...], h2[...], h3[...]], axis=1)
    r = jnp.dot(root, wr[...], preferred_element_type=jnp.float32)
    out[...] = r + b[...]


def _combine2_body(a0, a1, a2, a3, degp, root, wl, out):
    deg = degp[:, 0:1]
    rdeg = 1.0 / jnp.maximum(deg, 1.0)
    aggm = jnp.concatenate([a0[...], a1[...], a2[...], a3[...]],
                           axis=1) * rdeg
    acc = jnp.dot(aggm, wl[...], preferred_element_type=jnp.float32)
    out[...] = jnp.maximum(acc + root[...], 0.0)


_SPEC_RQ = pl.BlockSpec((_R, _Q), lambda i: (i, 0))
_SPEC_RD = pl.BlockSpec((_R, _D), lambda i: (i, 0))
_SPEC_RH = pl.BlockSpec((_R, _H), lambda i: (i, 0))
_SPEC_DEG = pl.BlockSpec((_R, _LANES), lambda i: (i, 0))
_SPEC_B = pl.BlockSpec((1, _H), lambda i: (0, 0))


def _root1(x, wr1t, b1):
    return pl.pallas_call(
        _root1_body,
        grid=(_N // _R,),
        in_specs=[
            _SPEC_RD,
            pl.BlockSpec((_D, _H), lambda i: (0, 0)),
            _SPEC_B,
        ],
        out_specs=_SPEC_RH,
        out_shape=jax.ShapeDtypeStruct((_N, _H), jnp.float32),
    )(x, wr1t, b1)


def _combine1(q0, q1, degp, root, wl1t):
    return pl.pallas_call(
        _combine1_body,
        grid=(_N // _R,),
        in_specs=[
            _SPEC_RQ,
            _SPEC_RQ,
            _SPEC_DEG,
            _SPEC_RH,
            pl.BlockSpec((_D, _H), lambda i: (0, 0)),
        ],
        out_specs=[_SPEC_RQ] * 4,
        out_shape=[jax.ShapeDtypeStruct((_N, _Q), jnp.float32)] * 4,
    )(q0, q1, degp, root, wl1t)


def _root2(h0, h1, h2, h3, wr2t, b2):
    return pl.pallas_call(
        _root2_body,
        grid=(_N // _R,),
        in_specs=[
            _SPEC_RQ,
            _SPEC_RQ,
            _SPEC_RQ,
            _SPEC_RQ,
            pl.BlockSpec((_H, _H), lambda i: (0, 0)),
            _SPEC_B,
        ],
        out_specs=_SPEC_RH,
        out_shape=jax.ShapeDtypeStruct((_N, _H), jnp.float32),
    )(h0, h1, h2, h3, wr2t, b2)


def _combine2(a0, a1, a2, a3, degp, root, wl2t):
    return pl.pallas_call(
        _combine2_body,
        grid=(_N // _R,),
        in_specs=[
            _SPEC_RQ,
            _SPEC_RQ,
            _SPEC_RQ,
            _SPEC_RQ,
            _SPEC_DEG,
            _SPEC_RH,
            pl.BlockSpec((_H, _H), lambda i: (0, 0)),
        ],
        out_specs=_SPEC_RH,
        out_shape=jax.ShapeDtypeStruct((_N, _H), jnp.float32),
    )(a0, a1, a2, a3, degp, root, wl2t)


def kernel(x, edge_index, W_l1, b_l1, W_r1, W_l2, b_l2, W_r2):
    npad_e = _EPAD - _E
    pad_iota = jnp.arange(npad_e, dtype=jnp.int32)
    pad_dst = _N + (pad_iota % (_NPAD - _N))
    src = jnp.concatenate(
        [edge_index[0], pad_iota % _N]
    ).reshape(_NS, _NCH, _C)
    dst = jnp.concatenate(
        [edge_index[1], pad_dst]
    ).reshape(_NS, _NCH, _C)
    x0 = x[:, :_Q]
    x1 = x[:, _Q:]

    q0, q1, degp = _sc_agg1(x0, x1, src, dst)
    root1 = _root1(x, W_r1.T, b_l1.reshape(1, _H))

    h0, h1, h2, h3 = _combine1(q0, q1, degp, root1, W_l1.T)

    a0, a1, a2, a3 = _sc_agg2(h0, h1, h2, h3, src, dst)
    root2 = _root2(h0, h1, h2, h3, W_r2.T, b_l2.reshape(1, _H))

    return _combine2(a0, a1, a2, a3, degp, root2, W_l2.T)

# --- scband reference (transcript-rebuilt; emitter-appended) ---
"""Pipeline reference for scband-improved-graph-sage-25512105738319 (READ-ONLY COPY).

The authoritative reference and input builder live on the scoring server;
editing this copy changes nothing except your own understanding.
"""

import jax, jax.numpy as jnp
import numpy as np

N = 10000
E = 320000
D = 128
H = 256


def setup_inputs(seed: int = 0) -> dict:
    key = jax.random.key(seed)
    ks = jax.random.split(key, 9)
    x = jax.random.normal(ks[0], (N, D), dtype=jnp.float32)
    edge_index = jax.random.randint(ks[1], (2, E), 0, N, dtype=jnp.int32)
    # SAGEConv layer 1: lin_l (on aggregated neighbors, with bias), lin_r (on root, no bias)
    W_l1 = jax.random.normal(ks[2], (H, D), dtype=jnp.float32) * (1.0 / np.sqrt(D))
    b_l1 = jnp.zeros((H,), dtype=jnp.float32)
    W_r1 = jax.random.normal(ks[3], (H, D), dtype=jnp.float32) * (1.0 / np.sqrt(D))
    # SAGEConv layer 2
    W_l2 = jax.random.normal(ks[4], (H, H), dtype=jnp.float32) * (1.0 / np.sqrt(H))
    b_l2 = jnp.zeros((H,), dtype=jnp.float32)
    W_r2 = jax.random.normal(ks[5], (H, H), dtype=jnp.float32) * (1.0 / np.sqrt(H))
    return {
        "x": x,
        "edge_index": edge_index,
        "W_l1": W_l1,
        "b_l1": b_l1,
        "W_r1": W_r1,
        "W_l2": W_l2,
        "b_l2": b_l2,
        "W_r2": W_r2,
    }


def _sage_conv(h, edge_index, W_l, b_l, W_r):
    src = edge_index[0]
    dst = edge_index[1]
    msgs = h[src]  # gather neighbor features
    agg = jax.ops.segment_sum(msgs, dst, num_segments=N)  # scatter-add
    deg = jax.ops.segment_sum(jnp.ones((E,), dtype=h.dtype), dst, num_segments=N)
    agg = agg / jnp.maximum(deg, 1.0)[:, None]  # mean aggregation
    return agg @ W_l.T + b_l + h @ W_r.T


def reference(x, edge_index, W_l1, b_l1, W_r1, W_l2, b_l2, W_r2):
    # Layer 1 (dropout is identity in eval mode)
    h = _sage_conv(x, edge_index, W_l1, b_l1, W_r1)
    h = jax.nn.relu(h)
    # Layer 2
    h = _sage_conv(h, edge_index, W_l2, b_l2, W_r2)
    h = jax.nn.relu(h)
    return h

if __name__ == "__main__":
    import jax
    _d = setup_inputs()
    print(jax.jit(kernel)(*tuple(_d.values())))

</pallas_src>

<mosaic_0001>
#map = affine_map<(d0, d1) -> (0, 0)>
#map1 = affine_map<(d0, d1) -> (0, 0, 0)>
module attributes {stable_mosaic.version = 14 : i64} {
  func.func @_sc_agg1(%arg0: i32, %arg1: i32, %arg2: memref<10000x64xf32, #tpu.memory_space<hbm>>, %arg3: memref<10000x64xf32, #tpu.memory_space<hbm>>, %arg4: memref<16x160x128xi32, #tpu.memory_space<hbm>>, %arg5: memref<16x160x128xi32, #tpu.memory_space<hbm>>, %arg6: memref<10240x64xf32, #tpu.memory_space<hbm>>, %arg7: memref<10240x64xf32, #tpu.memory_space<hbm>>, %arg8: memref<10240x16xf32, #tpu.memory_space<hbm>>, %arg9: memref<160x128xi32, #tpu.memory_space<vmem>>, %arg10: memref<160x128xi32, #tpu.memory_space<vmem>>, %arg11: memref<128x64xf32, #tpu.memory_space<vmem>>, %arg12: memref<128x64xf32, #tpu.memory_space<vmem>>, %arg13: memref<128x64xf32, #tpu.memory_space<vmem>>, %arg14: memref<128x16xf32, #tpu.memory_space<vmem>>, %arg15: memref<128x16xf32, #tpu.memory_space<vmem>>, %arg16: memref<10240x64xf32, #tpu.memory_space<vmem_shared>>, %arg17: memref<10240x16xf32, #tpu.memory_space<vmem_shared>>, %arg18: memref<!tpu.dma_semaphore, #tpu.memory_space<semaphore_mem>>) attributes {dimension_semantics = [#tpu.dimension_semantics<core_parallel>, #tpu.dimension_semantics<subcore_parallel>], iteration_bounds = array<i64: 2, 16>, scalar_prefetch = 0 : i64, scratch_operands = 10 : i64, tpu.core_type = #tpu.core_type<sc_vector_subcore>, window_params = [{transform_indices = #map}, {transform_indices = #map}, {transform_indices = #map1}, {transform_indices = #map1}, {transform_indices = #map}, {transform_indices = #map}, {transform_indices = #map}]} {
    %broadcast_in_dim3A = arith.constant 0.000000e+00 : f32
    %broadcast_in_dim3A_0 = vector.broadcast %broadcast_in_dim3A : f32 to vector<16xf32>
    %scan3A = arith.constant 0 : i32
    %scan3A_1 = arith.constant 0 : i32
    %scan3A_2 = arith.constant 128 : i32
    %scan3A_3 = arith.addi %scan3A_1, %scan3A_2 : i32
    %scan3A_4 = arith.constant 1 : i32
    scf.for %scan3A_63 = %scan3A_1 to %scan3A_3 step %scan3A_4  : i32 {
      %swap3A = arith.index_cast %scan3A_63 : i32 to index
      %swap3A_64 = arith.constant 0 : index
      %swap3A_65 = tpu.vector_load %arg13[%swap3A, %swap3A_64] {strides = array<i32>} : memref<128x64xf32, #tpu.memory_space<vmem>>, vector<1x16xf32>,
      %swap3A_66 = vector.shape_cast %swap3A_65 : vector<1x16xf32> to vector<16xf32>
      %swap3A_67 = vector.shape_cast %broadcast_in_dim3A_0 : vector<16xf32> to vector<1x16xf32>
      tpu.vector_store %arg13[%swap3A, %swap3A_64], %swap3A_67 {strides = array<i32>} : memref<128x64xf32, #tpu.memory_space<vmem>>, vector<1x16xf32>,
      %swap3A_68 = arith.index_cast %scan3A_63 : i32 to index
      %swap3A_69 = arith.constant 16 : index
      %swap3A_70 = tpu.vector_load %arg13[%swap3A_68, %swap3A_69] {strides = array<i32>} : memref<128x64xf32, #tpu.memory_space<vmem>>, vector<1x16xf32>,
      %swap3A_71 = vector.shape_cast %swap3A_70 : vector<1x16xf32> to vector<16xf32>
      %swap3A_72 = vector.shape_cast %broadcast_in_dim3A_0 : vector<16xf32> to vector<1x16xf32>
      tpu.vector_store %arg13[%swap3A_68, %swap3A_69], %swap3A_72 {strides = array<i32>} : memref<128x64xf32, #tpu.memory_space<vmem>>, vector<1x16xf32>,
      %swap3A_73 = arith.index_cast %scan3A_63 : i32 to index
      %swap3A_74 = arith.constant 32 : index
      %swap3A_75 = tpu.vector_load %arg13[%swap3A_73, %swap3A_74] {strides = array<i32>} : memref<128x64xf32, #tpu.memory_space<vmem>>, vector<1x16xf32>,
      %swap3A_76 = vector.shape_cast %swap3A_75 : vector<1x16xf32> to vector<16xf32>
      %swap3A_77 = vector.shape_cast %broadcast_in_dim3A_0 : vector<16xf32> to vector<1x16xf32>
      tpu.vector_store %arg13[%swap3A_73, %swap3A_74], %swap3A_77 {strides = array<i32>} : memref<128x64xf32, #tpu.memory_space<vmem>>, vector<1x16xf32>,
      %swap3A_78 = arith.index_cast %scan3A_63 : i32 to index
      %swap3A_79 = arith.constant 48 : index
      %swap3A_80 = tpu.vector_load %arg13[%swap3A_78, %swap3A_79] {strides = array<i32>} : memref<128x64xf32, #tpu.memory_space<vmem>>, vector<1x16xf32>,
      %swap3A_81 = vector.shape_cast %swap3A_80 : vector<1x16xf32> to vector<16xf32>
      %swap3A_82 = vector.shape_cast %broadcast_in_dim3A_0 : vector<16xf32> to vector<1x16xf32>
      tpu.vector_store %arg13[%swap3A_78, %swap3A_79], %swap3A_82 {strides = array<i32>} : memref<128x64xf32, #tpu.memory_space<vmem>>, vector<1x16xf32>,
    }
    %scan3A_5 = arith.constant 128 : i32
    %broadcast_in_dim3A_6 = arith.constant 1.000000e+00 : f32
    %broadcast_in_dim3A_7 = vector.broadcast %broadcast_in_dim3A_6 : f32 to vector<16xf32>
    %scan3A_8 = arith.constant 0 : i32
    %scan3A_9 = arith.constant 0 : i32
    %scan3A_10 = arith.constant 128 : i32
    %scan3A_11 = arith.addi %scan3A_9, %scan3A_10 : i32
    %scan3A_12 = arith.constant 1 : i32
    scf.for %scan3A_63 = %scan3A_9 to %scan3A_11 step %scan3A_12  : i32 {
      %swap3A = arith.index_cast %scan3A_63 : i32 to index
      %swap3A_64 = arith.constant 0 : index
      %swap3A_65 = tpu.vector_load %arg14[%swap3A, %swap3A_64] {strides = array<i32>} : memref<128x16xf32, #tpu.memory_space<vmem>>, vector<1x16xf32>,
      %swap3A_66 = vector.shape_cast %swap3A_65 : vector<1x16xf32> to vector<16xf32>
      %swap3A_67 = vector.shape_cast %broadcast_in_dim3A_7 : vector<16xf32> to vector<1x16xf32>
      tpu.vector_store %arg14[%swap3A, %swap3A_64], %swap3A_67 {strides = array<i32>} : memref<128x16xf32, #tpu.memory_space<vmem>>, vector<1x16xf32>,
    }
    %scan3A_13 = arith.constant 128 : i32
    %broadcast_in_dim3A_14 = arith.constant 0.000000e+00 : f32
    %broadcast_in_dim3A_15 = vector.broadcast %broadcast_in_dim3A_14 : f32 to vector<16xf32>
    %scan3A_16 = arith.constant 0 : i32
    %scan3A_17 = arith.constant 0 : i32
    %scan3A_18 = arith.constant 128 : i32
    %scan3A_19 = arith.addi %scan3A_17, %scan3A_18 : i32
    %scan3A_20 = arith.constant 1 : i32
    scf.for %scan3A_63 = %scan3A_17 to %scan3A_19 step %scan3A_20  : i32 {
      %swap3A = arith.index_cast %scan3A_63 : i32 to index
      %swap3A_64 = arith.constant 0 : index
      %swap3A_65 = tpu.vector_load %arg15[%swap3A, %swap3A_64] {strides = array<i32>} : memref<128x16xf32, #tpu.memory_space<vmem>>, vector<1x16xf32>,
      %swap3A_66 = vector.shape_cast %swap3A_65 : vector<1x16xf32> to vector<16xf32>
      %swap3A_67 = vector.shape_cast %broadcast_in_dim3A_15 : vector<16xf32> to vector<1x16xf32>
      tpu.vector_store %arg15[%swap3A, %swap3A_64], %swap3A_67 {strides = array<i32>} : memref<128x16xf32, #tpu.memory_space<vmem>>, vector<1x16xf32>,
    }
    %scan3A_21 = arith.constant 128 : i32
    %mul3A = arith.constant 640 : i32
    %mul3A_22 = arith.muli %arg1, %mul3A : i32
    %add3A = arith.constant 0 : i32
    %add3A_23 = arith.addi %mul3A_22, %add3A : i32
    "tpu.region"() ({
      %run_scoped3A = tpu.sem_alloc : memref<!tpu.dma_semaphore, #tpu.memory_space<semaphore_mem>>
      %dma_start3A = arith.constant 0 : i32
      %dma_start3A_63 = tpu.memref_slice %arg16[%add3A_23, %dma_start3A] : memref<10240x64xf32, #tpu.memory_space<vmem_shared>> -> memref<128x64xf32, #tpu.memory_space<vmem_shared>>
      %dma_start3A_64 = arith.constant 0 : i32
      %dma_start3A_65 = tpu.memref_slice %arg16[%add3A_23, %dma_start3A_64] : memref<10240x64xf32, #tpu.memory_space<vmem_shared>> -> memref<128x64xf32, #tpu.memory_space<vmem_shared>>
      tpu.enqueue_dma source(%arg13 : memref<128x64xf32, #tpu.memory_space<vmem>>) target(%dma_start3A_65 : memref<128x64xf32, #tpu.memory_space<vmem_shared>>) target_semaphore(%run_scoped3A : memref<!tpu.dma_semaphore, #tpu.memory_space<semaphore_mem>>)
      %dma_wait3A = arith.constant 0 : i32
      %dma_wait3A_66 = tpu.memref_slice %arg16[%add3A_23, %dma_wait3A] : memref<10240x64xf32, #tpu.memory_space<vmem_shared>> -> memref<128x64xf32, #tpu.memory_space<vmem_shared>>
      %dma_wait3A_67 = arith.constant 0 : i32
      %dma_wait3A_68 = tpu.memref_slice %arg16[%add3A_23, %dma_wait3A_67] : memref<10240x64xf32, #tpu.memory_space<vmem_shared>> -> memref<128x64xf32, #tpu.memory_space<vmem_shared>>
      tpu.wait_dma2 semaphore(%run_scoped3A : memref<!tpu.dma_semaphore, #tpu.memory_space<semaphore_mem>>) src(%arg13 : memref<128x64xf32, #tpu.memory_space<vmem>>) dst(%dma_wait3A_68 : memref<128x64xf32, #tpu.memory_space<vmem_shared>>)
      tpu.yield
    }) : () -> ()
    %mul3A_24 = arith.constant 640 : i32
    %mul3A_25 = arith.muli %arg1, %mul3A_24 : i32
    %add3A_26 = arith.constant 128 : i32
    %add3A_27 = arith.addi %mul3A_25, %add3A_26 : i32
    "tpu.region"() ({
      %run_scoped3A = tpu.sem_alloc : memref<!tpu.dma_semaphore, #tpu.memory_space<semaphore_mem>>
      %dma_start3A = arith.constant 0 : i32
      %dma_start3A_63 = tpu.memref_slice %arg16[%add3A_27, %dma_start3A] : memref<10240x64xf32, #tpu.memory_space<vmem_shared>> -> memref<128x64xf32, #tpu.memory_space<vmem_shared>>
      %dma_start3A_64 = arith.constant 0 : i32
      %dma_start3A_65 = tpu.memref_slice %arg16[%add3A_27, %dma_start3A_64] : memref<10240x64xf32, #tpu.memory_space<vmem_shared>> -> memref<128x64xf32, #tpu.memory_space<vmem_shared>>
      tpu.enqueue_dma source(%arg13 : memref<128x64xf32, #tpu.memory_space<vmem>>) target(%dma_start3A_65 : memref<128x64xf32, #tpu.memory_space<vmem_shared>>) target_semaphore(%run_scoped3A : memref<!tpu.dma_semaphore, #tpu.memory_space<semaphore_mem>>)
      %dma_wait3A = arith.constant 0 : i32
      %dma_wait3A_66 = tpu.memref_slice %arg16[%add3A_27, %dma_wait3A] : memref<10240x64xf32, #tpu.memory_space<vmem_shared>> -> memref<128x64xf32, #tpu.memory_space<vmem_shared>>
      %dma_wait3A_67 = arith.constant 0 : i32
      %dma_wait3A_68 = tpu.memref_slice %arg16[%add3A_27, %dma_wait3A_67] : memref<10240x64xf32, #tpu.memory_space<vmem_shared>> -> memref<128x64xf32, #tpu.memory_space<vmem_shared>>
      tpu.wait_dma2 semaphore(%run_scoped3A : memref<!tpu.dma_semaphore, #tpu.memory_space<semaphore_mem>>) src(%arg13 : memref<128x64xf32, #tpu.memory_space<vmem>>) dst(%dma_wait3A_68 : memref<128x64xf32, #tpu.memory_space<vmem_shared>>)
      tpu.yield
    }) : () -> ()
    %mul3A_28 = arith.constant 640 : i32
    %mul3A_29 = arith.muli %arg1, %mul3A_28 : i32
    %add3A_30 = arith.constant 256 : i32
    %add3A_31 = arith.addi %mul3A_29, %add3A_30 : i32
    "tpu.region"() ({
      %run_scoped3A = tpu.sem_alloc : memref<!tpu.dma_semaphore, #tpu.memory_space<semaphore_mem>>
      %dma_start3A = arith.constant 0 : i32
      %dma_start3A_63 = tpu.memref_slice %arg16[%add3A_31, %dma_start3A] : memref<10240x64xf32, #tpu.memory_space<vmem_shared>> -> memref<128x64xf32, #tpu.memory_space<vmem_shared>>
      %dma_start3A_64 = arith.constant 0 : i32
      %dma_start3A_65 = tpu.memref_slice %arg16[%add3A_31, %dma_start3A_64] : memref<10240x64xf32, #tpu.memory_space<vmem_shared>> -> memref<128x64xf32, #tpu.memory_space<vmem_shared>>
      tpu.enqueue_dma source(%arg13 : memref<128x64xf32, #tpu.memory_space<vmem>>) target(%dma_start3A_65 : memref<128x64xf32, #tpu.memory_space<vmem_shared>>) target_semaphore(%run_scoped3A : memref<!tpu.dma_semaphore, #tpu.memory_space<semaphore_mem>>)
      %dma_wait3A = arith.constant 0 : i32
      %dma_wait3A_66 = tpu.memref_slice %arg16[%add3A_31, %dma_wait3A] : memref<10240x64xf32, #tpu.memory_space<vmem_shared>> -> memref<128x64xf32, #tpu.memory_space<vmem_shared>>
      %dma_wait3A_67 = arith.constant 0 : i32
      %dma_wait3A_68 = tpu.memref_slice %arg16[%add3A_31, %dma_wait3A_67] : memref<10240x64xf32, #tpu.memory_space<vmem_shared>> -> memref<128x64xf32, #tpu.memory_space<vmem_shared>>
      tpu.wait_dma2 semaphore(%run_scoped3A : memref<!tpu.dma_semaphore, #tpu.memory_space<semaphore_mem>>) src(%arg13 : memref<128x64xf32, #tpu.memory_space<vmem>>) dst(%dma_wait3A_68 : memref<128x64xf32, #tpu.memory_space<vmem_shared>>)
      tpu.yield
    }) : () -> ()
    %mul3A_32 = arith.constant 640 : i32
    %mul3A_33 = arith.muli %arg1, %mul3A_32 : i32
    %add3A_34 = arith.constant 384 : i32
    %add3A_35 = arith.addi %mul3A_33, %add3A_34 : i32
    "tpu.region"() ({
      %run_scoped3A = tpu.sem_alloc : memref<!tpu.dma_semaphore, #tpu.memory_space<semaphore_mem>>
      %dma_start3A = arith.constant 0 : i32
      %dma_start3A_63 = tpu.memref_slice %arg16[%add3A_35, %dma_start3A] : memref<10240x64xf32, #tpu.memory_space<vmem_shared>> -> memref<128x64xf32, #tpu.memory_space<vmem_shared>>
      %dma_start3A_64 = arith.constant 0 : i32
      %dma_start3A_65 = tpu.memref_slice %arg16[%add3A_35, %dma_start3A_64] : memref<10240x64xf32, #tpu.memory_space<vmem_shared>> -> memref<128x64xf32, #tpu.memory_space<vmem_shared>>
      tpu.enqueue_dma source(%arg13 : memref<128x64xf32, #tpu.memory_space<vmem>>) target(%dma_start3A_65 : memref<128x64xf32, #tpu.memory_space<vmem_shared>>) target_semaphore(%run_scoped3A : memref<!tpu.dma_semaphore, #tpu.memory_space<semaphore_mem>>)
      %dma_wait3A = arith.constant 0 : i32
      %dma_wait3A_66 = tpu.memref_slice %arg16[%add3A_35, %dma_wait3A] : memref<10240x64xf32, #tpu.memory_space<vmem_shared>> -> memref<128x64xf32, #tpu.memory_space<vmem_shared>>
      %dma_wait3A_67 = arith.constant 0 : i32
      %dma_wait3A_68 = tpu.memref_slice %arg16[%add3A_35, %dma_wait3A_67] : memref<10240x64xf32, #tpu.memory_space<vmem_shared>> -> memref<128x64xf32, #tpu.memory_space<vmem_shared>>
      tpu.wait_dma2 semaphore(%run_scoped3A : memref<!tpu.dma_semaphore, #tpu.memory_space<semaphore_mem>>) src(%arg13 : memref<128x64xf32, #tpu.memory_space<vmem>>) dst(%dma_wait3A_68 : memref<128x64xf32, #tpu.memory_space<vmem_shared>>)
      tpu.yield
    }) : () -> ()
    %mul3A_36 = arith.constant 640 : i32
    %mul3A_37 = arith.muli %arg1, %mul3A_36 : i32
    %add3A_38 = arith.constant 512 : i32
    %add3A_39 = arith.addi %mul3A_37, %add3A_38 : i32
    "tpu.region"() ({
      %run_scoped3A = tpu.sem_alloc : memref<!tpu.dma_semaphore, #tpu.memory_space<semaphore_mem>>
      %dma_start3A = arith.constant 0 : i32
      %dma_start3A_63 = tpu.memref_slice %arg16[%add3A_39, %dma_start3A] : memref<10240x64xf32, #tpu.memory_space<vmem_shared>> -> memref<128x64xf32, #tpu.memory_space<vmem_shared>>
      %dma_start3A_64 = arith.constant 0 : i32
      %dma_start3A_65 = tpu.memref_slice %arg16[%add3A_39, %dma_start3A_64] : memref<10240x64xf32, #tpu.memory_space<vmem_shared>> -> memref<128x64xf32, #tpu.memory_space<vmem_shared>>
      tpu.enqueue_dma source(%arg13 : memref<128x64xf32, #tpu.memory_space<vmem>>) target(%dma_start3A_65 : memref<128x64xf32, #tpu.memory_space<vmem_shared>>) target_semaphore(%run_scoped3A : memref<!tpu.dma_semaphore, #tpu.memory_space<semaphore_mem>>)
      %dma_wait3A = arith.constant 0 : i32
      %dma_wait3A_66 = tpu.memref_slice %arg16[%add3A_39, %dma_wait3A] : memref<10240x64xf32, #tpu.memory_space<vmem_shared>> -> memref<128x64xf32, #tpu.memory_space<vmem_shared>>
      %dma_wait3A_67 = arith.constant 0 : i32
      %dma_wait3A_68 = tpu.memref_slice %arg16[%add3A_39, %dma_wait3A_67] : memref<10240x64xf32, #tpu.memory_space<vmem_shared>> -> memref<128x64xf32, #tpu.memory_space<vmem_shared>>
      tpu.wait_dma2 semaphore(%run_scoped3A : memref<!tpu.dma_semaphore, #tpu.memory_space<semaphore_mem>>) src(%arg13 : memref<128x64xf32, #tpu.memory_space<vmem>>) dst(%dma_wait3A_68 : memref<128x64xf32, #tpu.memory_space<vmem_shared>>)
      tpu.yield
    }) : () -> ()
    %eq3A = arith.constant 0 : i32
    %eq3A_40 = arith.cmpi eq, %arg0, %eq3A : i32
    %convert_element_type3A = arith.extui %eq3A_40 : i1 to i32
    %cond3A = arith.constant 0 : i32
    %cond3A_41 = arith.cmpi ne, %convert_element_type3A, %cond3A : i32
    scf.if %cond3A_41 {
      %mul3A_63 = arith.constant 640 : i32
      %mul3A_64 = arith.muli %arg1, %mul3A_63 : i32
      %add3A_65 = arith.constant 0 : i32
      %add3A_66 = arith.addi %mul3A_64, %add3A_65 : i32
      "tpu.region"() ({
        %run_scoped3A = tpu.sem_alloc : memref<!tpu.dma_semaphore, #tpu.memory_space<semaphore_mem>>
        %dma_start3A = arith.constant 0 : i32
        %dma_start3A_83 = tpu.memref_slice %arg17[%add3A_66, %dma_start3A] : memref<10240x16xf32, #tpu.memory_space<vmem_shared>> -> memref<128x16xf32, #tpu.memory_space<vmem_shared>>
        %dma_start3A_84 = arith.constant 0 : i32
        %dma_start3A_85 = tpu.memref_slice %arg17[%add3A_66, %dma_start3A_84] : memref<10240x16xf32, #tpu.memory_space<vmem_shared>> -> memref<128x16xf32, #tpu.memory_space<vmem_shared>>
        tpu.enqueue_dma source(%arg15 : memref<128x16xf32, #tpu.memory_space<vmem>>) target(%dma_start3A_85 : memref<128x16xf32, #tpu.memory_space<vmem_shared>>) target_semaphore(%run_scoped3A : memref<!tpu.dma_semaphore, #tpu.memory_space<semaphore_mem>>)
        %dma_wait3A = arith.constant 0 : i32
        %dma_wait3A_86 = tpu.memref_slice %arg17[%add3A_66, %dma_wait3A] : memref<10240x16xf32, #tpu.memory_space<vmem_shared>> -> memref<128x16xf32, #tpu.memory_space<vmem_shared>>
        %dma_wait3A_87 = arith.constant 0 : i32
        %dma_wait3A_88 = tpu.memref_slice %arg17[%add3A_66, %dma_wait3A_87] : memref<10240x16xf32, #tpu.memory_space<vmem_shared>> -> memref<128x16xf32, #tpu.memory_space<vmem_shared>>
        tpu.wait_dma2 semaphore(%run_scoped3A : memref<!tpu.dma_semaphore, #tpu.memory_space<semaphore_mem>>) src(%arg15 : memref<128x16xf32, #tpu.memory_space<vmem>>) dst(%dma_wait3A_88 : memref<128x16xf32, #tpu.memory_space<vmem_shared>>)
        tpu.yield
      }) : () -> ()
      %mul3A_67 = arith.constant 640 : i32
      %mul3A_68 = arith.muli %arg1, %mul3A_67 : i32
      %add3A_69 = arith.constant 128 : i32
      %add3A_70 = arith.addi %mul3A_68, %add3A_69 : i32
      "tpu.region"() ({
        %run_scoped3A = tpu.sem_alloc : memref<!tpu.dma_semaphore, #tpu.memory_space<semaphore_mem>>
        %dma_start3A = arith.constant 0 : i32
        %dma_start3A_83 = tpu.memref_slice %arg17[%add3A_70, %dma_start3A] : memref<10240x16xf32, #tpu.memory_space<vmem_shared>> -> memref<128x16xf32, #tpu.memory_space<vmem_shared>>
        %dma_start3A_84 = arith.constant 0 : i32
        %dma_start3A_85 = tpu.memref_slice %arg17[%add3A_70, %dma_start3A_84] : memref<10240x16xf32, #tpu.memory_space<vmem_shared>> -> memref<128x16xf32, #tpu.memory_space<vmem_shared>>
        tpu.enqueue_dma source(%arg15 : memref<128x16xf32, #tpu.memory_space<vmem>>) target(%dma_start3A_85 : memref<128x16xf32, #tpu.memory_space<vmem_shared>>) target_semaphore(%run_scoped3A : memref<!tpu.dma_semaphore, #tpu.memory_space<semaphore_mem>>)
        %dma_wait3A = arith.constant 0 : i32
        %dma_wait3A_86 = tpu.memref_slice %arg17[%add3A_70, %dma_wait3A] : memref<10240x16xf32, #tpu.memory_space<vmem_shared>> -> memref<128x16xf32, #tpu.memory_space<vmem_shared>>
        %dma_wait3A_87 = arith.constant 0 : i32
        %dma_wait3A_88 = tpu.memref_slice %arg17[%add3A_70, %dma_wait3A_87] : memref<10240x16xf32, #tpu.memory_space<vmem_shared>> -> memref<128x16xf32, #tpu.memory_space<vmem_shared>>
        tpu.wait_dma2 semaphore(%run_scoped3A : memref<!tpu.dma_semaphore, #tpu.memory_space<semaphore_mem>>) src(%arg15 : memref<128x16xf32, #tpu.memory_space<vmem>>) dst(%dma_wait3A_88 : memref<128x16xf32, #tpu.memory_space<vmem_shared>>)
        tpu.yield
      }) : () -> ()
      %mul3A_71 = arith.constant 640 : i32
      %mul3A_72 = arith.muli %arg1, %mul3A_71 : i32
      %add3A_73 = arith.constant 256 : i32
      %add3A_74 = arith.addi %mul3A_72, %add3A_73 : i32
      "tpu.region"() ({
        %run_scoped3A = tpu.sem_alloc : memref<!tpu.dma_semaphore, #tpu.memory_space<semaphore_mem>>
        %dma_start3A = arith.constant 0 : i32
        %dma_start3A_83 = tpu.memref_slice %arg17[%add3A_74, %dma_start3A] : memref<10240x16xf32, #tpu.memory_space<vmem_shared>> -> memref<128x16xf32, #tpu.memory_space<vmem_shared>>
        %dma_start3A_84 = arith.constant 0 : i32
        %dma_start3A_85 = tpu.memref_slice %arg17[%add3A_74, %dma_start3A_84] : memref<10240x16xf32, #tpu.memory_space<vmem_shared>> -> memref<128x16xf32, #tpu.memory_space<vmem_shared>>
        tpu.enqueue_dma source(%arg15 : memref<128x16xf32, #tpu.memory_space<vmem>>) target(%dma_start3A_85 : memref<128x16xf32, #tpu.memory_space<vmem_shared>>) target_semaphore(%run_scoped3A : memref<!tpu.dma_semaphore, #tpu.memory_space<semaphore_mem>>)
        %dma_wait3A = arith.constant 0 : i32
        %dma_wait3A_86 = tpu.memref_slice %arg17[%add3A_74, %dma_wait3A] : memref<10240x16xf32, #tpu.memory_space<vmem_shared>> -> memref<128x16xf32, #tpu.memory_space<vmem_shared>>
        %dma_wait3A_87 = arith.constant 0 : i32
        %dma_wait3A_88 = tpu.memref_slice %arg17[%add3A_74, %dma_wait3A_87] : memref<10240x16xf32, #tpu.memory_space<vmem_shared>> -> memref<128x16xf32, #tpu.memory_space<vmem_shared>>
        tpu.wait_dma2 semaphore(%run_scoped3A : memref<!tpu.dma_semaphore, #tpu.memory_space<semaphore_mem>>) src(%arg15 : memref<128x16xf32, #tpu.memory_space<vmem>>) dst(%dma_wait3A_88 : memref<128x16xf32, #tpu.memory_space<vmem_shared>>)
        tpu.yield
      }) : () -> ()
      %mul3A_75 = arith.constant 640 : i32
      %mul3A_76 = arith.muli %arg1, %mul3A_75 : i32
      %add3A_77 = arith.constant 384 : i32
      %add3A_78 = arith.addi %mul3A_76, %add3A_77 : i32
      "tpu.region"() ({
        %run_scoped3A = tpu.sem_alloc : memref<!tpu.dma_semaphore, #tpu.memory_space<semaphore_mem>>
        %dma_start3A = arith.constant 0 : i32
        %dma_start3A_83 = tpu.memref_slice %arg17[%add3A_78, %dma_start3A] : memref<10240x16xf32, #tpu.memory_space<vmem_shared>> -> memref<128x16xf32, #tpu.memory_space<vmem_shared>>
        %dma_start3A_84 = arith.constant 0 : i32
        %dma_start3A_85 = tpu.memref_slice %arg17[%add3A_78, %dma_start3A_84] : memref<10240x16xf32, #tpu.memory_space<vmem_shared>> -> memref<128x16xf32, #tpu.memory_space<vmem_shared>>
        tpu.enqueue_dma source(%arg15 : memref<128x16xf32, #tpu.memory_space<vmem>>) target(%dma_start3A_85 : memref<128x16xf32, #tpu.memory_space<vmem_shared>>) target_semaphore(%run_scoped3A : memref<!tpu.dma_semaphore, #tpu.memory_space<semaphore_mem>>)
        %dma_wait3A = arith.constant 0 : i32
        %dma_wait3A_86 = tpu.memref_slice %arg17[%add3A_78, %dma_wait3A] : memref<10240x16xf32, #tpu.memory_space<vmem_shared>> -> memref<128x16xf32, #tpu.memory_space<vmem_shared>>
        %dma_wait3A_87 = arith.constant 0 : i32
        %dma_wait3A_88 = tpu.memref_slice %arg17[%add3A_78, %dma_wait3A_87] : memref<10240x16xf32, #tpu.memory_space<vmem_shared>> -> memref<128x16xf32, #tpu.memory_space<vmem_shared>>
        tpu.wait_dma2 semaphore(%run_scoped3A : memref<!tpu.dma_semaphore, #tpu.memory_space<semaphore_mem>>) src(%arg15 : memref<128x16xf32, #tpu.memory_space<vmem>>) dst(%dma_wait3A_88 : memref<128x16xf32, #tpu.memory_space<vmem_shared>>)
        tpu.yield
      }) : () -> ()
      %mul3A_79 = arith.constant 640 : i32
      %mul3A_80 = arith.muli %arg1, %mul3A_79 : i32
      %add3A_81 = arith.constant 512 : i32
      %add3A_82 = arith.addi %mul3A_80, %add3A_81 : i32
      "tpu.region"() ({
        %run_scoped3A = tpu.sem_alloc : memref<!tpu.dma_semaphore, #tpu.memory_space<semaphore_mem>>
        %dma_start3A = arith.constant 0 : i32
        %dma_start3A_83 = tpu.memref_slice %arg17[%add3A_82, %dma_start3A] : memref<10240x16xf32, #tpu.memory_space<vmem_shared>> -> memref<128x16xf32, #tpu.memory_space<vmem_shared>>
        %dma_start3A_84 = arith.constant 0 : i32
        %dma_start3A_85 = tpu.memref_slice %arg17[%add3A_82, %dma_start3A_84] : memref<10240x16xf32, #tpu.memory_space<vmem_shared>> -> memref<128x16xf32, #tpu.memory_space<vmem_shared>>
        tpu.enqueue_dma source(%arg15 : memref<128x16xf32, #tpu.memory_space<vmem>>) target(%dma_start3A_85 : memref<128x16xf32, #tpu.memory_space<vmem_shared>>) target_semaphore(%run_scoped3A : memref<!tpu.dma_semaphore, #tpu.memory_space<semaphore_mem>>)
        %dma_wait3A = arith.constant 0 : i32
        %dma_wait3A_86 = tpu.memref_slice %arg17[%add3A_82, %dma_wait3A] : memref<10240x16xf32, #tpu.memory_space<vmem_shared>> -> memref<128x16xf32, #tpu.memory_space<vmem_shared>>
        %dma_wait3A_87 = arith.constant 0 : i32
        %dma_wait3A_88 = tpu.memref_slice %arg17[%add3A_82, %dma_wait3A_87] : memref<10240x16xf32, #tpu.memory_space<vmem_shared>> -> memref<128x16xf32, #tpu.memory_space<vmem_shared>>
        tpu.wait_dma2 semaphore(%run_scoped3A : memref<!tpu.dma_semaphore, #tpu.memory_space<semaphore_mem>>) src(%arg15 : memref<128x16xf32, #tpu.memory_space<vmem>>) dst(%dma_wait3A_88 : memref<128x16xf32, #tpu.memory_space<vmem_shared>>)
        tpu.yield
      }) : () -> ()
    } else {
    }
    "tpu.region"() ({
      %run_scoped3A = tpu.sem_alloc : memref<!tpu.dma_semaphore, #tpu.memory_space<semaphore_mem>>
      %dma_start3A = arith.constant 0 : i32
      %dma_start3A_63 = arith.constant 0 : i32
      %dma_start3A_64 = tpu.memref_slice %arg4[%arg1, %dma_start3A, %dma_start3A_63] : memref<16x160x128xi32, #tpu.memory_space<hbm>> -> memref<1x160x128xi32, #tpu.memory_space<hbm>>
      %dma_start3A_65 = tpu.memref_squeeze %dma_start3A_64 : memref<1x160x128xi32, #tpu.memory_space<hbm>> -> memref<160x128xi32, #tpu.memory_space<hbm>>
      %dma_start3A_66 = arith.constant 0 : i32
      %dma_start3A_67 = arith.constant 0 : i32
      %dma_start3A_68 = tpu.memref_slice %arg4[%arg1, %dma_start3A_66, %dma_start3A_67] : memref<16x160x128xi32, #tpu.memory_space<hbm>> -> memref<1x160x128xi32, #tpu.memory_space<hbm>>
      %dma_start3A_69 = tpu.memref_squeeze %dma_start3A_68 : memref<1x160x128xi32, #tpu.memory_space<hbm>> -> memref<160x128xi32, #tpu.memory_space<hbm>>
      tpu.enqueue_dma source(%dma_start3A_69 : memref<160x128xi32, #tpu.memory_space<hbm>>) target(%arg9 : memref<160x128xi32, #tpu.memory_space<vmem>>) target_semaphore(%run_scoped3A : memref<!tpu.dma_semaphore, #tpu.memory_space<semaphore_mem>>)
      %dma_wait3A = arith.constant 0 : i32
      %dma_wait3A_70 = arith.constant 0 : i32
      %dma_wait3A_71 = tpu.memref_slice %arg4[%arg1, %dma_wait3A, %dma_wait3A_70] : memref<16x160x128xi32, #tpu.memory_space<hbm>> -> memref<1x160x128xi32, #tpu.memory_space<hbm>>
      %dma_wait3A_72 = tpu.memref_squeeze %dma_wait3A_71 : memref<1x160x128xi32, #tpu.memory_space<hbm>> -> memref<160x128xi32, #tpu.memory_space<hbm>>
      %dma_wait3A_73 = arith.constant 0 : i32
      %dma_wait3A_74 = arith.constant 0 : i32
      %dma_wait3A_75 = tpu.memref_slice %arg4[%arg1, %dma_wait3A_73, %dma_wait3A_74] : memref<16x160x128xi32, #tpu.memory_space<hbm>> -> memref<1x160x128xi32, #tpu.memory_space<hbm>>
      %dma_wait3A_76 = tpu.memref_squeeze %dma_wait3A_75 : memref<1x160x128xi32, #tpu.memory_space<hbm>> -> memref<160x128xi32, #tpu.memory_space<hbm>>
      tpu.wait_dma2 semaphore(%run_scoped3A : memref<!tpu.dma_semaphore, #tpu.memory_space<semaphore_mem>>) src(%dma_wait3A_76 : memref<160x128xi32, #tpu.memory_space<hbm>>) dst(%arg9 : memref<160x128xi32, #tpu.memory_space<vmem>>)
      tpu.yield
    }) : () -> ()
    "tpu.region"() ({
      %run_scoped3A = tpu.sem_alloc : memref<!tpu.dma_semaphore, #tpu.memory_space<semaphore_mem>>
      %dma_start3A = arith.constant 0 : i32
      %dma_start3A_63 = arith.constant 0 : i32
      %dma_start3A_64 = tpu.memref_slice %arg5[%arg1, %dma_start3A, %dma_start3A_63] : memref<16x160x128xi32, #tpu.memory_space<hbm>> -> memref<1x160x128xi32, #tpu.memory_space<hbm>>
      %dma_start3A_65 = tpu.memref_squeeze %dma_start3A_64 : memref<1x160x128xi32, #tpu.memory_space<hbm>> -> memref<160x128xi32, #tpu.memory_space<hbm>>
      %dma_start3A_66 = arith.constant 0 : i32
      %dma_start3A_67 = arith.constant 0 : i32
      %dma_start3A_68 = tpu.memref_slice %arg5[%arg1, %dma_start3A_66, %dma_start3A_67] : memref<16x160x128xi32, #tpu.memory_space<hbm>> -> memref<1x160x128xi32, #tpu.memory_space<hbm>>
      %dma_start3A_69 = tpu.memref_squeeze %dma_start3A_68 : memref<1x160x128xi32, #tpu.memory_space<hbm>> -> memref<160x128xi32, #tpu.memory_space<hbm>>
      tpu.enqueue_dma source(%dma_start3A_69 : memref<160x128xi32, #tpu.memory_space<hbm>>) target(%arg10 : memref<160x128xi32, #tpu.memory_space<vmem>>) target_semaphore(%run_scoped3A : memref<!tpu.dma_semaphore, #tpu.memory_space<semaphore_mem>>)
      %dma_wait3A = arith.constant 0 : i32
      %dma_wait3A_70 = arith.constant 0 : i32
      %dma_wait3A_71 = tpu.memref_slice %arg5[%arg1, %dma_wait3A, %dma_wait3A_70] : memref<16x160x128xi32, #tpu.memory_space<hbm>> -> memref<1x160x128xi32, #tpu.memory_space<hbm>>
      %dma_wait3A_72 = tpu.memref_squeeze %dma_wait3A_71 : memref<1x160x128xi32, #tpu.memory_space<hbm>> -> memref<160x128xi32, #tpu.memory_space<hbm>>
      %dma_wait3A_73 = arith.constant 0 : i32
      %dma_wait3A_74 = arith.constant 0 : i32
      %dma_wait3A_75 = tpu.memref_slice %arg5[%arg1, %dma_wait3A_73, %dma_wait3A_74] : memref<16x160x128xi32, #tpu.memory_space<hbm>> -> memref<1x160x128xi32, #tpu.memory_space<hbm>>
      %dma_wait3A_76 = tpu.memref_squeeze %dma_wait3A_75 : memref<1x160x128xi32, #tpu.memory_space<hbm>> -> memref<160x128xi32, #tpu.memory_space<hbm>>
      tpu.wait_dma2 semaphore(%run_scoped3A : memref<!tpu.dma_semaphore, #tpu.memory_space<semaphore_mem>>) src(%dma_wait3A_76 : memref<160x128xi32, #tpu.memory_space<hbm>>) dst(%arg10 : memref<160x128xi32, #tpu.memory_space<vmem>>)
      tpu.yield
    }) : () -> ()
    %barrier3A = arith.constant 0 : index
    tpu.barrier barrier_id(%barrier3A)
    %eq3A_42 = arith.constant 0 : i32
    %eq3A_43 = arith.cmpi eq, %arg0, %eq3A_42 : i32
    %convert_element_type3A_44 = arith.extui %eq3A_43 : i1 to i32
    %cond3A_45 = arith.constant 0 : i32
    %cond3A_46 = arith.cmpi ne, %convert_element_type3A_44, %cond3A_45 : i32
    scf.if %cond3A_46 {
      %dma_start3A = arith.constant 0 : i32
      %dma_start3A_63 = arith.constant 0 : i32
      %dma_start3A_64 = tpu.memref_slice %arg9[%dma_start3A, %dma_start3A_63] : memref<160x128xi32, #tpu.memory_space<vmem>> -> memref<1x128xi32, #tpu.memory_space<vmem>>
      %dma_start3A_65 = tpu.memref_squeeze %dma_start3A_64 : memref<1x128xi32, #tpu.memory_space<vmem>> -> memref<128xi32, #tpu.memory_space<vmem>>
      %dma_start3A_66 = arith.constant 0 : i32
      %dma_start3A_67 = arith.constant 0 : i32
      %dma_start3A_68 = tpu.memref_slice %arg2[%dma_start3A_66, %dma_start3A_67] : memref<10000x64xf32, #tpu.memory_space<hbm>> -> memref<10000x64xf32, #tpu.memory_space<hbm>>
      tpu.enqueue_indirect_dma source(%dma_start3A_68 : memref<10000x64xf32, #tpu.memory_space<hbm>>) target(%arg11 : memref<128x64xf32, #tpu.memory_space<vmem>>) offsets(%dma_start3A_65 : memref<128xi32, #tpu.memory_space<vmem>>) semaphore(%arg18 : memref<!tpu.dma_semaphore, #tpu.memory_space<semaphore_mem>>)
      %scan3A_69 = arith.constant 0 : i32
      %scan3A_70 = arith.constant 0 : i32
      %scan3A_71 = arith.constant 80 : i32
      %scan3A_72 = arith.addi %scan3A_70, %scan3A_71 : i32
      %scan3A_73 = arith.constant 1 : i32
      scf.for %scan3A_75 = %scan3A_70 to %scan3A_72 step %scan3A_73  : i32 {
        %mul3A_76 = arith.constant 2 : i32
        %mul3A_77 = arith.muli %mul3A_76, %scan3A_75 : i32
        %add3A_78 = arith.constant 1 : i32
        %add3A_79 = arith.addi %mul3A_77, %add3A_78 : i32
        %dma_start3A_80 = arith.constant 0 : i32
        %dma_start3A_81 = tpu.memref_slice %arg9[%add3A_79, %dma_start3A_80] : memref<160x128xi32, #tpu.memory_space<vmem>> -> memref<1x128xi32, #tpu.memory_space<vmem>>
        %dma_start3A_82 = tpu.memref_squeeze %dma_start3A_81 : memref<1x128xi32, #tpu.memory_space<vmem>> -> memref<128xi32, #tpu.memory_space<vmem>>
        %dma_start3A_83 = arith.constant 0 : i32
        %dma_start3A_84 = arith.constant 0 : i32
        %dma_start3A_85 = tpu.memref_slice %arg2[%dma_start3A_83, %dma_start3A_84] : memref<10000x64xf32, #tpu.memory_space<hbm>> -> memref<10000x64xf32, #tpu.memory_space<hbm>>
        tpu.enqueue_indirect_dma source(%dma_start3A_85 : memref<10000x64xf32, #tpu.memory_space<hbm>>) target(%arg12 : memref<128x64xf32, #tpu.memory_space<vmem>>) offsets(%dma_start3A_82 : memref<128xi32, #tpu.memory_space<vmem>>) semaphore(%arg18 : memref<!tpu.dma_semaphore, #tpu.memory_space<semaphore_mem>>)
        %dma_wait3A = arith.constant 0 : i32
        %dma_wait3A_86 = tpu.memref_slice %arg9[%mul3A_77, %dma_wait3A] : memref<160x128xi32, #tpu.memory_space<vmem>> -> memref<1x128xi32, #tpu.memory_space<vmem>>
        %dma_wait3A_87 = tpu.memref_squeeze %dma_wait3A_86 : memref<1x128xi32, #tpu.memory_space<vmem>> -> memref<128xi32, #tpu.memory_space<vmem>>
        %dma_wait3A_88 = arith.constant 0 : i32
        %dma_wait3A_89 = arith.constant 0 : i32
        %dma_wait3A_90 = tpu.memref_slice %arg2[%dma_wait3A_88, %dma_wait3A_89] : memref<10000x64xf32, #tpu.memory_space<hbm>> -> memref<10000x64xf32, #tpu.memory_space<hbm>>
        tpu.wait_indirect_dma semaphore(%arg18 : memref<!tpu.dma_semaphore, #tpu.memory_space<semaphore_mem>>) src(%dma_wait3A_90 : memref<10000x64xf32, #tpu.memory_space<hbm>>) dst(%arg11 : memref<128x64xf32, #tpu.memory_space<vmem>>)
        "tpu.region"() ({
          %run_scoped3A = tpu.sem_alloc : memref<!tpu.dma_semaphore, #tpu.memory_space<semaphore_mem>>
          %dma_start3A_107 = arith.constant 0 : i32
          %dma_start3A_108 = tpu.memref_slice %arg10[%mul3A_77, %dma_start3A_107] : memref<160x128xi32, #tpu.memory_space<vmem>> -> memref<1x128xi32, #tpu.memory_space<vmem>>
          %dma_start3A_109 = tpu.memref_squeeze %dma_start3A_108 : memref<1x128xi32, #tpu.memory_space<vmem>> -> memref<128xi32, #tpu.memory_space<vmem>>
          %dma_start3A_110 = arith.constant 0 : i32
          %dma_start3A_111 = arith.constant 0 : i32
          %dma_start3A_112 = tpu.memref_slice %arg16[%dma_start3A_110, %dma_start3A_111] : memref<10240x64xf32, #tpu.memory_space<vmem_shared>> -> memref<10240x64xf32, #tpu.memory_space<vmem_shared>>
          tpu.enqueue_indirect_dma source(%arg11 : memref<128x64xf32, #tpu.memory_space<vmem>>) target(%dma_start3A_112 : memref<10240x64xf32, #tpu.memory_space<vmem_shared>>) offsets(%dma_start3A_109 : memref<128xi32, #tpu.memory_space<vmem>>) semaphore(%run_scoped3A : memref<!tpu.dma_semaphore, #tpu.memory_space<semaphore_mem>>) {add = true}
          %dma_wait3A_113 = arith.constant 0 : i32
          %dma_wait3A_114 = tpu.memref_slice %arg10[%mul3A_77, %dma_wait3A_113] : memref<160x128xi32, #tpu.memory_space<vmem>> -> memref<1x128xi32, #tpu.memory_space<vmem>>
          %dma_wait3A_115 = tpu.memref_squeeze %dma_wait3A_114 : memref<1x128xi32, #tpu.memory_space<vmem>> -> memref<128xi32, #tpu.memory_space<vmem>>
          %dma_wait3A_116 = arith.constant 0 : i32
          %dma_wait3A_117 = arith.constant 0 : i32
          %dma_wait3A_118 = tpu.memref_slice %arg16[%dma_wait3A_116, %dma_wait3A_117] : memref<10240x64xf32, #tpu.memory_space<vmem_shared>> -> memref<10240x64xf32, #tpu.memory_space<vmem_shared>>
          tpu.wait_indirect_dma semaphore(%run_scoped3A : memref<!tpu.dma_semaphore, #tpu.memory_space<semaphore_mem>>) src(%arg11 : memref<128x64xf32, #tpu.memory_space<vmem>>) dst(%dma_wait3A_118 : memref<10240x64xf32, #tpu.memory_space<vmem_shared>>)
          tpu.yield
        }) : () -> ()
        "tpu.region"() ({
          %run_scoped3A = tpu.sem_alloc : memref<!tpu.dma_semaphore, #tpu.memory_space<semaphore_mem>>
          %dma_start3A_107 = arith.constant 0 : i32
          %dma_start3A_108 = tpu.memref_slice %arg10[%mul3A_77, %dma_start3A_107] : memref<160x128xi32, #tpu.memory_space<vmem>> -> memref<1x128xi32, #tpu.memory_space<vmem>>
          %dma_start3A_109 = tpu.memref_squeeze %dma_start3A_108 : memref<1x128xi32, #tpu.memory_space<vmem>> -> memref<128xi32, #tpu.memory_space<vmem>>
          %dma_start3A_110 = arith.constant 0 : i32
          %dma_start3A_111 = arith.constant 0 : i32
          %dma_start3A_112 = tpu.memref_slice %arg17[%dma_start3A_110, %dma_start3A_111] : memref<10240x16xf32, #tpu.memory_space<vmem_shared>> -> memref<10240x16xf32, #tpu.memory_space<vmem_shared>>
          tpu.enqueue_indirect_dma source(%arg14 : memref<128x16xf32, #tpu.memory_space<vmem>>) target(%dma_start3A_112 : memref<10240x16xf32, #tpu.memory_space<vmem_shared>>) offsets(%dma_start3A_109 : memref<128xi32, #tpu.memory_space<vmem>>) semaphore(%run_scoped3A : memref<!tpu.dma_semaphore, #tpu.memory_space<semaphore_mem>>) {add = true}
          %dma_wait3A_113 = arith.constant 0 : i32
          %dma_wait3A_114 = tpu.memref_slice %arg10[%mul3A_77, %dma_wait3A_113] : memref<160x128xi32, #tpu.memory_space<vmem>> -> memref<1x128xi32, #tpu.memory_space<vmem>>
          %dma_wait3A_115 = tpu.memref_squeeze %dma_wait3A_114 : memref<1x128xi32, #tpu.memory_space<vmem>> -> memref<128xi32, #tpu.memory_space<vmem>>
          %dma_wait3A_116 = arith.constant 0 : i32
          %dma_wait3A_117 = arith.constant 0 : i32
          %dma_wait3A_118 = tpu.memref_slice %arg17[%dma_wait3A_116, %dma_wait3A_117] : memref<10240x16xf32, #tpu.memory_space<vmem_shared>> -> memref<10240x16xf32, #tpu.memory_space<vmem_shared>>
          tpu.wait_indirect_dma semaphore(%run_scoped3A : memref<!tpu.dma_semaphore, #tpu.memory_space<semaphore_mem>>) src(%arg14 : memref<128x16xf32, #tpu.memory_space<vmem>>) dst(%dma_wait3A_118 : memref<10240x16xf32, #tpu.memory_space<vmem_shared>>)
          tpu.yield
        }) : () -> ()
        %add3A_91 = arith.constant 2 : i32
        %add3A_92 = arith.addi %mul3A_77, %add3A_91 : i32
        %lt3A = arith.constant 160 : i32
        %lt3A_93 = arith.cmpi slt, %add3A_92, %lt3A : i32
        %convert_element_type3A_94 = arith.extui %lt3A_93 : i1 to i32
        %cond3A_95 = arith.constant 0 : i32
        %cond3A_96 = arith.cmpi ne, %convert_element_type3A_94, %cond3A_95 : i32
        scf.if %cond3A_96 {
          %add3A_107 = arith.constant 2 : i32
          %add3A_108 = arith.addi %mul3A_77, %add3A_107 : i32
          %dma_start3A_109 = arith.constant 0 : i32
          %dma_start3A_110 = tpu.memref_slice %arg9[%add3A_108, %dma_start3A_109] : memref<160x128xi32, #tpu.memory_space<vmem>> -> memref<1x128xi32, #tpu.memory_space<vmem>>
          %dma_start3A_111 = tpu.memref_squeeze %dma_start3A_110 : memref<1x128xi32, #tpu.memory_space<vmem>> -> memref<128xi32, #tpu.memory_space<vmem>>
          %dma_start3A_112 = arith.constant 0 : i32
          %dma_start3A_113 = arith.constant 0 : i32
          %dma_start3A_114 = tpu.memref_slice %arg2[%dma_start3A_112, %dma_start3A_113] : memref<10000x64xf32, #tpu.memory_space<hbm>> -> memref<10000x64xf32, #tpu.memory_space<hbm>>
          tpu.enqueue_indirect_dma source(%dma_start3A_114 : memref<10000x64xf32, #tpu.memory_space<hbm>>) target(%arg11 : memref<128x64xf32, #tpu.memory_space<vmem>>) offsets(%dma_start3A_111 : memref<128xi32, #tpu.memory_space<vmem>>) semaphore(%arg18 : memref<!tpu.dma_semaphore, #tpu.memory_space<semaphore_mem>>)
        } else {
        }
        %add3A_97 = arith.constant 1 : i32
        %add3A_98 = arith.addi %mul3A_77, %add3A_97 : i32
        %dma_wait3A_99 = arith.constant 0 : i32
        %dma_wait3A_100 = tpu.memref_slice %arg9[%add3A_98, %dma_wait3A_99] : memref<160x128xi32, #tpu.memory_space<vmem>> -> memref<1x128xi32, #tpu.memory_space<vmem>>
        %dma_wait3A_101 = tpu.memref_squeeze %dma_wait3A_100 : memref<1x128xi32, #tpu.memory_space<vmem>> -> memref<128xi32, #tpu.memory_space<vmem>>
        %dma_wait3A_102 = arith.constant 0 : i32
        %dma_wait3A_103 = arith.constant 0 : i32
        %dma_wait3A_104 = tpu.memref_slice %arg2[%dma_wait3A_102, %dma_wait3A_103] : memref<10000x64xf32, #tpu.memory_space<hbm>> -> memref<10000x64xf32, #tpu.memory_space<hbm>>
        tpu.wait_indirect_dma semaphore(%arg18 : memref<!tpu.dma_semaphore, #tpu.memory_space<semaphore_mem>>) src(%dma_wait3A_104 : memref<10000x64xf32, #tpu.memory_space<hbm>>) dst(%arg12 : memref<128x64xf32, #tpu.memory_space<vmem>>)
        %add3A_105 = arith.constant 1 : i32
        %add3A_106 = arith.addi %mul3A_77, %add3A_105 : i32
        "tpu.region"() ({
          %run_scoped3A = tpu.sem_alloc : memref<!tpu.dma_semaphore, #tpu.memory_space<semaphore_mem>>
          %dma_start3A_107 = arith.constant 0 : i32
          %dma_start3A_108 = tpu.memref_slice %arg10[%add3A_106, %dma_start3A_107] : memref<160x128xi32, #tpu.memory_space<vmem>> -> memref<1x128xi32, #tpu.memory_space<vmem>>
          %dma_start3A_109 = tpu.memref_squeeze %dma_start3A_108 : memref<1x128xi32, #tpu.memory_space<vmem>> -> memref<128xi32, #tpu.memory_space<vmem>>
          %dma_start3A_110 = arith.constant 0 : i32
          %dma_start3A_111 = arith.constant 0 : i32
          %dma_start3A_112 = tpu.memref_slice %arg16[%dma_start3A_110, %dma_start3A_111] : memref<10240x64xf32, #tpu.memory_space<vmem_shared>> -> memref<10240x64xf32, #tpu.memory_space<vmem_shared>>
          tpu.enqueue_indirect_dma source(%arg12 : memref<128x64xf32, #tpu.memory_space<vmem>>) target(%dma_start3A_112 : memref<10240x64xf32, #tpu.memory_space<vmem_shared>>) offsets(%dma_start3A_109 : memref<128xi32, #tpu.memory_space<vmem>>) semaphore(%run_scoped3A : memref<!tpu.dma_semaphore, #tpu.memory_space<semaphore_mem>>) {add = true}
          %dma_wait3A_113 = arith.constant 0 : i32
          %dma_wait3A_114 = tpu.memref_slice %arg10[%add3A_106, %dma_wait3A_113] : memref<160x128xi32, #tpu.memory_space<vmem>> -> memref<1x128xi32, #tpu.memory_space<vmem>>
          %dma_wait3A_115 = tpu.memref_squeeze %dma_wait3A_114 : memref<1x128xi32, #tpu.memory_space<vmem>> -> memref<128xi32, #tpu.memory_space<vmem>>
          %dma_wait3A_116 = arith.constant 0 : i32
          %dma_wait3A_117 = arith.constant 0 : i32
          %dma_wait3A_118 = tpu.memref_slice %arg16[%dma_wait3A_116, %dma_wait3A_117] : memref<10240x64xf32, #tpu.memory_space<vmem_shared>> -> memref<10240x64xf32, #tpu.memory_space<vmem_shared>>
          tpu.wait_indirect_dma semaphore(%run_scoped3A : memref<!tpu.dma_semaphore, #tpu.memory_space<semaphore_mem>>) src(%arg12 : memref<128x64xf32, #tpu.memory_space<vmem>>) dst(%dma_wait3A_118 : memref<10240x64xf32, #tpu.memory_space<vmem_shared>>)
          tpu.yield
        }) : () -> ()
        "tpu.region"() ({
          %run_scoped3A = tpu.sem_alloc : memref<!tpu.dma_semaphore, #tpu.memory_space<semaphore_mem>>
          %dma_start3A_107 = arith.constant 0 : i32
          %dma_start3A_108 = tpu.memref_slice %arg10[%add3A_106, %dma_start3A_107] : memref<160x128xi32, #tpu.memory_space<vmem>> -> memref<1x128xi32, #tpu.memory_space<vmem>>
          %dma_start3A_109 = tpu.memref_squeeze %dma_start3A_108 : memref<1x128xi32, #tpu.memory_space<vmem>> -> memref<128xi32, #tpu.memory_space<vmem>>
          %dma_start3A_110 = arith.constant 0 : i32
          %dma_start3A_111 = arith.constant 0 : i32
          %dma_start3A_112 = tpu.memref_slice %arg17[%dma_start3A_110, %dma_start3A_111] : memref<10240x16xf32, #tpu.memory_space<vmem_shared>> -> memref<10240x16xf32, #tpu.memory_space<vmem_shared>>
          tpu.enqueue_indirect_dma source(%arg14 : memref<128x16xf32, #tpu.memory_space<vmem>>) target(%dma_start3A_112 : memref<10240x16xf32, #tpu.memory_space<vmem_shared>>) offsets(%dma_start3A_109 : memref<128xi32, #tpu.memory_space<vmem>>) semaphore(%run_scoped3A : memref<!tpu.dma_semaphore, #tpu.memory_space<semaphore_mem>>) {add = true}
          %dma_wait3A_113 = arith.constant 0 : i32
          %dma_wait3A_114 = tpu.memref_slice %arg10[%add3A_106, %dma_wait3A_113] : memref<160x128xi32, #tpu.memory_space<vmem>> -> memref<1x128xi32, #tpu.memory_space<vmem>>
          %dma_wait3A_115 = tpu.memref_squeeze %dma_wait3A_114 : memref<1x128xi32, #tpu.memory_space<vmem>> -> memref<128xi32, #tpu.memory_space<vmem>>
          %dma_wait3A_116 = arith.constant 0 : i32
          %dma_wait3A_117 = arith.constant 0 : i32
          %dma_wait3A_118 = tpu.memref_slice %arg17[%dma_wait3A_116, %dma_wait3A_117] : memref<10240x16xf32, #tpu.memory_space<vmem_shared>> -> memref<10240x16xf32, #tpu.memory_space<vmem_shared>>
          tpu.wait_indirect_dma semaphore(%run_scoped3A : memref<!tpu.dma_semaphore, #tpu.memory_space<semaphore_mem>>) src(%arg14 : memref<128x16xf32, #tpu.memory_space<vmem>>) dst(%dma_wait3A_118 : memref<10240x16xf32, #tpu.memory_space<vmem_shared>>)
          tpu.yield
        }) : () -> ()
      }
      %scan3A_74 = arith.constant 80 : i32
    } else {
    }
    %eq3A_47 = arith.constant 1 : i32
    %eq3A_48 = arith.cmpi eq, %arg0, %eq3A_47 : i32
    %convert_element_type3A_49 = arith.extui %eq3A_48 : i1 to i32
    %cond3A_50 = arith.constant 0 : i32
    %cond3A_51 = arith.cmpi ne, %convert_element_type3A_49, %cond3A_50 : i32
    scf.if %cond3A_51 {
      %dma_start3A = arith.constant 0 : i32
      %dma_start3A_63 = arith.constant 0 : i32
      %dma_start3A_64 = tpu.memref_slice %arg9[%dma_start3A, %dma_start3A_63] : memref<160x128xi32, #tpu.memory_space<vmem>> -> memref<1x128xi32, #tpu.memory_space<vmem>>
      %dma_start3A_65 = tpu.memref_squeeze %dma_start3A_64 : memref<1x128xi32, #tpu.memory_space<vmem>> -> memref<128xi32, #tpu.memory_space<vmem>>
      %dma_start3A_66 = arith.constant 0 : i32
      %dma_start3A_67 = arith.constant 0 : i32
      %dma_start3A_68 = tpu.memref_slice %arg3[%dma_start3A_66, %dma_start3A_67] : memref<10000x64xf32, #tpu.memory_space<hbm>> -> memref<10000x64xf32, #tpu.memory_space<hbm>>
      tpu.enqueue_indirect_dma source(%dma_start3A_68 : memref<10000x64xf32, #tpu.memory_space<hbm>>) target(%arg11 : memref<128x64xf32, #tpu.memory_space<vmem>>) offsets(%dma_start3A_65 : memref<128xi32, #tpu.memory_space<vmem>>) semaphore(%arg18 : memref<!tpu.dma_semaphore, #tpu.memory_space<semaphore_mem>>)
      %scan3A_69 = arith.constant 0 : i32
      %scan3A_70 = arith.constant 0 : i32
      %scan3A_71 = arith.constant 80 : i32
      %scan3A_72 = arith.addi %scan3A_70, %scan3A_71 : i32
      %scan3A_73 = arith.constant 1 : i32
      scf.for %scan3A_75 = %scan3A_70 to %scan3A_72 step %scan3A_73  : i32 {
        %mul3A_76 = arith.constant 2 : i32
        %mul3A_77 = arith.muli %mul3A_76, %scan3A_75 : i32
        %add3A_78 = arith.constant 1 : i32
        %add3A_79 = arith.addi %mul3A_77, %add3A_78 : i32
        %dma_start3A_80 = arith.constant 0 : i32
        %dma_start3A_81 = tpu.memref_slice %arg9[%add3A_79, %dma_start3A_80] : memref<160x128xi32, #tpu.memory_space<vmem>> -> memref<1x128xi32, #tpu.memory_space<vmem>>
        %dma_start3A_82 = tpu.memref_squeeze %dma_start3A_81 : memref<1x128xi32, #tpu.memory_space<vmem>> -> memref<128xi32, #tpu.memory_space<vmem>>
        %dma_start3A_83 = arith.constant 0 : i32
        %dma_start3A_84 = arith.constant 0 : i32
        %dma_start3A_85 = tpu.memref_slice %arg3[%dma_start3A_83, %dma_start3A_84] : memref<10000x64xf32, #tpu.memory_space<hbm>> -> memref<10000x64xf32, #tpu.memory_space<hbm>>
        tpu.enqueue_indirect_dma source(%dma_start3A_85 : memref<10000x64xf32, #tpu.memory_space<hbm>>) target(%arg12 : memref<128x64xf32, #tpu.memory_space<vmem>>) offsets(%dma_start3A_82 : memref<128xi32, #tpu.memory_space<vmem>>) semaphore(%arg18 : memref<!tpu.dma_semaphore, #tpu.memory_space<semaphore_mem>>)
        %dma_wait3A = arith.constant 0 : i32
        %dma_wait3A_86 = tpu.memref_slice %arg9[%mul3A_77, %dma_wait3A] : memref<160x128xi32, #tpu.memory_space<vmem>> -> memref<1x128xi32, #tpu.memory_space<vmem>>
        %dma_wait3A_87 = tpu.memref_squeeze %dma_wait3A_86 : memref<1x128xi32, #tpu.memory_space<vmem>> -> memref<128xi32, #tpu.memory_space<vmem>>
        %dma_wait3A_88 = arith.constant 0 : i32
        %dma_wait3A_89 = arith.constant 0 : i32
        %dma_wait3A_90 = tpu.memref_slice %arg3[%dma_wait3A_88, %dma_wait3A_89] : memref<10000x64xf32, #tpu.memory_space<hbm>> -> memref<10000x64xf32, #tpu.memory_space<hbm>>
        tpu.wait_indirect_dma semaphore(%arg18 : memref<!tpu.dma_semaphore, #tpu.memory_space<semaphore_mem>>) src(%dma_wait3A_90 : memref<10000x64xf32, #tpu.memory_space<hbm>>) dst(%arg11 : memref<128x64xf32, #tpu.memory_space<vmem>>)
        "tpu.region"() ({
          %run_scoped3A = tpu.sem_alloc : memref<!tpu.dma_semaphore, #tpu.memory_space<semaphore_mem>>
          %dma_start3A_107 = arith.constant 0 : i32
          %dma_start3A_108 = tpu.memref_slice %arg10[%mul3A_77, %dma_start3A_107] : memref<160x128xi32, #tpu.memory_space<vmem>> -> memref<1x128xi32, #tpu.memory_space<vmem>>
          %dma_start3A_109 = tpu.memref_squeeze %dma_start3A_108 : memref<1x128xi32, #tpu.memory_space<vmem>> -> memref<128xi32, #tpu.memory_space<vmem>>
          %dma_start3A_110 = arith.constant 0 : i32
          %dma_start3A_111 = arith.constant 0 : i32
          %dma_start3A_112 = tpu.memref_slice %arg16[%dma_start3A_110, %dma_start3A_111] : memref<10240x64xf32, #tpu.memory_space<vmem_shared>> -> memref<10240x64xf32, #tpu.memory_space<vmem_shared>>
          tpu.enqueue_indirect_dma source(%arg11 : memref<128x64xf32, #tpu.memory_space<vmem>>) target(%dma_start3A_112 : memref<10240x64xf32, #tpu.memory_space<vmem_shared>>) offsets(%dma_start3A_109 : memref<128xi32, #tpu.memory_space<vmem>>) semaphore(%run_scoped3A : memref<!tpu.dma_semaphore, #tpu.memory_space<semaphore_mem>>) {add = true}
          %dma_wait3A_113 = arith.constant 0 : i32
          %dma_wait3A_114 = tpu.memref_slice %arg10[%mul3A_77, %dma_wait3A_113] : memref<160x128xi32, #tpu.memory_space<vmem>> -> memref<1x128xi32, #tpu.memory_space<vmem>>
          %dma_wait3A_115 = tpu.memref_squeeze %dma_wait3A_114 : memref<1x128xi32, #tpu.memory_space<vmem>> -> memref<128xi32, #tpu.memory_space<vmem>>
          %dma_wait3A_116 = arith.constant 0 : i32
          %dma_wait3A_117 = arith.constant 0 : i32
          %dma_wait3A_118 = tpu.memref_slice %arg16[%dma_wait3A_116, %dma_wait3A_117] : memref<10240x64xf32, #tpu.memory_space<vmem_shared>> -> memref<10240x64xf32, #tpu.memory_space<vmem_shared>>
          tpu.wait_indirect_dma semaphore(%run_scoped3A : memref<!tpu.dma_semaphore, #tpu.memory_space<semaphore_mem>>) src(%arg11 : memref<128x64xf32, #tpu.memory_space<vmem>>) dst(%dma_wait3A_118 : memref<10240x64xf32, #tpu.memory_space<vmem_shared>>)
          tpu.yield
        }) : () -> ()
        %add3A_91 = arith.constant 2 : i32
        %add3A_92 = arith.addi %mul3A_77, %add3A_91 : i32
        %lt3A = arith.constant 160 : i32
        %lt3A_93 = arith.cmpi slt, %add3A_92, %lt3A : i32
        %convert_element_type3A_94 = arith.extui %lt3A_93 : i1 to i32
        %cond3A_95 = arith.constant 0 : i32
        %cond3A_96 = arith.cmpi ne, %convert_element_type3A_94, %cond3A_95 : i32
        scf.if %cond3A_96 {
          %add3A_107 = arith.constant 2 : i32
          %add3A_108 = arith.addi %mul3A_77, %add3A_107 : i32
          %dma_start3A_109 = arith.constant 0 : i32
          %dma_start3A_110 = tpu.memref_slice %arg9[%add3A_108, %dma_start3A_109] : memref<160x128xi32, #tpu.memory_space<vmem>> -> memref<1x128xi32, #tpu.memory_space<vmem>>
          %dma_start3A_111 = tpu.memref_squeeze %dma_start3A_110 : memref<1x128xi32, #tpu.memory_space<vmem>> -> memref<128xi32, #tpu.memory_space<vmem>>
          %dma_start3A_112 = arith.constant 0 : i32
          %dma_start3A_113 = arith.constant 0 : i32
          %dma_start3A_114 = tpu.memref_slice %arg3[%dma_start3A_112, %dma_start3A_113] : memref<10000x64xf32, #tpu.memory_space<hbm>> -> memref<10000x64xf32, #tpu.memory_space<hbm>>
          tpu.enqueue_indirect_dma source(%dma_start3A_114 : memref<10000x64xf32, #tpu.memory_space<hbm>>) target(%arg11 : memref<128x64xf32, #tpu.memory_space<vmem>>) offsets(%dma_start3A_111 : memref<128xi32, #tpu.memory_space<vmem>>) semaphore(%arg18 : memref<!tpu.dma_semaphore, #tpu.memory_space<semaphore_mem>>)
        } else {
        }
        %add3A_97 = arith.constant 1 : i32
        %add3A_98 = arith.addi %mul3A_77, %add3A_97 : i32
        %dma_wait3A_99 = arith.constant 0 : i32
        %dma_wait3A_100 = tpu.memref_slice %arg9[%add3A_98, %dma_wait3A_99] : memref<160x128xi32, #tpu.memory_space<vmem>> -> memref<1x128xi32, #tpu.memory_space<vmem>>
        %dma_wait3A_101 = tpu.memref_squeeze %dma_wait3A_100 : memref<1x128xi32, #tpu.memory_space<vmem>> -> memref<128xi32, #tpu.memory_space<vmem>>
        %dma_wait3A_102 = arith.constant 0 : i32
        %dma_wait3A_103 = arith.constant 0 : i32
        %dma_wait3A_104 = tpu.memref_slice %arg3[%dma_wait3A_102, %dma_wait3A_103] : memref<10000x64xf32, #tpu.memory_space<hbm>> -> memref<10000x64xf32, #tpu.memory_space<hbm>>
        tpu.wait_indirect_dma semaphore(%arg18 : memref<!tpu.dma_semaphore, #tpu.memory_space<semaphore_mem>>) src(%dma_wait3A_104 : memref<10000x64xf32, #tpu.memory_space<hbm>>) dst(%arg12 : memref<128x64xf32, #tpu.memory_space<vmem>>)
        %add3A_105 = arith.constant 1 : i32
        %add3A_106 = arith.addi %mul3A_77, %add3A_105 : i32
        "tpu.region"() ({
          %run_scoped3A = tpu.sem_alloc : memref<!tpu.dma_semaphore, #tpu.memory_space<semaphore_mem>>
          %dma_start3A_107 = arith.constant 0 : i32
          %dma_start3A_108 = tpu.memref_slice %arg10[%add3A_106, %dma_start3A_107] : memref<160x128xi32, #tpu.memory_space<vmem>> -> memref<1x128xi32, #tpu.memory_space<vmem>>
          %dma_start3A_109 = tpu.memref_squeeze %dma_start3A_108 : memref<1x128xi32, #tpu.memory_space<vmem>> -> memref<128xi32, #tpu.memory_space<vmem>>
          %dma_start3A_110 = arith.constant 0 : i32
          %dma_start3A_111 = arith.constant 0 : i32
          %dma_start3A_112 = tpu.memref_slice %arg16[%dma_start3A_110, %dma_start3A_111] : memref<10240x64xf32, #tpu.memory_space<vmem_shared>> -> memref<10240x64xf32, #tpu.memory_space<vmem_shared>>
          tpu.enqueue_indirect_dma source(%arg12 : memref<128x64xf32, #tpu.memory_space<vmem>>) target(%dma_start3A_112 : memref<10240x64xf32, #tpu.memory_space<vmem_shared>>) offsets(%dma_start3A_109 : memref<128xi32, #tpu.memory_space<vmem>>) semaphore(%run_scoped3A : memref<!tpu.dma_semaphore, #tpu.memory_space<semaphore_mem>>) {add = true}
          %dma_wait3A_113 = arith.constant 0 : i32
          %dma_wait3A_114 = tpu.memref_slice %arg10[%add3A_106, %dma_wait3A_113] : memref<160x128xi32, #tpu.memory_space<vmem>> -> memref<1x128xi32, #tpu.memory_space<vmem>>
          %dma_wait3A_115 = tpu.memref_squeeze %dma_wait3A_114 : memref<1x128xi32, #tpu.memory_space<vmem>> -> memref<128xi32, #tpu.memory_space<vmem>>
          %dma_wait3A_116 = arith.constant 0 : i32
          %dma_wait3A_117 = arith.constant 0 : i32
          %dma_wait3A_118 = tpu.memref_slice %arg16[%dma_wait3A_116, %dma_wait3A_117] : memref<10240x64xf32, #tpu.memory_space<vmem_shared>> -> memref<10240x64xf32, #tpu.memory_space<vmem_shared>>
          tpu.wait_indirect_dma semaphore(%run_scoped3A : memref<!tpu.dma_semaphore, #tpu.memory_space<semaphore_mem>>) src(%arg12 : memref<128x64xf32, #tpu.memory_space<vmem>>) dst(%dma_wait3A_118 : memref<10240x64xf32, #tpu.memory_space<vmem_shared>>)
          tpu.yield
        }) : () -> ()
      }
      %scan3A_74 = arith.constant 80 : i32
    } else {
    }
    %barrier3A_52 = arith.constant 0 : index
    tpu.barrier barrier_id(%barrier3A_52)
    %eq3A_53 = arith.constant 0 : i32
    %eq3A_54 = arith.cmpi eq, %arg0, %eq3A_53 : i32
    %convert_element_type3A_55 = arith.extui %eq3A_54 : i1 to i32
    %cond3A_56 = arith.constant 0 : i32
    %cond3A_57 = arith.cmpi ne, %convert_element_type3A_55, %cond3A_56 : i32
    scf.if %cond3A_57 {
      %mul3A_63 = arith.constant 640 : i32
      %mul3A_64 = arith.muli %arg1, %mul3A_63 : i32
      %add3A_65 = arith.constant 0 : i32
      %add3A_66 = arith.addi %mul3A_64, %add3A_65 : i32
      "tpu.region"() ({
        %run_scoped3A = tpu.sem_alloc : memref<!tpu.dma_semaphore, #tpu.memory_space<semaphore_mem>>
        %dma_start3A = arith.constant 0 : i32
        %dma_start3A_103 = tpu.memref_slice %arg16[%add3A_66, %dma_start3A] : memref<10240x64xf32, #tpu.memory_space<vmem_shared>> -> memref<128x64xf32, #tpu.memory_space<vmem_shared>>
        %dma_start3A_104 = arith.constant 0 : i32
        %dma_start3A_105 = tpu.memref_slice %arg16[%add3A_66, %dma_start3A_104] : memref<10240x64xf32, #tpu.memory_space<vmem_shared>> -> memref<128x64xf32, #tpu.memory_space<vmem_shared>>
        tpu.enqueue_dma source(%dma_start3A_105 : memref<128x64xf32, #tpu.memory_space<vmem_shared>>) target(%arg13 : memref<128x64xf32, #tpu.memory_space<vmem>>) target_semaphore(%run_scoped3A : memref<!tpu.dma_semaphore, #tpu.memory_space<semaphore_mem>>)
        %dma_wait3A = arith.constant 0 : i32
        %dma_wait3A_106 = tpu.memref_slice %arg16[%add3A_66, %dma_wait3A] : memref<10240x64xf32, #tpu.memory_space<vmem_shared>> -> memref<128x64xf32, #tpu.memory_space<vmem_shared>>
        %dma_wait3A_107 = arith.constant 0 : i32
        %dma_wait3A_108 = tpu.memref_slice %arg16[%add3A_66, %dma_wait3A_107] : memref<10240x64xf32, #tpu.memory_space<vmem_shared>> -> memref<128x64xf32, #tpu.memory_space<vmem_shared>>
        tpu.wait_dma2 semaphore(%run_scoped3A : memref<!tpu.dma_semaphore, #tpu.memory_space<semaphore_mem>>) src(%dma_wait3A_108 : memref<128x64xf32, #tpu.memory_space<vmem_shared>>) dst(%arg13 : memref<128x64xf32, #tpu.memory_space<vmem>>)
        tpu.yield
      }) : () -> ()
      "tpu.region"() ({
        %run_scoped3A = tpu.sem_alloc : memref<!tpu.dma_semaphore, #tpu.memory_space<semaphore_mem>>
        %dma_start3A = arith.constant 0 : i32
        %dma_start3A_103 = tpu.memref_slice %arg6[%add3A_66, %dma_start3A] : memref<10240x64xf32, #tpu.memory_space<hbm>> -> memref<128x64xf32, #tpu.memory_space<hbm>>
        %dma_start3A_104 = arith.constant 0 : i32
        %dma_start3A_105 = tpu.memref_slice %arg6[%add3A_66, %dma_start3A_104] : memref<10240x64xf32, #tpu.memory_space<hbm>> -> memref<128x64xf32, #tpu.memory_space<hbm>>
        tpu.enqueue_dma source(%arg13 : memref<128x64xf32, #tpu.memory_space<vmem>>) target(%dma_start3A_105 : memref<128x64xf32, #tpu.memory_space<hbm>>) target_semaphore(%run_scoped3A : memref<!tpu.dma_semaphore, #tpu.memory_space<semaphore_mem>>)
        %dma_wait3A = arith.constant 0 : i32
        %dma_wait3A_106 = tpu.memref_slice %arg6[%add3A_66, %dma_wait3A] : memref<10240x64xf32, #tpu.memory_space<hbm>> -> memref<128x64xf32, #tpu.memory_space<hbm>>
        %dma_wait3A_107 = arith.constant 0 : i32
        %dma_wait3A_108 = tpu.memref_slice %arg6[%add3A_66, %dma_wait3A_107] : memref<10240x64xf32, #tpu.memory_space<hbm>> -> memref<128x64xf32, #tpu.memory_space<hbm>>
        tpu.wait_dma2 semaphore(%run_scoped3A : memref<!tpu.dma_semaphore, #tpu.memory_space<semaphore_mem>>) src(%arg13 : memref<128x64xf32, #tpu.memory_space<vmem>>) dst(%dma_wait3A_108 : memref<128x64xf32, #tpu.memory_space<hbm>>)
        tpu.yield
      }) : () -> ()
      %mul3A_67 = arith.constant 640 : i32
      %mul3A_68 = arith.muli %arg1, %mul3A_67 : i32
      %add3A_69 = arith.constant 128 : i32
      %add3A_70 = arith.addi %mul3A_68, %add3A_69 : i32
      "tpu.region"() ({
        %run_scoped3A = tpu.sem_alloc : memref<!tpu.dma_semaphore, #tpu.memory_space<semaphore_mem>>
        %dma_start3A = arith.constant 0 : i32
        %dma_start3A_103 = tpu.memref_slice %arg16[%add3A_70, %dma_start3A] : memref<10240x64xf32, #tpu.memory_space<vmem_shared>> -> memref<128x64xf32, #tpu.memory_space<vmem_shared>>
        %dma_start3A_104 = arith.constant 0 : i32
        %dma_start3A_105 = tpu.memref_slice %arg16[%add3A_70, %dma_start3A_104] : memref<10240x64xf32, #tpu.memory_space<vmem_shared>> -> memref<128x64xf32, #tpu.memory_space<vmem_shared>>
        tpu.enqueue_dma source(%dma_start3A_105 : memref<128x64xf32, #tpu.memory_space<vmem_shared>>) target(%arg13 : memref<128x64xf32, #tpu.memory_space<vmem>>) target_semaphore(%run_scoped3A : memref<!tpu.dma_semaphore, #tpu.memory_space<semaphore_mem>>)
        %dma_wait3A = arith.constant 0 : i32
        %dma_wait3A_106 = tpu.memref_slice %arg16[%add3A_70, %dma_wait3A] : memref<10240x64xf32, #tpu.memory_space<vmem_shared>> -> memref<128x64xf32, #tpu.memory_space<vmem_shared>>
        %dma_wait3A_107 = arith.constant 0 : i32
        %dma_wait3A_108 = tpu.memref_slice %arg16[%add3A_70, %dma_wait3A_107] : memref<10240x64xf32, #tpu.memory_space<vmem_shared>> -> memref<128x64xf32, #tpu.memory_space<vmem_shared>>
        tpu.wait_dma2 semaphore(%run_scoped3A : memref<!tpu.dma_semaphore, #tpu.memory_space<semaphore_mem>>) src(%dma_wait3A_108 : memref<128x64xf32, #tpu.memory_space<vmem_shared>>) dst(%arg13 : memref<128x64xf32, #tpu.memory_space<vmem>>)
        tpu.yield
      }) : () -> ()
      "tpu.region"() ({
        %run_scoped3A = tpu.sem_alloc : memref<!tpu.dma_semaphore, #tpu.memory_space<semaphore_mem>>
        %dma_start3A = arith.constant 0 : i32
        %dma_start3A_103 = tpu.memref_slice %arg6[%add3A_70, %dma_start3A] : memref<10240x64xf32, #tpu.memory_space<hbm>> -> memref<128x64xf32, #tpu.memory_space<hbm>>
        %dma_start3A_104 = arith.constant 0 : i32
        %dma_start3A_105 = tpu.memref_slice %arg6[%add3A_70, %dma_start3A_104] : memref<10240x64xf32, #tpu.memory_space<hbm>> -> memref<128x64xf32, #tpu.memory_space<hbm>>
        tpu.enqueue_dma source(%arg13 : memref<128x64xf32, #tpu.memory_space<vmem>>) target(%dma_start3A_105 : memref<128x64xf32, #tpu.memory_space<hbm>>) target_semaphore(%run_scoped3A : memref<!tpu.dma_semaphore, #tpu.memory_space<semaphore_mem>>)
        %dma_wait3A = arith.constant 0 : i32
        %dma_wait3A_106 = tpu.memref_slice %arg6[%add3A_70, %dma_wait3A] : memref<10240x64xf32, #tpu.memory_space<hbm>> -> memref<128x64xf32, #tpu.memory_space<hbm>>
        %dma_wait3A_107 = arith.constant 0 : i32
        %dma_wait3A_108 = tpu.memref_slice %arg6[%add3A_70, %dma_wait3A_107] : memref<10240x64xf32, #tpu.memory_space<hbm>> -> memref<128x64xf32, #tpu.memory_space<hbm>>
        tpu.wait_dma2 semaphore(%run_scoped3A : memref<!tpu.dma_semaphore, #tpu.memory_space<semaphore_mem>>) src(%arg13 : memref<128x64xf32, #tpu.memory_space<vmem>>) dst(%dma_wait3A_108 : memref<128x64xf32, #tpu.memory_space<hbm>>)
        tpu.yield
      }) : () -> ()
      %mul3A_71 = arith.constant 640 : i32
      %mul3A_72 = arith.muli %arg1, %mul3A_71 : i32
      %add3A_73 = arith.constant 256 : i32
      %add3A_74 = arith.addi %mul3A_72, %add3A_73 : i32
      "tpu.region"() ({
        %run_scoped3A = tpu.sem_alloc : memref<!tpu.dma_semaphore, #tpu.memory_space<semaphore_mem>>
        %dma_start3A = arith.constant 0 : i32
        %dma_start3A_103 = tpu.memref_slice %arg16[%add3A_74, %dma_start3A] : memref<10240x64xf32, #tpu.memory_space<vmem_shared>> -> memref<128x64xf32, #tpu.memory_space<vmem_shared>>
        %dma_start3A_104 = arith.constant 0 : i32
        %dma_start3A_105 = tpu.memref_slice %arg16[%add3A_74, %dma_start3A_104] : memref<10240x64xf32, #tpu.memory_space<vmem_shared>> -> memref<128x64xf32, #tpu.memory_space<vmem_shared>>
        tpu.enqueue_dma source(%dma_start3A_105 : memref<128x64xf32, #tpu.memory_space<vmem_shared>>) target(%arg13 : memref<128x64xf32, #tpu.memory_space<vmem>>) target_semaphore(%run_scoped3A : memref<!tpu.dma_semaphore, #tpu.memory_space<semaphore_mem>>)
        %dma_wait3A = arith.constant 0 : i32
        %dma_wait3A_106 = tpu.memref_slice %arg16[%add3A_74, %dma_wait3A] : memref<10240x64xf32, #tpu.memory_space<vmem_shared>> -> memref<128x64xf32, #tpu.memory_space<vmem_shared>>
        %dma_wait3A_107 = arith.constant 0 : i32
        %dma_wait3A_108 = tpu.memref_slice %arg16[%add3A_74, %dma_wait3A_107] : memref<10240x64xf32, #tpu.memory_space<vmem_shared>> -> memref<128x64xf32, #tpu.memory_space<vmem_shared>>
        tpu.wait_dma2 semaphore(%run_scoped3A : memref<!tpu.dma_semaphore, #tpu.memory_space<semaphore_mem>>) src(%dma_wait3A_108 : memref<128x64xf32, #tpu.memory_space<vmem_shared>>) dst(%arg13 : memref<128x64xf32, #tpu.memory_space<vmem>>)
        tpu.yield
      }) : () -> ()
      "tpu.region"() ({
        %run_scoped3A = tpu.sem_alloc : memref<!tpu.dma_semaphore, #tpu.memory_space<semaphore_mem>>
        %dma_start3A = arith.constant 0 : i32
        %dma_start3A_103 = tpu.memref_slice %arg6[%add3A_74, %dma_start3A] : memref<10240x64xf32, #tpu.memory_space<hbm>> -> memref<128x64xf32, #tpu.memory_space<hbm>>
        %dma_start3A_104 = arith.constant 0 : i32
        %dma_start3A_105 = tpu.memref_slice %arg6[%add3A_74, %dma_start3A_104] : memref<10240x64xf32, #tpu.memory_space<hbm>> -> memref<128x64xf32, #tpu.memory_space<hbm>>
        tpu.enqueue_dma source(%arg13 : memref<128x64xf32, #tpu.memory_space<vmem>>) target(%dma_start3A_105 : memref<128x64xf32, #tpu.memory_space<hbm>>) target_semaphore(%run_scoped3A : memref<!tpu.dma_semaphore, #tpu.memory_space<semaphore_mem>>)
        %dma_wait3A = arith.constant 0 : i32
        %dma_wait3A_106 = tpu.memref_slice %arg6[%add3A_74, %dma_wait3A] : memref<10240x64xf32, #tpu.memory_space<hbm>> -> memref<128x64xf32, #tpu.memory_space<hbm>>
        %dma_wait3A_107 = arith.constant 0 : i32
        %dma_wait3A_108 = tpu.memref_slice %arg6[%add3A_74, %dma_wait3A_107] : memref<10240x64xf32, #tpu.memory_space<hbm>> -> memref<128x64xf32, #tpu.memory_space<hbm>>
        tpu.wait_dma2 semaphore(%run_scoped3A : memref<!tpu.dma_semaphore, #tpu.memory_space<semaphore_mem>>) src(%arg13 : memref<128x64xf32, #tpu.memory_space<vmem>>) dst(%dma_wait3A_108 : memref<128x64xf32, #tpu.memory_space<hbm>>)
        tpu.yield
      }) : () -> ()
      %mul3A_75 = arith.constant 640 : i32
      %mul3A_76 = arith.muli %arg1, %mul3A_75 : i32
      %add3A_77 = arith.constant 384 : i32
      %add3A_78 = arith.addi %mul3A_76, %add3A_77 : i32
      "tpu.region"() ({
        %run_scoped3A = tpu.sem_alloc : memref<!tpu.dma_semaphore, #tpu.memory_space<semaphore_mem>>
        %dma_start3A = arith.constant 0 : i32
        %dma_start3A_103 = tpu.memref_slice %arg16[%add3A_78, %dma_start3A] : memref<10240x64xf32, #tpu.memory_space<vmem_shared>> -> memref<128x64xf32, #tpu.memory_space<vmem_shared>>
        %dma_start3A_104 = arith.constant 0 : i32
        %dma_start3A_105 = tpu.memref_slice %arg16[%add3A_78, %dma_start3A_104] : memref<10240x64xf32, #tpu.memory_space<vmem_shared>> -> memref<128x64xf32, #tpu.memory_space<vmem_shared>>
        tpu.enqueue_dma source(%dma_start3A_105 : memref<128x64xf32, #tpu.memory_space<vmem_shared>>) target(%arg13 : memref<128x64xf32, #tpu.memory_space<vmem>>) target_semaphore(%run_scoped3A : memref<!tpu.dma_semaphore, #tpu.memory_space<semaphore_mem>>)
        %dma_wait3A = arith.constant 0 : i32
        %dma_wait3A_106 = tpu.memref_slice %arg16[%add3A_78, %dma_wait3A] : memref<10240x64xf32, #tpu.memory_space<vmem_shared>> -> memref<128x64xf32, #tpu.memory_space<vmem_shared>>
        %dma_wait3A_107 = arith.constant 0 : i32
        %dma_wait3A_108 = tpu.memref_slice %arg16[%add3A_78, %dma_wait3A_107] : memref<10240x64xf32, #tpu.memory_space<vmem_shared>> -> memref<128x64xf32, #tpu.memory_space<vmem_shared>>
        tpu.wait_dma2 semaphore(%run_scoped3A : memref<!tpu.dma_semaphore, #tpu.memory_space<semaphore_mem>>) src(%dma_wait3A_108 : memref<128x64xf32, #tpu.memory_space<vmem_shared>>) dst(%arg13 : memref<128x64xf32, #tpu.memory_space<vmem>>)
        tpu.yield
      }) : () -> ()
      "tpu.region"() ({
        %run_scoped3A = tpu.sem_alloc : memref<!tpu.dma_semaphore, #tpu.memory_space<semaphore_mem>>
        %dma_start3A = arith.constant 0 : i32
        %dma_start3A_103 = tpu.memref_slice %arg6[%add3A_78, %dma_start3A] : memref<10240x64xf32, #tpu.memory_space<hbm>> -> memref<128x64xf32, #tpu.memory_space<hbm>>
        %dma_start3A_104 = arith.constant 0 : i32
        %dma_start3A_105 = tpu.memref_slice %arg6[%add3A_78, %dma_start3A_104] : memref<10240x64xf32, #tpu.memory_space<hbm>> -> memref<128x64xf32, #tpu.memory_space<hbm>>
        tpu.enqueue_dma source(%arg13 : memref<128x64xf32, #tpu.memory_space<vmem>>) target(%dma_start3A_105 : memref<128x64xf32, #tpu.memory_space<hbm>>) target_semaphore(%run_scoped3A : memref<!tpu.dma_semaphore, #tpu.memory_space<semaphore_mem>>)
        %dma_wait3A = arith.constant 0 : i32
        %dma_wait3A_106 = tpu.memref_slice %arg6[%add3A_78, %dma_wait3A] : memref<10240x64xf32, #tpu.memory_space<hbm>> -> memref<128x64xf32, #tpu.memory_space<hbm>>
        %dma_wait3A_107 = arith.constant 0 : i32
        %dma_wait3A_108 = tpu.memref_slice %arg6[%add3A_78, %dma_wait3A_107] : memref<10240x64xf32, #tpu.memory_space<hbm>> -> memref<128x64xf32, #tpu.memory_space<hbm>>
        tpu.wait_dma2 semaphore(%run_scoped3A : memref<!tpu.dma_semaphore, #tpu.memory_space<semaphore_mem>>) src(%arg13 : memref<128x64xf32, #tpu.memory_space<vmem>>) dst(%dma_wait3A_108 : memref<128x64xf32, #tpu.memory_space<hbm>>)
        tpu.yield
      }) : () -> ()
      %mul3A_79 = arith.constant 640 : i32
      %mul3A_80 = arith.muli %arg1, %mul3A_79 : i32
      %add3A_81 = arith.constant 512 : i32
      %add3A_82 = arith.addi %mul3A_80, %add3A_81 : i32
      "tpu.region"() ({
        %run_scoped3A = tpu.sem_alloc : memref<!tpu.dma_semaphore, #tpu.memory_space<semaphore_mem>>
        %dma_start3A = arith.constant 0 : i32
        %dma_start3A_103 = tpu.memref_slice %arg16[%add3A_82, %dma_start3A] : memref<10240x64xf32, #tpu.memory_space<vmem_shared>> -> memref<128x64xf32, #tpu.memory_space<vmem_shared>>
        %dma_start3A_104 = arith.constant 0 : i32
        %dma_start3A_105 = tpu.memref_slice %arg16[%add3A_82, %dma_start3A_104] : memref<10240x64xf32, #tpu.memory_space<vmem_shared>> -> memref<128x64xf32, #tpu.memory_space<vmem_shared>>
        tpu.enqueue_dma source(%dma_start3A_105 : memref<128x64xf32, #tpu.memory_space<vmem_shared>>) target(%arg13 : memref<128x64xf32, #tpu.memory_space<vmem>>) target_semaphore(%run_scoped3A : memref<!tpu.dma_semaphore, #tpu.memory_space<semaphore_mem>>)
        %dma_wait3A = arith.constant 0 : i32
        %dma_wait3A_106 = tpu.memref_slice %arg16[%add3A_82, %dma_wait3A] : memref<10240x64xf32, #tpu.memory_space<vmem_shared>> -> memref<128x64xf32, #tpu.memory_space<vmem_shared>>
        %dma_wait3A_107 = arith.constant 0 : i32
        %dma_wait3A_108 = tpu.memref_slice %arg16[%add3A_82, %dma_wait3A_107] : memref<10240x64xf32, #tpu.memory_space<vmem_shared>> -> memref<128x64xf32, #tpu.memory_space<vmem_shared>>
        tpu.wait_dma2 semaphore(%run_scoped3A : memref<!tpu.dma_semaphore, #tpu.memory_space<semaphore_mem>>) src(%dma_wait3A_108 : memref<128x64xf32, #tpu.memory_space<vmem_shared>>) dst(%arg13 : memref<128x64xf32, #tpu.memory_space<vmem>>)
        tpu.yield
      }) : () -> ()
      "tpu.region"() ({
        %run_scoped3A = tpu.sem_alloc : memref<!tpu.dma_semaphore, #tpu.memory_space<semaphore_mem>>
        %dma_start3A = arith.constant 0 : i32
        %dma_start3A_103 = tpu.memref_slice %arg6[%add3A_82, %dma_start3A] : memref<10240x64xf32, #tpu.memory_space<hbm>> -> memref<128x64xf32, #tpu.memory_space<hbm>>
        %dma_start3A_104 = arith.constant 0 : i32
        %dma_start3A_105 = tpu.memref_slice %arg6[%add3A_82, %dma_start3A_104] : memref<10240x64xf32, #tpu.memory_space<hbm>> -> memref<128x64xf32, #tpu.memory_space<hbm>>
        tpu.enqueue_dma source(%arg13 : memref<128x64xf32, #tpu.memory_space<vmem>>) target(%dma_start3A_105 : memref<128x64xf32, #tpu.memory_space<hbm>>) target_semaphore(%run_scoped3A : memref<!tpu.dma_semaphore, #tpu.memory_space<semaphore_mem>>)
        %dma_wait3A = arith.constant 0 : i32
        %dma_wait3A_106 = tpu.memref_slice %arg6[%add3A_82, %dma_wait3A] : memref<10240x64xf32, #tpu.memory_space<hbm>> -> memref<128x64xf32, #tpu.memory_space<hbm>>
        %dma_wait3A_107 = arith.constant 0 : i32
        %dma_wait3A_108 = tpu.memref_slice %arg6[%add3A_82, %dma_wait3A_107] : memref<10240x64xf32, #tpu.memory_space<hbm>> -> memref<128x64xf32, #tpu.memory_space<hbm>>
        tpu.wait_dma2 semaphore(%run_scoped3A : memref<!tpu.dma_semaphore, #tpu.memory_space<semaphore_mem>>) src(%arg13 : memref<128x64xf32, #tpu.memory_space<vmem>>) dst(%dma_wait3A_108 : memref<128x64xf32, #tpu.memory_space<hbm>>)
        tpu.yield
      }) : () -> ()
      %mul3A_83 = arith.constant 640 : i32
      %mul3A_84 = arith.muli %arg1, %mul3A_83 : i32
      %add3A_85 = arith.constant 0 : i32
      %add3A_86 = arith.addi %mul3A_84, %add3A_85 : i32
      "tpu.region"() ({
        %run_scoped3A = tpu.sem_alloc : memref<!tpu.dma_semaphore, #tpu.memory_space<semaphore_mem>>
        %dma_start3A = arith.constant 0 : i32
        %dma_start3A_103 = tpu.memref_slice %arg17[%add3A_86, %dma_start3A] : memref<10240x16xf32, #tpu.memory_space<vmem_shared>> -> memref<128x16xf32, #tpu.memory_space<vmem_shared>>
        %dma_start3A_104 = arith.constant 0 : i32
        %dma_start3A_105 = tpu.memref_slice %arg17[%add3A_86, %dma_start3A_104] : memref<10240x16xf32, #tpu.memory_space<vmem_shared>> -> memref<128x16xf32, #tpu.memory_space<vmem_shared>>
        tpu.enqueue_dma source(%dma_start3A_105 : memref<128x16xf32, #tpu.memory_space<vmem_shared>>) target(%arg15 : memref<128x16xf32, #tpu.memory_space<vmem>>) target_semaphore(%run_scoped3A : memref<!tpu.dma_semaphore, #tpu.memory_space<semaphore_mem>>)
        %dma_wait3A = arith.constant 0 : i32
        %dma_wait3A_106 = tpu.memref_slice %arg17[%add3A_86, %dma_wait3A] : memref<10240x16xf32, #tpu.memory_space<vmem_shared>> -> memref<128x16xf32, #tpu.memory_space<vmem_shared>>
        %dma_wait3A_107 = arith.constant 0 : i32
        %dma_wait3A_108 = tpu.memref_slice %arg17[%add3A_86, %dma_wait3A_107] : memref<10240x16xf32, #tpu.memory_space<vmem_shared>> -> memref<128x16xf32, #tpu.memory_space<vmem_shared>>
        tpu.wait_dma2 semaphore(%run_scoped3A : memref<!tpu.dma_semaphore, #tpu.memory_space<semaphore_mem>>) src(%dma_wait3A_108 : memref<128x16xf32, #tpu.memory_space<vmem_shared>>) dst(%arg15 : memref<128x16xf32, #tpu.memory_space<vmem>>)
        tpu.yield
      }) : () -> ()
      "tpu.region"() ({
        %run_scoped3A = tpu.sem_alloc : memref<!tpu.dma_semaphore, #tpu.memory_space<semaphore_mem>>
        %dma_start3A = arith.constant 0 : i32
        %dma_start3A_103 = tpu.memref_slice %arg8[%add3A_86, %dma_start3A] : memref<10240x16xf32, #tpu.memory_space<hbm>> -> memref<128x16xf32, #tpu.memory_space<hbm>>
        %dma_start3A_104 = arith.constant 0 : i32
        %dma_start3A_105 = tpu.memref_slice %arg8[%add3A_86, %dma_start3A_104] : memref<10240x16xf32, #tpu.memory_space<hbm>> -> memref<128x16xf32, #tpu.memory_space<hbm>>
        tpu.enqueue_dma source(%arg15 : memref<128x16xf32, #tpu.memory_space<vmem>>) target(%dma_start3A_105 : memref<128x16xf32, #tpu.memory_space<hbm>>) target_semaphore(%run_scoped3A : memref<!tpu.dma_semaphore, #tpu.memory_space<semaphore_mem>>)
        %dma_wait3A = arith.constant 0 : i32
        %dma_wait3A_106 = tpu.memref_slice %arg8[%add3A_86, %dma_wait3A] : memref<10240x16xf32, #tpu.memory_space<hbm>> -> memref<128x16xf32, #tpu.memory_space<hbm>>
        %dma_wait3A_107 = arith.constant 0 : i32
        %dma_wait3A_108 = tpu.memref_slice %arg8[%add3A_86, %dma_wait3A_107] : memref<10240x16xf32, #tpu.memory_space<hbm>> -> memref<128x16xf32, #tpu.memory_space<hbm>>
        tpu.wait_dma2 semaphore(%run_scoped3A : memref<!tpu.dma_semaphore, #tpu.memory_space<semaphore_mem>>) src(%arg15 : memref<128x16xf32, #tpu.memory_space<vmem>>) dst(%dma_wait3A_108 : memref<128x16xf32, #tpu.memory_space<hbm>>)
        tpu.yield
      }) : () -> ()
      %mul3A_87 = arith.constant 640 : i32
      %mul3A_88 = arith.muli %arg1, %mul3A_87 : i32
      %add3A_89 = arith.constant 128 : i32
      %add3A_90 = arith.addi %mul3A_88, %add3A_89 : i32
      "tpu.region"() ({
        %run_scoped3A = tpu.sem_alloc : memref<!tpu.dma_semaphore, #tpu.memory_space<semaphore_mem>>
        %dma_start3A = arith.constant 0 : i32
        %dma_start3A_103 = tpu.memref_slice %arg17[%add3A_90, %dma_start3A] : memref<10240x16xf32, #tpu.memory_space<vmem_shared>> -> memref<128x16xf32, #tpu.memory_space<vmem_shared>>
        %dma_start3A_104 = arith.constant 0 : i32
        %dma_start3A_105 = tpu.memref_slice %arg17[%add3A_90, %dma_start3A_104] : memref<10240x16xf32, #tpu.memory_space<vmem_shared>> -> memref<128x16xf32, #tpu.memory_space<vmem_shared>>
        tpu.enqueue_dma source(%dma_start3A_105 : memref<128x16xf32, #tpu.memory_space<vmem_shared>>) target(%arg15 : memref<128x16xf32, #tpu.memory_space<vmem>>) target_semaphore(%run_scoped3A : memref<!tpu.dma_semaphore, #tpu.memory_space<semaphore_mem>>)
        %dma_wait3A = arith.constant 0 : i32
        %dma_wait3A_106 = tpu.memref_slice %arg17[%add3A_90, %dma_wait3A] : memref<10240x16xf32, #tpu.memory_space<vmem_shared>> -> memref<128x16xf32, #tpu.memory_space<vmem_shared>>
        %dma_wait3A_107 = arith.constant 0 : i32
        %dma_wait3A_108 = tpu.memref_slice %arg17[%add3A_90, %dma_wait3A_107] : memref<10240x16xf32, #tpu.memory_space<vmem_shared>> -> memref<128x16xf32, #tpu.memory_space<vmem_shared>>
        tpu.wait_dma2 semaphore(%run_scoped3A : memref<!tpu.dma_semaphore, #tpu.memory_space<semaphore_mem>>) src(%dma_wait3A_108 : memref<128x16xf32, #tpu.memory_space<vmem_shared>>) dst(%arg15 : memref<128x16xf32, #tpu.memory_space<vmem>>)
        tpu.yield
      }) : () -> ()
      "tpu.region"() ({
        %run_scoped3A = tpu.sem_alloc : memref<!tpu.dma_semaphore, #tpu.memory_space<semaphore_mem>>
        %dma_start3A = arith.constant 0 : i32
        %dma_start3A_103 = tpu.memref_slice %arg8[%add3A_90, %dma_start3A] : memref<10240x16xf32, #tpu.memory_space<hbm>> -> memref<128x16xf32, #tpu.memory_space<hbm>>
        %dma_start3A_104 = arith.constant 0 : i32
        %dma_start3A_105 = tpu.memref_slice %arg8[%add3A_90, %dma_start3A_104] : memref<10240x16xf32, #tpu.memory_space<hbm>> -> memref<128x16xf32, #tpu.memory_space<hbm>>
        tpu.enqueue_dma source(%arg15 : memref<128x16xf32, #tpu.memory_space<vmem>>) target(%dma_start3A_105 : memref<128x16xf32, #tpu.memory_space<hbm>>) target_semaphore(%run_scoped3A : memref<!tpu.dma_semaphore, #tpu.memory_space<semaphore_mem>>)
        %dma_wait3A = arith.constant 0 : i32
        %dma_wait3A_106 = tpu.memref_slice %arg8[%add3A_90, %dma_wait3A] : memref<10240x16xf32, #tpu.memory_space<hbm>> -> memref<128x16xf32, #tpu.memory_space<hbm>>
        %dma_wait3A_107 = arith.constant 0 : i32
        %dma_wait3A_108 = tpu.memref_slice %arg8[%add3A_90, %dma_wait3A_107] : memref<10240x16xf32, #tpu.memory_space<hbm>> -> memref<128x16xf32, #tpu.memory_space<hbm>>
        tpu.wait_dma2 semaphore(%run_scoped3A : memref<!tpu.dma_semaphore, #tpu.memory_space<semaphore_mem>>) src(%arg15 : memref<128x16xf32, #tpu.memory_space<vmem>>) dst(%dma_wait3A_108 : memref<128x16xf32, #tpu.memory_space<hbm>>)
        tpu.yield
      }) : () -> ()
      %mul3A_91 = arith.constant 640 : i32
      %mul3A_92 = arith.muli %arg1, %mul3A_91 : i32
      %add3A_93 = arith.constant 256 : i32
      %add3A_94 = arith.addi %mul3A_92, %add3A_93 : i32
      "tpu.region"() ({
        %run_scoped3A = tpu.sem_alloc : memref<!tpu.dma_semaphore, #tpu.memory_space<semaphore_mem>>
        %dma_start3A = arith.constant 0 : i32
        %dma_start3A_103 = tpu.memref_slice %arg17[%add3A_94, %dma_start3A] : memref<10240x16xf32, #tpu.memory_space<vmem_shared>> -> memref<128x16xf32, #tpu.memory_space<vmem_shared>>
        %dma_start3A_104 = arith.constant 0 : i32
        %dma_start3A_105 = tpu.memref_slice %arg17[%add3A_94, %dma_start3A_104] : memref<10240x16xf32, #tpu.memory_space<vmem_shared>> -> memref<128x16xf32, #tpu.memory_space<vmem_shared>>
        tpu.enqueue_dma source(%dma_start3A_105 : memref<128x16xf32, #tpu.memory_space<vmem_shared>>) target(%arg15 : memref<128x16xf32, #tpu.memory_space<vmem>>) target_semaphore(%run_scoped3A : memref<!tpu.dma_semaphore, #tpu.memory_space<semaphore_mem>>)
        %dma_wait3A = arith.constant 0 : i32
        %dma_wait3A_106 = tpu.memref_slice %arg17[%add3A_94, %dma_wait3A] : memref<10240x16xf32, #tpu.memory_space<vmem_shared>> -> memref<128x16xf32, #tpu.memory_space<vmem_shared>>
        %dma_wait3A_107 = arith.constant 0 : i32
        %dma_wait3A_108 = tpu.memref_slice %arg17[%add3A_94, %dma_wait3A_107] : memref<10240x16xf32, #tpu.memory_space<vmem_shared>> -> memref<128x16xf32, #tpu.memory_space<vmem_shared>>
        tpu.wait_dma2 semaphore(%run_scoped3A : memref<!tpu.dma_semaphore, #tpu.memory_space<semaphore_mem>>) src(%dma_wait3A_108 : memref<128x16xf32, #tpu.memory_space<vmem_shared>>) dst(%arg15 : memref<128x16xf32, #tpu.memory_space<vmem>>)
        tpu.yield
      }) : () -> ()
      "tpu.region"() ({
        %run_scoped3A = tpu.sem_alloc : memref<!tpu.dma_semaphore, #tpu.memory_space<semaphore_mem>>
        %dma_start3A = arith.constant 0 : i32
        %dma_start3A_103 = tpu.memref_slice %arg8[%add3A_94, %dma_start3A] : memref<10240x16xf32, #tpu.memory_space<hbm>> -> memref<128x16xf32, #tpu.memory_space<hbm>>
        %dma_start3A_104 = arith.constant 0 : i32
        %dma_start3A_105 = tpu.memref_slice %arg8[%add3A_94, %dma_start3A_104] : memref<10240x16xf32, #tpu.memory_space<hbm>> -> memref<128x16xf32, #tpu.memory_space<hbm>>
        tpu.enqueue_dma source(%arg15 : memref<128x16xf32, #tpu.memory_space<vmem>>) target(%dma_start3A_105 : memref<128x16xf32, #tpu.memory_space<hbm>>) target_semaphore(%run_scoped3A : memref<!tpu.dma_semaphore, #tpu.memory_space<semaphore_mem>>)
        %dma_wait3A = arith.constant 0 : i32
        %dma_wait3A_106 = tpu.memref_slice %arg8[%add3A_94, %dma_wait3A] : memref<10240x16xf32, #tpu.memory_space<hbm>> -> memref<128x16xf32, #tpu.memory_space<hbm>>
        %dma_wait3A_107 = arith.constant 0 : i32
        %dma_wait3A_108 = tpu.memref_slice %arg8[%add3A_94, %dma_wait3A_107] : memref<10240x16xf32, #tpu.memory_space<hbm>> -> memref<128x16xf32, #tpu.memory_space<hbm>>
        tpu.wait_dma2 semaphore(%run_scoped3A : memref<!tpu.dma_semaphore, #tpu.memory_space<semaphore_mem>>) src(%arg15 : memref<128x16xf32, #tpu.memory_space<vmem>>) dst(%dma_wait3A_108 : memref<128x16xf32, #tpu.memory_space<hbm>>)
        tpu.yield
      }) : () -> ()
      %mul3A_95 = arith.constant 640 : i32
      %mul3A_96 = arith.muli %arg1, %mul3A_95 : i32
      %add3A_97 = arith.constant 384 : i32
      %add3A_98 = arith.addi %mul3A_96, %add3A_97 : i32
      "tpu.region"() ({
        %run_scoped3A = tpu.sem_alloc : memref<!tpu.dma_semaphore, #tpu.memory_space<semaphore_mem>>
        %dma_start3A = arith.constant 0 : i32
        %dma_start3A_103 = tpu.memref_slice %arg17[%add3A_98, %dma_start3A] : memref<10240x16xf32, #tpu.memory_space<vmem_shared>> -> memref<128x16xf32, #tpu.memory_space<vmem_shared>>
        %dma_start3A_104 = arith.constant 0 : i32
        %dma_start3A_105 = tpu.memref_slice %arg17[%add3A_98, %dma_start3A_104] : memref<10240x16xf32, #tpu.memory_space<vmem_shared>> -> memref<128x16xf32, #tpu.memory_space<vmem_shared>>
        tpu.enqueue_dma source(%dma_start3A_105 : memref<128x16xf32, #tpu.memory_space<vmem_shared>>) target(%arg15 : memref<128x16xf32, #tpu.memory_space<vmem>>) target_semaphore(%run_scoped3A : memref<!tpu.dma_semaphore, #tpu.memory_space<semaphore_mem>>)
        %dma_wait3A = arith.constant 0 : i32
        %dma_wait3A_106 = tpu.memref_slice %arg17[%add3A_98, %dma_wait3A] : memref<10240x16xf32, #tpu.memory_space<vmem_shared>> -> memref<128x16xf32, #tpu.memory_space<vmem_shared>>
        %dma_wait3A_107 = arith.constant 0 : i32
        %dma_wait3A_108 = tpu.memref_slice %arg17[%add3A_98, %dma_wait3A_107] : memref<10240x16xf32, #tpu.memory_space<vmem_shared>> -> memref<128x16xf32, #tpu.memory_space<vmem_shared>>
        tpu.wait_dma2 semaphore(%run_scoped3A : memref<!tpu.dma_semaphore, #tpu.memory_space<semaphore_mem>>) src(%dma_wait3A_108 : memref<128x16xf32, #tpu.memory_space<vmem_shared>>) dst(%arg15 : memref<128x16xf32, #tpu.memory_space<vmem>>)
        tpu.yield
      }) : () -> ()
      "tpu.region"() ({
        %run_scoped3A = tpu.sem_alloc : memref<!tpu.dma_semaphore, #tpu.memory_space<semaphore_mem>>
        %dma_start3A = arith.constant 0 : i32
        %dma_start3A_103 = tpu.memref_slice %arg8[%add3A_98, %dma_start3A] : memref<10240x16xf32, #tpu.memory_space<hbm>> -> memref<128x16xf32, #tpu.memory_space<hbm>>
        %dma_start3A_104 = arith.constant 0 : i32
        %dma_start3A_105 = tpu.memref_slice %arg8[%add3A_98, %dma_start3A_104] : memref<10240x16xf32, #tpu.memory_space<hbm>> -> memref<128x16xf32, #tpu.memory_space<hbm>>
        tpu.enqueue_dma source(%arg15 : memref<128x16xf32, #tpu.memory_space<vmem>>) target(%dma_start3A_105 : memref<128x16xf32, #tpu.memory_space<hbm>>) target_semaphore(%run_scoped3A : memref<!tpu.dma_semaphore, #tpu.memory_space<semaphore_mem>>)
        %dma_wait3A = arith.constant 0 : i32
        %dma_wait3A_106 = tpu.memref_slice %arg8[%add3A_98, %dma_wait3A] : memref<10240x16xf32, #tpu.memory_space<hbm>> -> memref<128x16xf32, #tpu.memory_space<hbm>>
        %dma_wait3A_107 = arith.constant 0 : i32
        %dma_wait3A_108 = tpu.memref_slice %arg8[%add3A_98, %dma_wait3A_107] : memref<10240x16xf32, #tpu.memory_space<hbm>> -> memref<128x16xf32, #tpu.memory_space<hbm>>
        tpu.wait_dma2 semaphore(%run_scoped3A : memref<!tpu.dma_semaphore, #tpu.memory_space<semaphore_mem>>) src(%arg15 : memref<128x16xf32, #tpu.memory_space<vmem>>) dst(%dma_wait3A_108 : memref<128x16xf32, #tpu.memory_space<hbm>>)
        tpu.yield
      }) : () -> ()
      %mul3A_99 = arith.constant 640 : i32
      %mul3A_100 = arith.muli %arg1, %mul3A_99 : i32
      %add3A_101 = arith.constant 512 : i32
      %add3A_102 = arith.addi %mul3A_100, %add3A_101 : i32
      "tpu.region"() ({
        %run_scoped3A = tpu.sem_alloc : memref<!tpu.dma_semaphore, #tpu.memory_space<semaphore_mem>>
        %dma_start3A = arith.constant 0 : i32
        %dma_start3A_103 = tpu.memref_slice %arg17[%add3A_102, %dma_start3A] : memref<10240x16xf32, #tpu.memory_space<vmem_shared>> -> memref<128x16xf32, #tpu.memory_space<vmem_shared>>
        %dma_start3A_104 = arith.constant 0 : i32
        %dma_start3A_105 = tpu.memref_slice %arg17[%add3A_102, %dma_start3A_104] : memref<10240x16xf32, #tpu.memory_space<vmem_shared>> -> memref<128x16xf32, #tpu.memory_space<vmem_shared>>
        tpu.enqueue_dma source(%dma_start3A_105 : memref<128x16xf32, #tpu.memory_space<vmem_shared>>) target(%arg15 : memref<128x16xf32, #tpu.memory_space<vmem>>) target_semaphore(%run_scoped3A : memref<!tpu.dma_semaphore, #tpu.memory_space<semaphore_mem>>)
        %dma_wait3A = arith.constant 0 : i32
        %dma_wait3A_106 = tpu.memref_slice %arg17[%add3A_102, %dma_wait3A] : memref<10240x16xf32, #tpu.memory_space<vmem_shared>> -> memref<128x16xf32, #tpu.memory_space<vmem_shared>>
        %dma_wait3A_107 = arith.constant 0 : i32
        %dma_wait3A_108 = tpu.memref_slice %arg17[%add3A_102, %dma_wait3A_107] : memref<10240x16xf32, #tpu.memory_space<vmem_shared>> -> memref<128x16xf32, #tpu.memory_space<vmem_shared>>
        tpu.wait_dma2 semaphore(%run_scoped3A : memref<!tpu.dma_semaphore, #tpu.memory_space<semaphore_mem>>) src(%dma_wait3A_108 : memref<128x16xf32, #tpu.memory_space<vmem_shared>>) dst(%arg15 : memref<128x16xf32, #tpu.memory_space<vmem>>)
        tpu.yield
      }) : () -> ()
      "tpu.region"() ({
        %run_scoped3A = tpu.sem_alloc : memref<!tpu.dma_semaphore, #tpu.memory_space<semaphore_mem>>
        %dma_start3A = arith.constant 0 : i32
        %dma_start3A_103 = tpu.memref_slice %arg8[%add3A_102, %dma_start3A] : memref<10240x16xf32, #tpu.memory_space<hbm>> -> memref<128x16xf32, #tpu.memory_space<hbm>>
        %dma_start3A_104 = arith.constant 0 : i32
        %dma_start3A_105 = tpu.memref_slice %arg8[%add3A_102, %dma_start3A_104] : memref<10240x16xf32, #tpu.memory_space<hbm>> -> memref<128x16xf32, #tpu.memory_space<hbm>>
        tpu.enqueue_dma source(%arg15 : memref<128x16xf32, #tpu.memory_space<vmem>>) target(%dma_start3A_105 : memref<128x16xf32, #tpu.memory_space<hbm>>) target_semaphore(%run_scoped3A : memref<!tpu.dma_semaphore, #tpu.memory_space<semaphore_mem>>)
        %dma_wait3A = arith.constant 0 : i32
        %dma_wait3A_106 = tpu.memref_slice %arg8[%add3A_102, %dma_wait3A] : memref<10240x16xf32, #tpu.memory_space<hbm>> -> memref<128x16xf32, #tpu.memory_space<hbm>>
        %dma_wait3A_107 = arith.constant 0 : i32
        %dma_wait3A_108 = tpu.memref_slice %arg8[%add3A_102, %dma_wait3A_107] : memref<10240x16xf32, #tpu.memory_space<hbm>> -> memref<128x16xf32, #tpu.memory_space<hbm>>
        tpu.wait_dma2 semaphore(%run_scoped3A : memref<!tpu.dma_semaphore, #tpu.memory_space<semaphore_mem>>) src(%arg15 : memref<128x16xf32, #tpu.memory_space<vmem>>) dst(%dma_wait3A_108 : memref<128x16xf32, #tpu.memory_space<hbm>>)
        tpu.yield
      }) : () -> ()
    } else {
    }
    %eq3A_58 = arith.constant 1 : i32
    %eq3A_59 = arith.cmpi eq, %arg0, %eq3A_58 : i32
    %convert_element_type3A_60 = arith.extui %eq3A_59 : i1 to i32
    %cond3A_61 = arith.constant 0 : i32
    %cond3A_62 = arith.cmpi ne, %convert_element_type3A_60, %cond3A_61 : i32
    scf.if %cond3A_62 {
      %mul3A_63 = arith.constant 640 : i32
      %mul3A_64 = arith.muli %arg1, %mul3A_63 : i32
      %add3A_65 = arith.constant 0 : i32
      %add3A_66 = arith.addi %mul3A_64, %add3A_65 : i32
      "tpu.region"() ({
        %run_scoped3A = tpu.sem_alloc : memref<!tpu.dma_semaphore, #tpu.memory_space<semaphore_mem>>
        %dma_start3A = arith.constant 0 : i32
        %dma_start3A_83 = tpu.memref_slice %arg16[%add3A_66, %dma_start3A] : memref<10240x64xf32, #tpu.memory_space<vmem_shared>> -> memref<128x64xf32, #tpu.memory_space<vmem_shared>>
        %dma_start3A_84 = arith.constant 0 : i32
        %dma_start3A_85 = tpu.memref_slice %arg16[%add3A_66, %dma_start3A_84] : memref<10240x64xf32, #tpu.memory_space<vmem_shared>> -> memref<128x64xf32, #tpu.memory_space<vmem_shared>>
        tpu.enqueue_dma source(%dma_start3A_85 : memref<128x64xf32, #tpu.memory_space<vmem_shared>>) target(%arg13 : memref<128x64xf32, #tpu.memory_space<vmem>>) target_semaphore(%run_scoped3A : memref<!tpu.dma_semaphore, #tpu.memory_space<semaphore_mem>>)
        %dma_wait3A = arith.constant 0 : i32
        %dma_wait3A_86 = tpu.memref_slice %arg16[%add3A_66, %dma_wait3A] : memref<10240x64xf32, #tpu.memory_space<vmem_shared>> -> memref<128x64xf32, #tpu.memory_space<vmem_shared>>
        %dma_wait3A_87 = arith.constant 0 : i32
        %dma_wait3A_88 = tpu.memref_slice %arg16[%add3A_66, %dma_wait3A_87] : memref<10240x64xf32, #tpu.memory_space<vmem_shared>> -> memref<128x64xf32, #tpu.memory_space<vmem_shared>>
        tpu.wait_dma2 semaphore(%run_scoped3A : memref<!tpu.dma_semaphore, #tpu.memory_space<semaphore_mem>>) src(%dma_wait3A_88 : memref<128x64xf32, #tpu.memory_space<vmem_shared>>) dst(%arg13 : memref<128x64xf32, #tpu.memory_space<vmem>>)
        tpu.yield
      }) : () -> ()
      "tpu.region"() ({
        %run_scoped3A = tpu.sem_alloc : memref<!tpu.dma_semaphore, #tpu.memory_space<semaphore_mem>>
        %dma_start3A = arith.constant 0 : i32
        %dma_start3A_83 = tpu.memref_slice %arg7[%add3A_66, %dma_start3A] : memref<10240x64xf32, #tpu.memory_space<hbm>> -> memref<128x64xf32, #tpu.memory_space<hbm>>
        %dma_start3A_84 = arith.constant 0 : i32
        %dma_start3A_85 = tpu.memref_slice %arg7[%add3A_66, %dma_start3A_84] : memref<10240x64xf32, #tpu.memory_space<hbm>> -> memref<128x64xf32, #tpu.memory_space<hbm>>
        tpu.enqueue_dma source(%arg13 : memref<128x64xf32, #tpu.memory_space<vmem>>) target(%dma_start3A_85 : memref<128x64xf32, #tpu.memory_space<hbm>>) target_semaphore(%run_scoped3A : memref<!tpu.dma_semaphore, #tpu.memory_space<semaphore_mem>>)
        %dma_wait3A = arith.constant 0 : i32
        %dma_wait3A_86 = tpu.memref_slice %arg7[%add3A_66, %dma_wait3A] : memref<10240x64xf32, #tpu.memory_space<hbm>> -> memref<128x64xf32, #tpu.memory_space<hbm>>
        %dma_wait3A_87 = arith.constant 0 : i32
        %dma_wait3A_88 = tpu.memref_slice %arg7[%add3A_66, %dma_wait3A_87] : memref<10240x64xf32, #tpu.memory_space<hbm>> -> memref<128x64xf32, #tpu.memory_space<hbm>>
        tpu.wait_dma2 semaphore(%run_scoped3A : memref<!tpu.dma_semaphore, #tpu.memory_space<semaphore_mem>>) src(%arg13 : memref<128x64xf32, #tpu.memory_space<vmem>>) dst(%dma_wait3A_88 : memref<128x64xf32, #tpu.memory_space<hbm>>)
        tpu.yield
      }) : () -> ()
      %mul3A_67 = arith.constant 640 : i32
      %mul3A_68 = arith.muli %arg1, %mul3A_67 : i32
      %add3A_69 = arith.constant 128 : i32
      %add3A_70 = arith.addi %mul3A_68, %add3A_69 : i32
      "tpu.region"() ({
        %run_scoped3A = tpu.sem_alloc : memref<!tpu.dma_semaphore, #tpu.memory_space<semaphore_mem>>
        %dma_start3A = arith.constant 0 : i32
        %dma_start3A_83 = tpu.memref_slice %arg16[%add3A_70, %dma_start3A] : memref<10240x64xf32, #tpu.memory_space<vmem_shared>> -> memref<128x64xf32, #tpu.memory_space<vmem_shared>>
        %dma_start3A_84 = arith.constant 0 : i32
        %dma_start3A_85 = tpu.memref_slice %arg16[%add3A_70, %dma_start3A_84] : memref<10240x64xf32, #tpu.memory_space<vmem_shared>> -> memref<128x64xf32, #tpu.memory_space<vmem_shared>>
        tpu.enqueue_dma source(%dma_start3A_85 : memref<128x64xf32, #tpu.memory_space<vmem_shared>>) target(%arg13 : memref<128x64xf32, #tpu.memory_space<vmem>>) target_semaphore(%run_scoped3A : memref<!tpu.dma_semaphore, #tpu.memory_space<semaphore_mem>>)
        %dma_wait3A = arith.constant 0 : i32
        %dma_wait3A_86 = tpu.memref_slice %arg16[%add3A_70, %dma_wait3A] : memref<10240x64xf32, #tpu.memory_space<vmem_shared>> -> memref<128x64xf32, #tpu.memory_space<vmem_shared>>
        %dma_wait3A_87 = arith.constant 0 : i32
        %dma_wait3A_88 = tpu.memref_slice %arg16[%add3A_70, %dma_wait3A_87] : memref<10240x64xf32, #tpu.memory_space<vmem_shared>> -> memref<128x64xf32, #tpu.memory_space<vmem_shared>>
        tpu.wait_dma2 semaphore(%run_scoped3A : memref<!tpu.dma_semaphore, #tpu.memory_space<semaphore_mem>>) src(%dma_wait3A_88 : memref<128x64xf32, #tpu.memory_space<vmem_shared>>) dst(%arg13 : memref<128x64xf32, #tpu.memory_space<vmem>>)
        tpu.yield
      }) : () -> ()
      "tpu.region"() ({
        %run_scoped3A = tpu.sem_alloc : memref<!tpu.dma_semaphore, #tpu.memory_space<semaphore_mem>>
        %dma_start3A = arith.constant 0 : i32
        %dma_start3A_83 = tpu.memref_slice %arg7[%add3A_70, %dma_start3A] : memref<10240x64xf32, #tpu.memory_space<hbm>> -> memref<128x64xf32, #tpu.memory_space<hbm>>
        %dma_start3A_84 = arith.constant 0 : i32
        %dma_start3A_85 = tpu.memref_slice %arg7[%add3A_70, %dma_start3A_84] : memref<10240x64xf32, #tpu.memory_space<hbm>> -> memref<128x64xf32, #tpu.memory_space<hbm>>
        tpu.enqueue_dma source(%arg13 : memref<128x64xf32, #tpu.memory_space<vmem>>) target(%dma_start3A_85 : memref<128x64xf32, #tpu.memory_space<hbm>>) target_semaphore(%run_scoped3A : memref<!tpu.dma_semaphore, #tpu.memory_space<semaphore_mem>>)
        %dma_wait3A = arith.constant 0 : i32
        %dma_wait3A_86 = tpu.memref_slice %arg7[%add3A_70, %dma_wait3A] : memref<10240x64xf32, #tpu.memory_space<hbm>> -> memref<128x64xf32, #tpu.memory_space<hbm>>
        %dma_wait3A_87 = arith.constant 0 : i32
        %dma_wait3A_88 = tpu.memref_slice %arg7[%add3A_70, %dma_wait3A_87] : memref<10240x64xf32, #tpu.memory_space<hbm>> -> memref<128x64xf32, #tpu.memory_space<hbm>>
        tpu.wait_dma2 semaphore(%run_scoped3A : memref<!tpu.dma_semaphore, #tpu.memory_space<semaphore_mem>>) src(%arg13 : memref<128x64xf32, #tpu.memory_space<vmem>>) dst(%dma_wait3A_88 : memref<128x64xf32, #tpu.memory_space<hbm>>)
        tpu.yield
      }) : () -> ()
      %mul3A_71 = arith.constant 640 : i32
      %mul3A_72 = arith.muli %arg1, %mul3A_71 : i32
      %add3A_73 = arith.constant 256 : i32
      %add3A_74 = arith.addi %mul3A_72, %add3A_73 : i32
      "tpu.region"() ({
        %run_scoped3A = tpu.sem_alloc : memref<!tpu.dma_semaphore, #tpu.memory_space<semaphore_mem>>
        %dma_start3A = arith.constant 0 : i32
        %dma_start3A_83 = tpu.memref_slice %arg16[%add3A_74, %dma_start3A] : memref<10240x64xf32, #tpu.memory_space<vmem_shared>> -> memref<128x64xf32, #tpu.memory_space<vmem_shared>>
        %dma_start3A_84 = arith.constant 0 : i32
        %dma_start3A_85 = tpu.memref_slice %arg16[%add3A_74, %dma_start3A_84] : memref<10240x64xf32, #tpu.memory_space<vmem_shared>> -> memref<128x64xf32, #tpu.memory_space<vmem_shared>>
        tpu.enqueue_dma source(%dma_start3A_85 : memref<128x64xf32, #tpu.memory_space<vmem_shared>>) target(%arg13 : memref<128x64xf32, #tpu.memory_space<vmem>>) target_semaphore(%run_scoped3A : memref<!tpu.dma_semaphore, #tpu.memory_space<semaphore_mem>>)
        %dma_wait3A = arith.constant 0 : i32
        %dma_wait3A_86 = tpu.memref_slice %arg16[%add3A_74, %dma_wait3A] : memref<10240x64xf32, #tpu.memory_space<vmem_shared>> -> memref<128x64xf32, #tpu.memory_space<vmem_shared>>
        %dma_wait3A_87 = arith.constant 0 : i32
        %dma_wait3A_88 = tpu.memref_slice %arg16[%add3A_74, %dma_wait3A_87] : memref<10240x64xf32, #tpu.memory_space<vmem_shared>> -> memref<128x64xf32, #tpu.memory_space<vmem_shared>>
        tpu.wait_dma2 semaphore(%run_scoped3A : memref<!tpu.dma_semaphore, #tpu.memory_space<semaphore_mem>>) src(%dma_wait3A_88 : memref<128x64xf32, #tpu.memory_space<vmem_shared>>) dst(%arg13 : memref<128x64xf32, #tpu.memory_space<vmem>>)
        tpu.yield
      }) : () -> ()
      "tpu.region"() ({
        %run_scoped3A = tpu.sem_alloc : memref<!tpu.dma_semaphore, #tpu.memory_space<semaphore_mem>>
        %dma_start3A = arith.constant 0 : i32
        %dma_start3A_83 = tpu.memref_slice %arg7[%add3A_74, %dma_start3A] : memref<10240x64xf32, #tpu.memory_space<hbm>> -> memref<128x64xf32, #tpu.memory_space<hbm>>
        %dma_start3A_84 = arith.constant 0 : i32
        %dma_start3A_85 = tpu.memref_slice %arg7[%add3A_74, %dma_start3A_84] : memref<10240x64xf32, #tpu.memory_space<hbm>> -> memref<128x64xf32, #tpu.memory_space<hbm>>
        tpu.enqueue_dma source(%arg13 : memref<128x64xf32, #tpu.memory_space<vmem>>) target(%dma_start3A_85 : memref<128x64xf32, #tpu.memory_space<hbm>>) target_semaphore(%run_scoped3A : memref<!tpu.dma_semaphore, #tpu.memory_space<semaphore_mem>>)
        %dma_wait3A = arith.constant 0 : i32
        %dma_wait3A_86 = tpu.memref_slice %arg7[%add3A_74, %dma_wait3A] : memref<10240x64xf32, #tpu.memory_space<hbm>> -> memref<128x64xf32, #tpu.memory_space<hbm>>
        %dma_wait3A_87 = arith.constant 0 : i32
        %dma_wait3A_88 = tpu.memref_slice %arg7[%add3A_74, %dma_wait3A_87] : memref<10240x64xf32, #tpu.memory_space<hbm>> -> memref<128x64xf32, #tpu.memory_space<hbm>>
        tpu.wait_dma2 semaphore(%run_scoped3A : memref<!tpu.dma_semaphore, #tpu.memory_space<semaphore_mem>>) src(%arg13 : memref<128x64xf32, #tpu.memory_space<vmem>>) dst(%dma_wait3A_88 : memref<128x64xf32, #tpu.memory_space<hbm>>)
        tpu.yield
      }) : () -> ()
      %mul3A_75 = arith.constant 640 : i32
      %mul3A_76 = arith.muli %arg1, %mul3A_75 : i32
      %add3A_77 = arith.constant 384 : i32
      %add3A_78 = arith.addi %mul3A_76, %add3A_77 : i32
      "tpu.region"() ({
        %run_scoped3A = tpu.sem_alloc : memref<!tpu.dma_semaphore, #tpu.memory_space<semaphore_mem>>
        %dma_start3A = arith.constant 0 : i32
        %dma_start3A_83 = tpu.memref_slice %arg16[%add3A_78, %dma_start3A] : memref<10240x64xf32, #tpu.memory_space<vmem_shared>> -> memref<128x64xf32, #tpu.memory_space<vmem_shared>>
        %dma_start3A_84 = arith.constant 0 : i32
        %dma_start3A_85 = tpu.memref_slice %arg16[%add3A_78, %dma_start3A_84] : memref<10240x64xf32, #tpu.memory_space<vmem_shared>> -> memref<128x64xf32, #tpu.memory_space<vmem_shared>>
        tpu.enqueue_dma source(%dma_start3A_85 : memref<128x64xf32, #tpu.memory_space<vmem_shared>>) target(%arg13 : memref<128x64xf32, #tpu.memory_space<vmem>>) target_semaphore(%run_scoped3A : memref<!tpu.dma_semaphore, #tpu.memory_space<semaphore_mem>>)
        %dma_wait3A = arith.constant 0 : i32
        %dma_wait3A_86 = tpu.memref_slice %arg16[%add3A_78, %dma_wait3A] : memref<10240x64xf32, #tpu.memory_space<vmem_shared>> -> memref<128x64xf32, #tpu.memory_space<vmem_shared>>
        %dma_wait3A_87 = arith.constant 0 : i32
        %dma_wait3A_88 = tpu.memref_slice %arg16[%add3A_78, %dma_wait3A_87] : memref<10240x64xf32, #tpu.memory_space<vmem_shared>> -> memref<128x64xf32, #tpu.memory_space<vmem_shared>>
        tpu.wait_dma2 semaphore(%run_scoped3A : memref<!tpu.dma_semaphore, #tpu.memory_space<semaphore_mem>>) src(%dma_wait3A_88 : memref<128x64xf32, #tpu.memory_space<vmem_shared>>) dst(%arg13 : memref<128x64xf32, #tpu.memory_space<vmem>>)
        tpu.yield
      }) : () -> ()
      "tpu.region"() ({
        %run_scoped3A = tpu.sem_alloc : memref<!tpu.dma_semaphore, #tpu.memory_space<semaphore_mem>>
        %dma_start3A = arith.constant 0 : i32
        %dma_start3A_83 = tpu.memref_slice %arg7[%add3A_78, %dma_start3A] : memref<10240x64xf32, #tpu.memory_space<hbm>> -> memref<128x64xf32, #tpu.memory_space<hbm>>
        %dma_start3A_84 = arith.constant 0 : i32
        %dma_start3A_85 = tpu.memref_slice %arg7[%add3A_78, %dma_start3A_84] : memref<10240x64xf32, #tpu.memory_space<hbm>> -> memref<128x64xf32, #tpu.memory_space<hbm>>
        tpu.enqueue_dma source(%arg13 : memref<128x64xf32, #tpu.memory_space<vmem>>) target(%dma_start3A_85 : memref<128x64xf32, #tpu.memory_space<hbm>>) target_semaphore(%run_scoped3A : memref<!tpu.dma_semaphore, #tpu.memory_space<semaphore_mem>>)
        %dma_wait3A = arith.constant 0 : i32
        %dma_wait3A_86 = tpu.memref_slice %arg7[%add3A_78, %dma_wait3A] : memref<10240x64xf32, #tpu.memory_space<hbm>> -> memref<128x64xf32, #tpu.memory_space<hbm>>
        %dma_wait3A_87 = arith.constant 0 : i32
        %dma_wait3A_88 = tpu.memref_slice %arg7[%add3A_78, %dma_wait3A_87] : memref<10240x64xf32, #tpu.memory_space<hbm>> -> memref<128x64xf32, #tpu.memory_space<hbm>>
        tpu.wait_dma2 semaphore(%run_scoped3A : memref<!tpu.dma_semaphore, #tpu.memory_space<semaphore_mem>>) src(%arg13 : memref<128x64xf32, #tpu.memory_space<vmem>>) dst(%dma_wait3A_88 : memref<128x64xf32, #tpu.memory_space<hbm>>)
        tpu.yield
      }) : () -> ()
      %mul3A_79 = arith.constant 640 : i32
      %mul3A_80 = arith.muli %arg1, %mul3A_79 : i32
      %add3A_81 = arith.constant 512 : i32
      %add3A_82 = arith.addi %mul3A_80, %add3A_81 : i32
      "tpu.region"() ({
        %run_scoped3A = tpu.sem_alloc : memref<!tpu.dma_semaphore, #tpu.memory_space<semaphore_mem>>
        %dma_start3A = arith.constant 0 : i32
        %dma_start3A_83 = tpu.memref_slice %arg16[%add3A_82, %dma_start3A] : memref<10240x64xf32, #tpu.memory_space<vmem_shared>> -> memref<128x64xf32, #tpu.memory_space<vmem_shared>>
        %dma_start3A_84 = arith.constant 0 : i32
        %dma_start3A_85 = tpu.memref_slice %arg16[%add3A_82, %dma_start3A_84] : memref<10240x64xf32, #tpu.memory_space<vmem_shared>> -> memref<128x64xf32, #tpu.memory_space<vmem_shared>>
        tpu.enqueue_dma source(%dma_start3A_85 : memref<128x64xf32, #tpu.memory_space<vmem_shared>>) target(%arg13 : memref<128x64xf32, #tpu.memory_space<vmem>>) target_semaphore(%run_scoped3A : memref<!tpu.dma_semaphore, #tpu.memory_space<semaphore_mem>>)
        %dma_wait3A = arith.constant 0 : i32
        %dma_wait3A_86 = tpu.memref_slice %arg16[%add3A_82, %dma_wait3A] : memref<10240x64xf32, #tpu.memory_space<vmem_shared>> -> memref<128x64xf32, #tpu.memory_space<vmem_shared>>
        %dma_wait3A_87 = arith.constant 0 : i32
        %dma_wait3A_88 = tpu.memref_slice %arg16[%add3A_82, %dma_wait3A_87] : memref<10240x64xf32, #tpu.memory_space<vmem_shared>> -> memref<128x64xf32, #tpu.memory_space<vmem_shared>>
        tpu.wait_dma2 semaphore(%run_scoped3A : memref<!tpu.dma_semaphore, #tpu.memory_space<semaphore_mem>>) src(%dma_wait3A_88 : memref<128x64xf32, #tpu.memory_space<vmem_shared>>) dst(%arg13 : memref<128x64xf32, #tpu.memory_space<vmem>>)
        tpu.yield
      }) : () -> ()
      "tpu.region"() ({
        %run_scoped3A = tpu.sem_alloc : memref<!tpu.dma_semaphore, #tpu.memory_space<semaphore_mem>>
        %dma_start3A = arith.constant 0 : i32
        %dma_start3A_83 = tpu.memref_slice %arg7[%add3A_82, %dma_start3A] : memref<10240x64xf32, #tpu.memory_space<hbm>> -> memref<128x64xf32, #tpu.memory_space<hbm>>
        %dma_start3A_84 = arith.constant 0 : i32
        %dma_start3A_85 = tpu.memref_slice %arg7[%add3A_82, %dma_start3A_84] : memref<10240x64xf32, #tpu.memory_space<hbm>> -> memref<128x64xf32, #tpu.memory_space<hbm>>
        tpu.enqueue_dma source(%arg13 : memref<128x64xf32, #tpu.memory_space<vmem>>) target(%dma_start3A_85 : memref<128x64xf32, #tpu.memory_space<hbm>>) target_semaphore(%run_scoped3A : memref<!tpu.dma_semaphore, #tpu.memory_space<semaphore_mem>>)
        %dma_wait3A = arith.constant 0 : i32
        %dma_wait3A_86 = tpu.memref_slice %arg7[%add3A_82, %dma_wait3A] : memref<10240x64xf32, #tpu.memory_space<hbm>> -> memref<128x64xf32, #tpu.memory_space<hbm>>
        %dma_wait3A_87 = arith.constant 0 : i32
        %dma_wait3A_88 = tpu.memref_slice %arg7[%add3A_82, %dma_wait3A_87] : memref<10240x64xf32, #tpu.memory_space<hbm>> -> memref<128x64xf32, #tpu.memory_space<hbm>>
        tpu.wait_dma2 semaphore(%run_scoped3A : memref<!tpu.dma_semaphore, #tpu.memory_space<semaphore_mem>>) src(%arg13 : memref<128x64xf32, #tpu.memory_space<vmem>>) dst(%dma_wait3A_88 : memref<128x64xf32, #tpu.memory_space<hbm>>)
        tpu.yield
      }) : () -> ()
    } else {
    }
    return
  }
}

#map = affine_map<(d0, d1) -> (0, 0)>
#map1 = affine_map<(d0, d1) -> (0, 0, 0)>
module attributes {stable_mosaic.version = 14 : i64} {
  func.func @_sc_agg2(%arg0: i32, %arg1: i32, %arg2: memref<10000x64xf32, #tpu.memory_space<hbm>>, %arg3: memref<10000x64xf32, #tpu.memory_space<hbm>>, %arg4: memref<10000x64xf32, #tpu.memory_space<hbm>>, %arg5: memref<10000x64xf32, #tpu.memory_space<hbm>>, %arg6: memref<16x160x128xi32, #tpu.memory_space<hbm>>, %arg7: memref<16x160x128xi32, #tpu.memory_space<hbm>>, %arg8: memref<10240x64xf32, #tpu.memory_space<hbm>>, %arg9: memref<10240x64xf32, #tpu.memory_space<hbm>>, %arg10: memref<10240x64xf32, #tpu.memory_space<hbm>>, %arg11: memref<10240x64xf32, #tpu.memory_space<hbm>>, %arg12: memref<160x128xi32, #tpu.memory_space<vmem>>, %arg13: memref<160x128xi32, #tpu.memory_space<vmem>>, %arg14: memref<128x64xf32, #tpu.memory_space<vmem>>, %arg15: memref<128x64xf32, #tpu.memory_space<vmem>>, %arg16: memref<128x64xf32, #tpu.memory_space<vmem>>, %arg17: memref<128x64xf32, #tpu.memory_space<vmem>>, %arg18: memref<10240x64xf32, #tpu.memory_space<vmem_shared>>, %arg19: memref<!tpu.dma_semaphore, #tpu.memory_space<semaphore_mem>>) attributes {dimension_semantics = [#tpu.dimension_semantics<core_parallel>, #tpu.dimension_semantics<subcore_parallel>], iteration_bounds = array<i64: 2, 16>, scalar_prefetch = 0 : i64, scratch_operands = 8 : i64, tpu.core_type = #tpu.core_type<sc_vector_subcore>, window_params = [{transform_indices = #map}, {transform_indices = #map}, {transform_indices = #map}, {transform_indices = #map}, {transform_indices = #map1}, {transform_indices = #map1}, {transform_indices = #map}, {transform_indices = #map}, {transform_indices = #map}, {transform_indices = #map}]} {
    %broadcast_in_dim3A = arith.constant 0.000000e+00 : f32
    %broadcast_in_dim3A_0 = vector.broadcast %broadcast_in_dim3A : f32 to vector<16xf32>
    %scan3A = arith.constant 0 : i32
    %scan3A_1 = arith.constant 0 : i32
    %scan3A_2 = arith.constant 128 : i32
    %scan3A_3 = arith.addi %scan3A_1, %scan3A_2 : i32
    %scan3A_4 = arith.constant 1 : i32
    scf.for %scan3A_13 = %scan3A_1 to %scan3A_3 step %scan3A_4  : i32 {
      %swap3A = arith.index_cast %scan3A_13 : i32 to index
      %swap3A_14 = arith.constant 0 : index
      %swap3A_15 = tpu.vector_load %arg17[%swap3A, %swap3A_14] {strides = array<i32>} : memref<128x64xf32, #tpu.memory_space<vmem>>, vector<1x16xf32>,
      %swap3A_16 = vector.shape_cast %swap3A_15 : vector<1x16xf32> to vector<16xf32>
      %swap3A_17 = vector.shape_cast %broadcast_in_dim3A_0 : vector<16xf32> to vector<1x16xf32>
      tpu.vector_store %arg17[%swap3A, %swap3A_14], %swap3A_17 {strides = array<i32>} : memref<128x64xf32, #tpu.memory_space<vmem>>, vector<1x16xf32>,
      %swap3A_18 = arith.index_cast %scan3A_13 : i32 to index
      %swap3A_19 = arith.constant 16 : index
      %swap3A_20 = tpu.vector_load %arg17[%swap3A_18, %swap3A_19] {strides = array<i32>} : memref<128x64xf32, #tpu.memory_space<vmem>>, vector<1x16xf32>,
      %swap3A_21 = vector.shape_cast %swap3A_20 : vector<1x16xf32> to vector<16xf32>
      %swap3A_22 = vector.shape_cast %broadcast_in_dim3A_0 : vector<16xf32> to vector<1x16xf32>
      tpu.vector_store %arg17[%swap3A_18, %swap3A_19], %swap3A_22 {strides = array<i32>} : memref<128x64xf32, #tpu.memory_space<vmem>>, vector<1x16xf32>,
      %swap3A_23 = arith.index_cast %scan3A_13 : i32 to index
      %swap3A_24 = arith.constant 32 : index
      %swap3A_25 = tpu.vector_load %arg17[%swap3A_23, %swap3A_24] {strides = array<i32>} : memref<128x64xf32, #tpu.memory_space<vmem>>, vector<1x16xf32>,
      %swap3A_26 = vector.shape_cast %swap3A_25 : vector<1x16xf32> to vector<16xf32>
      %swap3A_27 = vector.shape_cast %broadcast_in_dim3A_0 : vector<16xf32> to vector<1x16xf32>
      tpu.vector_store %arg17[%swap3A_23, %swap3A_24], %swap3A_27 {strides = array<i32>} : memref<128x64xf32, #tpu.memory_space<vmem>>, vector<1x16xf32>,
      %swap3A_28 = arith.index_cast %scan3A_13 : i32 to index
      %swap3A_29 = arith.constant 48 : index
      %swap3A_30 = tpu.vector_load %arg17[%swap3A_28, %swap3A_29] {strides = array<i32>} : memref<128x64xf32, #tpu.memory_space<vmem>>, vector<1x16xf32>,
      %swap3A_31 = vector.shape_cast %swap3A_30 : vector<1x16xf32> to vector<16xf32>
      %swap3A_32 = vector.shape_cast %broadcast_in_dim3A_0 : vector<16xf32> to vector<1x16xf32>
      tpu.vector_store %arg17[%swap3A_28, %swap3A_29], %swap3A_32 {strides = array<i32>} : memref<128x64xf32, #tpu.memory_space<vmem>>, vector<1x16xf32>,
    }
    %scan3A_5 = arith.constant 128 : i32
    "tpu.region"() ({
      %run_scoped3A = tpu.sem_alloc : memref<!tpu.dma_semaphore, #tpu.memory_space<semaphore_mem>>
      %dma_start3A = arith.constant 0 : i32
      %dma_start3A_13 = arith.constant 0 : i32
      %dma_start3A_14 = tpu.memref_slice %arg6[%arg1, %dma_start3A, %dma_start3A_13] : memref<16x160x128xi32, #tpu.memory_space<hbm>> -> memref<1x160x128xi32, #tpu.memory_space<hbm>>
      %dma_start3A_15 = tpu.memref_squeeze %dma_start3A_14 : memref<1x160x128xi32, #tpu.memory_space<hbm>> -> memref<160x128xi32, #tpu.memory_space<hbm>>
      %dma_start3A_16 = arith.constant 0 : i32
      %dma_start3A_17 = arith.constant 0 : i32
      %dma_start3A_18 = tpu.memref_slice %arg6[%arg1, %dma_start3A_16, %dma_start3A_17] : memref<16x160x128xi32, #tpu.memory_space<hbm>> -> memref<1x160x128xi32, #tpu.memory_space<hbm>>
      %dma_start3A_19 = tpu.memref_squeeze %dma_start3A_18 : memref<1x160x128xi32, #tpu.memory_space<hbm>> -> memref<160x128xi32, #tpu.memory_space<hbm>>
      tpu.enqueue_dma source(%dma_start3A_19 : memref<160x128xi32, #tpu.memory_space<hbm>>) target(%arg12 : memref<160x128xi32, #tpu.memory_space<vmem>>) target_semaphore(%run_scoped3A : memref<!tpu.dma_semaphore, #tpu.memory_space<semaphore_mem>>)
      %dma_wait3A = arith.constant 0 : i32
      %dma_wait3A_20 = arith.constant 0 : i32
      %dma_wait3A_21 = tpu.memref_slice %arg6[%arg1, %dma_wait3A, %dma_wait3A_20] : memref<16x160x128xi32, #tpu.memory_space<hbm>> -> memref<1x160x128xi32, #tpu.memory_space<hbm>>
      %dma_wait3A_22 = tpu.memref_squeeze %dma_wait3A_21 : memref<1x160x128xi32, #tpu.memory_space<hbm>> -> memref<160x128xi32, #tpu.memory_space<hbm>>
      %dma_wait3A_23 = arith.constant 0 : i32
      %dma_wait3A_24 = arith.constant 0 : i32
      %dma_wait3A_25 = tpu.memref_slice %arg6[%arg1, %dma_wait3A_23, %dma_wait3A_24] : memref<16x160x128xi32, #tpu.memory_space<hbm>> -> memref<1x160x128xi32, #tpu.memory_space<hbm>>
      %dma_wait3A_26 = tpu.memref_squeeze %dma_wait3A_25 : memref<1x160x128xi32, #tpu.memory_space<hbm>> -> memref<160x128xi32, #tpu.memory_space<hbm>>
      tpu.wait_dma2 semaphore(%run_scoped3A : memref<!tpu.dma_semaphore, #tpu.memory_space<semaphore_mem>>) src(%dma_wait3A_26 : memref<160x128xi32, #tpu.memory_space<hbm>>) dst(%arg12 : memref<160x128xi32, #tpu.memory_space<vmem>>)
      tpu.yield
    }) : () -> ()
    "tpu.region"() ({
      %run_scoped3A = tpu.sem_alloc : memref<!tpu.dma_semaphore, #tpu.memory_space<semaphore_mem>>
      %dma_start3A = arith.constant 0 : i32
      %dma_start3A_13 = arith.constant 0 : i32
      %dma_start3A_14 = tpu.memref_slice %arg7[%arg1, %dma_start3A, %dma_start3A_13] : memref<16x160x128xi32, #tpu.memory_space<hbm>> -> memref<1x160x128xi32, #tpu.memory_space<hbm>>
      %dma_start3A_15 = tpu.memref_squeeze %dma_start3A_14 : memref<1x160x128xi32, #tpu.memory_space<hbm>> -> memref<160x128xi32, #tpu.memory_space<hbm>>
      %dma_start3A_16 = arith.constant 0 : i32
      %dma_start3A_17 = arith.constant 0 : i32
      %dma_start3A_18 = tpu.memref_slice %arg7[%arg1, %dma_start3A_16, %dma_start3A_17] : memref<16x160x128xi32, #tpu.memory_space<hbm>> -> memref<1x160x128xi32, #tpu.memory_space<hbm>>
      %dma_start3A_19 = tpu.memref_squeeze %dma_start3A_18 : memref<1x160x128xi32, #tpu.memory_space<hbm>> -> memref<160x128xi32, #tpu.memory_space<hbm>>
      tpu.enqueue_dma source(%dma_start3A_19 : memref<160x128xi32, #tpu.memory_space<hbm>>) target(%arg13 : memref<160x128xi32, #tpu.memory_space<vmem>>) target_semaphore(%run_scoped3A : memref<!tpu.dma_semaphore, #tpu.memory_space<semaphore_mem>>)
      %dma_wait3A = arith.constant 0 : i32
      %dma_wait3A_20 = arith.constant 0 : i32
      %dma_wait3A_21 = tpu.memref_slice %arg7[%arg1, %dma_wait3A, %dma_wait3A_20] : memref<16x160x128xi32, #tpu.memory_space<hbm>> -> memref<1x160x128xi32, #tpu.memory_space<hbm>>
      %dma_wait3A_22 = tpu.memref_squeeze %dma_wait3A_21 : memref<1x160x128xi32, #tpu.memory_space<hbm>> -> memref<160x128xi32, #tpu.memory_space<hbm>>
      %dma_wait3A_23 = arith.constant 0 : i32
      %dma_wait3A_24 = arith.constant 0 : i32
      %dma_wait3A_25 = tpu.memref_slice %arg7[%arg1, %dma_wait3A_23, %dma_wait3A_24] : memref<16x160x128xi32, #tpu.memory_space<hbm>> -> memref<1x160x128xi32, #tpu.memory_space<hbm>>
      %dma_wait3A_26 = tpu.memref_squeeze %dma_wait3A_25 : memref<1x160x128xi32, #tpu.memory_space<hbm>> -> memref<160x128xi32, #tpu.memory_space<hbm>>
      tpu.wait_dma2 semaphore(%run_scoped3A : memref<!tpu.dma_semaphore, #tpu.memory_space<semaphore_mem>>) src(%dma_wait3A_26 : memref<160x128xi32, #tpu.memory_space<hbm>>) dst(%arg13 : memref<160x128xi32, #tpu.memory_space<vmem>>)
      tpu.yield
    }) : () -> ()
    %eq3A = arith.constant 0 : i32
    %eq3A_6 = arith.cmpi eq, %arg0, %eq3A : i32
    %convert_element_type3A = arith.extui %eq3A_6 : i1 to i32
    %cond3A = arith.constant 0 : i32
    %cond3A_7 = arith.cmpi ne, %convert_element_type3A, %cond3A : i32
    scf.if %cond3A_7 {
      %mul3A = arith.constant 640 : i32
      %mul3A_13 = arith.muli %arg1, %mul3A : i32
      %add3A = arith.constant 0 : i32
      %add3A_14 = arith.addi %mul3A_13, %add3A : i32
      "tpu.region"() ({
        %run_scoped3A = tpu.sem_alloc : memref<!tpu.dma_semaphore, #tpu.memory_space<semaphore_mem>>
        %dma_start3A_119 = arith.constant 0 : i32
        %dma_start3A_120 = tpu.memref_slice %arg18[%add3A_14, %dma_start3A_119] : memref<10240x64xf32, #tpu.memory_space<vmem_shared>> -> memref<128x64xf32, #tpu.memory_space<vmem_shared>>
        %dma_start3A_121 = arith.constant 0 : i32
        %dma_start3A_122 = tpu.memref_slice %arg18[%add3A_14, %dma_start3A_121] : memref<10240x64xf32, #tpu.memory_space<vmem_shared>> -> memref<128x64xf32, #tpu.memory_space<vmem_shared>>
        tpu.enqueue_dma source(%arg17 : memref<128x64xf32, #tpu.memory_space<vmem>>) target(%dma_start3A_122 : memref<128x64xf32, #tpu.memory_space<vmem_shared>>) target_semaphore(%run_scoped3A : memref<!tpu.dma_semaphore, #tpu.memory_space<semaphore_mem>>)
        %dma_wait3A = arith.constant 0 : i32
        %dma_wait3A_123 = tpu.memref_slice %arg18[%add3A_14, %dma_wait3A] : memref<10240x64xf32, #tpu.memory_space<vmem_shared>> -> memref<128x64xf32, #tpu.memory_space<vmem_shared>>
        %dma_wait3A_124 = arith.constant 0 : i32
        %dma_wait3A_125 = tpu.memref_slice %arg18[%add3A_14, %dma_wait3A_124] : memref<10240x64xf32, #tpu.memory_space<vmem_shared>> -> memref<128x64xf32, #tpu.memory_space<vmem_shared>>
        tpu.wait_dma2 semaphore(%run_scoped3A : memref<!tpu.dma_semaphore, #tpu.memory_space<semaphore_mem>>) src(%arg17 : memref<128x64xf32, #tpu.memory_space<vmem>>) dst(%dma_wait3A_125 : memref<128x64xf32, #tpu.memory_space<vmem_shared>>)
        tpu.yield
      }) : () -> ()
      %mul3A_15 = arith.constant 640 : i32
      %mul3A_16 = arith.muli %arg1, %mul3A_15 : i32
      %add3A_17 = arith.constant 128 : i32
      %add3A_18 = arith.addi %mul3A_16, %add3A_17 : i32
      "tpu.region"() ({
        %run_scoped3A = tpu.sem_alloc : memref<!tpu.dma_semaphore, #tpu.memory_space<semaphore_mem>>
        %dma_start3A_119 = arith.constant 0 : i32
        %dma_start3A_120 = tpu.memref_slice %arg18[%add3A_18, %dma_start3A_119] : memref<10240x64xf32, #tpu.memory_space<vmem_shared>> -> memref<128x64xf32, #tpu.memory_space<vmem_shared>>
        %dma_start3A_121 = arith.constant 0 : i32
        %dma_start3A_122 = tpu.memref_slice %arg18[%add3A_18, %dma_start3A_121] : memref<10240x64xf32, #tpu.memory_space<vmem_shared>> -> memref<128x64xf32, #tpu.memory_space<vmem_shared>>
        tpu.enqueue_dma source(%arg17 : memref<128x64xf32, #tpu.memory_space<vmem>>) target(%dma_start3A_122 : memref<128x64xf32, #tpu.memory_space<vmem_shared>>) target_semaphore(%run_scoped3A : memref<!tpu.dma_semaphore, #tpu.memory_space<semaphore_mem>>)
        %dma_wait3A = arith.constant 0 : i32
        %dma_wait3A_123 = tpu.memref_slice %arg18[%add3A_18, %dma_wait3A] : memref<10240x64xf32, #tpu.memory_space<vmem_shared>> -> memref<128x64xf32, #tpu.memory_space<vmem_shared>>
        %dma_wait3A_124 = arith.constant 0 : i32
        %dma_wait3A_125 = tpu.memref_slice %arg18[%add3A_18, %dma_wait3A_124] : memref<10240x64xf32, #tpu.memory_space<vmem_shared>> -> memref<128x64xf32, #tpu.memory_space<vmem_shared>>
        tpu.wait_dma2 semaphore(%run_scoped3A : memref<!tpu.dma_semaphore, #tpu.memory_space<semaphore_mem>>) src(%arg17 : memref<128x64xf32, #tpu.memory_space<vmem>>) dst(%dma_wait3A_125 : memref<128x64xf32, #tpu.memory_space<vmem_shared>>)
        tpu.yield
      }) : () -> ()
      %mul3A_19 = arith.constant 640 : i32
      %mul3A_20 = arith.muli %arg1, %mul3A_19 : i32
      %add3A_21 = arith.constant 256 : i32
      %add3A_22 = arith.addi %mul3A_20, %add3A_21 : i32
      "tpu.region"() ({
        %run_scoped3A = tpu.sem_alloc : memref<!tpu.dma_semaphore, #tpu.memory_space<semaphore_mem>>
        %dma_start3A_119 = arith.constant 0 : i32
        %dma_start3A_120 = tpu.memref_slice %arg18[%add3A_22, %dma_start3A_119] : memref<10240x64xf32, #tpu.memory_space<vmem_shared>> -> memref<128x64xf32, #tpu.memory_space<vmem_shared>>
        %dma_start3A_121 = arith.constant 0 : i32
        %dma_start3A_122 = tpu.memref_slice %arg18[%add3A_22, %dma_start3A_121] : memref<10240x64xf32, #tpu.memory_space<vmem_shared>> -> memref<128x64xf32, #tpu.memory_space<vmem_shared>>
        tpu.enqueue_dma source(%arg17 : memref<128x64xf32, #tpu.memory_space<vmem>>) target(%dma_start3A_122 : memref<128x64xf32, #tpu.memory_space<vmem_shared>>) target_semaphore(%run_scoped3A : memref<!tpu.dma_semaphore, #tpu.memory_space<semaphore_mem>>)
        %dma_wait3A = arith.constant 0 : i32
        %dma_wait3A_123 = tpu.memref_slice %arg18[%add3A_22, %dma_wait3A] : memref<10240x64xf32, #tpu.memory_space<vmem_shared>> -> memref<128x64xf32, #tpu.memory_space<vmem_shared>>
        %dma_wait3A_124 = arith.constant 0 : i32
        %dma_wait3A_125 = tpu.memref_slice %arg18[%add3A_22, %dma_wait3A_124] : memref<10240x64xf32, #tpu.memory_space<vmem_shared>> -> memref<128x64xf32, #tpu.memory_space<vmem_shared>>
        tpu.wait_dma2 semaphore(%run_scoped3A : memref<!tpu.dma_semaphore, #tpu.memory_space<semaphore_mem>>) src(%arg17 : memref<128x64xf32, #tpu.memory_space<vmem>>) dst(%dma_wait3A_125 : memref<128x64xf32, #tpu.memory_space<vmem_shared>>)
        tpu.yield
      }) : () -> ()
      %mul3A_23 = arith.constant 640 : i32
      %mul3A_24 = arith.muli %arg1, %mul3A_23 : i32
      %add3A_25 = arith.constant 384 : i32
      %add3A_26 = arith.addi %mul3A_24, %add3A_25 : i32
      "tpu.region"() ({
        %run_scoped3A = tpu.sem_alloc : memref<!tpu.dma_semaphore, #tpu.memory_space<semaphore_mem>>
        %dma_start3A_119 = arith.constant 0 : i32
        %dma_start3A_120 = tpu.memref_slice %arg18[%add3A_26, %dma_start3A_119] : memref<10240x64xf32, #tpu.memory_space<vmem_shared>> -> memref<128x64xf32, #tpu.memory_space<vmem_shared>>
        %dma_start3A_121 = arith.constant 0 : i32
        %dma_start3A_122 = tpu.memref_slice %arg18[%add3A_26, %dma_start3A_121] : memref<10240x64xf32, #tpu.memory_space<vmem_shared>> -> memref<128x64xf32, #tpu.memory_space<vmem_shared>>
        tpu.enqueue_dma source(%arg17 : memref<128x64xf32, #tpu.memory_space<vmem>>) target(%dma_start3A_122 : memref<128x64xf32, #tpu.memory_space<vmem_shared>>) target_semaphore(%run_scoped3A : memref<!tpu.dma_semaphore, #tpu.memory_space<semaphore_mem>>)
        %dma_wait3A = arith.constant 0 : i32
        %dma_wait3A_123 = tpu.memref_slice %arg18[%add3A_26, %dma_wait3A] : memref<10240x64xf32, #tpu.memory_space<vmem_shared>> -> memref<128x64xf32, #tpu.memory_space<vmem_shared>>
        %dma_wait3A_124 = arith.constant 0 : i32
        %dma_wait3A_125 = tpu.memref_slice %arg18[%add3A_26, %dma_wait3A_124] : memref<10240x64xf32, #tpu.memory_space<vmem_shared>> -> memref<128x64xf32, #tpu.memory_space<vmem_shared>>
        tpu.wait_dma2 semaphore(%run_scoped3A : memref<!tpu.dma_semaphore, #tpu.memory_space<semaphore_mem>>) src(%arg17 : memref<128x64xf32, #tpu.memory_space<vmem>>) dst(%dma_wait3A_125 : memref<128x64xf32, #tpu.memory_space<vmem_shared>>)
        tpu.yield
      }) : () -> ()
      %mul3A_27 = arith.constant 640 : i32
      %mul3A_28 = arith.muli %arg1, %mul3A_27 : i32
      %add3A_29 = arith.constant 512 : i32
      %add3A_30 = arith.addi %mul3A_28, %add3A_29 : i32
      "tpu.region"() ({
        %run_scoped3A = tpu.sem_alloc : memref<!tpu.dma_semaphore, #tpu.memory_space<semaphore_mem>>
        %dma_start3A_119 = arith.constant 0 : i32
        %dma_start3A_120 = tpu.memref_slice %arg18[%add3A_30, %dma_start3A_119] : memref<10240x64xf32, #tpu.memory_space<vmem_shared>> -> memref<128x64xf32, #tpu.memory_space<vmem_shared>>
        %dma_start3A_121 = arith.constant 0 : i32
        %dma_start3A_122 = tpu.memref_slice %arg18[%add3A_30, %dma_start3A_121] : memref<10240x64xf32, #tpu.memory_space<vmem_shared>> -> memref<128x64xf32, #tpu.memory_space<vmem_shared>>
        tpu.enqueue_dma source(%arg17 : memref<128x64xf32, #tpu.memory_space<vmem>>) target(%dma_start3A_122 : memref<128x64xf32, #tpu.memory_space<vmem_shared>>) target_semaphore(%run_scoped3A : memref<!tpu.dma_semaphore, #tpu.memory_space<semaphore_mem>>)
        %dma_wait3A = arith.constant 0 : i32
        %dma_wait3A_123 = tpu.memref_slice %arg18[%add3A_30, %dma_wait3A] : memref<10240x64xf32, #tpu.memory_space<vmem_shared>> -> memref<128x64xf32, #tpu.memory_space<vmem_shared>>
        %dma_wait3A_124 = arith.constant 0 : i32
        %dma_wait3A_125 = tpu.memref_slice %arg18[%add3A_30, %dma_wait3A_124] : memref<10240x64xf32, #tpu.memory_space<vmem_shared>> -> memref<128x64xf32, #tpu.memory_space<vmem_shared>>
        tpu.wait_dma2 semaphore(%run_scoped3A : memref<!tpu.dma_semaphore, #tpu.memory_space<semaphore_mem>>) src(%arg17 : memref<128x64xf32, #tpu.memory_space<vmem>>) dst(%dma_wait3A_125 : memref<128x64xf32, #tpu.memory_space<vmem_shared>>)
        tpu.yield
      }) : () -> ()
      %barrier3A = arith.constant 0 : index
      tpu.barrier barrier_id(%barrier3A)
      %dma_start3A = arith.constant 0 : i32
      %dma_start3A_31 = arith.constant 0 : i32
      %dma_start3A_32 = tpu.memref_slice %arg12[%dma_start3A, %dma_start3A_31] : memref<160x128xi32, #tpu.memory_space<vmem>> -> memref<1x128xi32, #tpu.memory_space<vmem>>
      %dma_start3A_33 = tpu.memref_squeeze %dma_start3A_32 : memref<1x128xi32, #tpu.memory_space<vmem>> -> memref<128xi32, #tpu.memory_space<vmem>>
      %dma_start3A_34 = arith.constant 0 : i32
      %dma_start3A_35 = arith.constant 0 : i32
      %dma_start3A_36 = tpu.memref_slice %arg2[%dma_start3A_34, %dma_start3A_35] : memref<10000x64xf32, #tpu.memory_space<hbm>> -> memref<10000x64xf32, #tpu.memory_space<hbm>>
      tpu.enqueue_indirect_dma source(%dma_start3A_36 : memref<10000x64xf32, #tpu.memory_space<hbm>>) target(%arg14 : memref<128x64xf32, #tpu.memory_space<vmem>>) offsets(%dma_start3A_33 : memref<128xi32, #tpu.memory_space<vmem>>) semaphore(%arg19 : memref<!tpu.dma_semaphore, #tpu.memory_space<semaphore_mem>>)
      %scan3A_37 = arith.constant 0 : i32
      %scan3A_38 = arith.constant 0 : i32
      %scan3A_39 = arith.constant 80 : i32
      %scan3A_40 = arith.addi %scan3A_38, %scan3A_39 : i32
      %scan3A_41 = arith.constant 1 : i32
      scf.for %scan3A_119 = %scan3A_38 to %scan3A_40 step %scan3A_41  : i32 {
        %mul3A_120 = arith.constant 2 : i32
        %mul3A_121 = arith.muli %mul3A_120, %scan3A_119 : i32
        %add3A_122 = arith.constant 1 : i32
        %add3A_123 = arith.addi %mul3A_121, %add3A_122 : i32
        %dma_start3A_124 = arith.constant 0 : i32
        %dma_start3A_125 = tpu.memref_slice %arg12[%add3A_123, %dma_start3A_124] : memref<160x128xi32, #tpu.memory_space<vmem>> -> memref<1x128xi32, #tpu.memory_space<vmem>>
        %dma_start3A_126 = tpu.memref_squeeze %dma_start3A_125 : memref<1x128xi32, #tpu.memory_space<vmem>> -> memref<128xi32, #tpu.memory_space<vmem>>
        %dma_start3A_127 = arith.constant 0 : i32
        %dma_start3A_128 = arith.constant 0 : i32
        %dma_start3A_129 = tpu.memref_slice %arg2[%dma_start3A_127, %dma_start3A_128] : memref<10000x64xf32, #tpu.memory_space<hbm>> -> memref<10000x64xf32, #tpu.memory_space<hbm>>
        tpu.enqueue_indirect_dma source(%dma_start3A_129 : memref<10000x64xf32, #tpu.memory_space<hbm>>) target(%arg15 : memref<128x64xf32, #tpu.memory_space<vmem>>) offsets(%dma_start3A_126 : memref<128xi32, #tpu.memory_space<vmem>>) semaphore(%arg19 : memref<!tpu.dma_semaphore, #tpu.memory_space<semaphore_mem>>)
        %dma_wait3A = arith.constant 0 : i32
        %dma_wait3A_130 = tpu.memref_slice %arg12[%mul3A_121, %dma_wait3A] : memref<160x128xi32, #tpu.memory_space<vmem>> -> memref<1x128xi32, #tpu.memory_space<vmem>>
        %dma_wait3A_131 = tpu.memref_squeeze %dma_wait3A_130 : memref<1x128xi32, #tpu.memory_space<vmem>> -> memref<128xi32, #tpu.memory_space<vmem>>
        %dma_wait3A_132 = arith.constant 0 : i32
        %dma_wait3A_133 = arith.constant 0 : i32
        %dma_wait3A_134 = tpu.memref_slice %arg2[%dma_wait3A_132, %dma_wait3A_133] : memref<10000x64xf32, #tpu.memory_space<hbm>> -> memref<10000x64xf32, #tpu.memory_space<hbm>>
        tpu.wait_indirect_dma semaphore(%arg19 : memref<!tpu.dma_semaphore, #tpu.memory_space<semaphore_mem>>) src(%dma_wait3A_134 : memref<10000x64xf32, #tpu.memory_space<hbm>>) dst(%arg14 : memref<128x64xf32, #tpu.memory_space<vmem>>)
        "tpu.region"() ({
          %run_scoped3A = tpu.sem_alloc : memref<!tpu.dma_semaphore, #tpu.memory_space<semaphore_mem>>
          %dma_start3A_151 = arith.constant 0 : i32
          %dma_start3A_152 = tpu.memref_slice %arg13[%mul3A_121, %dma_start3A_151] : memref<160x128xi32, #tpu.memory_space<vmem>> -> memref<1x128xi32, #tpu.memory_space<vmem>>
          %dma_start3A_153 = tpu.memref_squeeze %dma_start3A_152 : memref<1x128xi32, #tpu.memory_space<vmem>> -> memref<128xi32, #tpu.memory_space<vmem>>
          %dma_start3A_154 = arith.constant 0 : i32
          %dma_start3A_155 = arith.constant 0 : i32
          %dma_start3A_156 = tpu.memref_slice %arg18[%dma_start3A_154, %dma_start3A_155] : memref<10240x64xf32, #tpu.memory_space<vmem_shared>> -> memref<10240x64xf32, #tpu.memory_space<vmem_shared>>
          tpu.enqueue_indirect_dma source(%arg14 : memref<128x64xf32, #tpu.memory_space<vmem>>) target(%dma_start3A_156 : memref<10240x64xf32, #tpu.memory_space<vmem_shared>>) offsets(%dma_start3A_153 : memref<128xi32, #tpu.memory_space<vmem>>) semaphore(%run_scoped3A : memref<!tpu.dma_semaphore, #tpu.memory_space<semaphore_mem>>) {add = true}
          %dma_wait3A_157 = arith.constant 0 : i32
          %dma_wait3A_158 = tpu.memref_slice %arg13[%mul3A_121, %dma_wait3A_157] : memref<160x128xi32, #tpu.memory_space<vmem>> -> memref<1x128xi32, #tpu.memory_space<vmem>>
          %dma_wait3A_159 = tpu.memref_squeeze %dma_wait3A_158 : memref<1x128xi32, #tpu.memory_space<vmem>> -> memref<128xi32, #tpu.memory_space<vmem>>
          %dma_wait3A_160 = arith.constant 0 : i32
          %dma_wait3A_161 = arith.constant 0 : i32
          %dma_wait3A_162 = tpu.memref_slice %arg18[%dma_wait3A_160, %dma_wait3A_161] : memref<10240x64xf32, #tpu.memory_space<vmem_shared>> -> memref<10240x64xf32, #tpu.memory_space<vmem_shared>>
          tpu.wait_indirect_dma semaphore(%run_scoped3A : memref<!tpu.dma_semaphore, #tpu.memory_space<semaphore_mem>>) src(%arg14 : memref<128x64xf32, #tpu.memory_space<vmem>>) dst(%dma_wait3A_162 : memref<10240x64xf32, #tpu.memory_space<vmem_shared>>)
          tpu.yield
        }) : () -> ()
        %add3A_135 = arith.constant 2 : i32
        %add3A_136 = arith.addi %mul3A_121, %add3A_135 : i32
        %lt3A = arith.constant 160 : i32
        %lt3A_137 = arith.cmpi slt, %add3A_136, %lt3A : i32
        %convert_element_type3A_138 = arith.extui %lt3A_137 : i1 to i32
        %cond3A_139 = arith.constant 0 : i32
        %cond3A_140 = arith.cmpi ne, %convert_element_type3A_138, %cond3A_139 : i32
        scf.if %cond3A_140 {
          %add3A_151 = arith.constant 2 : i32
          %add3A_152 = arith.addi %mul3A_121, %add3A_151 : i32
          %dma_start3A_153 = arith.constant 0 : i32
          %dma_start3A_154 = tpu.memref_slice %arg12[%add3A_152, %dma_start3A_153] : memref<160x128xi32, #tpu.memory_space<vmem>> -> memref<1x128xi32, #tpu.memory_space<vmem>>
          %dma_start3A_155 = tpu.memref_squeeze %dma_start3A_154 : memref<1x128xi32, #tpu.memory_space<vmem>> -> memref<128xi32, #tpu.memory_space<vmem>>
          %dma_start3A_156 = arith.constant 0 : i32
          %dma_start3A_157 = arith.constant 0 : i32
          %dma_start3A_158 = tpu.memref_slice %arg2[%dma_start3A_156, %dma_start3A_157] : memref<10000x64xf32, #tpu.memory_space<hbm>> -> memref<10000x64xf32, #tpu.memory_space<hbm>>
          tpu.enqueue_indirect_dma source(%dma_start3A_158 : memref<10000x64xf32, #tpu.memory_space<hbm>>) target(%arg14 : memref<128x64xf32, #tpu.memory_space<vmem>>) offsets(%dma_start3A_155 : memref<128xi32, #tpu.memory_space<vmem>>) semaphore(%arg19 : memref<!tpu.dma_semaphore, #tpu.memory_space<semaphore_mem>>)
        } else {
        }
        %add3A_141 = arith.constant 1 : i32
        %add3A_142 = arith.addi %mul3A_121, %add3A_141 : i32
        %dma_wait3A_143 = arith.constant 0 : i32
        %dma_wait3A_144 = tpu.memref_slice %arg12[%add3A_142, %dma_wait3A_143] : memref<160x128xi32, #tpu.memory_space<vmem>> -> memref<1x128xi32, #tpu.memory_space<vmem>>
        %dma_wait3A_145 = tpu.memref_squeeze %dma_wait3A_144 : memref<1x128xi32, #tpu.memory_space<vmem>> -> memref<128xi32, #tpu.memory_space<vmem>>
        %dma_wait3A_146 = arith.constant 0 : i32
        %dma_wait3A_147 = arith.constant 0 : i32
        %dma_wait3A_148 = tpu.memref_slice %arg2[%dma_wait3A_146, %dma_wait3A_147] : memref<10000x64xf32, #tpu.memory_space<hbm>> -> memref<10000x64xf32, #tpu.memory_space<hbm>>
        tpu.wait_indirect_dma semaphore(%arg19 : memref<!tpu.dma_semaphore, #tpu.memory_space<semaphore_mem>>) src(%dma_wait3A_148 : memref<10000x64xf32, #tpu.memory_space<hbm>>) dst(%arg15 : memref<128x64xf32, #tpu.memory_space<vmem>>)
        %add3A_149 = arith.constant 1 : i32
        %add3A_150 = arith.addi %mul3A_121, %add3A_149 : i32
        "tpu.region"() ({
          %run_scoped3A = tpu.sem_alloc : memref<!tpu.dma_semaphore, #tpu.memory_space<semaphore_mem>>
          %dma_start3A_151 = arith.constant 0 : i32
          %dma_start3A_152 = tpu.memref_slice %arg13[%add3A_150, %dma_start3A_151] : memref<160x128xi32, #tpu.memory_space<vmem>> -> memref<1x128xi32, #tpu.memory_space<vmem>>
          %dma_start3A_153 = tpu.memref_squeeze %dma_start3A_152 : memref<1x128xi32, #tpu.memory_space<vmem>> -> memref<128xi32, #tpu.memory_space<vmem>>
          %dma_start3A_154 = arith.constant 0 : i32
          %dma_start3A_155 = arith.constant 0 : i32
          %dma_start3A_156 = tpu.memref_slice %arg18[%dma_start3A_154, %dma_start3A_155] : memref<10240x64xf32, #tpu.memory_space<vmem_shared>> -> memref<10240x64xf32, #tpu.memory_space<vmem_shared>>
          tpu.enqueue_indirect_dma source(%arg15 : memref<128x64xf32, #tpu.memory_space<vmem>>) target(%dma_start3A_156 : memref<10240x64xf32, #tpu.memory_space<vmem_shared>>) offsets(%dma_start3A_153 : memref<128xi32, #tpu.memory_space<vmem>>) semaphore(%run_scoped3A : memref<!tpu.dma_semaphore, #tpu.memory_space<semaphore_mem>>) {add = true}
          %dma_wait3A_157 = arith.constant 0 : i32
          %dma_wait3A_158 = tpu.memref_slice %arg13[%add3A_150, %dma_wait3A_157] : memref<160x128xi32, #tpu.memory_space<vmem>> -> memref<1x128xi32, #tpu.memory_space<vmem>>
          %dma_wait3A_159 = tpu.memref_squeeze %dma_wait3A_158 : memref<1x128xi32, #tpu.memory_space<vmem>> -> memref<128xi32, #tpu.memory_space<vmem>>
          %dma_wait3A_160 = arith.constant 0 : i32
          %dma_wait3A_161 = arith.constant 0 : i32
          %dma_wait3A_162 = tpu.memref_slice %arg18[%dma_wait3A_160, %dma_wait3A_161] : memref<10240x64xf32, #tpu.memory_space<vmem_shared>> -> memref<10240x64xf32, #tpu.memory_space<vmem_shared>>
          tpu.wait_indirect_dma semaphore(%run_scoped3A : memref<!tpu.dma_semaphore, #tpu.memory_space<semaphore_mem>>) src(%arg15 : memref<128x64xf32, #tpu.memory_space<vmem>>) dst(%dma_wait3A_162 : memref<10240x64xf32, #tpu.memory_space<vmem_shared>>)
          tpu.yield
        }) : () -> ()
      }
      %scan3A_42 = arith.constant 80 : i32
      %barrier3A_43 = arith.constant 0 : index
      tpu.barrier barrier_id(%barrier3A_43)
      %mul3A_44 = arith.constant 640 : i32
      %mul3A_45 = arith.muli %arg1, %mul3A_44 : i32
      %add3A_46 = arith.constant 0 : i32
      %add3A_47 = arith.addi %mul3A_45, %add3A_46 : i32
      "tpu.region"() ({
        %run_scoped3A = tpu.sem_alloc : memref<!tpu.dma_semaphore, #tpu.memory_space<semaphore_mem>>
        %dma_start3A_119 = arith.constant 0 : i32
        %dma_start3A_120 = tpu.memref_slice %arg18[%add3A_47, %dma_start3A_119] : memref<10240x64xf32, #tpu.memory_space<vmem_shared>> -> memref<128x64xf32, #tpu.memory_space<vmem_shared>>
        %dma_start3A_121 = arith.constant 0 : i32
        %dma_start3A_122 = tpu.memref_slice %arg18[%add3A_47, %dma_start3A_121] : memref<10240x64xf32, #tpu.memory_space<vmem_shared>> -> memref<128x64xf32, #tpu.memory_space<vmem_shared>>
        tpu.enqueue_dma source(%dma_start3A_122 : memref<128x64xf32, #tpu.memory_space<vmem_shared>>) target(%arg16 : memref<128x64xf32, #tpu.memory_space<vmem>>) target_semaphore(%run_scoped3A : memref<!tpu.dma_semaphore, #tpu.memory_space<semaphore_mem>>)
        %dma_wait3A = arith.constant 0 : i32
        %dma_wait3A_123 = tpu.memref_slice %arg18[%add3A_47, %dma_wait3A] : memref<10240x64xf32, #tpu.memory_space<vmem_shared>> -> memref<128x64xf32, #tpu.memory_space<vmem_shared>>
        %dma_wait3A_124 = arith.constant 0 : i32
        %dma_wait3A_125 = tpu.memref_slice %arg18[%add3A_47, %dma_wait3A_124] : memref<10240x64xf32, #tpu.memory_space<vmem_shared>> -> memref<128x64xf32, #tpu.memory_space<vmem_shared>>
        tpu.wait_dma2 semaphore(%run_scoped3A : memref<!tpu.dma_semaphore, #tpu.memory_space<semaphore_mem>>) src(%dma_wait3A_125 : memref<128x64xf32, #tpu.memory_space<vmem_shared>>) dst(%arg16 : memref<128x64xf32, #tpu.memory_space<vmem>>)
        tpu.yield
      }) : () -> ()
      "tpu.region"() ({
        %run_scoped3A = tpu.sem_alloc : memref<!tpu.dma_semaphore, #tpu.memory_space<semaphore_mem>>
        %dma_start3A_119 = arith.constant 0 : i32
        %dma_start3A_120 = tpu.memref_slice %arg8[%add3A_47, %dma_start3A_119] : memref<10240x64xf32, #tpu.memory_space<hbm>> -> memref<128x64xf32, #tpu.memory_space<hbm>>
        %dma_start3A_121 = arith.constant 0 : i32
        %dma_start3A_122 = tpu.memref_slice %arg8[%add3A_47, %dma_start3A_121] : memref<10240x64xf32, #tpu.memory_space<hbm>> -> memref<128x64xf32, #tpu.memory_space<hbm>>
        tpu.enqueue_dma source(%arg16 : memref<128x64xf32, #tpu.memory_space<vmem>>) target(%dma_start3A_122 : memref<128x64xf32, #tpu.memory_space<hbm>>) target_semaphore(%run_scoped3A : memref<!tpu.dma_semaphore, #tpu.memory_space<semaphore_mem>>)
        %dma_wait3A = arith.constant 0 : i32
        %dma_wait3A_123 = tpu.memref_slice %arg8[%add3A_47, %dma_wait3A] : memref<10240x64xf32, #tpu.memory_space<hbm>> -> memref<128x64xf32, #tpu.memory_space<hbm>>
        %dma_wait3A_124 = arith.constant 0 : i32
        %dma_wait3A_125 = tpu.memref_slice %arg8[%add3A_47, %dma_wait3A_124] : memref<10240x64xf32, #tpu.memory_space<hbm>> -> memref<128x64xf32, #tpu.memory_space<hbm>>
        tpu.wait_dma2 semaphore(%run_scoped3A : memref<!tpu.dma_semaphore, #tpu.memory_space<semaphore_mem>>) src(%arg16 : memref<128x64xf32, #tpu.memory_space<vmem>>) dst(%dma_wait3A_125 : memref<128x64xf32, #tpu.memory_space<hbm>>)
        tpu.yield
      }) : () -> ()
      %mul3A_48 = arith.constant 640 : i32
      %mul3A_49 = arith.muli %arg1, %mul3A_48 : i32
      %add3A_50 = arith.constant 128 : i32
      %add3A_51 = arith.addi %mul3A_49, %add3A_50 : i32
      "tpu.region"() ({
        %run_scoped3A = tpu.sem_alloc : memref<!tpu.dma_semaphore, #tpu.memory_space<semaphore_mem>>
        %dma_start3A_119 = arith.constant 0 : i32
        %dma_start3A_120 = tpu.memref_slice %arg18[%add3A_51, %dma_start3A_119] : memref<10240x64xf32, #tpu.memory_space<vmem_shared>> -> memref<128x64xf32, #tpu.memory_space<vmem_shared>>
        %dma_start3A_121 = arith.constant 0 : i32
        %dma_start3A_122 = tpu.memref_slice %arg18[%add3A_51, %dma_start3A_121] : memref<10240x64xf32, #tpu.memory_space<vmem_shared>> -> memref<128x64xf32, #tpu.memory_space<vmem_shared>>
        tpu.enqueue_dma source(%dma_start3A_122 : memref<128x64xf32, #tpu.memory_space<vmem_shared>>) target(%arg16 : memref<128x64xf32, #tpu.memory_space<vmem>>) target_semaphore(%run_scoped3A : memref<!tpu.dma_semaphore, #tpu.memory_space<semaphore_mem>>)
        %dma_wait3A = arith.constant 0 : i32
        %dma_wait3A_123 = tpu.memref_slice %arg18[%add3A_51, %dma_wait3A] : memref<10240x64xf32, #tpu.memory_space<vmem_shared>> -> memref<128x64xf32, #tpu.memory_space<vmem_shared>>
        %dma_wait3A_124 = arith.constant 0 : i32
        %dma_wait3A_125 = tpu.memref_slice %arg18[%add3A_51, %dma_wait3A_124] : memref<10240x64xf32, #tpu.memory_space<vmem_shared>> -> memref<128x64xf32, #tpu.memory_space<vmem_shared>>
        tpu.wait_dma2 semaphore(%run_scoped3A : memref<!tpu.dma_semaphore, #tpu.memory_space<semaphore_mem>>) src(%dma_wait3A_125 : memref<128x64xf32, #tpu.memory_space<vmem_shared>>) dst(%arg16 : memref<128x64xf32, #tpu.memory_space<vmem>>)
        tpu.yield
      }) : () -> ()
      "tpu.region"() ({
        %run_scoped3A = tpu.sem_alloc : memref<!tpu.dma_semaphore, #tpu.memory_space<semaphore_mem>>
        %dma_start3A_119 = arith.constant 0 : i32
        %dma_start3A_120 = tpu.memref_slice %arg8[%add3A_51, %dma_start3A_119] : memref<10240x64xf32, #tpu.memory_space<hbm>> -> memref<128x64xf32, #tpu.memory_space<hbm>>
        %dma_start3A_121 = arith.constant 0 : i32
        %dma_start3A_122 = tpu.memref_slice %arg8[%add3A_51, %dma_start3A_121] : memref<10240x64xf32, #tpu.memory_space<hbm>> -> memref<128x64xf32, #tpu.memory_space<hbm>>
        tpu.enqueue_dma source(%arg16 : memref<128x64xf32, #tpu.memory_space<vmem>>) target(%dma_start3A_122 : memref<128x64xf32, #tpu.memory_space<hbm>>) target_semaphore(%run_scoped3A : memref<!tpu.dma_semaphore, #tpu.memory_space<semaphore_mem>>)
        %dma_wait3A = arith.constant 0 : i32
        %dma_wait3A_123 = tpu.memref_slice %arg8[%add3A_51, %dma_wait3A] : memref<10240x64xf32, #tpu.memory_space<hbm>> -> memref<128x64xf32, #tpu.memory_space<hbm>>
        %dma_wait3A_124 = arith.constant 0 : i32
        %dma_wait3A_125 = tpu.memref_slice %arg8[%add3A_51, %dma_wait3A_124] : memref<10240x64xf32, #tpu.memory_space<hbm>> -> memref<128x64xf32, #tpu.memory_space<hbm>>
        tpu.wait_dma2 semaphore(%run_scoped3A : memref<!tpu.dma_semaphore, #tpu.memory_space<semaphore_mem>>) src(%arg16 : memref<128x64xf32, #tpu.memory_space<vmem>>) dst(%dma_wait3A_125 : memref<128x64xf32, #tpu.memory_space<hbm>>)
        tpu.yield
      }) : () -> ()
      %mul3A_52 = arith.constant 640 : i32
      %mul3A_53 = arith.muli %arg1, %mul3A_52 : i32
      %add3A_54 = arith.constant 256 : i32
      %add3A_55 = arith.addi %mul3A_53, %add3A_54 : i32
      "tpu.region"() ({
        %run_scoped3A = tpu.sem_alloc : memref<!tpu.dma_semaphore, #tpu.memory_space<semaphore_mem>>
        %dma_start3A_119 = arith.constant 0 : i32
        %dma_start3A_120 = tpu.memref_slice %arg18[%add3A_55, %dma_start3A_119] : memref<10240x64xf32, #tpu.memory_space<vmem_shared>> -> memref<128x64xf32, #tpu.memory_space<vmem_shared>>
        %dma_start3A_121 = arith.constant 0 : i32
        %dma_start3A_122 = tpu.memref_slice %arg18[%add3A_55, %dma_start3A_121] : memref<10240x64xf32, #tpu.memory_space<vmem_shared>> -> memref<128x64xf32, #tpu.memory_space<vmem_shared>>
        tpu.enqueue_dma source(%dma_start3A_122 : memref<128x64xf32, #tpu.memory_space<vmem_shared>>) target(%arg16 : memref<128x64xf32, #tpu.memory_space<vmem>>) target_semaphore(%run_scoped3A : memref<!tpu.dma_semaphore, #tpu.memory_space<semaphore_mem>>)
        %dma_wait3A = arith.constant 0 : i32
        %dma_wait3A_123 = tpu.memref_slice %arg18[%add3A_55, %dma_wait3A] : memref<10240x64xf32, #tpu.memory_space<vmem_shared>> -> memref<128x64xf32, #tpu.memory_space<vmem_shared>>
        %dma_wait3A_124 = arith.constant 0 : i32
        %dma_wait3A_125 = tpu.memref_slice %arg18[%add3A_55, %dma_wait3A_124] : memref<10240x64xf32, #tpu.memory_space<vmem_shared>> -> memref<128x64xf32, #tpu.memory_space<vmem_shared>>
        tpu.wait_dma2 semaphore(%run_scoped3A : memref<!tpu.dma_semaphore, #tpu.memory_space<semaphore_mem>>) src(%dma_wait3A_125 : memref<128x64xf32, #tpu.memory_space<vmem_shared>>) dst(%arg16 : memref<128x64xf32, #tpu.memory_space<vmem>>)
        tpu.yield
      }) : () -> ()
      "tpu.region"() ({
        %run_scoped3A = tpu.sem_alloc : memref<!tpu.dma_semaphore, #tpu.memory_space<semaphore_mem>>
        %dma_start3A_119 = arith.constant 0 : i32
        %dma_start3A_120 = tpu.memref_slice %arg8[%add3A_55, %dma_start3A_119] : memref<10240x64xf32, #tpu.memory_space<hbm>> -> memref<128x64xf32, #tpu.memory_space<hbm>>
        %dma_start3A_121 = arith.constant 0 : i32
        %dma_start3A_122 = tpu.memref_slice %arg8[%add3A_55, %dma_start3A_121] : memref<10240x64xf32, #tpu.memory_space<hbm>> -> memref<128x64xf32, #tpu.memory_space<hbm>>
        tpu.enqueue_dma source(%arg16 : memref<128x64xf32, #tpu.memory_space<vmem>>) target(%dma_start3A_122 : memref<128x64xf32, #tpu.memory_space<hbm>>) target_semaphore(%run_scoped3A : memref<!tpu.dma_semaphore, #tpu.memory_space<semaphore_mem>>)
        %dma_wait3A = arith.constant 0 : i32
        %dma_wait3A_123 = tpu.memref_slice %arg8[%add3A_55, %dma_wait3A] : memref<10240x64xf32, #tpu.memory_space<hbm>> -> memref<128x64xf32, #tpu.memory_space<hbm>>
        %dma_wait3A_124 = arith.constant 0 : i32
        %dma_wait3A_125 = tpu.memref_slice %arg8[%add3A_55, %dma_wait3A_124] : memref<10240x64xf32, #tpu.memory_space<hbm>> -> memref<128x64xf32, #tpu.memory_space<hbm>>
        tpu.wait_dma2 semaphore(%run_scoped3A : memref<!tpu.dma_semaphore, #tpu.memory_space<semaphore_mem>>) src(%arg16 : memref<128x64xf32, #tpu.memory_space<vmem>>) dst(%dma_wait3A_125 : memref<128x64xf32, #tpu.memory_space<hbm>>)
        tpu.yield
      }) : () -> ()
      %mul3A_56 = arith.constant 640 : i32
      %mul3A_57 = arith.muli %arg1, %mul3A_56 : i32
      %add3A_58 = arith.constant 384 : i32
      %add3A_59 = arith.addi %mul3A_57, %add3A_58 : i32
      "tpu.region"() ({
        %run_scoped3A = tpu.sem_alloc : memref<!tpu.dma_semaphore, #tpu.memory_space<semaphore_mem>>
        %dma_start3A_119 = arith.constant 0 : i32
        %dma_start3A_120 = tpu.memref_slice %arg18[%add3A_59, %dma_start3A_119] : memref<10240x64xf32, #tpu.memory_space<vmem_shared>> -> memref<128x64xf32, #tpu.memory_space<vmem_shared>>
        %dma_start3A_121 = arith.constant 0 : i32
        %dma_start3A_122 = tpu.memref_slice %arg18[%add3A_59, %dma_start3A_121] : memref<10240x64xf32, #tpu.memory_space<vmem_shared>> -> memref<128x64xf32, #tpu.memory_space<vmem_shared>>
        tpu.enqueue_dma source(%dma_start3A_122 : memref<128x64xf32, #tpu.memory_space<vmem_shared>>) target(%arg16 : memref<128x64xf32, #tpu.memory_space<vmem>>) target_semaphore(%run_scoped3A : memref<!tpu.dma_semaphore, #tpu.memory_space<semaphore_mem>>)
        %dma_wait3A = arith.constant 0 : i32
        %dma_wait3A_123 = tpu.memref_slice %arg18[%add3A_59, %dma_wait3A] : memref<10240x64xf32, #tpu.memory_space<vmem_shared>> -> memref<128x64xf32, #tpu.memory_space<vmem_shared>>
        %dma_wait3A_124 = arith.constant 0 : i32
        %dma_wait3A_125 = tpu.memref_slice %arg18[%add3A_59, %dma_wait3A_124] : memref<10240x64xf32, #tpu.memory_space<vmem_shared>> -> memref<128x64xf32, #tpu.memory_space<vmem_shared>>
        tpu.wait_dma2 semaphore(%run_scoped3A : memref<!tpu.dma_semaphore, #tpu.memory_space<semaphore_mem>>) src(%dma_wait3A_125 : memref<128x64xf32, #tpu.memory_space<vmem_shared>>) dst(%arg16 : memref<128x64xf32, #tpu.memory_space<vmem>>)
        tpu.yield
      }) : () -> ()
      "tpu.region"() ({
        %run_scoped3A = tpu.sem_alloc : memref<!tpu.dma_semaphore, #tpu.memory_space<semaphore_mem>>
        %dma_start3A_119 = arith.constant 0 : i32
        %dma_start3A_120 = tpu.memref_slice %arg8[%add3A_59, %dma_start3A_119] : memref<10240x64xf32, #tpu.memory_space<hbm>> -> memref<128x64xf32, #tpu.memory_space<hbm>>
        %dma_start3A_121 = arith.constant 0 : i32
        %dma_start3A_122 = tpu.memref_slice %arg8[%add3A_59, %dma_start3A_121] : memref<10240x64xf32, #tpu.memory_space<hbm>> -> memref<128x64xf32, #tpu.memory_space<hbm>>
        tpu.enqueue_dma source(%arg16 : memref<128x64xf32, #tpu.memory_space<vmem>>) target(%dma_start3A_122 : memref<128x64xf32, #tpu.memory_space<hbm>>) target_semaphore(%run_scoped3A : memref<!tpu.dma_semaphore, #tpu.memory_space<semaphore_mem>>)
        %dma_wait3A = arith.constant 0 : i32
        %dma_wait3A_123 = tpu.memref_slice %arg8[%add3A_59, %dma_wait3A] : memref<10240x64xf32, #tpu.memory_space<hbm>> -> memref<128x64xf32, #tpu.memory_space<hbm>>
        %dma_wait3A_124 = arith.constant 0 : i32
        %dma_wait3A_125 = tpu.memref_slice %arg8[%add3A_59, %dma_wait3A_124] : memref<10240x64xf32, #tpu.memory_space<hbm>> -> memref<128x64xf32, #tpu.memory_space<hbm>>
        tpu.wait_dma2 semaphore(%run_scoped3A : memref<!tpu.dma_semaphore, #tpu.memory_space<semaphore_mem>>) src(%arg16 : memref<128x64xf32, #tpu.memory_space<vmem>>) dst(%dma_wait3A_125 : memref<128x64xf32, #tpu.memory_space<hbm>>)
        tpu.yield
      }) : () -> ()
      %mul3A_60 = arith.constant 640 : i32
      %mul3A_61 = arith.muli %arg1, %mul3A_60 : i32
      %add3A_62 = arith.constant 512 : i32
      %add3A_63 = arith.addi %mul3A_61, %add3A_62 : i32
      "tpu.region"() ({
        %run_scoped3A = tpu.sem_alloc : memref<!tpu.dma_semaphore, #tpu.memory_space<semaphore_mem>>
        %dma_start3A_119 = arith.constant 0 : i32
        %dma_start3A_120 = tpu.memref_slice %arg18[%add3A_63, %dma_start3A_119] : memref<10240x64xf32, #tpu.memory_space<vmem_shared>> -> memref<128x64xf32, #tpu.memory_space<vmem_shared>>
        %dma_start3A_121 = arith.constant 0 : i32
        %dma_start3A_122 = tpu.memref_slice %arg18[%add3A_63, %dma_start3A_121] : memref<10240x64xf32, #tpu.memory_space<vmem_shared>> -> memref<128x64xf32, #tpu.memory_space<vmem_shared>>
        tpu.enqueue_dma source(%dma_start3A_122 : memref<128x64xf32, #tpu.memory_space<vmem_shared>>) target(%arg16 : memref<128x64xf32, #tpu.memory_space<vmem>>) target_semaphore(%run_scoped3A : memref<!tpu.dma_semaphore, #tpu.memory_space<semaphore_mem>>)
        %dma_wait3A = arith.constant 0 : i32
        %dma_wait3A_123 = tpu.memref_slice %arg18[%add3A_63, %dma_wait3A] : memref<10240x64xf32, #tpu.memory_space<vmem_shared>> -> memref<128x64xf32, #tpu.memory_space<vmem_shared>>
        %dma_wait3A_124 = arith.constant 0 : i32
        %dma_wait3A_125 = tpu.memref_slice %arg18[%add3A_63, %dma_wait3A_124] : memref<10240x64xf32, #tpu.memory_space<vmem_shared>> -> memref<128x64xf32, #tpu.memory_space<vmem_shared>>
        tpu.wait_dma2 semaphore(%run_scoped3A : memref<!tpu.dma_semaphore, #tpu.memory_space<semaphore_mem>>) src(%dma_wait3A_125 : memref<128x64xf32, #tpu.memory_space<vmem_shared>>) dst(%arg16 : memref<128x64xf32, #tpu.memory_space<vmem>>)
        tpu.yield
      }) : () -> ()
      "tpu.region"() ({
        %run_scoped3A = tpu.sem_alloc : memref<!tpu.dma_semaphore, #tpu.memory_space<semaphore_mem>>
        %dma_start3A_119 = arith.constant 0 : i32
        %dma_start3A_120 = tpu.memref_slice %arg8[%add3A_63, %dma_start3A_119] : memref<10240x64xf32, #tpu.memory_space<hbm>> -> memref<128x64xf32, #tpu.memory_space<hbm>>
        %dma_start3A_121 = arith.constant 0 : i32
        %dma_start3A_122 = tpu.memref_slice %arg8[%add3A_63, %dma_start3A_121] : memref<10240x64xf32, #tpu.memory_space<hbm>> -> memref<128x64xf32, #tpu.memory_space<hbm>>
        tpu.enqueue_dma source(%arg16 : memref<128x64xf32, #tpu.memory_space<vmem>>) target(%dma_start3A_122 : memref<128x64xf32, #tpu.memory_space<hbm>>) target_semaphore(%run_scoped3A : memref<!tpu.dma_semaphore, #tpu.memory_space<semaphore_mem>>)
        %dma_wait3A = arith.constant 0 : i32
        %dma_wait3A_123 = tpu.memref_slice %arg8[%add3A_63, %dma_wait3A] : memref<10240x64xf32, #tpu.memory_space<hbm>> -> memref<128x64xf32, #tpu.memory_space<hbm>>
        %dma_wait3A_124 = arith.constant 0 : i32
        %dma_wait3A_125 = tpu.memref_slice %arg8[%add3A_63, %dma_wait3A_124] : memref<10240x64xf32, #tpu.memory_space<hbm>> -> memref<128x64xf32, #tpu.memory_space<hbm>>
        tpu.wait_dma2 semaphore(%run_scoped3A : memref<!tpu.dma_semaphore, #tpu.memory_space<semaphore_mem>>) src(%arg16 : memref<128x64xf32, #tpu.memory_space<vmem>>) dst(%dma_wait3A_125 : memref<128x64xf32, #tpu.memory_space<hbm>>)
        tpu.yield
      }) : () -> ()
      %mul3A_64 = arith.constant 640 : i32
      %mul3A_65 = arith.muli %arg1, %mul3A_64 : i32
      %add3A_66 = arith.constant 0 : i32
      %add3A_67 = arith.addi %mul3A_65, %add3A_66 : i32
      "tpu.region"() ({
        %run_scoped3A = tpu.sem_alloc : memref<!tpu.dma_semaphore, #tpu.memory_space<semaphore_mem>>
        %dma_start3A_119 = arith.constant 0 : i32
        %dma_start3A_120 = tpu.memref_slice %arg18[%add3A_67, %dma_start3A_119] : memref<10240x64xf32, #tpu.memory_space<vmem_shared>> -> memref<128x64xf32, #tpu.memory_space<vmem_shared>>
        %dma_start3A_121 = arith.constant 0 : i32
        %dma_start3A_122 = tpu.memref_slice %arg18[%add3A_67, %dma_start3A_121] : memref<10240x64xf32, #tpu.memory_space<vmem_shared>> -> memref<128x64xf32, #tpu.memory_space<vmem_shared>>
        tpu.enqueue_dma source(%arg17 : memref<128x64xf32, #tpu.memory_space<vmem>>) target(%dma_start3A_122 : memref<128x64xf32, #tpu.memory_space<vmem_shared>>) target_semaphore(%run_scoped3A : memref<!tpu.dma_semaphore, #tpu.memory_space<semaphore_mem>>)
        %dma_wait3A = arith.constant 0 : i32
        %dma_wait3A_123 = tpu.memref_slice %arg18[%add3A_67, %dma_wait3A] : memref<10240x64xf32, #tpu.memory_space<vmem_shared>> -> memref<128x64xf32, #tpu.memory_space<vmem_shared>>
        %dma_wait3A_124 = arith.constant 0 : i32
        %dma_wait3A_125 = tpu.memref_slice %arg18[%add3A_67, %dma_wait3A_124] : memref<10240x64xf32, #tpu.memory_space<vmem_shared>> -> memref<128x64xf32, #tpu.memory_space<vmem_shared>>
        tpu.wait_dma2 semaphore(%run_scoped3A : memref<!tpu.dma_semaphore, #tpu.memory_space<semaphore_mem>>) src(%arg17 : memref<128x64xf32, #tpu.memory_space<vmem>>) dst(%dma_wait3A_125 : memref<128x64xf32, #tpu.memory_space<vmem_shared>>)
        tpu.yield
      }) : () -> ()
      %mul3A_68 = arith.constant 640 : i32
      %mul3A_69 = arith.muli %arg1, %mul3A_68 : i32
      %add3A_70 = arith.constant 128 : i32
      %add3A_71 = arith.addi %mul3A_69, %add3A_70 : i32
      "tpu.region"() ({
        %run_scoped3A = tpu.sem_alloc : memref<!tpu.dma_semaphore, #tpu.memory_space<semaphore_mem>>
        %dma_start3A_119 = arith.constant 0 : i32
        %dma_start3A_120 = tpu.memref_slice %arg18[%add3A_71, %dma_start3A_119] : memref<10240x64xf32, #tpu.memory_space<vmem_shared>> -> memref<128x64xf32, #tpu.memory_space<vmem_shared>>
        %dma_start3A_121 = arith.constant 0 : i32
        %dma_start3A_122 = tpu.memref_slice %arg18[%add3A_71, %dma_start3A_121] : memref<10240x64xf32, #tpu.memory_space<vmem_shared>> -> memref<128x64xf32, #tpu.memory_space<vmem_shared>>
        tpu.enqueue_dma source(%arg17 : memref<128x64xf32, #tpu.memory_space<vmem>>) target(%dma_start3A_122 : memref<128x64xf32, #tpu.memory_space<vmem_shared>>) target_semaphore(%run_scoped3A : memref<!tpu.dma_semaphore, #tpu.memory_space<semaphore_mem>>)
        %dma_wait3A = arith.constant 0 : i32
        %dma_wait3A_123 = tpu.memref_slice %arg18[%add3A_71, %dma_wait3A] : memref<10240x64xf32, #tpu.memory_space<vmem_shared>> -> memref<128x64xf32, #tpu.memory_space<vmem_shared>>
        %dma_wait3A_124 = arith.constant 0 : i32
        %dma_wait3A_125 = tpu.memref_slice %arg18[%add3A_71, %dma_wait3A_124] : memref<10240x64xf32, #tpu.memory_space<vmem_shared>> -> memref<128x64xf32, #tpu.memory_space<vmem_shared>>
        tpu.wait_dma2 semaphore(%run_scoped3A : memref<!tpu.dma_semaphore, #tpu.memory_space<semaphore_mem>>) src(%arg17 : memref<128x64xf32, #tpu.memory_space<vmem>>) dst(%dma_wait3A_125 : memref<128x64xf32, #tpu.memory_space<vmem_shared>>)
        tpu.yield
      }) : () -> ()
      %mul3A_72 = arith.constant 640 : i32
      %mul3A_73 = arith.muli %arg1, %mul3A_72 : i32
      %add3A_74 = arith.constant 256 : i32
      %add3A_75 = arith.addi %mul3A_73, %add3A_74 : i32
      "tpu.region"() ({
        %run_scoped3A = tpu.sem_alloc : memref<!tpu.dma_semaphore, #tpu.memory_space<semaphore_mem>>
        %dma_start3A_119 = arith.constant 0 : i32
        %dma_start3A_120 = tpu.memref_slice %arg18[%add3A_75, %dma_start3A_119] : memref<10240x64xf32, #tpu.memory_space<vmem_shared>> -> memref<128x64xf32, #tpu.memory_space<vmem_shared>>
        %dma_start3A_121 = arith.constant 0 : i32
        %dma_start3A_122 = tpu.memref_slice %arg18[%add3A_75, %dma_start3A_121] : memref<10240x64xf32, #tpu.memory_space<vmem_shared>> -> memref<128x64xf32, #tpu.memory_space<vmem_shared>>
        tpu.enqueue_dma source(%arg17 : memref<128x64xf32, #tpu.memory_space<vmem>>) target(%dma_start3A_122 : memref<128x64xf32, #tpu.memory_space<vmem_shared>>) target_semaphore(%run_scoped3A : memref<!tpu.dma_semaphore, #tpu.memory_space<semaphore_mem>>)
        %dma_wait3A = arith.constant 0 : i32
        %dma_wait3A_123 = tpu.memref_slice %arg18[%add3A_75, %dma_wait3A] : memref<10240x64xf32, #tpu.memory_space<vmem_shared>> -> memref<128x64xf32, #tpu.memory_space<vmem_shared>>
        %dma_wait3A_124 = arith.constant 0 : i32
        %dma_wait3A_125 = tpu.memref_slice %arg18[%add3A_75, %dma_wait3A_124] : memref<10240x64xf32, #tpu.memory_space<vmem_shared>> -> memref<128x64xf32, #tpu.memory_space<vmem_shared>>
        tpu.wait_dma2 semaphore(%run_scoped3A : memref<!tpu.dma_semaphore, #tpu.memory_space<semaphore_mem>>) src(%arg17 : memref<128x64xf32, #tpu.memory_space<vmem>>) dst(%dma_wait3A_125 : memref<128x64xf32, #tpu.memory_space<vmem_shared>>)
        tpu.yield
      }) : () -> ()
      %mul3A_76 = arith.constant 640 : i32
      %mul3A_77 = arith.muli %arg1, %mul3A_76 : i32
      %add3A_78 = arith.constant 384 : i32
      %add3A_79 = arith.addi %mul3A_77, %add3A_78 : i32
      "tpu.region"() ({
        %run_scoped3A = tpu.sem_alloc : memref<!tpu.dma_semaphore, #tpu.memory_space<semaphore_mem>>
        %dma_start3A_119 = arith.constant 0 : i32
        %dma_start3A_120 = tpu.memref_slice %arg18[%add3A_79, %dma_start3A_119] : memref<10240x64xf32, #tpu.memory_space<vmem_shared>> -> memref<128x64xf32, #tpu.memory_space<vmem_shared>>
        %dma_start3A_121 = arith.constant 0 : i32
        %dma_start3A_122 = tpu.memref_slice %arg18[%add3A_79, %dma_start3A_121] : memref<10240x64xf32, #tpu.memory_space<vmem_shared>> -> memref<128x64xf32, #tpu.memory_space<vmem_shared>>
        tpu.enqueue_dma source(%arg17 : memref<128x64xf32, #tpu.memory_space<vmem>>) target(%dma_start3A_122 : memref<128x64xf32, #tpu.memory_space<vmem_shared>>) target_semaphore(%run_scoped3A : memref<!tpu.dma_semaphore, #tpu.memory_space<semaphore_mem>>)
        %dma_wait3A = arith.constant 0 : i32
        %dma_wait3A_123 = tpu.memref_slice %arg18[%add3A_79, %dma_wait3A] : memref<10240x64xf32, #tpu.memory_space<vmem_shared>> -> memref<128x64xf32, #tpu.memory_space<vmem_shared>>
        %dma_wait3A_124 = arith.constant 0 : i32
        %dma_wait3A_125 = tpu.memref_slice %arg18[%add3A_79, %dma_wait3A_124] : memref<10240x64xf32, #tpu.memory_space<vmem_shared>> -> memref<128x64xf32, #tpu.memory_space<vmem_shared>>
        tpu.wait_dma2 semaphore(%run_scoped3A : memref<!tpu.dma_semaphore, #tpu.memory_space<semaphore_mem>>) src(%arg17 : memref<128x64xf32, #tpu.memory_space<vmem>>) dst(%dma_wait3A_125 : memref<128x64xf32, #tpu.memory_space<vmem_shared>>)
        tpu.yield
      }) : () -> ()
      %mul3A_80 = arith.constant 640 : i32
      %mul3A_81 = arith.muli %arg1, %mul3A_80 : i32
      %add3A_82 = arith.constant 512 : i32
      %add3A_83 = arith.addi %mul3A_81, %add3A_82 : i32
      "tpu.region"() ({
        %run_scoped3A = tpu.sem_alloc : memref<!tpu.dma_semaphore, #tpu.memory_space<semaphore_mem>>
        %dma_start3A_119 = arith.constant 0 : i32
        %dma_start3A_120 = tpu.memref_slice %arg18[%add3A_83, %dma_start3A_119] : memref<10240x64xf32, #tpu.memory_space<vmem_shared>> -> memref<128x64xf32, #tpu.memory_space<vmem_shared>>
        %dma_start3A_121 = arith.constant 0 : i32
        %dma_start3A_122 = tpu.memref_slice %arg18[%add3A_83, %dma_start3A_121] : memref<10240x64xf32, #tpu.memory_space<vmem_shared>> -> memref<128x64xf32, #tpu.memory_space<vmem_shared>>
        tpu.enqueue_dma source(%arg17 : memref<128x64xf32, #tpu.memory_space<vmem>>) target(%dma_start3A_122 : memref<128x64xf32, #tpu.memory_space<vmem_shared>>) target_semaphore(%run_scoped3A : memref<!tpu.dma_semaphore, #tpu.memory_space<semaphore_mem>>)
        %dma_wait3A = arith.constant 0 : i32
        %dma_wait3A_123 = tpu.memref_slice %arg18[%add3A_83, %dma_wait3A] : memref<10240x64xf32, #tpu.memory_space<vmem_shared>> -> memref<128x64xf32, #tpu.memory_space<vmem_shared>>
        %dma_wait3A_124 = arith.constant 0 : i32
        %dma_wait3A_125 = tpu.memref_slice %arg18[%add3A_83, %dma_wait3A_124] : memref<10240x64xf32, #tpu.memory_space<vmem_shared>> -> memref<128x64xf32, #tpu.memory_space<vmem_shared>>
        tpu.wait_dma2 semaphore(%run_scoped3A : memref<!tpu.dma_semaphore, #tpu.memory_space<semaphore_mem>>) src(%arg17 : memref<128x64xf32, #tpu.memory_space<vmem>>) dst(%dma_wait3A_125 : memref<128x64xf32, #tpu.memory_space<vmem_shared>>)
        tpu.yield
      }) : () -> ()
      %barrier3A_84 = arith.constant 0 : index
      tpu.barrier barrier_id(%barrier3A_84)
      %dma_start3A_85 = arith.constant 0 : i32
      %dma_start3A_86 = arith.constant 0 : i32
      %dma_start3A_87 = tpu.memref_slice %arg12[%dma_start3A_85, %dma_start3A_86] : memref<160x128xi32, #tpu.memory_space<vmem>> -> memref<1x128xi32, #tpu.memory_space<vmem>>
      %dma_start3A_88 = tpu.memref_squeeze %dma_start3A_87 : memref<1x128xi32, #tpu.memory_space<vmem>> -> memref<128xi32, #tpu.memory_space<vmem>>
      %dma_start3A_89 = arith.constant 0 : i32
      %dma_start3A_90 = arith.constant 0 : i32
      %dma_start3A_91 = tpu.memref_slice %arg3[%dma_start3A_89, %dma_start3A_90] : memref<10000x64xf32, #tpu.memory_space<hbm>> -> memref<10000x64xf32, #tpu.memory_space<hbm>>
      tpu.enqueue_indirect_dma source(%dma_start3A_91 : memref<10000x64xf32, #tpu.memory_space<hbm>>) target(%arg14 : memref<128x64xf32, #tpu.memory_space<vmem>>) offsets(%dma_start3A_88 : memref<128xi32, #tpu.memory_space<vmem>>) semaphore(%arg19 : memref<!tpu.dma_semaphore, #tpu.memory_space<semaphore_mem>>)
      %scan3A_92 = arith.constant 0 : i32
      %scan3A_93 = arith.constant 0 : i32
      %scan3A_94 = arith.constant 80 : i32
      %scan3A_95 = arith.addi %scan3A_93, %scan3A_94 : i32
      %scan3A_96 = arith.constant 1 : i32
      scf.for %scan3A_119 = %scan3A_93 to %scan3A_95 step %scan3A_96  : i32 {
        %mul3A_120 = arith.constant 2 : i32
        %mul3A_121 = arith.muli %mul3A_120, %scan3A_119 : i32
        %add3A_122 = arith.constant 1 : i32
        %add3A_123 = arith.addi %mul3A_121, %add3A_122 : i32
        %dma_start3A_124 = arith.constant 0 : i32
        %dma_start3A_125 = tpu.memref_slice %arg12[%add3A_123, %dma_start3A_124] : memref<160x128xi32, #tpu.memory_space<vmem>> -> memref<1x128xi32, #tpu.memory_space<vmem>>
        %dma_start3A_126 = tpu.memref_squeeze %dma_start3A_125 : memref<1x128xi32, #tpu.memory_space<vmem>> -> memref<128xi32, #tpu.memory_space<vmem>>
        %dma_start3A_127 = arith.constant 0 : i32
        %dma_start3A_128 = arith.constant 0 : i32
        %dma_start3A_129 = tpu.memref_slice %arg3[%dma_start3A_127, %dma_start3A_128] : memref<10000x64xf32, #tpu.memory_space<hbm>> -> memref<10000x64xf32, #tpu.memory_space<hbm>>
        tpu.enqueue_indirect_dma source(%dma_start3A_129 : memref<10000x64xf32, #tpu.memory_space<hbm>>) target(%arg15 : memref<128x64xf32, #tpu.memory_space<vmem>>) offsets(%dma_start3A_126 : memref<128xi32, #tpu.memory_space<vmem>>) semaphore(%arg19 : memref<!tpu.dma_semaphore, #tpu.memory_space<semaphore_mem>>)
        %dma_wait3A = arith.constant 0 : i32
        %dma_wait3A_130 = tpu.memref_slice %arg12[%mul3A_121, %dma_wait3A] : memref<160x128xi32, #tpu.memory_space<vmem>> -> memref<1x128xi32, #tpu.memory_space<vmem>>
        %dma_wait3A_131 = tpu.memref_squeeze %dma_wait3A_130 : memref<1x128xi32, #tpu.memory_space<vmem>> -> memref<128xi32, #tpu.memory_space<vmem>>
        %dma_wait3A_132 = arith.constant 0 : i32
        %dma_wait3A_133 = arith.constant 0 : i32
        %dma_wait3A_134 = tpu.memref_slice %arg3[%dma_wait3A_132, %dma_wait3A_133] : memref<10000x64xf32, #tpu.memory_space<hbm>> -> memref<10000x64xf32, #tpu.memory_space<hbm>>
        tpu.wait_indirect_dma semaphore(%arg19 : memref<!tpu.dma_semaphore, #tpu.memory_space<semaphore_mem>>) src(%dma_wait3A_134 : memref<10000x64xf32, #tpu.memory_space<hbm>>) dst(%arg14 : memref<128x64xf32, #tpu.memory_space<vmem>>)
        "tpu.region"() ({
          %run_scoped3A = tpu.sem_alloc : memref<!tpu.dma_semaphore, #tpu.memory_space<semaphore_mem>>
          %dma_start3A_151 = arith.constant 0 : i32
          %dma_start3A_152 = tpu.memref_slice %arg13[%mul3A_121, %dma_start3A_151] : memref<160x128xi32, #tpu.memory_space<vmem>> -> memref<1x128xi32, #tpu.memory_space<vmem>>
          %dma_start3A_153 = tpu.memref_squeeze %dma_start3A_152 : memref<1x128xi32, #tpu.memory_space<vmem>> -> memref<128xi32, #tpu.memory_space<vmem>>
          %dma_start3A_154 = arith.constant 0 : i32
          %dma_start3A_155 = arith.constant 0 : i32
          %dma_start3A_156 = tpu.memref_slice %arg18[%dma_start3A_154, %dma_start3A_155] : memref<10240x64xf32, #tpu.memory_space<vmem_shared>> -> memref<10240x64xf32, #tpu.memory_space<vmem_shared>>
          tpu.enqueue_indirect_dma source(%arg14 : memref<128x64xf32, #tpu.memory_space<vmem>>) target(%dma_start3A_156 : memref<10240x64xf32, #tpu.memory_space<vmem_shared>>) offsets(%dma_start3A_153 : memref<128xi32, #tpu.memory_space<vmem>>) semaphore(%run_scoped3A : memref<!tpu.dma_semaphore, #tpu.memory_space<semaphore_mem>>) {add = true}
          %dma_wait3A_157 = arith.constant 0 : i32
          %dma_wait3A_158 = tpu.memref_slice %arg13[%mul3A_121, %dma_wait3A_157] : memref<160x128xi32, #tpu.memory_space<vmem>> -> memref<1x128xi32, #tpu.memory_space<vmem>>
          %dma_wait3A_159 = tpu.memref_squeeze %dma_wait3A_158 : memref<1x128xi32, #tpu.memory_space<vmem>> -> memref<128xi32, #tpu.memory_space<vmem>>
          %dma_wait3A_160 = arith.constant 0 : i32
          %dma_wait3A_161 = arith.constant 0 : i32
          %dma_wait3A_162 = tpu.memref_slice %arg18[%dma_wait3A_160, %dma_wait3A_161] : memref<10240x64xf32, #tpu.memory_space<vmem_shared>> -> memref<10240x64xf32, #tpu.memory_space<vmem_shared>>
          tpu.wait_indirect_dma semaphore(%run_scoped3A : memref<!tpu.dma_semaphore, #tpu.memory_space<semaphore_mem>>) src(%arg14 : memref<128x64xf32, #tpu.memory_space<vmem>>) dst(%dma_wait3A_162 : memref<10240x64xf32, #tpu.memory_space<vmem_shared>>)
          tpu.yield
        }) : () -> ()
        %add3A_135 = arith.constant 2 : i32
        %add3A_136 = arith.addi %mul3A_121, %add3A_135 : i32
        %lt3A = arith.constant 160 : i32
        %lt3A_137 = arith.cmpi slt, %add3A_136, %lt3A : i32
        %convert_element_type3A_138 = arith.extui %lt3A_137 : i1 to i32
        %cond3A_139 = arith.constant 0 : i32
        %cond3A_140 = arith.cmpi ne, %convert_element_type3A_138, %cond3A_139 : i32
        scf.if %cond3A_140 {
          %add3A_151 = arith.constant 2 : i32
          %add3A_152 = arith.addi %mul3A_121, %add3A_151 : i32
          %dma_start3A_153 = arith.constant 0 : i32
          %dma_start3A_154 = tpu.memref_slice %arg12[%add3A_152, %dma_start3A_153] : memref<160x128xi32, #tpu.memory_space<vmem>> -> memref<1x128xi32, #tpu.memory_space<vmem>>
          %dma_start3A_155 = tpu.memref_squeeze %dma_start3A_154 : memref<1x128xi32, #tpu.memory_space<vmem>> -> memref<128xi32, #tpu.memory_space<vmem>>
          %dma_start3A_156 = arith.constant 0 : i32
          %dma_start3A_157 = arith.constant 0 : i32
          %dma_start3A_158 = tpu.memref_slice %arg3[%dma_start3A_156, %dma_start3A_157] : memref<10000x64xf32, #tpu.memory_space<hbm>> -> memref<10000x64xf32, #tpu.memory_space<hbm>>
          tpu.enqueue_indirect_dma source(%dma_start3A_158 : memref<10000x64xf32, #tpu.memory_space<hbm>>) target(%arg14 : memref<128x64xf32, #tpu.memory_space<vmem>>) offsets(%dma_start3A_155 : memref<128xi32, #tpu.memory_space<vmem>>) semaphore(%arg19 : memref<!tpu.dma_semaphore, #tpu.memory_space<semaphore_mem>>)
        } else {
        }
        %add3A_141 = arith.constant 1 : i32
        %add3A_142 = arith.addi %mul3A_121, %add3A_141 : i32
        %dma_wait3A_143 = arith.constant 0 : i32
        %dma_wait3A_144 = tpu.memref_slice %arg12[%add3A_142, %dma_wait3A_143] : memref<160x128xi32, #tpu.memory_space<vmem>> -> memref<1x128xi32, #tpu.memory_space<vmem>>
        %dma_wait3A_145 = tpu.memref_squeeze %dma_wait3A_144 : memref<1x128xi32, #tpu.memory_space<vmem>> -> memref<128xi32, #tpu.memory_space<vmem>>
        %dma_wait3A_146 = arith.constant 0 : i32
        %dma_wait3A_147 = arith.constant 0 : i32
        %dma_wait3A_148 = tpu.memref_slice %arg3[%dma_wait3A_146, %dma_wait3A_147] : memref<10000x64xf32, #tpu.memory_space<hbm>> -> memref<10000x64xf32, #tpu.memory_space<hbm>>
        tpu.wait_indirect_dma semaphore(%arg19 : memref<!tpu.dma_semaphore, #tpu.memory_space<semaphore_mem>>) src(%dma_wait3A_148 : memref<10000x64xf32, #tpu.memory_space<hbm>>) dst(%arg15 : memref<128x64xf32, #tpu.memory_space<vmem>>)
        %add3A_149 = arith.constant 1 : i32
        %add3A_150 = arith.addi %mul3A_121, %add3A_149 : i32
        "tpu.region"() ({
          %run_scoped3A = tpu.sem_alloc : memref<!tpu.dma_semaphore, #tpu.memory_space<semaphore_mem>>
          %dma_start3A_151 = arith.constant 0 : i32
          %dma_start3A_152 = tpu.memref_slice %arg13[%add3A_150, %dma_start3A_151] : memref<160x128xi32, #tpu.memory_space<vmem>> -> memref<1x128xi32, #tpu.memory_space<vmem>>
          %dma_start3A_153 = tpu.memref_squeeze %dma_start3A_152 : memref<1x128xi32, #tpu.memory_space<vmem>> -> memref<128xi32, #tpu.memory_space<vmem>>
          %dma_start3A_154 = arith.constant 0 : i32
          %dma_start3A_155 = arith.constant 0 : i32
          %dma_start3A_156 = tpu.memref_slice %arg18[%dma_start3A_154, %dma_start3A_155] : memref<10240x64xf32, #tpu.memory_space<vmem_shared>> -> memref<10240x64xf32, #tpu.memory_space<vmem_shared>>
          tpu.enqueue_indirect_dma source(%arg15 : memref<128x64xf32, #tpu.memory_space<vmem>>) target(%dma_start3A_156 : memref<10240x64xf32, #tpu.memory_space<vmem_shared>>) offsets(%dma_start3A_153 : memref<128xi32, #tpu.memory_space<vmem>>) semaphore(%run_scoped3A : memref<!tpu.dma_semaphore, #tpu.memory_space<semaphore_mem>>) {add = true}
          %dma_wait3A_157 = arith.constant 0 : i32
          %dma_wait3A_158 = tpu.memref_slice %arg13[%add3A_150, %dma_wait3A_157] : memref<160x128xi32, #tpu.memory_space<vmem>> -> memref<1x128xi32, #tpu.memory_space<vmem>>
          %dma_wait3A_159 = tpu.memref_squeeze %dma_wait3A_158 : memref<1x128xi32, #tpu.memory_space<vmem>> -> memref<128xi32, #tpu.memory_space<vmem>>
          %dma_wait3A_160 = arith.constant 0 : i32
          %dma_wait3A_161 = arith.constant 0 : i32
          %dma_wait3A_162 = tpu.memref_slice %arg18[%dma_wait3A_160, %dma_wait3A_161] : memref<10240x64xf32, #tpu.memory_space<vmem_shared>> -> memref<10240x64xf32, #tpu.memory_space<vmem_shared>>
          tpu.wait_indirect_dma semaphore(%run_scoped3A : memref<!tpu.dma_semaphore, #tpu.memory_space<semaphore_mem>>) src(%arg15 : memref<128x64xf32, #tpu.memory_space<vmem>>) dst(%dma_wait3A_162 : memref<10240x64xf32, #tpu.memory_space<vmem_shared>>)
          tpu.yield
        }) : () -> ()
      }
      %scan3A_97 = arith.constant 80 : i32
      %barrier3A_98 = arith.constant 0 : index
      tpu.barrier barrier_id(%barrier3A_98)
      %mul3A_99 = arith.constant 640 : i32
      %mul3A_100 = arith.muli %arg1, %mul3A_99 : i32
      %add3A_101 = arith.constant 0 : i32
      %add3A_102 = arith.addi %mul3A_100, %add3A_101 : i32
      "tpu.region"() ({
        %run_scoped3A = tpu.sem_alloc : memref<!tpu.dma_semaphore, #tpu.memory_space<semaphore_mem>>
        %dma_start3A_119 = arith.constant 0 : i32
        %dma_start3A_120 = tpu.memref_slice %arg18[%add3A_102, %dma_start3A_119] : memref<10240x64xf32, #tpu.memory_space<vmem_shared>> -> memref<128x64xf32, #tpu.memory_space<vmem_shared>>
        %dma_start3A_121 = arith.constant 0 : i32
        %dma_start3A_122 = tpu.memref_slice %arg18[%add3A_102, %dma_start3A_121] : memref<10240x64xf32, #tpu.memory_space<vmem_shared>> -> memref<128x64xf32, #tpu.memory_space<vmem_shared>>
        tpu.enqueue_dma source(%dma_start3A_122 : memref<128x64xf32, #tpu.memory_space<vmem_shared>>) target(%arg16 : memref<128x64xf32, #tpu.memory_space<vmem>>) target_semaphore(%run_scoped3A : memref<!tpu.dma_semaphore, #tpu.memory_space<semaphore_mem>>)
        %dma_wait3A = arith.constant 0 : i32
        %dma_wait3A_123 = tpu.memref_slice %arg18[%add3A_102, %dma_wait3A] : memref<10240x64xf32, #tpu.memory_space<vmem_shared>> -> memref<128x64xf32, #tpu.memory_space<vmem_shared>>
        %dma_wait3A_124 = arith.constant 0 : i32
        %dma_wait3A_125 = tpu.memref_slice %arg18[%add3A_102, %dma_wait3A_124] : memref<10240x64xf32, #tpu.memory_space<vmem_shared>> -> memref<128x64xf32, #tpu.memory_space<vmem_shared>>
        tpu.wait_dma2 semaphore(%run_scoped3A : memref<!tpu.dma_semaphore, #tpu.memory_space<semaphore_mem>>) src(%dma_wait3A_125 : memref<128x64xf32, #tpu.memory_space<vmem_shared>>) dst(%arg16 : memref<128x64xf32, #tpu.memory_space<vmem>>)
        tpu.yield
      }) : () -> ()
      "tpu.region"() ({
        %run_scoped3A = tpu.sem_alloc : memref<!tpu.dma_semaphore, #tpu.memory_space<semaphore_mem>>
        %dma_start3A_119 = arith.constant 0 : i32
        %dma_start3A_120 = tpu.memref_slice %arg9[%add3A_102, %dma_start3A_119] : memref<10240x64xf32, #tpu.memory_space<hbm>> -> memref<128x64xf32, #tpu.memory_space<hbm>>
        %dma_start3A_121 = arith.constant 0 : i32
        %dma_start3A_122 = tpu.memref_slice %arg9[%add3A_102, %dma_start3A_121] : memref<10240x64xf32, #tpu.memory_space<hbm>> -> memref<128x64xf32, #tpu.memory_space<hbm>>
        tpu.enqueue_dma source(%arg16 : memref<128x64xf32, #tpu.memory_space<vmem>>) target(%dma_start3A_122 : memref<128x64xf32, #tpu.memory_space<hbm>>) target_semaphore(%run_scoped3A : memref<!tpu.dma_semaphore, #tpu.memory_space<semaphore_mem>>)
        %dma_wait3A = arith.constant 0 : i32
        %dma_wait3A_123 = tpu.memref_slice %arg9[%add3A_102, %dma_wait3A] : memref<10240x64xf32, #tpu.memory_space<hbm>> -> memref<128x64xf32, #tpu.memory_space<hbm>>
        %dma_wait3A_124 = arith.constant 0 : i32
        %dma_wait3A_125 = tpu.memref_slice %arg9[%add3A_102, %dma_wait3A_124] : memref<10240x64xf32, #tpu.memory_space<hbm>> -> memref<128x64xf32, #tpu.memory_space<hbm>>
        tpu.wait_dma2 semaphore(%run_scoped3A : memref<!tpu.dma_semaphore, #tpu.memory_space<semaphore_mem>>) src(%arg16 : memref<128x64xf32, #tpu.memory_space<vmem>>) dst(%dma_wait3A_125 : memref<128x64xf32, #tpu.memory_space<hbm>>)
        tpu.yield
      }) : () -> ()
      %mul3A_103 = arith.constant 640 : i32
      %mul3A_104 = arith.muli %arg1, %mul3A_103 : i32
      %add3A_105 = arith.constant 128 : i32
      %add3A_106 = arith.addi %mul3A_104, %add3A_105 : i32
      "tpu.region"() ({
        %run_scoped3A = tpu.sem_alloc : memref<!tpu.dma_semaphore, #tpu.memory_space<semaphore_mem>>
        %dma_start3A_119 = arith.constant 0 : i32
        %dma_start3A_120 = tpu.memref_slice %arg18[%add3A_106, %dma_start3A_119] : memref<10240x64xf32, #tpu.memory_space<vmem_shared>> -> memref<128x64xf32, #tpu.memory_space<vmem_shared>>
        %dma_start3A_121 = arith.constant 0 : i32
        %dma_start3A_122 = tpu.memref_slice %arg18[%add3A_106, %dma_start3A_121] : memref<10240x64xf32, #tpu.memory_space<vmem_shared>> -> memref<128x64xf32, #tpu.memory_space<vmem_shared>>
        tpu.enqueue_dma source(%dma_start3A_122 : memref<128x64xf32, #tpu.memory_space<vmem_shared>>) target(%arg16 : memref<128x64xf32, #tpu.memory_space<vmem>>) target_semaphore(%run_scoped3A : memref<!tpu.dma_semaphore, #tpu.memory_space<semaphore_mem>>)
        %dma_wait3A = arith.constant 0 : i32
        %dma_wait3A_123 = tpu.memref_slice %arg18[%add3A_106, %dma_wait3A] : memref<10240x64xf32, #tpu.memory_space<vmem_shared>> -> memref<128x64xf32, #tpu.memory_space<vmem_shared>>
        %dma_wait3A_124 = arith.constant 0 : i32
        %dma_wait3A_125 = tpu.memref_slice %arg18[%add3A_106, %dma_wait3A_124] : memref<10240x64xf32, #tpu.memory_space<vmem_shared>> -> memref<128x64xf32, #tpu.memory_space<vmem_shared>>
        tpu.wait_dma2 semaphore(%run_scoped3A : memref<!tpu.dma_semaphore, #tpu.memory_space<semaphore_mem>>) src(%dma_wait3A_125 : memref<128x64xf32, #tpu.memory_space<vmem_shared>>) dst(%arg16 : memref<128x64xf32, #tpu.memory_space<vmem>>)
        tpu.yield
      }) : () -> ()
      "tpu.region"() ({
        %run_scoped3A = tpu.sem_alloc : memref<!tpu.dma_semaphore, #tpu.memory_space<semaphore_mem>>
        %dma_start3A_119 = arith.constant 0 : i32
        %dma_start3A_120 = tpu.memref_slice %arg9[%add3A_106, %dma_start3A_119] : memref<10240x64xf32, #tpu.memory_space<hbm>> -> memref<128x64xf32, #tpu.memory_space<hbm>>
        %dma_start3A_121 = arith.constant 0 : i32
        %dma_start3A_122 = tpu.memref_slice %arg9[%add3A_106, %dma_start3A_121] : memref<10240x64xf32, #tpu.memory_space<hbm>> -> memref<128x64xf32, #tpu.memory_space<hbm>>
        tpu.enqueue_dma source(%arg16 : memref<128x64xf32, #tpu.memory_space<vmem>>) target(%dma_start3A_122 : memref<128x64xf32, #tpu.memory_space<hbm>>) target_semaphore(%run_scoped3A : memref<!tpu.dma_semaphore, #tpu.memory_space<semaphore_mem>>)
        %dma_wait3A = arith.constant 0 : i32
        %dma_wait3A_123 = tpu.memref_slice %arg9[%add3A_106, %dma_wait3A] : memref<10240x64xf32, #tpu.memory_space<hbm>> -> memref<128x64xf32, #tpu.memory_space<hbm>>
        %dma_wait3A_124 = arith.constant 0 : i32
        %dma_wait3A_125 = tpu.memref_slice %arg9[%add3A_106, %dma_wait3A_124] : memref<10240x64xf32, #tpu.memory_space<hbm>> -> memref<128x64xf32, #tpu.memory_space<hbm>>
        tpu.wait_dma2 semaphore(%run_scoped3A : memref<!tpu.dma_semaphore, #tpu.memory_space<semaphore_mem>>) src(%arg16 : memref<128x64xf32, #tpu.memory_space<vmem>>) dst(%dma_wait3A_125 : memref<128x64xf32, #tpu.memory_space<hbm>>)
        tpu.yield
      }) : () -> ()
      %mul3A_107 = arith.constant 640 : i32
      %mul3A_108 = arith.muli %arg1, %mul3A_107 : i32
      %add3A_109 = arith.constant 256 : i32
      %add3A_110 = arith.addi %mul3A_108, %add3A_109 : i32
      "tpu.region"() ({
        %run_scoped3A = tpu.sem_alloc : memref<!tpu.dma_semaphore, #tpu.memory_space<semaphore_mem>>
        %dma_start3A_119 = arith.constant 0 : i32
        %dma_start3A_120 = tpu.memref_slice %arg18[%add3A_110, %dma_start3A_119] : memref<10240x64xf32, #tpu.memory_space<vmem_shared>> -> memref<128x64xf32, #tpu.memory_space<vmem_shared>>
        %dma_start3A_121 = arith.constant 0 : i32
        %dma_start3A_122 = tpu.memref_slice %arg18[%add3A_110, %dma_start3A_121] : memref<10240x64xf32, #tpu.memory_space<vmem_shared>> -> memref<128x64xf32, #tpu.memory_space<vmem_shared>>
        tpu.enqueue_dma source(%dma_start3A_122 : memref<128x64xf32, #tpu.memory_space<vmem_shared>>) target(%arg16 : memref<128x64xf32, #tpu.memory_space<vmem>>) target_semaphore(%run_scoped3A : memref<!tpu.dma_semaphore, #tpu.memory_space<semaphore_mem>>)
        %dma_wait3A = arith.constant 0 : i32
        %dma_wait3A_123 = tpu.memref_slice %arg18[%add3A_110, %dma_wait3A] : memref<10240x64xf32, #tpu.memory_space<vmem_shared>> -> memref<128x64xf32, #tpu.memory_space<vmem_shared>>
        %dma_wait3A_124 = arith.constant 0 : i32
        %dma_wait3A_125 = tpu.memref_slice %arg18[%add3A_110, %dma_wait3A_124] : memref<10240x64xf32, #tpu.memory_space<vmem_shared>> -> memref<128x64xf32, #tpu.memory_space<vmem_shared>>
        tpu.wait_dma2 semaphore(%run_scoped3A : memref<!tpu.dma_semaphore, #tpu.memory_space<semaphore_mem>>) src(%dma_wait3A_125 : memref<128x64xf32, #tpu.memory_space<vmem_shared>>) dst(%arg16 : memref<128x64xf32, #tpu.memory_space<vmem>>)
        tpu.yield
      }) : () -> ()
      "tpu.region"() ({
        %run_scoped3A = tpu.sem_alloc : memref<!tpu.dma_semaphore, #tpu.memory_space<semaphore_mem>>
        %dma_start3A_119 = arith.constant 0 : i32
        %dma_start3A_120 = tpu.memref_slice %arg9[%add3A_110, %dma_start3A_119] : memref<10240x64xf32, #tpu.memory_space<hbm>> -> memref<128x64xf32, #tpu.memory_space<hbm>>
        %dma_start3A_121 = arith.constant 0 : i32
        %dma_start3A_122 = tpu.memref_slice %arg9[%add3A_110, %dma_start3A_121] : memref<10240x64xf32, #tpu.memory_space<hbm>> -> memref<128x64xf32, #tpu.memory_space<hbm>>
        tpu.enqueue_dma source(%arg16 : memref<128x64xf32, #tpu.memory_space<vmem>>) target(%dma_start3A_122 : memref<128x64xf32, #tpu.memory_space<hbm>>) target_semaphore(%run_scoped3A : memref<!tpu.dma_semaphore, #tpu.memory_space<semaphore_mem>>)
        %dma_wait3A = arith.constant 0 : i32
        %dma_wait3A_123 = tpu.memref_slice %arg9[%add3A_110, %dma_wait3A] : memref<10240x64xf32, #tpu.memory_space<hbm>> -> memref<128x64xf32, #tpu.memory_space<hbm>>
        %dma_wait3A_124 = arith.constant 0 : i32
        %dma_wait3A_125 = tpu.memref_slice %arg9[%add3A_110, %dma_wait3A_124] : memref<10240x64xf32, #tpu.memory_space<hbm>> -> memref<128x64xf32, #tpu.memory_space<hbm>>
        tpu.wait_dma2 semaphore(%run_scoped3A : memref<!tpu.dma_semaphore, #tpu.memory_space<semaphore_mem>>) src(%arg16 : memref<128x64xf32, #tpu.memory_space<vmem>>) dst(%dma_wait3A_125 : memref<128x64xf32, #tpu.memory_space<hbm>>)
        tpu.yield
      }) : () -> ()
      %mul3A_111 = arith.constant 640 : i32
      %mul3A_112 = arith.muli %arg1, %mul3A_111 : i32
      %add3A_113 = arith.constant 384 : i32
      %add3A_114 = arith.addi %mul3A_112, %add3A_113 : i32
      "tpu.region"() ({
        %run_scoped3A = tpu.sem_alloc : memref<!tpu.dma_semaphore, #tpu.memory_space<semaphore_mem>>
        %dma_start3A_119 = arith.constant 0 : i32
        %dma_start3A_120 = tpu.memref_slice %arg18[%add3A_114, %dma_start3A_119] : memref<10240x64xf32, #tpu.memory_space<vmem_shared>> -> memref<128x64xf32, #tpu.memory_space<vmem_shared>>
        %dma_start3A_121 = arith.constant 0 : i32
        %dma_start3A_122 = tpu.memref_slice %arg18[%add3A_114, %dma_start3A_121] : memref<10240x64xf32, #tpu.memory_space<vmem_shared>> -> memref<128x64xf32, #tpu.memory_space<vmem_shared>>
        tpu.enqueue_dma source(%dma_start3A_122 : memref<128x64xf32, #tpu.memory_space<vmem_shared>>) target(%arg16 : memref<128x64xf32, #tpu.memory_space<vmem>>) target_semaphore(%run_scoped3A : memref<!tpu.dma_semaphore, #tpu.memory_space<semaphore_mem>>)
        %dma_wait3A = arith.constant 0 : i32
        %dma_wait3A_123 = tpu.memref_slice %arg18[%add3A_114, %dma_wait3A] : memref<10240x64xf32, #tpu.memory_space<vmem_shared>> -> memref<128x64xf32, #tpu.memory_space<vmem_shared>>
        %dma_wait3A_124 = arith.constant 0 : i32
        %dma_wait3A_125 = tpu.memref_slice %arg18[%add3A_114, %dma_wait3A_124] : memref<10240x64xf32, #tpu.memory_space<vmem_shared>> -> memref<128x64xf32, #tpu.memory_space<vmem_shared>>
        tpu.wait_dma2 semaphore(%run_scoped3A : memref<!tpu.dma_semaphore, #tpu.memory_space<semaphore_mem>>) src(%dma_wait3A_125 : memref<128x64xf32, #tpu.memory_space<vmem_shared>>) dst(%arg16 : memref<128x64xf32, #tpu.memory_space<vmem>>)
        tpu.yield
      }) : () -> ()
      "tpu.region"() ({
        %run_scoped3A = tpu.sem_alloc : memref<!tpu.dma_semaphore, #tpu.memory_space<semaphore_mem>>
        %dma_start3A_119 = arith.constant 0 : i32
        %dma_start3A_120 = tpu.memref_slice %arg9[%add3A_114, %dma_start3A_119] : memref<10240x64xf32, #tpu.memory_space<hbm>> -> memref<128x64xf32, #tpu.memory_space<hbm>>
        %dma_start3A_121 = arith.constant 0 : i32
        %dma_start3A_122 = tpu.memref_slice %arg9[%add3A_114, %dma_start3A_121] : memref<10240x64xf32, #tpu.memory_space<hbm>> -> memref<128x64xf32, #tpu.memory_space<hbm>>
        tpu.enqueue_dma source(%arg16 : memref<128x64xf32, #tpu.memory_space<vmem>>) target(%dma_start3A_122 : memref<128x64xf32, #tpu.memory_space<hbm>>) target_semaphore(%run_scoped3A : memref<!tpu.dma_semaphore, #tpu.memory_space<semaphore_mem>>)
        %dma_wait3A = arith.constant 0 : i32
        %dma_wait3A_123 = tpu.memref_slice %arg9[%add3A_114, %dma_wait3A] : memref<10240x64xf32, #tpu.memory_space<hbm>> -> memref<128x64xf32, #tpu.memory_space<hbm>>
        %dma_wait3A_124 = arith.constant 0 : i32
        %dma_wait3A_125 = tpu.memref_slice %arg9[%add3A_114, %dma_wait3A_124] : memref<10240x64xf32, #tpu.memory_space<hbm>> -> memref<128x64xf32, #tpu.memory_space<hbm>>
        tpu.wait_dma2 semaphore(%run_scoped3A : memref<!tpu.dma_semaphore, #tpu.memory_space<semaphore_mem>>) src(%arg16 : memref<128x64xf32, #tpu.memory_space<vmem>>) dst(%dma_wait3A_125 : memref<128x64xf32, #tpu.memory_space<hbm>>)
        tpu.yield
      }) : () -> ()
      %mul3A_115 = arith.constant 640 : i32
      %mul3A_116 = arith.muli %arg1, %mul3A_115 : i32
      %add3A_117 = arith.constant 512 : i32
      %add3A_118 = arith.addi %mul3A_116, %add3A_117 : i32
      "tpu.region"() ({
        %run_scoped3A = tpu.sem_alloc : memref<!tpu.dma_semaphore, #tpu.memory_space<semaphore_mem>>
        %dma_start3A_119 = arith.constant 0 : i32
        %dma_start3A_120 = tpu.memref_slice %arg18[%add3A_118, %dma_start3A_119] : memref<10240x64xf32, #tpu.memory_space<vmem_shared>> -> memref<128x64xf32, #tpu.memory_space<vmem_shared>>
        %dma_start3A_121 = arith.constant 0 : i32
        %dma_start3A_122 = tpu.memref_slice %arg18[%add3A_118, %dma_start3A_121] : memref<10240x64xf32, #tpu.memory_space<vmem_shared>> -> memref<128x64xf32, #tpu.memory_space<vmem_shared>>
        tpu.enqueue_dma source(%dma_start3A_122 : memref<128x64xf32, #tpu.memory_space<vmem_shared>>) target(%arg16 : memref<128x64xf32, #tpu.memory_space<vmem>>) target_semaphore(%run_scoped3A : memref<!tpu.dma_semaphore, #tpu.memory_space<semaphore_mem>>)
        %dma_wait3A = arith.constant 0 : i32
        %dma_wait3A_123 = tpu.memref_slice %arg18[%add3A_118, %dma_wait3A] : memref<10240x64xf32, #tpu.memory_space<vmem_shared>> -> memref<128x64xf32, #tpu.memory_space<vmem_shared>>
        %dma_wait3A_124 = arith.constant 0 : i32
        %dma_wait3A_125 = tpu.memref_slice %arg18[%add3A_118, %dma_wait3A_124] : memref<10240x64xf32, #tpu.memory_space<vmem_shared>> -> memref<128x64xf32, #tpu.memory_space<vmem_shared>>
        tpu.wait_dma2 semaphore(%run_scoped3A : memref<!tpu.dma_semaphore, #tpu.memory_space<semaphore_mem>>) src(%dma_wait3A_125 : memref<128x64xf32, #tpu.memory_space<vmem_shared>>) dst(%arg16 : memref<128x64xf32, #tpu.memory_space<vmem>>)
        tpu.yield
      }) : () -> ()
      "tpu.region"() ({
        %run_scoped3A = tpu.sem_alloc : memref<!tpu.dma_semaphore, #tpu.memory_space<semaphore_mem>>
        %dma_start3A_119 = arith.constant 0 : i32
        %dma_start3A_120 = tpu.memref_slice %arg9[%add3A_118, %dma_start3A_119] : memref<10240x64xf32, #tpu.memory_space<hbm>> -> memref<128x64xf32, #tpu.memory_space<hbm>>
        %dma_start3A_121 = arith.constant 0 : i32
        %dma_start3A_122 = tpu.memref_slice %arg9[%add3A_118, %dma_start3A_121] : memref<10240x64xf32, #tpu.memory_space<hbm>> -> memref<128x64xf32, #tpu.memory_space<hbm>>
        tpu.enqueue_dma source(%arg16 : memref<128x64xf32, #tpu.memory_space<vmem>>) target(%dma_start3A_122 : memref<128x64xf32, #tpu.memory_space<hbm>>) target_semaphore(%run_scoped3A : memref<!tpu.dma_semaphore, #tpu.memory_space<semaphore_mem>>)
        %dma_wait3A = arith.constant 0 : i32
        %dma_wait3A_123 = tpu.memref_slice %arg9[%add3A_118, %dma_wait3A] : memref<10240x64xf32, #tpu.memory_space<hbm>> -> memref<128x64xf32, #tpu.memory_space<hbm>>
        %dma_wait3A_124 = arith.constant 0 : i32
        %dma_wait3A_125 = tpu.memref_slice %arg9[%add3A_118, %dma_wait3A_124] : memref<10240x64xf32, #tpu.memory_space<hbm>> -> memref<128x64xf32, #tpu.memory_space<hbm>>
        tpu.wait_dma2 semaphore(%run_scoped3A : memref<!tpu.dma_semaphore, #tpu.memory_space<semaphore_mem>>) src(%arg16 : memref<128x64xf32, #tpu.memory_space<vmem>>) dst(%dma_wait3A_125 : memref<128x64xf32, #tpu.memory_space<hbm>>)
        tpu.yield
      }) : () -> ()
    } else {
    }
    %eq3A_8 = arith.constant 1 : i32
    %eq3A_9 = arith.cmpi eq, %arg0, %eq3A_8 : i32
    %convert_element_type3A_10 = arith.extui %eq3A_9 : i1 to i32
    %cond3A_11 = arith.constant 0 : i32
    %cond3A_12 = arith.cmpi ne, %convert_element_type3A_10, %cond3A_11 : i32
    scf.if %cond3A_12 {
      %mul3A = arith.constant 640 : i32
      %mul3A_13 = arith.muli %arg1, %mul3A : i32
      %add3A = arith.constant 0 : i32
      %add3A_14 = arith.addi %mul3A_13, %add3A : i32
      "tpu.region"() ({
        %run_scoped3A = tpu.sem_alloc : memref<!tpu.dma_semaphore, #tpu.memory_space<semaphore_mem>>
        %dma_start3A_119 = arith.constant 0 : i32
        %dma_start3A_120 = tpu.memref_slice %arg18[%add3A_14, %dma_start3A_119] : memref<10240x64xf32, #tpu.memory_space<vmem_shared>> -> memref<128x64xf32, #tpu.memory_space<vmem_shared>>
        %dma_start3A_121 = arith.constant 0 : i32
        %dma_start3A_122 = tpu.memref_slice %arg18[%add3A_14, %dma_start3A_121] : memref<10240x64xf32, #tpu.memory_space<vmem_shared>> -> memref<128x64xf32, #tpu.memory_space<vmem_shared>>
        tpu.enqueue_dma source(%arg17 : memref<128x64xf32, #tpu.memory_space<vmem>>) target(%dma_start3A_122 : memref<128x64xf32, #tpu.memory_space<vmem_shared>>) target_semaphore(%run_scoped3A : memref<!tpu.dma_semaphore, #tpu.memory_space<semaphore_mem>>)
        %dma_wait3A = arith.constant 0 : i32
        %dma_wait3A_123 = tpu.memref_slice %arg18[%add3A_14, %dma_wait3A] : memref<10240x64xf32, #tpu.memory_space<vmem_shared>> -> memref<128x64xf32, #tpu.memory_space<vmem_shared>>
        %dma_wait3A_124 = arith.constant 0 : i32
        %dma_wait3A_125 = tpu.memref_slice %arg18[%add3A_14, %dma_wait3A_124] : memref<10240x64xf32, #tpu.memory_space<vmem_shared>> -> memref<128x64xf32, #tpu.memory_space<vmem_shared>>
        tpu.wait_dma2 semaphore(%run_scoped3A : memref<!tpu.dma_semaphore, #tpu.memory_space<semaphore_mem>>) src(%arg17 : memref<128x64xf32, #tpu.memory_space<vmem>>) dst(%dma_wait3A_125 : memref<128x64xf32, #tpu.memory_space<vmem_shared>>)
        tpu.yield
      }) : () -> ()
      %mul3A_15 = arith.constant 640 : i32
      %mul3A_16 = arith.muli %arg1, %mul3A_15 : i32
      %add3A_17 = arith.constant 128 : i32
      %add3A_18 = arith.addi %mul3A_16, %add3A_17 : i32
      "tpu.region"() ({
        %run_scoped3A = tpu.sem_alloc : memref<!tpu.dma_semaphore, #tpu.memory_space<semaphore_mem>>
        %dma_start3A_119 = arith.constant 0 : i32
        %dma_start3A_120 = tpu.memref_slice %arg18[%add3A_18, %dma_start3A_119] : memref<10240x64xf32, #tpu.memory_space<vmem_shared>> -> memref<128x64xf32, #tpu.memory_space<vmem_shared>>
        %dma_start3A_121 = arith.constant 0 : i32
        %dma_start3A_122 = tpu.memref_slice %arg18[%add3A_18, %dma_start3A_121] : memref<10240x64xf32, #tpu.memory_space<vmem_shared>> -> memref<128x64xf32, #tpu.memory_space<vmem_shared>>
        tpu.enqueue_dma source(%arg17 : memref<128x64xf32, #tpu.memory_space<vmem>>) target(%dma_start3A_122 : memref<128x64xf32, #tpu.memory_space<vmem_shared>>) target_semaphore(%run_scoped3A : memref<!tpu.dma_semaphore, #tpu.memory_space<semaphore_mem>>)
        %dma_wait3A = arith.constant 0 : i32
        %dma_wait3A_123 = tpu.memref_slice %arg18[%add3A_18, %dma_wait3A] : memref<10240x64xf32, #tpu.memory_space<vmem_shared>> -> memref<128x64xf32, #tpu.memory_space<vmem_shared>>
        %dma_wait3A_124 = arith.constant 0 : i32
        %dma_wait3A_125 = tpu.memref_slice %arg18[%add3A_18, %dma_wait3A_124] : memref<10240x64xf32, #tpu.memory_space<vmem_shared>> -> memref<128x64xf32, #tpu.memory_space<vmem_shared>>
        tpu.wait_dma2 semaphore(%run_scoped3A : memref<!tpu.dma_semaphore, #tpu.memory_space<semaphore_mem>>) src(%arg17 : memref<128x64xf32, #tpu.memory_space<vmem>>) dst(%dma_wait3A_125 : memref<128x64xf32, #tpu.memory_space<vmem_shared>>)
        tpu.yield
      }) : () -> ()
      %mul3A_19 = arith.constant 640 : i32
      %mul3A_20 = arith.muli %arg1, %mul3A_19 : i32
      %add3A_21 = arith.constant 256 : i32
      %add3A_22 = arith.addi %mul3A_20, %add3A_21 : i32
      "tpu.region"() ({
        %run_scoped3A = tpu.sem_alloc : memref<!tpu.dma_semaphore, #tpu.memory_space<semaphore_mem>>
        %dma_start3A_119 = arith.constant 0 : i32
        %dma_start3A_120 = tpu.memref_slice %arg18[%add3A_22, %dma_start3A_119] : memref<10240x64xf32, #tpu.memory_space<vmem_shared>> -> memref<128x64xf32, #tpu.memory_space<vmem_shared>>
        %dma_start3A_121 = arith.constant 0 : i32
        %dma_start3A_122 = tpu.memref_slice %arg18[%add3A_22, %dma_start3A_121] : memref<10240x64xf32, #tpu.memory_space<vmem_shared>> -> memref<128x64xf32, #tpu.memory_space<vmem_shared>>
        tpu.enqueue_dma source(%arg17 : memref<128x64xf32, #tpu.memory_space<vmem>>) target(%dma_start3A_122 : memref<128x64xf32, #tpu.memory_space<vmem_shared>>) target_semaphore(%run_scoped3A : memref<!tpu.dma_semaphore, #tpu.memory_space<semaphore_mem>>)
        %dma_wait3A = arith.constant 0 : i32
        %dma_wait3A_123 = tpu.memref_slice %arg18[%add3A_22, %dma_wait3A] : memref<10240x64xf32, #tpu.memory_space<vmem_shared>> -> memref<128x64xf32, #tpu.memory_space<vmem_shared>>
        %dma_wait3A_124 = arith.constant 0 : i32
        %dma_wait3A_125 = tpu.memref_slice %arg18[%add3A_22, %dma_wait3A_124] : memref<10240x64xf32, #tpu.memory_space<vmem_shared>> -> memref<128x64xf32, #tpu.memory_space<vmem_shared>>
        tpu.wait_dma2 semaphore(%run_scoped3A : memref<!tpu.dma_semaphore, #tpu.memory_space<semaphore_mem>>) src(%arg17 : memref<128x64xf32, #tpu.memory_space<vmem>>) dst(%dma_wait3A_125 : memref<128x64xf32, #tpu.memory_space<vmem_shared>>)
        tpu.yield
      }) : () -> ()
      %mul3A_23 = arith.constant 640 : i32
      %mul3A_24 = arith.muli %arg1, %mul3A_23 : i32
      %add3A_25 = arith.constant 384 : i32
      %add3A_26 = arith.addi %mul3A_24, %add3A_25 : i32
      "tpu.region"() ({
        %run_scoped3A = tpu.sem_alloc : memref<!tpu.dma_semaphore, #tpu.memory_space<semaphore_mem>>
        %dma_start3A_119 = arith.constant 0 : i32
        %dma_start3A_120 = tpu.memref_slice %arg18[%add3A_26, %dma_start3A_119] : memref<10240x64xf32, #tpu.memory_space<vmem_shared>> -> memref<128x64xf32, #tpu.memory_space<vmem_shared>>
        %dma_start3A_121 = arith.constant 0 : i32
        %dma_start3A_122 = tpu.memref_slice %arg18[%add3A_26, %dma_start3A_121] : memref<10240x64xf32, #tpu.memory_space<vmem_shared>> -> memref<128x64xf32, #tpu.memory_space<vmem_shared>>
        tpu.enqueue_dma source(%arg17 : memref<128x64xf32, #tpu.memory_space<vmem>>) target(%dma_start3A_122 : memref<128x64xf32, #tpu.memory_space<vmem_shared>>) target_semaphore(%run_scoped3A : memref<!tpu.dma_semaphore, #tpu.memory_space<semaphore_mem>>)
        %dma_wait3A = arith.constant 0 : i32
        %dma_wait3A_123 = tpu.memref_slice %arg18[%add3A_26, %dma_wait3A] : memref<10240x64xf32, #tpu.memory_space<vmem_shared>> -> memref<128x64xf32, #tpu.memory_space<vmem_shared>>
        %dma_wait3A_124 = arith.constant 0 : i32
        %dma_wait3A_125 = tpu.memref_slice %arg18[%add3A_26, %dma_wait3A_124] : memref<10240x64xf32, #tpu.memory_space<vmem_shared>> -> memref<128x64xf32, #tpu.memory_space<vmem_shared>>
        tpu.wait_dma2 semaphore(%run_scoped3A : memref<!tpu.dma_semaphore, #tpu.memory_space<semaphore_mem>>) src(%arg17 : memref<128x64xf32, #tpu.memory_space<vmem>>) dst(%dma_wait3A_125 : memref<128x64xf32, #tpu.memory_space<vmem_shared>>)
        tpu.yield
      }) : () -> ()
      %mul3A_27 = arith.constant 640 : i32
      %mul3A_28 = arith.muli %arg1, %mul3A_27 : i32
      %add3A_29 = arith.constant 512 : i32
      %add3A_30 = arith.addi %mul3A_28, %add3A_29 : i32
      "tpu.region"() ({
        %run_scoped3A = tpu.sem_alloc : memref<!tpu.dma_semaphore, #tpu.memory_space<semaphore_mem>>
        %dma_start3A_119 = arith.constant 0 : i32
        %dma_start3A_120 = tpu.memref_slice %arg18[%add3A_30, %dma_start3A_119] : memref<10240x64xf32, #tpu.memory_space<vmem_shared>> -> memref<128x64xf32, #tpu.memory_space<vmem_shared>>
        %dma_start3A_121 = arith.constant 0 : i32
        %dma_start3A_122 = tpu.memref_slice %arg18[%add3A_30, %dma_start3A_121] : memref<10240x64xf32, #tpu.memory_space<vmem_shared>> -> memref<128x64xf32, #tpu.memory_space<vmem_shared>>
        tpu.enqueue_dma source(%arg17 : memref<128x64xf32, #tpu.memory_space<vmem>>) target(%dma_start3A_122 : memref<128x64xf32, #tpu.memory_space<vmem_shared>>) target_semaphore(%run_scoped3A : memref<!tpu.dma_semaphore, #tpu.memory_space<semaphore_mem>>)
        %dma_wait3A = arith.constant 0 : i32
        %dma_wait3A_123 = tpu.memref_slice %arg18[%add3A_30, %dma_wait3A] : memref<10240x64xf32, #tpu.memory_space<vmem_shared>> -> memref<128x64xf32, #tpu.memory_space<vmem_shared>>
        %dma_wait3A_124 = arith.constant 0 : i32
        %dma_wait3A_125 = tpu.memref_slice %arg18[%add3A_30, %dma_wait3A_124] : memref<10240x64xf32, #tpu.memory_space<vmem_shared>> -> memref<128x64xf32, #tpu.memory_space<vmem_shared>>
        tpu.wait_dma2 semaphore(%run_scoped3A : memref<!tpu.dma_semaphore, #tpu.memory_space<semaphore_mem>>) src(%arg17 : memref<128x64xf32, #tpu.memory_space<vmem>>) dst(%dma_wait3A_125 : memref<128x64xf32, #tpu.memory_space<vmem_shared>>)
        tpu.yield
      }) : () -> ()
      %barrier3A = arith.constant 0 : index
      tpu.barrier barrier_id(%barrier3A)
      %dma_start3A = arith.constant 0 : i32
      %dma_start3A_31 = arith.constant 0 : i32
      %dma_start3A_32 = tpu.memref_slice %arg12[%dma_start3A, %dma_start3A_31] : memref<160x128xi32, #tpu.memory_space<vmem>> -> memref<1x128xi32, #tpu.memory_space<vmem>>
      %dma_start3A_33 = tpu.memref_squeeze %dma_start3A_32 : memref<1x128xi32, #tpu.memory_space<vmem>> -> memref<128xi32, #tpu.memory_space<vmem>>
      %dma_start3A_34 = arith.constant 0 : i32
      %dma_start3A_35 = arith.constant 0 : i32
      %dma_start3A_36 = tpu.memref_slice %arg4[%dma_start3A_34, %dma_start3A_35] : memref<10000x64xf32, #tpu.memory_space<hbm>> -> memref<10000x64xf32, #tpu.memory_space<hbm>>
      tpu.enqueue_indirect_dma source(%dma_start3A_36 : memref<10000x64xf32, #tpu.memory_space<hbm>>) target(%arg14 : memref<128x64xf32, #tpu.memory_space<vmem>>) offsets(%dma_start3A_33 : memref<128xi32, #tpu.memory_space<vmem>>) semaphore(%arg19 : memref<!tpu.dma_semaphore, #tpu.memory_space<semaphore_mem>>)
      %scan3A_37 = arith.constant 0 : i32
      %scan3A_38 = arith.constant 0 : i32
      %scan3A_39 = arith.constant 80 : i32
      %scan3A_40 = arith.addi %scan3A_38, %scan3A_39 : i32
      %scan3A_41 = arith.constant 1 : i32
      scf.for %scan3A_119 = %scan3A_38 to %scan3A_40 step %scan3A_41  : i32 {
        %mul3A_120 = arith.constant 2 : i32
        %mul3A_121 = arith.muli %mul3A_120, %scan3A_119 : i32
        %add3A_122 = arith.constant 1 : i32
        %add3A_123 = arith.addi %mul3A_121, %add3A_122 : i32
        %dma_start3A_124 = arith.constant 0 : i32
        %dma_start3A_125 = tpu.memref_slice %arg12[%add3A_123, %dma_start3A_124] : memref<160x128xi32, #tpu.memory_space<vmem>> -> memref<1x128xi32, #tpu.memory_space<vmem>>
        %dma_start3A_126 = tpu.memref_squeeze %dma_start3A_125 : memref<1x128xi32, #tpu.memory_space<vmem>> -> memref<128xi32, #tpu.memory_space<vmem>>
        %dma_start3A_127 = arith.constant 0 : i32
        %dma_start3A_128 = arith.constant 0 : i32
        %dma_start3A_129 = tpu.memref_slice %arg4[%dma_start3A_127, %dma_start3A_128] : memref<10000x64xf32, #tpu.memory_space<hbm>> -> memref<10000x64xf32, #tpu.memory_space<hbm>>
        tpu.enqueue_indirect_dma source(%dma_start3A_129 : memref<10000x64xf32, #tpu.memory_space<hbm>>) target(%arg15 : memref<128x64xf32, #tpu.memory_space<vmem>>) offsets(%dma_start3A_126 : memref<128xi32, #tpu.memory_space<vmem>>) semaphore(%arg19 : memref<!tpu.dma_semaphore, #tpu.memory_space<semaphore_mem>>)
        %dma_wait3A = arith.constant 0 : i32
        %dma_wait3A_130 = tpu.memref_slice %arg12[%mul3A_121, %dma_wait3A] : memref<160x128xi32, #tpu.memory_space<vmem>> -> memref<1x128xi32, #tpu.memory_space<vmem>>
        %dma_wait3A_131 = tpu.memref_squeeze %dma_wait3A_130 : memref<1x128xi32, #tpu.memory_space<vmem>> -> memref<128xi32, #tpu.memory_space<vmem>>
        %dma_wait3A_132 = arith.constant 0 : i32
        %dma_wait3A_133 = arith.constant 0 : i32
        %dma_wait3A_134 = tpu.memref_slice %arg4[%dma_wait3A_132, %dma_wait3A_133] : memref<10000x64xf32, #tpu.memory_space<hbm>> -> memref<10000x64xf32, #tpu.memory_space<hbm>>
        tpu.wait_indirect_dma semaphore(%arg19 : memref<!tpu.dma_semaphore, #tpu.memory_space<semaphore_mem>>) src(%dma_wait3A_134 : memref<10000x64xf32, #tpu.memory_space<hbm>>) dst(%arg14 : memref<128x64xf32, #tpu.memory_space<vmem>>)
        "tpu.region"() ({
          %run_scoped3A = tpu.sem_alloc : memref<!tpu.dma_semaphore, #tpu.memory_space<semaphore_mem>>
          %dma_start3A_151 = arith.constant 0 : i32
          %dma_start3A_152 = tpu.memref_slice %arg13[%mul3A_121, %dma_start3A_151] : memref<160x128xi32, #tpu.memory_space<vmem>> -> memref<1x128xi32, #tpu.memory_space<vmem>>
          %dma_start3A_153 = tpu.memref_squeeze %dma_start3A_152 : memref<1x128xi32, #tpu.memory_space<vmem>> -> memref<128xi32, #tpu.memory_space<vmem>>
          %dma_start3A_154 = arith.constant 0 : i32
          %dma_start3A_155 = arith.constant 0 : i32
          %dma_start3A_156 = tpu.memref_slice %arg18[%dma_start3A_154, %dma_start3A_155] : memref<10240x64xf32, #tpu.memory_space<vmem_shared>> -> memref<10240x64xf32, #tpu.memory_space<vmem_shared>>
          tpu.enqueue_indirect_dma source(%arg14 : memref<128x64xf32, #tpu.memory_space<vmem>>) target(%dma_start3A_156 : memref<10240x64xf32, #tpu.memory_space<vmem_shared>>) offsets(%dma_start3A_153 : memref<128xi32, #tpu.memory_space<vmem>>) semaphore(%run_scoped3A : memref<!tpu.dma_semaphore, #tpu.memory_space<semaphore_mem>>) {add = true}
          %dma_wait3A_157 = arith.constant 0 : i32
          %dma_wait3A_158 = tpu.memref_slice %arg13[%mul3A_121, %dma_wait3A_157] : memref<160x128xi32, #tpu.memory_space<vmem>> -> memref<1x128xi32, #tpu.memory_space<vmem>>
          %dma_wait3A_159 = tpu.memref_squeeze %dma_wait3A_158 : memref<1x128xi32, #tpu.memory_space<vmem>> -> memref<128xi32, #tpu.memory_space<vmem>>
          %dma_wait3A_160 = arith.constant 0 : i32
          %dma_wait3A_161 = arith.constant 0 : i32
          %dma_wait3A_162 = tpu.memref_slice %arg18[%dma_wait3A_160, %dma_wait3A_161] : memref<10240x64xf32, #tpu.memory_space<vmem_shared>> -> memref<10240x64xf32, #tpu.memory_space<vmem_shared>>
          tpu.wait_indirect_dma semaphore(%run_scoped3A : memref<!tpu.dma_semaphore, #tpu.memory_space<semaphore_mem>>) src(%arg14 : memref<128x64xf32, #tpu.memory_space<vmem>>) dst(%dma_wait3A_162 : memref<10240x64xf32, #tpu.memory_space<vmem_shared>>)
          tpu.yield
        }) : () -> ()
        %add3A_135 = arith.constant 2 : i32
        %add3A_136 = arith.addi %mul3A_121, %add3A_135 : i32
        %lt3A = arith.constant 160 : i32
        %lt3A_137 = arith.cmpi slt, %add3A_136, %lt3A : i32
        %convert_element_type3A_138 = arith.extui %lt3A_137 : i1 to i32
        %cond3A_139 = arith.constant 0 : i32
        %cond3A_140 = arith.cmpi ne, %convert_element_type3A_138, %cond3A_139 : i32
        scf.if %cond3A_140 {
          %add3A_151 = arith.constant 2 : i32
          %add3A_152 = arith.addi %mul3A_121, %add3A_151 : i32
          %dma_start3A_153 = arith.constant 0 : i32
          %dma_start3A_154 = tpu.memref_slice %arg12[%add3A_152, %dma_start3A_153] : memref<160x128xi32, #tpu.memory_space<vmem>> -> memref<1x128xi32, #tpu.memory_space<vmem>>
          %dma_start3A_155 = tpu.memref_squeeze %dma_start3A_154 : memref<1x128xi32, #tpu.memory_space<vmem>> -> memref<128xi32, #tpu.memory_space<vmem>>
          %dma_start3A_156 = arith.constant 0 : i32
          %dma_start3A_157 = arith.constant 0 : i32
          %dma_start3A_158 = tpu.memref_slice %arg4[%dma_start3A_156, %dma_start3A_157] : memref<10000x64xf32, #tpu.memory_space<hbm>> -> memref<10000x64xf32, #tpu.memory_space<hbm>>
          tpu.enqueue_indirect_dma source(%dma_start3A_158 : memref<10000x64xf32, #tpu.memory_space<hbm>>) target(%arg14 : memref<128x64xf32, #tpu.memory_space<vmem>>) offsets(%dma_start3A_155 : memref<128xi32, #tpu.memory_space<vmem>>) semaphore(%arg19 : memref<!tpu.dma_semaphore, #tpu.memory_space<semaphore_mem>>)
        } else {
        }
        %add3A_141 = arith.constant 1 : i32
        %add3A_142 = arith.addi %mul3A_121, %add3A_141 : i32
        %dma_wait3A_143 = arith.constant 0 : i32
        %dma_wait3A_144 = tpu.memref_slice %arg12[%add3A_142, %dma_wait3A_143] : memref<160x128xi32, #tpu.memory_space<vmem>> -> memref<1x128xi32, #tpu.memory_space<vmem>>
        %dma_wait3A_145 = tpu.memref_squeeze %dma_wait3A_144 : memref<1x128xi32, #tpu.memory_space<vmem>> -> memref<128xi32, #tpu.memory_space<vmem>>
        %dma_wait3A_146 = arith.constant 0 : i32
        %dma_wait3A_147 = arith.constant 0 : i32
        %dma_wait3A_148 = tpu.memref_slice %arg4[%dma_wait3A_146, %dma_wait3A_147] : memref<10000x64xf32, #tpu.memory_space<hbm>> -> memref<10000x64xf32, #tpu.memory_space<hbm>>
        tpu.wait_indirect_dma semaphore(%arg19 : memref<!tpu.dma_semaphore, #tpu.memory_space<semaphore_mem>>) src(%dma_wait3A_148 : memref<10000x64xf32, #tpu.memory_space<hbm>>) dst(%arg15 : memref<128x64xf32, #tpu.memory_space<vmem>>)
        %add3A_149 = arith.constant 1 : i32
        %add3A_150 = arith.addi %mul3A_121, %add3A_149 : i32
        "tpu.region"() ({
          %run_scoped3A = tpu.sem_alloc : memref<!tpu.dma_semaphore, #tpu.memory_space<semaphore_mem>>
          %dma_start3A_151 = arith.constant 0 : i32
          %dma_start3A_152 = tpu.memref_slice %arg13[%add3A_150, %dma_start3A_151] : memref<160x128xi32, #tpu.memory_space<vmem>> -> memref<1x128xi32, #tpu.memory_space<vmem>>
          %dma_start3A_153 = tpu.memref_squeeze %dma_start3A_152 : memref<1x128xi32, #tpu.memory_space<vmem>> -> memref<128xi32, #tpu.memory_space<vmem>>
          %dma_start3A_154 = arith.constant 0 : i32
          %dma_start3A_155 = arith.constant 0 : i32
          %dma_start3A_156 = tpu.memref_slice %arg18[%dma_start3A_154, %dma_start3A_155] : memref<10240x64xf32, #tpu.memory_space<vmem_shared>> -> memref<10240x64xf32, #tpu.memory_space<vmem_shared>>
          tpu.enqueue_indirect_dma source(%arg15 : memref<128x64xf32, #tpu.memory_space<vmem>>) target(%dma_start3A_156 : memref<10240x64xf32, #tpu.memory_space<vmem_shared>>) offsets(%dma_start3A_153 : memref<128xi32, #tpu.memory_space<vmem>>) semaphore(%run_scoped3A : memref<!tpu.dma_semaphore, #tpu.memory_space<semaphore_mem>>) {add = true}
          %dma_wait3A_157 = arith.constant 0 : i32
          %dma_wait3A_158 = tpu.memref_slice %arg13[%add3A_150, %dma_wait3A_157] : memref<160x128xi32, #tpu.memory_space<vmem>> -> memref<1x128xi32, #tpu.memory_space<vmem>>
          %dma_wait3A_159 = tpu.memref_squeeze %dma_wait3A_158 : memref<1x128xi32, #tpu.memory_space<vmem>> -> memref<128xi32, #tpu.memory_space<vmem>>
          %dma_wait3A_160 = arith.constant 0 : i32
          %dma_wait3A_161 = arith.constant 0 : i32
          %dma_wait3A_162 = tpu.memref_slice %arg18[%dma_wait3A_160, %dma_wait3A_161] : memref<10240x64xf32, #tpu.memory_space<vmem_shared>> -> memref<10240x64xf32, #tpu.memory_space<vmem_shared>>
          tpu.wait_indirect_dma semaphore(%run_scoped3A : memref<!tpu.dma_semaphore, #tpu.memory_space<semaphore_mem>>) src(%arg15 : memref<128x64xf32, #tpu.memory_space<vmem>>) dst(%dma_wait3A_162 : memref<10240x64xf32, #tpu.memory_space<vmem_shared>>)
          tpu.yield
        }) : () -> ()
      }
      %scan3A_42 = arith.constant 80 : i32
      %barrier3A_43 = arith.constant 0 : index
      tpu.barrier barrier_id(%barrier3A_43)
      %mul3A_44 = arith.constant 640 : i32
      %mul3A_45 = arith.muli %arg1, %mul3A_44 : i32
      %add3A_46 = arith.constant 0 : i32
      %add3A_47 = arith.addi %mul3A_45, %add3A_46 : i32
      "tpu.region"() ({
        %run_scoped3A = tpu.sem_alloc : memref<!tpu.dma_semaphore, #tpu.memory_space<semaphore_mem>>
        %dma_start3A_119 = arith.constant 0 : i32
        %dma_start3A_120 = tpu.memref_slice %arg18[%add3A_47, %dma_start3A_119] : memref<10240x64xf32, #tpu.memory_space<vmem_shared>> -> memref<128x64xf32, #tpu.memory_space<vmem_shared>>
        %dma_start3A_121 = arith.constant 0 : i32
        %dma_start3A_122 = tpu.memref_slice %arg18[%add3A_47, %dma_start3A_121] : memref<10240x64xf32, #tpu.memory_space<vmem_shared>> -> memref<128x64xf32, #tpu.memory_space<vmem_shared>>
        tpu.enqueue_dma source(%dma_start3A_122 : memref<128x64xf32, #tpu.memory_space<vmem_shared>>) target(%arg16 : memref<128x64xf32, #tpu.memory_space<vmem>>) target_semaphore(%run_scoped3A : memref<!tpu.dma_semaphore, #tpu.memory_space<semaphore_mem>>)
        %dma_wait3A = arith.constant 0 : i32
        %dma_wait3A_123 = tpu.memref_slice %arg18[%add3A_47, %dma_wait3A] : memref<10240x64xf32, #tpu.memory_space<vmem_shared>> -> memref<128x64xf32, #tpu.memory_space<vmem_shared>>
        %dma_wait3A_124 = arith.constant 0 : i32
        %dma_wait3A_125 = tpu.memref_slice %arg18[%add3A_47, %dma_wait3A_124] : memref<10240x64xf32, #tpu.memory_space<vmem_shared>> -> memref<128x64xf32, #tpu.memory_space<vmem_shared>>
        tpu.wait_dma2 semaphore(%run_scoped3A : memref<!tpu.dma_semaphore, #tpu.memory_space<semaphore_mem>>) src(%dma_wait3A_125 : memref<128x64xf32, #tpu.memory_space<vmem_shared>>) dst(%arg16 : memref<128x64xf32, #tpu.memory_space<vmem>>)
        tpu.yield
      }) : () -> ()
      "tpu.region"() ({
        %run_scoped3A = tpu.sem_alloc : memref<!tpu.dma_semaphore, #tpu.memory_space<semaphore_mem>>
        %dma_start3A_119 = arith.constant 0 : i32
        %dma_start3A_120 = tpu.memref_slice %arg10[%add3A_47, %dma_start3A_119] : memref<10240x64xf32, #tpu.memory_space<hbm>> -> memref<128x64xf32, #tpu.memory_space<hbm>>
        %dma_start3A_121 = arith.constant 0 : i32
        %dma_start3A_122 = tpu.memref_slice %arg10[%add3A_47, %dma_start3A_121] : memref<10240x64xf32, #tpu.memory_space<hbm>> -> memref<128x64xf32, #tpu.memory_space<hbm>>
        tpu.enqueue_dma source(%arg16 : memref<128x64xf32, #tpu.memory_space<vmem>>) target(%dma_start3A_122 : memref<128x64xf32, #tpu.memory_space<hbm>>) target_semaphore(%run_scoped3A : memref<!tpu.dma_semaphore, #tpu.memory_space<semaphore_mem>>)
        %dma_wait3A = arith.constant 0 : i32
        %dma_wait3A_123 = tpu.memref_slice %arg10[%add3A_47, %dma_wait3A] : memref<10240x64xf32, #tpu.memory_space<hbm>> -> memref<128x64xf32, #tpu.memory_space<hbm>>
        %dma_wait3A_124 = arith.constant 0 : i32
        %dma_wait3A_125 = tpu.memref_slice %arg10[%add3A_47, %dma_wait3A_124] : memref<10240x64xf32, #tpu.memory_space<hbm>> -> memref<128x64xf32, #tpu.memory_space<hbm>>
        tpu.wait_dma2 semaphore(%run_scoped3A : memref<!tpu.dma_semaphore, #tpu.memory_space<semaphore_mem>>) src(%arg16 : memref<128x64xf32, #tpu.memory_space<vmem>>) dst(%dma_wait3A_125 : memref<128x64xf32, #tpu.memory_space<hbm>>)
        tpu.yield
      }) : () -> ()
      %mul3A_48 = arith.constant 640 : i32
      %mul3A_49 = arith.muli %arg1, %mul3A_48 : i32
      %add3A_50 = arith.constant 128 : i32
      %add3A_51 = arith.addi %mul3A_49, %add3A_50 : i32
      "tpu.region"() ({
        %run_scoped3A = tpu.sem_alloc : memref<!tpu.dma_semaphore, #tpu.memory_space<semaphore_mem>>
        %dma_start3A_119 = arith.constant 0 : i32
        %dma_start3A_120 = tpu.memref_slice %arg18[%add3A_51, %dma_start3A_119] : memref<10240x64xf32, #tpu.memory_space<vmem_shared>> -> memref<128x64xf32, #tpu.memory_space<vmem_shared>>
        %dma_start3A_121 = arith.constant 0 : i32
        %dma_start3A_122 = tpu.memref_slice %arg18[%add3A_51, %dma_start3A_121] : memref<10240x64xf32, #tpu.memory_space<vmem_shared>> -> memref<128x64xf32, #tpu.memory_space<vmem_shared>>
        tpu.enqueue_dma source(%dma_start3A_122 : memref<128x64xf32, #tpu.memory_space<vmem_shared>>) target(%arg16 : memref<128x64xf32, #tpu.memory_space<vmem>>) target_semaphore(%run_scoped3A : memref<!tpu.dma_semaphore, #tpu.memory_space<semaphore_mem>>)
        %dma_wait3A = arith.constant 0 : i32
        %dma_wait3A_123 = tpu.memref_slice %arg18[%add3A_51, %dma_wait3A] : memref<10240x64xf32, #tpu.memory_space<vmem_shared>> -> memref<128x64xf32, #tpu.memory_space<vmem_shared>>
        %dma_wait3A_124 = arith.constant 0 : i32
        %dma_wait3A_125 = tpu.memref_slice %arg18[%add3A_51, %dma_wait3A_124] : memref<10240x64xf32, #tpu.memory_space<vmem_shared>> -> memref<128x64xf32, #tpu.memory_space<vmem_shared>>
        tpu.wait_dma2 semaphore(%run_scoped3A : memref<!tpu.dma_semaphore, #tpu.memory_space<semaphore_mem>>) src(%dma_wait3A_125 : memref<128x64xf32, #tpu.memory_space<vmem_shared>>) dst(%arg16 : memref<128x64xf32, #tpu.memory_space<vmem>>)
        tpu.yield
      }) : () -> ()
      "tpu.region"() ({
        %run_scoped3A = tpu.sem_alloc : memref<!tpu.dma_semaphore, #tpu.memory_space<semaphore_mem>>
        %dma_start3A_119 = arith.constant 0 : i32
        %dma_start3A_120 = tpu.memref_slice %arg10[%add3A_51, %dma_start3A_119] : memref<10240x64xf32, #tpu.memory_space<hbm>> -> memref<128x64xf32, #tpu.memory_space<hbm>>
        %dma_start3A_121 = arith.constant 0 : i32
        %dma_start3A_122 = tpu.memref_slice %arg10[%add3A_51, %dma_start3A_121] : memref<10240x64xf32, #tpu.memory_space<hbm>> -> memref<128x64xf32, #tpu.memory_space<hbm>>
        tpu.enqueue_dma source(%arg16 : memref<128x64xf32, #tpu.memory_space<vmem>>) target(%dma_start3A_122 : memref<128x64xf32, #tpu.memory_space<hbm>>) target_semaphore(%run_scoped3A : memref<!tpu.dma_semaphore, #tpu.memory_space<semaphore_mem>>)
        %dma_wait3A = arith.constant 0 : i32
        %dma_wait3A_123 = tpu.memref_slice %arg10[%add3A_51, %dma_wait3A] : memref<10240x64xf32, #tpu.memory_space<hbm>> -> memref<128x64xf32, #tpu.memory_space<hbm>>
        %dma_wait3A_124 = arith.constant 0 : i32
        %dma_wait3A_125 = tpu.memref_slice %arg10[%add3A_51, %dma_wait3A_124] : memref<10240x64xf32, #tpu.memory_space<hbm>> -> memref<128x64xf32, #tpu.memory_space<hbm>>
        tpu.wait_dma2 semaphore(%run_scoped3A : memref<!tpu.dma_semaphore, #tpu.memory_space<semaphore_mem>>) src(%arg16 : memref<128x64xf32, #tpu.memory_space<vmem>>) dst(%dma_wait3A_125 : memref<128x64xf32, #tpu.memory_space<hbm>>)
        tpu.yield
      }) : () -> ()
      %mul3A_52 = arith.constant 640 : i32
      %mul3A_53 = arith.muli %arg1, %mul3A_52 : i32
      %add3A_54 = arith.constant 256 : i32
      %add3A_55 = arith.addi %mul3A_53, %add3A_54 : i32
      "tpu.region"() ({
        %run_scoped3A = tpu.sem_alloc : memref<!tpu.dma_semaphore, #tpu.memory_space<semaphore_mem>>
        %dma_start3A_119 = arith.constant 0 : i32
        %dma_start3A_120 = tpu.memref_slice %arg18[%add3A_55, %dma_start3A_119] : memref<10240x64xf32, #tpu.memory_space<vmem_shared>> -> memref<128x64xf32, #tpu.memory_space<vmem_shared>>
        %dma_start3A_121 = arith.constant 0 : i32
        %dma_start3A_122 = tpu.memref_slice %arg18[%add3A_55, %dma_start3A_121] : memref<10240x64xf32, #tpu.memory_space<vmem_shared>> -> memref<128x64xf32, #tpu.memory_space<vmem_shared>>
        tpu.enqueue_dma source(%dma_start3A_122 : memref<128x64xf32, #tpu.memory_space<vmem_shared>>) target(%arg16 : memref<128x64xf32, #tpu.memory_space<vmem>>) target_semaphore(%run_scoped3A : memref<!tpu.dma_semaphore, #tpu.memory_space<semaphore_mem>>)
        %dma_wait3A = arith.constant 0 : i32
        %dma_wait3A_123 = tpu.memref_slice %arg18[%add3A_55, %dma_wait3A] : memref<10240x64xf32, #tpu.memory_space<vmem_shared>> -> memref<128x64xf32, #tpu.memory_space<vmem_shared>>
        %dma_wait3A_124 = arith.constant 0 : i32
        %dma_wait3A_125 = tpu.memref_slice %arg18[%add3A_55, %dma_wait3A_124] : memref<10240x64xf32, #tpu.memory_space<vmem_shared>> -> memref<128x64xf32, #tpu.memory_space<vmem_shared>>
        tpu.wait_dma2 semaphore(%run_scoped3A : memref<!tpu.dma_semaphore, #tpu.memory_space<semaphore_mem>>) src(%dma_wait3A_125 : memref<128x64xf32, #tpu.memory_space<vmem_shared>>) dst(%arg16 : memref<128x64xf32, #tpu.memory_space<vmem>>)
        tpu.yield
      }) : () -> ()
      "tpu.region"() ({
        %run_scoped3A = tpu.sem_alloc : memref<!tpu.dma_semaphore, #tpu.memory_space<semaphore_mem>>
        %dma_start3A_119 = arith.constant 0 : i32
        %dma_start3A_120 = tpu.memref_slice %arg10[%add3A_55, %dma_start3A_119] : memref<10240x64xf32, #tpu.memory_space<hbm>> -> memref<128x64xf32, #tpu.memory_space<hbm>>
        %dma_start3A_121 = arith.constant 0 : i32
        %dma_start3A_122 = tpu.memref_slice %arg10[%add3A_55, %dma_start3A_121] : memref<10240x64xf32, #tpu.memory_space<hbm>> -> memref<128x64xf32, #tpu.memory_space<hbm>>
        tpu.enqueue_dma source(%arg16 : memref<128x64xf32, #tpu.memory_space<vmem>>) target(%dma_start3A_122 : memref<128x64xf32, #tpu.memory_space<hbm>>) target_semaphore(%run_scoped3A : memref<!tpu.dma_semaphore, #tpu.memory_space<semaphore_mem>>)
        %dma_wait3A = arith.constant 0 : i32
        %dma_wait3A_123 = tpu.memref_slice %arg10[%add3A_55, %dma_wait3A] : memref<10240x64xf32, #tpu.memory_space<hbm>> -> memref<128x64xf32, #tpu.memory_space<hbm>>
        %dma_wait3A_124 = arith.constant 0 : i32
        %dma_wait3A_125 = tpu.memref_slice %arg10[%add3A_55, %dma_wait3A_124] : memref<10240x64xf32, #tpu.memory_space<hbm>> -> memref<128x64xf32, #tpu.memory_space<hbm>>
        tpu.wait_dma2 semaphore(%run_scoped3A : memref<!tpu.dma_semaphore, #tpu.memory_space<semaphore_mem>>) src(%arg16 : memref<128x64xf32, #tpu.memory_space<vmem>>) dst(%dma_wait3A_125 : memref<128x64xf32, #tpu.memory_space<hbm>>)
        tpu.yield
      }) : () -> ()
      %mul3A_56 = arith.constant 640 : i32
      %mul3A_57 = arith.muli %arg1, %mul3A_56 : i32
      %add3A_58 = arith.constant 384 : i32
      %add3A_59 = arith.addi %mul3A_57, %add3A_58 : i32
      "tpu.region"() ({
        %run_scoped3A = tpu.sem_alloc : memref<!tpu.dma_semaphore, #tpu.memory_space<semaphore_mem>>
        %dma_start3A_119 = arith.constant 0 : i32
        %dma_start3A_120 = tpu.memref_slice %arg18[%add3A_59, %dma_start3A_119] : memref<10240x64xf32, #tpu.memory_space<vmem_shared>> -> memref<128x64xf32, #tpu.memory_space<vmem_shared>>
        %dma_start3A_121 = arith.constant 0 : i32
        %dma_start3A_122 = tpu.memref_slice %arg18[%add3A_59, %dma_start3A_121] : memref<10240x64xf32, #tpu.memory_space<vmem_shared>> -> memref<128x64xf32, #tpu.memory_space<vmem_shared>>
        tpu.enqueue_dma source(%dma_start3A_122 : memref<128x64xf32, #tpu.memory_space<vmem_shared>>) target(%arg16 : memref<128x64xf32, #tpu.memory_space<vmem>>) target_semaphore(%run_scoped3A : memref<!tpu.dma_semaphore, #tpu.memory_space<semaphore_mem>>)
        %dma_wait3A = arith.constant 0 : i32
        %dma_wait3A_123 = tpu.memref_slice %arg18[%add3A_59, %dma_wait3A] : memref<10240x64xf32, #tpu.memory_space<vmem_shared>> -> memref<128x64xf32, #tpu.memory_space<vmem_shared>>
        %dma_wait3A_124 = arith.constant 0 : i32
        %dma_wait3A_125 = tpu.memref_slice %arg18[%add3A_59, %dma_wait3A_124] : memref<10240x64xf32, #tpu.memory_space<vmem_shared>> -> memref<128x64xf32, #tpu.memory_space<vmem_shared>>
        tpu.wait_dma2 semaphore(%run_scoped3A : memref<!tpu.dma_semaphore, #tpu.memory_space<semaphore_mem>>) src(%dma_wait3A_125 : memref<128x64xf32, #tpu.memory_space<vmem_shared>>) dst(%arg16 : memref<128x64xf32, #tpu.memory_space<vmem>>)
        tpu.yield
      }) : () -> ()
      "tpu.region"() ({
        %run_scoped3A = tpu.sem_alloc : memref<!tpu.dma_semaphore, #tpu.memory_space<semaphore_mem>>
        %dma_start3A_119 = arith.constant 0 : i32
        %dma_start3A_120 = tpu.memref_slice %arg10[%add3A_59, %dma_start3A_119] : memref<10240x64xf32, #tpu.memory_space<hbm>> -> memref<128x64xf32, #tpu.memory_space<hbm>>
        %dma_start3A_121 = arith.constant 0 : i32
        %dma_start3A_122 = tpu.memref_slice %arg10[%add3A_59, %dma_start3A_121] : memref<10240x64xf32, #tpu.memory_space<hbm>> -> memref<128x64xf32, #tpu.memory_space<hbm>>
        tpu.enqueue_dma source(%arg16 : memref<128x64xf32, #tpu.memory_space<vmem>>) target(%dma_start3A_122 : memref<128x64xf32, #tpu.memory_space<hbm>>) target_semaphore(%run_scoped3A : memref<!tpu.dma_semaphore, #tpu.memory_space<semaphore_mem>>)
        %dma_wait3A = arith.constant 0 : i32
        %dma_wait3A_123 = tpu.memref_slice %arg10[%add3A_59, %dma_wait3A] : memref<10240x64xf32, #tpu.memory_space<hbm>> -> memref<128x64xf32, #tpu.memory_space<hbm>>
        %dma_wait3A_124 = arith.constant 0 : i32
        %dma_wait3A_125 = tpu.memref_slice %arg10[%add3A_59, %dma_wait3A_124] : memref<10240x64xf32, #tpu.memory_space<hbm>> -> memref<128x64xf32, #tpu.memory_space<hbm>>
        tpu.wait_dma2 semaphore(%run_scoped3A : memref<!tpu.dma_semaphore, #tpu.memory_space<semaphore_mem>>) src(%arg16 : memref<128x64xf32, #tpu.memory_space<vmem>>) dst(%dma_wait3A_125 : memref<128x64xf32, #tpu.memory_space<hbm>>)
        tpu.yield
      }) : () -> ()
      %mul3A_60 = arith.constant 640 : i32
      %mul3A_61 = arith.muli %arg1, %mul3A_60 : i32
      %add3A_62 = arith.constant 512 : i32
      %add3A_63 = arith.addi %mul3A_61, %add3A_62 : i32
      "tpu.region"() ({
        %run_scoped3A = tpu.sem_alloc : memref<!tpu.dma_semaphore, #tpu.memory_space<semaphore_mem>>
        %dma_start3A_119 = arith.constant 0 : i32
        %dma_start3A_120 = tpu.memref_slice %arg18[%add3A_63, %dma_start3A_119] : memref<10240x64xf32, #tpu.memory_space<vmem_shared>> -> memref<128x64xf32, #tpu.memory_space<vmem_shared>>
        %dma_start3A_121 = arith.constant 0 : i32
        %dma_start3A_122 = tpu.memref_slice %arg18[%add3A_63, %dma_start3A_121] : memref<10240x64xf32, #tpu.memory_space<vmem_shared>> -> memref<128x64xf32, #tpu.memory_space<vmem_shared>>
        tpu.enqueue_dma source(%dma_start3A_122 : memref<128x64xf32, #tpu.memory_space<vmem_shared>>) target(%arg16 : memref<128x64xf32, #tpu.memory_space<vmem>>) target_semaphore(%run_scoped3A : memref<!tpu.dma_semaphore, #tpu.memory_space<semaphore_mem>>)
        %dma_wait3A = arith.constant 0 : i32
        %dma_wait3A_123 = tpu.memref_slice %arg18[%add3A_63, %dma_wait3A] : memref<10240x64xf32, #tpu.memory_space<vmem_shared>> -> memref<128x64xf32, #tpu.memory_space<vmem_shared>>
        %dma_wait3A_124 = arith.constant 0 : i32
        %dma_wait3A_125 = tpu.memref_slice %arg18[%add3A_63, %dma_wait3A_124] : memref<10240x64xf32, #tpu.memory_space<vmem_shared>> -> memref<128x64xf32, #tpu.memory_space<vmem_shared>>
        tpu.wait_dma2 semaphore(%run_scoped3A : memref<!tpu.dma_semaphore, #tpu.memory_space<semaphore_mem>>) src(%dma_wait3A_125 : memref<128x64xf32, #tpu.memory_space<vmem_shared>>) dst(%arg16 : memref<128x64xf32, #tpu.memory_space<vmem>>)
        tpu.yield
      }) : () -> ()
      "tpu.region"() ({
        %run_scoped3A = tpu.sem_alloc : memref<!tpu.dma_semaphore, #tpu.memory_space<semaphore_mem>>
        %dma_start3A_119 = arith.constant 0 : i32
        %dma_start3A_120 = tpu.memref_slice %arg10[%add3A_63, %dma_start3A_119] : memref<10240x64xf32, #tpu.memory_space<hbm>> -> memref<128x64xf32, #tpu.memory_space<hbm>>
        %dma_start3A_121 = arith.constant 0 : i32
        %dma_start3A_122 = tpu.memref_slice %arg10[%add3A_63, %dma_start3A_121] : memref<10240x64xf32, #tpu.memory_space<hbm>> -> memref<128x64xf32, #tpu.memory_space<hbm>>
        tpu.enqueue_dma source(%arg16 : memref<128x64xf32, #tpu.memory_space<vmem>>) target(%dma_start3A_122 : memref<128x64xf32, #tpu.memory_space<hbm>>) target_semaphore(%run_scoped3A : memref<!tpu.dma_semaphore, #tpu.memory_space<semaphore_mem>>)
        %dma_wait3A = arith.constant 0 : i32
        %dma_wait3A_123 = tpu.memref_slice %arg10[%add3A_63, %dma_wait3A] : memref<10240x64xf32, #tpu.memory_space<hbm>> -> memref<128x64xf32, #tpu.memory_space<hbm>>
        %dma_wait3A_124 = arith.constant 0 : i32
        %dma_wait3A_125 = tpu.memref_slice %arg10[%add3A_63, %dma_wait3A_124] : memref<10240x64xf32, #tpu.memory_space<hbm>> -> memref<128x64xf32, #tpu.memory_space<hbm>>
        tpu.wait_dma2 semaphore(%run_scoped3A : memref<!tpu.dma_semaphore, #tpu.memory_space<semaphore_mem>>) src(%arg16 : memref<128x64xf32, #tpu.memory_space<vmem>>) dst(%dma_wait3A_125 : memref<128x64xf32, #tpu.memory_space<hbm>>)
        tpu.yield
      }) : () -> ()
      %mul3A_64 = arith.constant 640 : i32
      %mul3A_65 = arith.muli %arg1, %mul3A_64 : i32
      %add3A_66 = arith.constant 0 : i32
      %add3A_67 = arith.addi %mul3A_65, %add3A_66 : i32
      "tpu.region"() ({
        %run_scoped3A = tpu.sem_alloc : memref<!tpu.dma_semaphore, #tpu.memory_space<semaphore_mem>>
        %dma_start3A_119 = arith.constant 0 : i32
        %dma_start3A_120 = tpu.memref_slice %arg18[%add3A_67, %dma_start3A_119] : memref<10240x64xf32, #tpu.memory_space<vmem_shared>> -> memref<128x64xf32, #tpu.memory_space<vmem_shared>>
        %dma_start3A_121 = arith.constant 0 : i32
        %dma_start3A_122 = tpu.memref_slice %arg18[%add3A_67, %dma_start3A_121] : memref<10240x64xf32, #tpu.memory_space<vmem_shared>> -> memref<128x64xf32, #tpu.memory_space<vmem_shared>>
        tpu.enqueue_dma source(%arg17 : memref<128x64xf32, #tpu.memory_space<vmem>>) target(%dma_start3A_122 : memref<128x64xf32, #tpu.memory_space<vmem_shared>>) target_semaphore(%run_scoped3A : memref<!tpu.dma_semaphore, #tpu.memory_space<semaphore_mem>>)
        %dma_wait3A = arith.constant 0 : i32
        %dma_wait3A_123 = tpu.memref_slice %arg18[%add3A_67, %dma_wait3A] : memref<10240x64xf32, #tpu.memory_space<vmem_shared>> -> memref<128x64xf32, #tpu.memory_space<vmem_shared>>
        %dma_wait3A_124 = arith.constant 0 : i32
        %dma_wait3A_125 = tpu.memref_slice %arg18[%add3A_67, %dma_wait3A_124] : memref<10240x64xf32, #tpu.memory_space<vmem_shared>> -> memref<128x64xf32, #tpu.memory_space<vmem_shared>>
        tpu.wait_dma2 semaphore(%run_scoped3A : memref<!tpu.dma_semaphore, #tpu.memory_space<semaphore_mem>>) src(%arg17 : memref<128x64xf32, #tpu.memory_space<vmem>>) dst(%dma_wait3A_125 : memref<128x64xf32, #tpu.memory_space<vmem_shared>>)
        tpu.yield
      }) : () -> ()
      %mul3A_68 = arith.constant 640 : i32
      %mul3A_69 = arith.muli %arg1, %mul3A_68 : i32
      %add3A_70 = arith.constant 128 : i32
      %add3A_71 = arith.addi %mul3A_69, %add3A_70 : i32
      "tpu.region"() ({
        %run_scoped3A = tpu.sem_alloc : memref<!tpu.dma_semaphore, #tpu.memory_space<semaphore_mem>>
        %dma_start3A_119 = arith.constant 0 : i32
        %dma_start3A_120 = tpu.memref_slice %arg18[%add3A_71, %dma_start3A_119] : memref<10240x64xf32, #tpu.memory_space<vmem_shared>> -> memref<128x64xf32, #tpu.memory_space<vmem_shared>>
        %dma_start3A_121 = arith.constant 0 : i32
        %dma_start3A_122 = tpu.memref_slice %arg18[%add3A_71, %dma_start3A_121] : memref<10240x64xf32, #tpu.memory_space<vmem_shared>> -> memref<128x64xf32, #tpu.memory_space<vmem_shared>>
        tpu.enqueue_dma source(%arg17 : memref<128x64xf32, #tpu.memory_space<vmem>>) target(%dma_start3A_122 : memref<128x64xf32, #tpu.memory_space<vmem_shared>>) target_semaphore(%run_scoped3A : memref<!tpu.dma_semaphore, #tpu.memory_space<semaphore_mem>>)
        %dma_wait3A = arith.constant 0 : i32
        %dma_wait3A_123 = tpu.memref_slice %arg18[%add3A_71, %dma_wait3A] : memref<10240x64xf32, #tpu.memory_space<vmem_shared>> -> memref<128x64xf32, #tpu.memory_space<vmem_shared>>
        %dma_wait3A_124 = arith.constant 0 : i32
        %dma_wait3A_125 = tpu.memref_slice %arg18[%add3A_71, %dma_wait3A_124] : memref<10240x64xf32, #tpu.memory_space<vmem_shared>> -> memref<128x64xf32, #tpu.memory_space<vmem_shared>>
        tpu.wait_dma2 semaphore(%run_scoped3A : memref<!tpu.dma_semaphore, #tpu.memory_space<semaphore_mem>>) src(%arg17 : memref<128x64xf32, #tpu.memory_space<vmem>>) dst(%dma_wait3A_125 : memref<128x64xf32, #tpu.memory_space<vmem_shared>>)
        tpu.yield
      }) : () -> ()
      %mul3A_72 = arith.constant 640 : i32
      %mul3A_73 = arith.muli %arg1, %mul3A_72 : i32
      %add3A_74 = arith.constant 256 : i32
      %add3A_75 = arith.addi %mul3A_73, %add3A_74 : i32
      "tpu.region"() ({
        %run_scoped3A = tpu.sem_alloc : memref<!tpu.dma_semaphore, #tpu.memory_space<semaphore_mem>>
        %dma_start3A_119 = arith.constant 0 : i32
        %dma_start3A_120 = tpu.memref_slice %arg18[%add3A_75, %dma_start3A_119] : memref<10240x64xf32, #tpu.memory_space<vmem_shared>> -> memref<128x64xf32, #tpu.memory_space<vmem_shared>>
        %dma_start3A_121 = arith.constant 0 : i32
        %dma_start3A_122 = tpu.memref_slice %arg18[%add3A_75, %dma_start3A_121] : memref<10240x64xf32, #tpu.memory_space<vmem_shared>> -> memref<128x64xf32, #tpu.memory_space<vmem_shared>>
        tpu.enqueue_dma source(%arg17 : memref<128x64xf32, #tpu.memory_space<vmem>>) target(%dma_start3A_122 : memref<128x64xf32, #tpu.memory_space<vmem_shared>>) target_semaphore(%run_scoped3A : memref<!tpu.dma_semaphore, #tpu.memory_space<semaphore_mem>>)
        %dma_wait3A = arith.constant 0 : i32
        %dma_wait3A_123 = tpu.memref_slice %arg18[%add3A_75, %dma_wait3A] : memref<10240x64xf32, #tpu.memory_space<vmem_shared>> -> memref<128x64xf32, #tpu.memory_space<vmem_shared>>
        %dma_wait3A_124 = arith.constant 0 : i32
        %dma_wait3A_125 = tpu.memref_slice %arg18[%add3A_75, %dma_wait3A_124] : memref<10240x64xf32, #tpu.memory_space<vmem_shared>> -> memref<128x64xf32, #tpu.memory_space<vmem_shared>>
        tpu.wait_dma2 semaphore(%run_scoped3A : memref<!tpu.dma_semaphore, #tpu.memory_space<semaphore_mem>>) src(%arg17 : memref<128x64xf32, #tpu.memory_space<vmem>>) dst(%dma_wait3A_125 : memref<128x64xf32, #tpu.memory_space<vmem_shared>>)
        tpu.yield
      }) : () -> ()
      %mul3A_76 = arith.constant 640 : i32
      %mul3A_77 = arith.muli %arg1, %mul3A_76 : i32
      %add3A_78 = arith.constant 384 : i32
      %add3A_79 = arith.addi %mul3A_77, %add3A_78 : i32
      "tpu.region"() ({
        %run_scoped3A = tpu.sem_alloc : memref<!tpu.dma_semaphore, #tpu.memory_space<semaphore_mem>>
        %dma_start3A_119 = arith.constant 0 : i32
        %dma_start3A_120 = tpu.memref_slice %arg18[%add3A_79, %dma_start3A_119] : memref<10240x64xf32, #tpu.memory_space<vmem_shared>> -> memref<128x64xf32, #tpu.memory_space<vmem_shared>>
        %dma_start3A_121 = arith.constant 0 : i32
        %dma_start3A_122 = tpu.memref_slice %arg18[%add3A_79, %dma_start3A_121] : memref<10240x64xf32, #tpu.memory_space<vmem_shared>> -> memref<128x64xf32, #tpu.memory_space<vmem_shared>>
        tpu.enqueue_dma source(%arg17 : memref<128x64xf32, #tpu.memory_space<vmem>>) target(%dma_start3A_122 : memref<128x64xf32, #tpu.memory_space<vmem_shared>>) target_semaphore(%run_scoped3A : memref<!tpu.dma_semaphore, #tpu.memory_space<semaphore_mem>>)
        %dma_wait3A = arith.constant 0 : i32
        %dma_wait3A_123 = tpu.memref_slice %arg18[%add3A_79, %dma_wait3A] : memref<10240x64xf32, #tpu.memory_space<vmem_shared>> -> memref<128x64xf32, #tpu.memory_space<vmem_shared>>
        %dma_wait3A_124 = arith.constant 0 : i32
        %dma_wait3A_125 = tpu.memref_slice %arg18[%add3A_79, %dma_wait3A_124] : memref<10240x64xf32, #tpu.memory_space<vmem_shared>> -> memref<128x64xf32, #tpu.memory_space<vmem_shared>>
        tpu.wait_dma2 semaphore(%run_scoped3A : memref<!tpu.dma_semaphore, #tpu.memory_space<semaphore_mem>>) src(%arg17 : memref<128x64xf32, #tpu.memory_space<vmem>>) dst(%dma_wait3A_125 : memref<128x64xf32, #tpu.memory_space<vmem_shared>>)
        tpu.yield
      }) : () -> ()
      %mul3A_80 = arith.constant 640 : i32
      %mul3A_81 = arith.muli %arg1, %mul3A_80 : i32
      %add3A_82 = arith.constant 512 : i32
      %add3A_83 = arith.addi %mul3A_81, %add3A_82 : i32
      "tpu.region"() ({
        %run_scoped3A = tpu.sem_alloc : memref<!tpu.dma_semaphore, #tpu.memory_space<semaphore_mem>>
        %dma_start3A_119 = arith.constant 0 : i32
        %dma_start3A_120 = tpu.memref_slice %arg18[%add3A_83, %dma_start3A_119] : memref<10240x64xf32, #tpu.memory_space<vmem_shared>> -> memref<128x64xf32, #tpu.memory_space<vmem_shared>>
        %dma_start3A_121 = arith.constant 0 : i32
        %dma_start3A_122 = tpu.memref_slice %arg18[%add3A_83, %dma_start3A_121] : memref<10240x64xf32, #tpu.memory_space<vmem_shared>> -> memref<128x64xf32, #tpu.memory_space<vmem_shared>>
        tpu.enqueue_dma source(%arg17 : memref<128x64xf32, #tpu.memory_space<vmem>>) target(%dma_start3A_122 : memref<128x64xf32, #tpu.memory_space<vmem_shared>>) target_semaphore(%run_scoped3A : memref<!tpu.dma_semaphore, #tpu.memory_space<semaphore_mem>>)
        %dma_wait3A = arith.constant 0 : i32
        %dma_wait3A_123 = tpu.memref_slice %arg18[%add3A_83, %dma_wait3A] : memref<10240x64xf32, #tpu.memory_space<vmem_shared>> -> memref<128x64xf32, #tpu.memory_space<vmem_shared>>
        %dma_wait3A_124 = arith.constant 0 : i32
        %dma_wait3A_125 = tpu.memref_slice %arg18[%add3A_83, %dma_wait3A_124] : memref<10240x64xf32, #tpu.memory_space<vmem_shared>> -> memref<128x64xf32, #tpu.memory_space<vmem_shared>>
        tpu.wait_dma2 semaphore(%run_scoped3A : memref<!tpu.dma_semaphore, #tpu.memory_space<semaphore_mem>>) src(%arg17 : memref<128x64xf32, #tpu.memory_space<vmem>>) dst(%dma_wait3A_125 : memref<128x64xf32, #tpu.memory_space<vmem_shared>>)
        tpu.yield
      }) : () -> ()
      %barrier3A_84 = arith.constant 0 : index
      tpu.barrier barrier_id(%barrier3A_84)
      %dma_start3A_85 = arith.constant 0 : i32
      %dma_start3A_86 = arith.constant 0 : i32
      %dma_start3A_87 = tpu.memref_slice %arg12[%dma_start3A_85, %dma_start3A_86] : memref<160x128xi32, #tpu.memory_space<vmem>> -> memref<1x128xi32, #tpu.memory_space<vmem>>
      %dma_start3A_88 = tpu.memref_squeeze %dma_start3A_87 : memref<1x128xi32, #tpu.memory_space<vmem>> -> memref<128xi32, #tpu.memory_space<vmem>>
      %dma_start3A_89 = arith.constant 0 : i32
      %dma_start3A_90 = arith.constant 0 : i32
      %dma_start3A_91 = tpu.memref_slice %arg5[%dma_start3A_89, %dma_start3A_90] : memref<10000x64xf32, #tpu.memory_space<hbm>> -> memref<10000x64xf32, #tpu.memory_space<hbm>>
      tpu.enqueue_indirect_dma source(%dma_start3A_91 : memref<10000x64xf32, #tpu.memory_space<hbm>>) target(%arg14 : memref<128x64xf32, #tpu.memory_space<vmem>>) offsets(%dma_start3A_88 : memref<128xi32, #tpu.memory_space<vmem>>) semaphore(%arg19 : memref<!tpu.dma_semaphore, #tpu.memory_space<semaphore_mem>>)
      %scan3A_92 = arith.constant 0 : i32
      %scan3A_93 = arith.constant 0 : i32
      %scan3A_94 = arith.constant 80 : i32
      %scan3A_95 = arith.addi %scan3A_93, %scan3A_94 : i32
      %scan3A_96 = arith.constant 1 : i32
      scf.for %scan3A_119 = %scan3A_93 to %scan3A_95 step %scan3A_96  : i32 {
        %mul3A_120 = arith.constant 2 : i32
        %mul3A_121 = arith.muli %mul3A_120, %scan3A_119 : i32
        %add3A_122 = arith.constant 1 : i32
        %add3A_123 = arith.addi %mul3A_121, %add3A_122 : i32
        %dma_start3A_124 = arith.constant 0 : i32
        %dma_start3A_125 = tpu.memref_slice %arg12[%add3A_123, %dma_start3A_124] : memref<160x128xi32, #tpu.memory_space<vmem>> -> memref<1x128xi32, #tpu.memory_space<vmem>>
        %dma_start3A_126 = tpu.memref_squeeze %dma_start3A_125 : memref<1x128xi32, #tpu.memory_space<vmem>> -> memref<128xi32, #tpu.memory_space<vmem>>
        %dma_start3A_127 = arith.constant 0 : i32
        %dma_start3A_128 = arith.constant 0 : i32
        %dma_start3A_129 = tpu.memref_slice %arg5[%dma_start3A_127, %dma_start3A_128] : memref<10000x64xf32, #tpu.memory_space<hbm>> -> memref<10000x64xf32, #tpu.memory_space<hbm>>
        tpu.enqueue_indirect_dma source(%dma_start3A_129 : memref<10000x64xf32, #tpu.memory_space<hbm>>) target(%arg15 : memref<128x64xf32, #tpu.memory_space<vmem>>) offsets(%dma_start3A_126 : memref<128xi32, #tpu.memory_space<vmem>>) semaphore(%arg19 : memref<!tpu.dma_semaphore, #tpu.memory_space<semaphore_mem>>)
        %dma_wait3A = arith.constant 0 : i32
        %dma_wait3A_130 = tpu.memref_slice %arg12[%mul3A_121, %dma_wait3A] : memref<160x128xi32, #tpu.memory_space<vmem>> -> memref<1x128xi32, #tpu.memory_space<vmem>>
        %dma_wait3A_131 = tpu.memref_squeeze %dma_wait3A_130 : memref<1x128xi32, #tpu.memory_space<vmem>> -> memref<128xi32, #tpu.memory_space<vmem>>
        %dma_wait3A_132 = arith.constant 0 : i32
        %dma_wait3A_133 = arith.constant 0 : i32
        %dma_wait3A_134 = tpu.memref_slice %arg5[%dma_wait3A_132, %dma_wait3A_133] : memref<10000x64xf32, #tpu.memory_space<hbm>> -> memref<10000x64xf32, #tpu.memory_space<hbm>>
        tpu.wait_indirect_dma semaphore(%arg19 : memref<!tpu.dma_semaphore, #tpu.memory_space<semaphore_mem>>) src(%dma_wait3A_134 : memref<10000x64xf32, #tpu.memory_space<hbm>>) dst(%arg14 : memref<128x64xf32, #tpu.memory_space<vmem>>)
        "tpu.region"() ({
          %run_scoped3A = tpu.sem_alloc : memref<!tpu.dma_semaphore, #tpu.memory_space<semaphore_mem>>
          %dma_start3A_151 = arith.constant 0 : i32
          %dma_start3A_152 = tpu.memref_slice %arg13[%mul3A_121, %dma_start3A_151] : memref<160x128xi32, #tpu.memory_space<vmem>> -> memref<1x128xi32, #tpu.memory_space<vmem>>
          %dma_start3A_153 = tpu.memref_squeeze %dma_start3A_152 : memref<1x128xi32, #tpu.memory_space<vmem>> -> memref<128xi32, #tpu.memory_space<vmem>>
          %dma_start3A_154 = arith.constant 0 : i32
          %dma_start3A_155 = arith.constant 0 : i32
          %dma_start3A_156 = tpu.memref_slice %arg18[%dma_start3A_154, %dma_start3A_155] : memref<10240x64xf32, #tpu.memory_space<vmem_shared>> -> memref<10240x64xf32, #tpu.memory_space<vmem_shared>>
          tpu.enqueue_indirect_dma source(%arg14 : memref<128x64xf32, #tpu.memory_space<vmem>>) target(%dma_start3A_156 : memref<10240x64xf32, #tpu.memory_space<vmem_shared>>) offsets(%dma_start3A_153 : memref<128xi32, #tpu.memory_space<vmem>>) semaphore(%run_scoped3A : memref<!tpu.dma_semaphore, #tpu.memory_space<semaphore_mem>>) {add = true}
          %dma_wait3A_157 = arith.constant 0 : i32
          %dma_wait3A_158 = tpu.memref_slice %arg13[%mul3A_121, %dma_wait3A_157] : memref<160x128xi32, #tpu.memory_space<vmem>> -> memref<1x128xi32, #tpu.memory_space<vmem>>
          %dma_wait3A_159 = tpu.memref_squeeze %dma_wait3A_158 : memref<1x128xi32, #tpu.memory_space<vmem>> -> memref<128xi32, #tpu.memory_space<vmem>>
          %dma_wait3A_160 = arith.constant 0 : i32
          %dma_wait3A_161 = arith.constant 0 : i32
          %dma_wait3A_162 = tpu.memref_slice %arg18[%dma_wait3A_160, %dma_wait3A_161] : memref<10240x64xf32, #tpu.memory_space<vmem_shared>> -> memref<10240x64xf32, #tpu.memory_space<vmem_shared>>
          tpu.wait_indirect_dma semaphore(%run_scoped3A : memref<!tpu.dma_semaphore, #tpu.memory_space<semaphore_mem>>) src(%arg14 : memref<128x64xf32, #tpu.memory_space<vmem>>) dst(%dma_wait3A_162 : memref<10240x64xf32, #tpu.memory_space<vmem_shared>>)
          tpu.yield
        }) : () -> ()
        %add3A_135 = arith.constant 2 : i32
        %add3A_136 = arith.addi %mul3A_121, %add3A_135 : i32
        %lt3A = arith.constant 160 : i32
        %lt3A_137 = arith.cmpi slt, %add3A_136, %lt3A : i32
        %convert_element_type3A_138 = arith.extui %lt3A_137 : i1 to i32
        %cond3A_139 = arith.constant 0 : i32
        %cond3A_140 = arith.cmpi ne, %convert_element_type3A_138, %cond3A_139 : i32
        scf.if %cond3A_140 {
          %add3A_151 = arith.constant 2 : i32
          %add3A_152 = arith.addi %mul3A_121, %add3A_151 : i32
          %dma_start3A_153 = arith.constant 0 : i32
          %dma_start3A_154 = tpu.memref_slice %arg12[%add3A_152, %dma_start3A_153] : memref<160x128xi32, #tpu.memory_space<vmem>> -> memref<1x128xi32, #tpu.memory_space<vmem>>
          %dma_start3A_155 = tpu.memref_squeeze %dma_start3A_154 : memref<1x128xi32, #tpu.memory_space<vmem>> -> memref<128xi32, #tpu.memory_space<vmem>>
          %dma_start3A_156 = arith.constant 0 : i32
          %dma_start3A_157 = arith.constant 0 : i32
          %dma_start3A_158 = tpu.memref_slice %arg5[%dma_start3A_156, %dma_start3A_157] : memref<10000x64xf32, #tpu.memory_space<hbm>> -> memref<10000x64xf32, #tpu.memory_space<hbm>>
          tpu.enqueue_indirect_dma source(%dma_start3A_158 : memref<10000x64xf32, #tpu.memory_space<hbm>>) target(%arg14 : memref<128x64xf32, #tpu.memory_space<vmem>>) offsets(%dma_start3A_155 : memref<128xi32, #tpu.memory_space<vmem>>) semaphore(%arg19 : memref<!tpu.dma_semaphore, #tpu.memory_space<semaphore_mem>>)
        } else {
        }
        %add3A_141 = arith.constant 1 : i32
        %add3A_142 = arith.addi %mul3A_121, %add3A_141 : i32
        %dma_wait3A_143 = arith.constant 0 : i32
        %dma_wait3A_144 = tpu.memref_slice %arg12[%add3A_142, %dma_wait3A_143] : memref<160x128xi32, #tpu.memory_space<vmem>> -> memref<1x128xi32, #tpu.memory_space<vmem>>
        %dma_wait3A_145 = tpu.memref_squeeze %dma_wait3A_144 : memref<1x128xi32, #tpu.memory_space<vmem>> -> memref<128xi32, #tpu.memory_space<vmem>>
        %dma_wait3A_146 = arith.constant 0 : i32
        %dma_wait3A_147 = arith.constant 0 : i32
        %dma_wait3A_148 = tpu.memref_slice %arg5[%dma_wait3A_146, %dma_wait3A_147] : memref<10000x64xf32, #tpu.memory_space<hbm>> -> memref<10000x64xf32, #tpu.memory_space<hbm>>
        tpu.wait_indirect_dma semaphore(%arg19 : memref<!tpu.dma_semaphore, #tpu.memory_space<semaphore_mem>>) src(%dma_wait3A_148 : memref<10000x64xf32, #tpu.memory_space<hbm>>) dst(%arg15 : memref<128x64xf32, #tpu.memory_space<vmem>>)
        %add3A_149 = arith.constant 1 : i32
        %add3A_150 = arith.addi %mul3A_121, %add3A_149 : i32
        "tpu.region"() ({
          %run_scoped3A = tpu.sem_alloc : memref<!tpu.dma_semaphore, #tpu.memory_space<semaphore_mem>>
          %dma_start3A_151 = arith.constant 0 : i32
          %dma_start3A_152 = tpu.memref_slice %arg13[%add3A_150, %dma_start3A_151] : memref<160x128xi32, #tpu.memory_space<vmem>> -> memref<1x128xi32, #tpu.memory_space<vmem>>
          %dma_start3A_153 = tpu.memref_squeeze %dma_start3A_152 : memref<1x128xi32, #tpu.memory_space<vmem>> -> memref<128xi32, #tpu.memory_space<vmem>>
          %dma_start3A_154 = arith.constant 0 : i32
          %dma_start3A_155 = arith.constant 0 : i32
          %dma_start3A_156 = tpu.memref_slice %arg18[%dma_start3A_154, %dma_start3A_155] : memref<10240x64xf32, #tpu.memory_space<vmem_shared>> -> memref<10240x64xf32, #tpu.memory_space<vmem_shared>>
          tpu.enqueue_indirect_dma source(%arg15 : memref<128x64xf32, #tpu.memory_space<vmem>>) target(%dma_start3A_156 : memref<10240x64xf32, #tpu.memory_space<vmem_shared>>) offsets(%dma_start3A_153 : memref<128xi32, #tpu.memory_space<vmem>>) semaphore(%run_scoped3A : memref<!tpu.dma_semaphore, #tpu.memory_space<semaphore_mem>>) {add = true}
          %dma_wait3A_157 = arith.constant 0 : i32
          %dma_wait3A_158 = tpu.memref_slice %arg13[%add3A_150, %dma_wait3A_157] : memref<160x128xi32, #tpu.memory_space<vmem>> -> memref<1x128xi32, #tpu.memory_space<vmem>>
          %dma_wait3A_159 = tpu.memref_squeeze %dma_wait3A_158 : memref<1x128xi32, #tpu.memory_space<vmem>> -> memref<128xi32, #tpu.memory_space<vmem>>
          %dma_wait3A_160 = arith.constant 0 : i32
          %dma_wait3A_161 = arith.constant 0 : i32
          %dma_wait3A_162 = tpu.memref_slice %arg18[%dma_wait3A_160, %dma_wait3A_161] : memref<10240x64xf32, #tpu.memory_space<vmem_shared>> -> memref<10240x64xf32, #tpu.memory_space<vmem_shared>>
          tpu.wait_indirect_dma semaphore(%run_scoped3A : memref<!tpu.dma_semaphore, #tpu.memory_space<semaphore_mem>>) src(%arg15 : memref<128x64xf32, #tpu.memory_space<vmem>>) dst(%dma_wait3A_162 : memref<10240x64xf32, #tpu.memory_space<vmem_shared>>)
          tpu.yield
        }) : () -> ()
      }
      %scan3A_97 = arith.constant 80 : i32
      %barrier3A_98 = arith.constant 0 : index
      tpu.barrier barrier_id(%barrier3A_98)
      %mul3A_99 = arith.constant 640 : i32
      %mul3A_100 = arith.muli %arg1, %mul3A_99 : i32
      %add3A_101 = arith.constant 0 : i32
      %add3A_102 = arith.addi %mul3A_100, %add3A_101 : i32
      "tpu.region"() ({
        %run_scoped3A = tpu.sem_alloc : memref<!tpu.dma_semaphore, #tpu.memory_space<semaphore_mem>>
        %dma_start3A_119 = arith.constant 0 : i32
        %dma_start3A_120 = tpu.memref_slice %arg18[%add3A_102, %dma_start3A_119] : memref<10240x64xf32, #tpu.memory_space<vmem_shared>> -> memref<128x64xf32, #tpu.memory_space<vmem_shared>>
        %dma_start3A_121 = arith.constant 0 : i32
        %dma_start3A_122 = tpu.memref_slice %arg18[%add3A_102, %dma_start3A_121] : memref<10240x64xf32, #tpu.memory_space<vmem_shared>> -> memref<128x64xf32, #tpu.memory_space<vmem_shared>>
        tpu.enqueue_dma source(%dma_start3A_122 : memref<128x64xf32, #tpu.memory_space<vmem_shared>>) target(%arg16 : memref<128x64xf32, #tpu.memory_space<vmem>>) target_semaphore(%run_scoped3A : memref<!tpu.dma_semaphore, #tpu.memory_space<semaphore_mem>>)
        %dma_wait3A = arith.constant 0 : i32
        %dma_wait3A_123 = tpu.memref_slice %arg18[%add3A_102, %dma_wait3A] : memref<10240x64xf32, #tpu.memory_space<vmem_shared>> -> memref<128x64xf32, #tpu.memory_space<vmem_shared>>
        %dma_wait3A_124 = arith.constant 0 : i32
        %dma_wait3A_125 = tpu.memref_slice %arg18[%add3A_102, %dma_wait3A_124] : memref<10240x64xf32, #tpu.memory_space<vmem_shared>> -> memref<128x64xf32, #tpu.memory_space<vmem_shared>>
        tpu.wait_dma2 semaphore(%run_scoped3A : memref<!tpu.dma_semaphore, #tpu.memory_space<semaphore_mem>>) src(%dma_wait3A_125 : memref<128x64xf32, #tpu.memory_space<vmem_shared>>) dst(%arg16 : memref<128x64xf32, #tpu.memory_space<vmem>>)
        tpu.yield
      }) : () -> ()
      "tpu.region"() ({
        %run_scoped3A = tpu.sem_alloc : memref<!tpu.dma_semaphore, #tpu.memory_space<semaphore_mem>>
        %dma_start3A_119 = arith.constant 0 : i32
        %dma_start3A_120 = tpu.memref_slice %arg11[%add3A_102, %dma_start3A_119] : memref<10240x64xf32, #tpu.memory_space<hbm>> -> memref<128x64xf32, #tpu.memory_space<hbm>>
        %dma_start3A_121 = arith.constant 0 : i32
        %dma_start3A_122 = tpu.memref_slice %arg11[%add3A_102, %dma_start3A_121] : memref<10240x64xf32, #tpu.memory_space<hbm>> -> memref<128x64xf32, #tpu.memory_space<hbm>>
        tpu.enqueue_dma source(%arg16 : memref<128x64xf32, #tpu.memory_space<vmem>>) target(%dma_start3A_122 : memref<128x64xf32, #tpu.memory_space<hbm>>) target_semaphore(%run_scoped3A : memref<!tpu.dma_semaphore, #tpu.memory_space<semaphore_mem>>)
        %dma_wait3A = arith.constant 0 : i32
        %dma_wait3A_123 = tpu.memref_slice %arg11[%add3A_102, %dma_wait3A] : memref<10240x64xf32, #tpu.memory_space<hbm>> -> memref<128x64xf32, #tpu.memory_space<hbm>>
        %dma_wait3A_124 = arith.constant 0 : i32
        %dma_wait3A_125 = tpu.memref_slice %arg11[%add3A_102, %dma_wait3A_124] : memref<10240x64xf32, #tpu.memory_space<hbm>> -> memref<128x64xf32, #tpu.memory_space<hbm>>
        tpu.wait_dma2 semaphore(%run_scoped3A : memref<!tpu.dma_semaphore, #tpu.memory_space<semaphore_mem>>) src(%arg16 : memref<128x64xf32, #tpu.memory_space<vmem>>) dst(%dma_wait3A_125 : memref<128x64xf32, #tpu.memory_space<hbm>>)
        tpu.yield
      }) : () -> ()
      %mul3A_103 = arith.constant 640 : i32
      %mul3A_104 = arith.muli %arg1, %mul3A_103 : i32
      %add3A_105 = arith.constant 128 : i32
      %add3A_106 = arith.addi %mul3A_104, %add3A_105 : i32
      "tpu.region"() ({
        %run_scoped3A = tpu.sem_alloc : memref<!tpu.dma_semaphore, #tpu.memory_space<semaphore_mem>>
        %dma_start3A_119 = arith.constant 0 : i32
        %dma_start3A_120 = tpu.memref_slice %arg18[%add3A_106, %dma_start3A_119] : memref<10240x64xf32, #tpu.memory_space<vmem_shared>> -> memref<128x64xf32, #tpu.memory_space<vmem_shared>>
        %dma_start3A_121 = arith.constant 0 : i32
        %dma_start3A_122 = tpu.memref_slice %arg18[%add3A_106, %dma_start3A_121] : memref<10240x64xf32, #tpu.memory_space<vmem_shared>> -> memref<128x64xf32, #tpu.memory_space<vmem_shared>>
        tpu.enqueue_dma source(%dma_start3A_122 : memref<128x64xf32, #tpu.memory_space<vmem_shared>>) target(%arg16 : memref<128x64xf32, #tpu.memory_space<vmem>>) target_semaphore(%run_scoped3A : memref<!tpu.dma_semaphore, #tpu.memory_space<semaphore_mem>>)
        %dma_wait3A = arith.constant 0 : i32
        %dma_wait3A_123 = tpu.memref_slice %arg18[%add3A_106, %dma_wait3A] : memref<10240x64xf32, #tpu.memory_space<vmem_shared>> -> memref<128x64xf32, #tpu.memory_space<vmem_shared>>
        %dma_wait3A_124 = arith.constant 0 : i32
        %dma_wait3A_125 = tpu.memref_slice %arg18[%add3A_106, %dma_wait3A_124] : memref<10240x64xf32, #tpu.memory_space<vmem_shared>> -> memref<128x64xf32, #tpu.memory_space<vmem_shared>>
        tpu.wait_dma2 semaphore(%run_scoped3A : memref<!tpu.dma_semaphore, #tpu.memory_space<semaphore_mem>>) src(%dma_wait3A_125 : memref<128x64xf32, #tpu.memory_space<vmem_shared>>) dst(%arg16 : memref<128x64xf32, #tpu.memory_space<vmem>>)
        tpu.yield
      }) : () -> ()
      "tpu.region"() ({
        %run_scoped3A = tpu.sem_alloc : memref<!tpu.dma_semaphore, #tpu.memory_space<semaphore_mem>>
        %dma_start3A_119 = arith.constant 0 : i32
        %dma_start3A_120 = tpu.memref_slice %arg11[%add3A_106, %dma_start3A_119] : memref<10240x64xf32, #tpu.memory_space<hbm>> -> memref<128x64xf32, #tpu.memory_space<hbm>>
        %dma_start3A_121 = arith.constant 0 : i32
        %dma_start3A_122 = tpu.memref_slice %arg11[%add3A_106, %dma_start3A_121] : memref<10240x64xf32, #tpu.memory_space<hbm>> -> memref<128x64xf32, #tpu.memory_space<hbm>>
        tpu.enqueue_dma source(%arg16 : memref<128x64xf32, #tpu.memory_space<vmem>>) target(%dma_start3A_122 : memref<128x64xf32, #tpu.memory_space<hbm>>) target_semaphore(%run_scoped3A : memref<!tpu.dma_semaphore, #tpu.memory_space<semaphore_mem>>)
        %dma_wait3A = arith.constant 0 : i32
        %dma_wait3A_123 = tpu.memref_slice %arg11[%add3A_106, %dma_wait3A] : memref<10240x64xf32, #tpu.memory_space<hbm>> -> memref<128x64xf32, #tpu.memory_space<hbm>>
        %dma_wait3A_124 = arith.constant 0 : i32
        %dma_wait3A_125 = tpu.memref_slice %arg11[%add3A_106, %dma_wait3A_124] : memref<10240x64xf32, #tpu.memory_space<hbm>> -> memref<128x64xf32, #tpu.memory_space<hbm>>
        tpu.wait_dma2 semaphore(%run_scoped3A : memref<!tpu.dma_semaphore, #tpu.memory_space<semaphore_mem>>) src(%arg16 : memref<128x64xf32, #tpu.memory_space<vmem>>) dst(%dma_wait3A_125 : memref<128x64xf32, #tpu.memory_space<hbm>>)
        tpu.yield
      }) : () -> ()
      %mul3A_107 = arith.constant 640 : i32
      %mul3A_108 = arith.muli %arg1, %mul3A_107 : i32
      %add3A_109 = arith.constant 256 : i32
      %add3A_110 = arith.addi %mul3A_108, %add3A_109 : i32
      "tpu.region"() ({
        %run_scoped3A = tpu.sem_alloc : memref<!tpu.dma_semaphore, #tpu.memory_space<semaphore_mem>>
        %dma_start3A_119 = arith.constant 0 : i32
        %dma_start3A_120 = tpu.memref_slice %arg18[%add3A_110, %dma_start3A_119] : memref<10240x64xf32, #tpu.memory_space<vmem_shared>> -> memref<128x64xf32, #tpu.memory_space<vmem_shared>>
        %dma_start3A_121 = arith.constant 0 : i32
        %dma_start3A_122 = tpu.memref_slice %arg18[%add3A_110, %dma_start3A_121] : memref<10240x64xf32, #tpu.memory_space<vmem_shared>> -> memref<128x64xf32, #tpu.memory_space<vmem_shared>>
        tpu.enqueue_dma source(%dma_start3A_122 : memref<128x64xf32, #tpu.memory_space<vmem_shared>>) target(%arg16 : memref<128x64xf32, #tpu.memory_space<vmem>>) target_semaphore(%run_scoped3A : memref<!tpu.dma_semaphore, #tpu.memory_space<semaphore_mem>>)
        %dma_wait3A = arith.constant 0 : i32
        %dma_wait3A_123 = tpu.memref_slice %arg18[%add3A_110, %dma_wait3A] : memref<10240x64xf32, #tpu.memory_space<vmem_shared>> -> memref<128x64xf32, #tpu.memory_space<vmem_shared>>
        %dma_wait3A_124 = arith.constant 0 : i32
        %dma_wait3A_125 = tpu.memref_slice %arg18[%add3A_110, %dma_wait3A_124] : memref<10240x64xf32, #tpu.memory_space<vmem_shared>> -> memref<128x64xf32, #tpu.memory_space<vmem_shared>>
        tpu.wait_dma2 semaphore(%run_scoped3A : memref<!tpu.dma_semaphore, #tpu.memory_space<semaphore_mem>>) src(%dma_wait3A_125 : memref<128x64xf32, #tpu.memory_space<vmem_shared>>) dst(%arg16 : memref<128x64xf32, #tpu.memory_space<vmem>>)
        tpu.yield
      }) : () -> ()
      "tpu.region"() ({
        %run_scoped3A = tpu.sem_alloc : memref<!tpu.dma_semaphore, #tpu.memory_space<semaphore_mem>>
        %dma_start3A_119 = arith.constant 0 : i32
        %dma_start3A_120 = tpu.memref_slice %arg11[%add3A_110, %dma_start3A_119] : memref<10240x64xf32, #tpu.memory_space<hbm>> -> memref<128x64xf32, #tpu.memory_space<hbm>>
        %dma_start3A_121 = arith.constant 0 : i32
        %dma_start3A_122 = tpu.memref_slice %arg11[%add3A_110, %dma_start3A_121] : memref<10240x64xf32, #tpu.memory_space<hbm>> -> memref<128x64xf32, #tpu.memory_space<hbm>>
        tpu.enqueue_dma source(%arg16 : memref<128x64xf32, #tpu.memory_space<vmem>>) target(%dma_start3A_122 : memref<128x64xf32, #tpu.memory_space<hbm>>) target_semaphore(%run_scoped3A : memref<!tpu.dma_semaphore, #tpu.memory_space<semaphore_mem>>)
        %dma_wait3A = arith.constant 0 : i32
        %dma_wait3A_123 = tpu.memref_slice %arg11[%add3A_110, %dma_wait3A] : memref<10240x64xf32, #tpu.memory_space<hbm>> -> memref<128x64xf32, #tpu.memory_space<hbm>>
        %dma_wait3A_124 = arith.constant 0 : i32
        %dma_wait3A_125 = tpu.memref_slice %arg11[%add3A_110, %dma_wait3A_124] : memref<10240x64xf32, #tpu.memory_space<hbm>> -> memref<128x64xf32, #tpu.memory_space<hbm>>
        tpu.wait_dma2 semaphore(%run_scoped3A : memref<!tpu.dma_semaphore, #tpu.memory_space<semaphore_mem>>) src(%arg16 : memref<128x64xf32, #tpu.memory_space<vmem>>) dst(%dma_wait3A_125 : memref<128x64xf32, #tpu.memory_space<hbm>>)
        tpu.yield
      }) : () -> ()
      %mul3A_111 = arith.constant 640 : i32
      %mul3A_112 = arith.muli %arg1, %mul3A_111 : i32
      %add3A_113 = arith.constant 384 : i32
      %add3A_114 = arith.addi %mul3A_112, %add3A_113 : i32
      "tpu.region"() ({
        %run_scoped3A = tpu.sem_alloc : memref<!tpu.dma_semaphore, #tpu.memory_space<semaphore_mem>>
        %dma_start3A_119 = arith.constant 0 : i32
        %dma_start3A_120 = tpu.memref_slice %arg18[%add3A_114, %dma_start3A_119] : memref<10240x64xf32, #tpu.memory_space<vmem_shared>> -> memref<128x64xf32, #tpu.memory_space<vmem_shared>>
        %dma_start3A_121 = arith.constant 0 : i32
        %dma_start3A_122 = tpu.memref_slice %arg18[%add3A_114, %dma_start3A_121] : memref<10240x64xf32, #tpu.memory_space<vmem_shared>> -> memref<128x64xf32, #tpu.memory_space<vmem_shared>>
        tpu.enqueue_dma source(%dma_start3A_122 : memref<128x64xf32, #tpu.memory_space<vmem_shared>>) target(%arg16 : memref<128x64xf32, #tpu.memory_space<vmem>>) target_semaphore(%run_scoped3A : memref<!tpu.dma_semaphore, #tpu.memory_space<semaphore_mem>>)
        %dma_wait3A = arith.constant 0 : i32
        %dma_wait3A_123 = tpu.memref_slice %arg18[%add3A_114, %dma_wait3A] : memref<10240x64xf32, #tpu.memory_space<vmem_shared>> -> memref<128x64xf32, #tpu.memory_space<vmem_shared>>
        %dma_wait3A_124 = arith.constant 0 : i32
        %dma_wait3A_125 = tpu.memref_slice %arg18[%add3A_114, %dma_wait3A_124] : memref<10240x64xf32, #tpu.memory_space<vmem_shared>> -> memref<128x64xf32, #tpu.memory_space<vmem_shared>>
        tpu.wait_dma2 semaphore(%run_scoped3A : memref<!tpu.dma_semaphore, #tpu.memory_space<semaphore_mem>>) src(%dma_wait3A_125 : memref<128x64xf32, #tpu.memory_space<vmem_shared>>) dst(%arg16 : memref<128x64xf32, #tpu.memory_space<vmem>>)
        tpu.yield
      }) : () -> ()
      "tpu.region"() ({
        %run_scoped3A = tpu.sem_alloc : memref<!tpu.dma_semaphore, #tpu.memory_space<semaphore_mem>>
        %dma_start3A_119 = arith.constant 0 : i32
        %dma_start3A_120 = tpu.memref_slice %arg11[%add3A_114, %dma_start3A_119] : memref<10240x64xf32, #tpu.memory_space<hbm>> -> memref<128x64xf32, #tpu.memory_space<hbm>>
        %dma_start3A_121 = arith.constant 0 : i32
        %dma_start3A_122 = tpu.memref_slice %arg11[%add3A_114, %dma_start3A_121] : memref<10240x64xf32, #tpu.memory_space<hbm>> -> memref<128x64xf32, #tpu.memory_space<hbm>>
        tpu.enqueue_dma source(%arg16 : memref<128x64xf32, #tpu.memory_space<vmem>>) target(%dma_start3A_122 : memref<128x64xf32, #tpu.memory_space<hbm>>) target_semaphore(%run_scoped3A : memref<!tpu.dma_semaphore, #tpu.memory_space<semaphore_mem>>)
        %dma_wait3A = arith.constant 0 : i32
        %dma_wait3A_123 = tpu.memref_slice %arg11[%add3A_114, %dma_wait3A] : memref<10240x64xf32, #tpu.memory_space<hbm>> -> memref<128x64xf32, #tpu.memory_space<hbm>>
        %dma_wait3A_124 = arith.constant 0 : i32
        %dma_wait3A_125 = tpu.memref_slice %arg11[%add3A_114, %dma_wait3A_124] : memref<10240x64xf32, #tpu.memory_space<hbm>> -> memref<128x64xf32, #tpu.memory_space<hbm>>
        tpu.wait_dma2 semaphore(%run_scoped3A : memref<!tpu.dma_semaphore, #tpu.memory_space<semaphore_mem>>) src(%arg16 : memref<128x64xf32, #tpu.memory_space<vmem>>) dst(%dma_wait3A_125 : memref<128x64xf32, #tpu.memory_space<hbm>>)
        tpu.yield
      }) : () -> ()
      %mul3A_115 = arith.constant 640 : i32
      %mul3A_116 = arith.muli %arg1, %mul3A_115 : i32
      %add3A_117 = arith.constant 512 : i32
      %add3A_118 = arith.addi %mul3A_116, %add3A_117 : i32
      "tpu.region"() ({
        %run_scoped3A = tpu.sem_alloc : memref<!tpu.dma_semaphore, #tpu.memory_space<semaphore_mem>>
        %dma_start3A_119 = arith.constant 0 : i32
        %dma_start3A_120 = tpu.memref_slice %arg18[%add3A_118, %dma_start3A_119] : memref<10240x64xf32, #tpu.memory_space<vmem_shared>> -> memref<128x64xf32, #tpu.memory_space<vmem_shared>>
        %dma_start3A_121 = arith.constant 0 : i32
        %dma_start3A_122 = tpu.memref_slice %arg18[%add3A_118, %dma_start3A_121] : memref<10240x64xf32, #tpu.memory_space<vmem_shared>> -> memref<128x64xf32, #tpu.memory_space<vmem_shared>>
        tpu.enqueue_dma source(%dma_start3A_122 : memref<128x64xf32, #tpu.memory_space<vmem_shared>>) target(%arg16 : memref<128x64xf32, #tpu.memory_space<vmem>>) target_semaphore(%run_scoped3A : memref<!tpu.dma_semaphore, #tpu.memory_space<semaphore_mem>>)
        %dma_wait3A = arith.constant 0 : i32
        %dma_wait3A_123 = tpu.memref_slice %arg18[%add3A_118, %dma_wait3A] : memref<10240x64xf32, #tpu.memory_space<vmem_shared>> -> memref<128x64xf32, #tpu.memory_space<vmem_shared>>
        %dma_wait3A_124 = arith.constant 0 : i32
        %dma_wait3A_125 = tpu.memref_slice %arg18[%add3A_118, %dma_wait3A_124] : memref<10240x64xf32, #tpu.memory_space<vmem_shared>> -> memref<128x64xf32, #tpu.memory_space<vmem_shared>>
        tpu.wait_dma2 semaphore(%run_scoped3A : memref<!tpu.dma_semaphore, #tpu.memory_space<semaphore_mem>>) src(%dma_wait3A_125 : memref<128x64xf32, #tpu.memory_space<vmem_shared>>) dst(%arg16 : memref<128x64xf32, #tpu.memory_space<vmem>>)
        tpu.yield
      }) : () -> ()
      "tpu.region"() ({
        %run_scoped3A = tpu.sem_alloc : memref<!tpu.dma_semaphore, #tpu.memory_space<semaphore_mem>>
        %dma_start3A_119 = arith.constant 0 : i32
        %dma_start3A_120 = tpu.memref_slice %arg11[%add3A_118, %dma_start3A_119] : memref<10240x64xf32, #tpu.memory_space<hbm>> -> memref<128x64xf32, #tpu.memory_space<hbm>>
        %dma_start3A_121 = arith.constant 0 : i32
        %dma_start3A_122 = tpu.memref_slice %arg11[%add3A_118, %dma_start3A_121] : memref<10240x64xf32, #tpu.memory_space<hbm>> -> memref<128x64xf32, #tpu.memory_space<hbm>>
        tpu.enqueue_dma source(%arg16 : memref<128x64xf32, #tpu.memory_space<vmem>>) target(%dma_start3A_122 : memref<128x64xf32, #tpu.memory_space<hbm>>) target_semaphore(%run_scoped3A : memref<!tpu.dma_semaphore, #tpu.memory_space<semaphore_mem>>)
        %dma_wait3A = arith.constant 0 : i32
        %dma_wait3A_123 = tpu.memref_slice %arg11[%add3A_118, %dma_wait3A] : memref<10240x64xf32, #tpu.memory_space<hbm>> -> memref<128x64xf32, #tpu.memory_space<hbm>>
        %dma_wait3A_124 = arith.constant 0 : i32
        %dma_wait3A_125 = tpu.memref_slice %arg11[%add3A_118, %dma_wait3A_124] : memref<10240x64xf32, #tpu.memory_space<hbm>> -> memref<128x64xf32, #tpu.memory_space<hbm>>
        tpu.wait_dma2 semaphore(%run_scoped3A : memref<!tpu.dma_semaphore, #tpu.memory_space<semaphore_mem>>) src(%arg16 : memref<128x64xf32, #tpu.memory_space<vmem>>) dst(%dma_wait3A_125 : memref<128x64xf32, #tpu.memory_space<hbm>>)
        tpu.yield
      }) : () -> ()
    } else {
    }
    return
  }
}

module attributes {stable_mosaic.version = 14 : i64} {
  func.func @_root1_body(%arg0: i32, %arg1: memref<1000x128xf32, #tpu.memory_space<vmem>>, %arg2: memref<128x256xf32, #tpu.memory_space<vmem>>, %arg3: memref<1x256xf32, #tpu.memory_space<vmem>>, %arg4: memref<1000x256xf32, #tpu.memory_space<vmem>>) attributes {dimension_semantics = [#tpu.dimension_semantics<arbitrary>], iteration_bounds = array<i64: 10>, scalar_prefetch = 0 : i64, scratch_operands = 0 : i64, tpu.core_type = #tpu.core_type<tc>, window_params = [{transform_indices = @transform_0, window_bounds = array<i64: 1000, 128>}, {pipeline_mode = #tpu.pipeline_mode<synchronous>, transform_indices = @transform_1, window_bounds = array<i64: 128, 256>}, {pipeline_mode = #tpu.pipeline_mode<synchronous>, transform_indices = @transform_2, window_bounds = array<i64: 1, 256>}, {transform_indices = @transform_3, window_bounds = array<i64: 1000, 256>}]} {
    %get3A = arith.constant 0 : index
    %get3A_0 = arith.constant 0 : index
    %get3A_1 = vector.load %arg1[%get3A, %get3A_0] : memref<1000x128xf32, #tpu.memory_space<vmem>>, vector<1000x128xf32>
    %get3A_2 = arith.constant 0 : index
    %get3A_3 = arith.constant 0 : index
    %get3A_4 = vector.load %arg2[%get3A_2, %get3A_3] : memref<128x256xf32, #tpu.memory_space<vmem>>, vector<128x256xf32>
    %dot_general3A = arith.constant dense<0.000000e+00> : vector<1000x256xf32>
    %dot_general3A_5 = tpu.matmul %get3A_1, %get3A_4, %dot_general3A {dimension_numbers = #tpu.dot_dimension_numbers<[1], [0], [0], [1], [0, 0, 1, 1], [], []>, transpose_lhs_hint = false} : vector<1000x128xf32>, vector<128x256xf32>, vector<1000x256xf32> -> vector<1000x256xf32>
    %get3A_6 = arith.constant 0 : index
    %get3A_7 = arith.constant 0 : index
    %get3A_8 = vector.load %arg3[%get3A_6, %get3A_7] : memref<1x256xf32, #tpu.memory_space<vmem>>, vector<1x256xf32>
    %add3A = vector.broadcast %get3A_8 : vector<1x256xf32> to vector<1000x256xf32>
    %add3A_9 = arith.addf %dot_general3A_5, %add3A : vector<1000x256xf32>
    %swap3A = arith.constant 0 : index
    %swap3A_10 = arith.constant 0 : index
    %swap3A_11 = vector.load %arg4[%swap3A, %swap3A_10] : memref<1000x256xf32, #tpu.memory_space<vmem>>, vector<1000x256xf32>
    tpu.vector_store %arg4[%swap3A, %swap3A_10], %add3A_9 {strides = array<i32>} : memref<1000x256xf32, #tpu.memory_space<vmem>>, vector<1000x256xf32>,
    return
  }
  func.func @transform_0(%arg0: i32) -> (i32, i32) {
    %c0_i32 = arith.constant 0 : i32
    %c0_i32_0 = arith.constant 0 : i32
    return %arg0, %c0_i32 : i32, i32
  }
  func.func @transform_1(%arg0: i32) -> (i32, i32) {
    %c0_i32 = arith.constant 0 : i32
    %c0_i32_0 = arith.constant 0 : i32
    %c0_i32_1 = arith.constant 0 : i32
    return %c0_i32, %c0_i32_0 : i32, i32
  }
  func.func @transform_2(%arg0: i32) -> (i32, i32) {
    %c0_i32 = arith.constant 0 : i32
    %c0_i32_0 = arith.constant 0 : i32
    %c0_i32_1 = arith.constant 0 : i32
    return %c0_i32, %c0_i32_0 : i32, i32
  }
  func.func @transform_3(%arg0: i32) -> (i32, i32) {
    %c0_i32 = arith.constant 0 : i32
    %c0_i32_0 = arith.constant 0 : i32
    return %arg0, %c0_i32 : i32, i32
  }
}

module attributes {stable_mosaic.version = 14 : i64} {
  func.func @_combine1_body(%arg0: i32, %arg1: memref<1000x64xf32, #tpu.memory_space<vmem>>, %arg2: memref<1000x64xf32, #tpu.memory_space<vmem>>, %arg3: memref<1000x16xf32, #tpu.memory_space<vmem>>, %arg4: memref<1000x256xf32, #tpu.memory_space<vmem>>, %arg5: memref<128x256xf32, #tpu.memory_space<vmem>>, %arg6: memref<1000x64xf32, #tpu.memory_space<vmem>>, %arg7: memref<1000x64xf32, #tpu.memory_space<vmem>>, %arg8: memref<1000x64xf32, #tpu.memory_space<vmem>>, %arg9: memref<1000x64xf32, #tpu.memory_space<vmem>>) attributes {dimension_semantics = [#tpu.dimension_semantics<arbitrary>], iteration_bounds = array<i64: 10>, scalar_prefetch = 0 : i64, scratch_operands = 0 : i64, tpu.core_type = #tpu.core_type<tc>, window_params = [{transform_indices = @transform_0, window_bounds = array<i64: 1000, 64>}, {transform_indices = @transform_1, window_bounds = array<i64: 1000, 64>}, {transform_indices = @transform_2, window_bounds = array<i64: 1000, 16>}, {transform_indices = @transform_3, window_bounds = array<i64: 1000, 256>}, {pipeline_mode = #tpu.pipeline_mode<synchronous>, transform_indices = @transform_4, window_bounds = array<i64: 128, 256>}, {transform_indices = @transform_5, window_bounds = array<i64: 1000, 64>}, {transform_indices = @transform_6, window_bounds = array<i64: 1000, 64>}, {transform_indices = @transform_7, window_bounds = array<i64: 1000, 64>}, {transform_indices = @transform_8, window_bounds = array<i64: 1000, 64>}]} {
    %get3A = arith.constant 0 : index
    %get3A_0 = arith.constant 0 : index
    %get3A_1 = vector.load %arg3[%get3A, %get3A_0] : memref<1000x16xf32, #tpu.memory_space<vmem>>, vector<1000x1xf32>
    %max3A = arith.constant 1.000000e+00 : f32
    %max3A_2 = vector.broadcast %max3A : f32 to vector<1000x1xf32>
    %max3A_3 = arith.maximumf %get3A_1, %max3A_2 : vector<1000x1xf32>
    %div3A = arith.constant 1.000000e+00 : f32
    %div3A_4 = vector.broadcast %div3A : f32 to vector<1000x1xf32>
    %div3A_5 = arith.divf %div3A_4, %max3A_3 : vector<1000x1xf32>
    %get3A_6 = arith.constant 0 : index
    %get3A_7 = arith.constant 0 : index
    %get3A_8 = vector.load %arg1[%get3A_6, %get3A_7] : memref<1000x64xf32, #tpu.memory_space<vmem>>, vector<1000x64xf32>
    %get3A_9 = arith.constant 0 : index
    %get3A_10 = arith.constant 0 : index
    %get3A_11 = vector.load %arg2[%get3A_9, %get3A_10] : memref<1000x64xf32, #tpu.memory_space<vmem>>, vector<1000x64xf32>
    %concatenate3A = tpu.concatenate %get3A_8, %get3A_11 in 1 : vector<1000x64xf32>, vector<1000x64xf32> -> vector<1000x128xf32>
    %mul3A = vector.broadcast %div3A_5 : vector<1000x1xf32> to vector<1000x128xf32>
    %mul3A_12 = arith.mulf %concatenate3A, %mul3A : vector<1000x128xf32>
    %get3A_13 = arith.constant 0 : index
    %get3A_14 = arith.constant 0 : index
    %get3A_15 = vector.load %arg5[%get3A_13, %get3A_14] : memref<128x256xf32, #tpu.memory_space<vmem>>, vector<128x256xf32>
    %dot_general3A = arith.constant dense<0.000000e+00> : vector<1000x256xf32>
    %dot_general3A_16 = tpu.matmul %mul3A_12, %get3A_15, %dot_general3A {dimension_numbers = #tpu.dot_dimension_numbers<[1], [0], [0], [1], [0, 0, 1, 1], [], []>, transpose_lhs_hint = false} : vector<1000x128xf32>, vector<128x256xf32>, vector<1000x256xf32> -> vector<1000x256xf32>
    %get3A_17 = arith.constant 0 : index
    %get3A_18 = arith.constant 0 : index
    %get3A_19 = vector.load %arg4[%get3A_17, %get3A_18] : memref<1000x256xf32, #tpu.memory_space<vmem>>, vector<1000x256xf32>
    %add3A = arith.addf %dot_general3A_16, %get3A_19 : vector<1000x256xf32>
    %max3A_20 = arith.constant 0.000000e+00 : f32
    %max3A_21 = vector.broadcast %max3A_20 : f32 to vector<1000x256xf32>
    %max3A_22 = arith.maximumf %add3A, %max3A_21 : vector<1000x256xf32>
    %slice3A = vector.extract_strided_slice %max3A_22 {offsets = [0, 0], sizes = [1000, 64], strides = [1, 1]} : vector<1000x256xf32> to vector<1000x64xf32>
    %swap3A = arith.constant 0 : index
    %swap3A_23 = arith.constant 0 : index
    %swap3A_24 = vector.load %arg6[%swap3A, %swap3A_23] : memref<1000x64xf32, #tpu.memory_space<vmem>>, vector<1000x64xf32>
    tpu.vector_store %arg6[%swap3A, %swap3A_23], %slice3A {strides = array<i32>} : memref<1000x64xf32, #tpu.memory_space<vmem>>, vector<1000x64xf32>,
    %slice3A_25 = vector.extract_strided_slice %max3A_22 {offsets = [0, 64], sizes = [1000, 64], strides = [1, 1]} : vector<1000x256xf32> to vector<1000x64xf32>
    %swap3A_26 = arith.constant 0 : index
    %swap3A_27 = arith.constant 0 : index
    %swap3A_28 = vector.load %arg7[%swap3A_26, %swap3A_27] : memref<1000x64xf32, #tpu.memory_space<vmem>>, vector<1000x64xf32>
    tpu.vector_store %arg7[%swap3A_26, %swap3A_27], %slice3A_25 {strides = array<i32>} : memref<1000x64xf32, #tpu.memory_space<vmem>>, vector<1000x64xf32>,
    %slice3A_29 = vector.extract_strided_slice %max3A_22 {offsets = [0, 128], sizes = [1000, 64], strides = [1, 1]} : vector<1000x256xf32> to vector<1000x64xf32>
    %swap3A_30 = arith.constant 0 : index
    %swap3A_31 = arith.constant 0 : index
    %swap3A_32 = vector.load %arg8[%swap3A_30, %swap3A_31] : memref<1000x64xf32, #tpu.memory_space<vmem>>, vector<1000x64xf32>
    tpu.vector_store %arg8[%swap3A_30, %swap3A_31], %slice3A_29 {strides = array<i32>} : memref<1000x64xf32, #tpu.memory_space<vmem>>, vector<1000x64xf32>,
    %slice3A_33 = vector.extract_strided_slice %max3A_22 {offsets = [0, 192], sizes = [1000, 64], strides = [1, 1]} : vector<1000x256xf32> to vector<1000x64xf32>
    %swap3A_34 = arith.constant 0 : index
    %swap3A_35 = arith.constant 0 : index
    %swap3A_36 = vector.load %arg9[%swap3A_34, %swap3A_35] : memref<1000x64xf32, #tpu.memory_space<vmem>>, vector<1000x64xf32>
    tpu.vector_store %arg9[%swap3A_34, %swap3A_35], %slice3A_33 {strides = array<i32>} : memref<1000x64xf32, #tpu.memory_space<vmem>>, vector<1000x64xf32>,
    return
  }
  func.func @transform_0(%arg0: i32) -> (i32, i32) {
    %c0_i32 = arith.constant 0 : i32
    %c0_i32_0 = arith.constant 0 : i32
    return %arg0, %c0_i32 : i32, i32
  }
  func.func @transform_1(%arg0: i32) -> (i32, i32) {
    %c0_i32 = arith.constant 0 : i32
    %c0_i32_0 = arith.constant 0 : i32
    return %arg0, %c0_i32 : i32, i32
  }
  func.func @transform_2(%arg0: i32) -> (i32, i32) {
    %c0_i32 = arith.constant 0 : i32
    %c0_i32_0 = arith.constant 0 : i32
    return %arg0, %c0_i32 : i32, i32
  }
  func.func @transform_3(%arg0: i32) -> (i32, i32) {
    %c0_i32 = arith.constant 0 : i32
    %c0_i32_0 = arith.constant 0 : i32
    return %arg0, %c0_i32 : i32, i32
  }
  func.func @transform_4(%arg0: i32) -> (i32, i32) {
    %c0_i32 = arith.constant 0 : i32
    %c0_i32_0 = arith.constant 0 : i32
    %c0_i32_1 = arith.constant 0 : i32
    return %c0_i32, %c0_i32_0 : i32, i32
  }
  func.func @transform_5(%arg0: i32) -> (i32, i32) {
    %c0_i32 = arith.constant 0 : i32
    %c0_i32_0 = arith.constant 0 : i32
    return %arg0, %c0_i32 : i32, i32
  }
  func.func @transform_6(%arg0: i32) -> (i32, i32) {
    %c0_i32 = arith.constant 0 : i32
    %c0_i32_0 = arith.constant 0 : i32
    return %arg0, %c0_i32 : i32, i32
  }
  func.func @transform_7(%arg0: i32) -> (i32, i32) {
    %c0_i32 = arith.constant 0 : i32
    %c0_i32_0 = arith.constant 0 : i32
    return %arg0, %c0_i32 : i32, i32
  }
  func.func @transform_8(%arg0: i32) -> (i32, i32) {
    %c0_i32 = arith.constant 0 : i32
    %c0_i32_0 = arith.constant 0 : i32
    return %arg0, %c0_i32 : i32, i32
  }
}

module attributes {stable_mosaic.version = 14 : i64} {
  func.func @_root2_body(%arg0: i32, %arg1: memref<1000x64xf32, #tpu.memory_space<vmem>>, %arg2: memref<1000x64xf32, #tpu.memory_space<vmem>>, %arg3: memref<1000x64xf32, #tpu.memory_space<vmem>>, %arg4: memref<1000x64xf32, #tpu.memory_space<vmem>>, %arg5: memref<256x256xf32, #tpu.memory_space<vmem>>, %arg6: memref<1x256xf32, #tpu.memory_space<vmem>>, %arg7: memref<1000x256xf32, #tpu.memory_space<vmem>>) attributes {dimension_semantics = [#tpu.dimension_semantics<arbitrary>], iteration_bounds = array<i64: 10>, scalar_prefetch = 0 : i64, scratch_operands = 0 : i64, tpu.core_type = #tpu.core_type<tc>, window_params = [{transform_indices = @transform_0, window_bounds = array<i64: 1000, 64>}, {transform_indices = @transform_1, window_bounds = array<i64: 1000, 64>}, {transform_indices = @transform_2, window_bounds = array<i64: 1000, 64>}, {transform_indices = @transform_3, window_bounds = array<i64: 1000, 64>}, {pipeline_mode = #tpu.pipeline_mode<synchronous>, transform_indices = @transform_4, window_bounds = array<i64: 256, 256>}, {pipeline_mode = #tpu.pipeline_mode<synchronous>, transform_indices = @transform_5, window_bounds = array<i64: 1, 256>}, {transform_indices = @transform_6, window_bounds = array<i64: 1000, 256>}]} {
    %get3A = arith.constant 0 : index
    %get3A_0 = arith.constant 0 : index
    %get3A_1 = vector.load %arg1[%get3A, %get3A_0] : memref<1000x64xf32, #tpu.memory_space<vmem>>, vector<1000x64xf32>
    %get3A_2 = arith.constant 0 : index
    %get3A_3 = arith.constant 0 : index
    %get3A_4 = vector.load %arg2[%get3A_2, %get3A_3] : memref<1000x64xf32, #tpu.memory_space<vmem>>, vector<1000x64xf32>
    %get3A_5 = arith.constant 0 : index
    %get3A_6 = arith.constant 0 : index
    %get3A_7 = vector.load %arg3[%get3A_5, %get3A_6] : memref<1000x64xf32, #tpu.memory_space<vmem>>, vector<1000x64xf32>
    %get3A_8 = arith.constant 0 : index
    %get3A_9 = arith.constant 0 : index
    %get3A_10 = vector.load %arg4[%get3A_8, %get3A_9] : memref<1000x64xf32, #tpu.memory_space<vmem>>, vector<1000x64xf32>
    %concatenate3A = tpu.concatenate %get3A_1, %get3A_4, %get3A_7, %get3A_10 in 1 : vector<1000x64xf32>, vector<1000x64xf32>, vector<1000x64xf32>, vector<1000x64xf32> -> vector<1000x256xf32>
    %get3A_11 = arith.constant 0 : index
    %get3A_12 = arith.constant 0 : index
    %get3A_13 = vector.load %arg5[%get3A_11, %get3A_12] : memref<256x256xf32, #tpu.memory_space<vmem>>, vector<256x256xf32>
    %dot_general3A = arith.constant dense<0.000000e+00> : vector<1000x256xf32>
    %dot_general3A_14 = tpu.matmul %concatenate3A, %get3A_13, %dot_general3A {dimension_numbers = #tpu.dot_dimension_numbers<[1], [0], [0], [1], [0, 0, 1, 1], [], []>, transpose_lhs_hint = false} : vector<1000x256xf32>, vector<256x256xf32>, vector<1000x256xf32> -> vector<1000x256xf32>
    %get3A_15 = arith.constant 0 : index
    %get3A_16 = arith.constant 0 : index
    %get3A_17 = vector.load %arg6[%get3A_15, %get3A_16] : memref<1x256xf32, #tpu.memory_space<vmem>>, vector<1x256xf32>
    %add3A = vector.broadcast %get3A_17 : vector<1x256xf32> to vector<1000x256xf32>
    %add3A_18 = arith.addf %dot_general3A_14, %add3A : vector<1000x256xf32>
    %swap3A = arith.constant 0 : index
    %swap3A_19 = arith.constant 0 : index
    %swap3A_20 = vector.load %arg7[%swap3A, %swap3A_19] : memref<1000x256xf32, #tpu.memory_space<vmem>>, vector<1000x256xf32>
    tpu.vector_store %arg7[%swap3A, %swap3A_19], %add3A_18 {strides = array<i32>} : memref<1000x256xf32, #tpu.memory_space<vmem>>, vector<1000x256xf32>,
    return
  }
  func.func @transform_0(%arg0: i32) -> (i32, i32) {
    %c0_i32 = arith.constant 0 : i32
    %c0_i32_0 = arith.constant 0 : i32
    return %arg0, %c0_i32 : i32, i32
  }
  func.func @transform_1(%arg0: i32) -> (i32, i32) {
    %c0_i32 = arith.constant 0 : i32
    %c0_i32_0 = arith.constant 0 : i32
    return %arg0, %c0_i32 : i32, i32
  }
  func.func @transform_2(%arg0: i32) -> (i32, i32) {
    %c0_i32 = arith.constant 0 : i32
    %c0_i32_0 = arith.constant 0 : i32
    return %arg0, %c0_i32 : i32, i32
  }
  func.func @transform_3(%arg0: i32) -> (i32, i32) {
    %c0_i32 = arith.constant 0 : i32
    %c0_i32_0 = arith.constant 0 : i32
    return %arg0, %c0_i32 : i32, i32
  }
  func.func @transform_4(%arg0: i32) -> (i32, i32) {
    %c0_i32 = arith.constant 0 : i32
    %c0_i32_0 = arith.constant 0 : i32
    %c0_i32_1 = arith.constant 0 : i32
    return %c0_i32, %c0_i32_0 : i32, i32
  }
  func.func @transform_5(%arg0: i32) -> (i32, i32) {
    %c0_i32 = arith.constant 0 : i32
    %c0_i32_0 = arith.constant 0 : i32
    %c0_i32_1 = arith.constant 0 : i32
    return %c0_i32, %c0_i32_0 : i32, i32
  }
  func.func @transform_6(%arg0: i32) -> (i32, i32) {
    %c0_i32 = arith.constant 0 : i32
    %c0_i32_0 = arith.constant 0 : i32
    return %arg0, %c0_i32 : i32, i32
  }
}

module attributes {stable_mosaic.version = 14 : i64} {
  func.func @_combine2_body(%arg0: i32, %arg1: memref<1000x64xf32, #tpu.memory_space<vmem>>, %arg2: memref<1000x64xf32, #tpu.memory_space<vmem>>, %arg3: memref<1000x64xf32, #tpu.memory_space<vmem>>, %arg4: memref<1000x64xf32, #tpu.memory_space<vmem>>, %arg5: memref<1000x16xf32, #tpu.memory_space<vmem>>, %arg6: memref<1000x256xf32, #tpu.memory_space<vmem>>, %arg7: memref<256x256xf32, #tpu.memory_space<vmem>>, %arg8: memref<1000x256xf32, #tpu.memory_space<vmem>>) attributes {dimension_semantics = [#tpu.dimension_semantics<arbitrary>], iteration_bounds = array<i64: 10>, scalar_prefetch = 0 : i64, scratch_operands = 0 : i64, tpu.core_type = #tpu.core_type<tc>, window_params = [{transform_indices = @transform_0, window_bounds = array<i64: 1000, 64>}, {transform_indices = @transform_1, window_bounds = array<i64: 1000, 64>}, {transform_indices = @transform_2, window_bounds = array<i64: 1000, 64>}, {transform_indices = @transform_3, window_bounds = array<i64: 1000, 64>}, {transform_indices = @transform_4, window_bounds = array<i64: 1000, 16>}, {transform_indices = @transform_5, window_bounds = array<i64: 1000, 256>}, {pipeline_mode = #tpu.pipeline_mode<synchronous>, transform_indices = @transform_6, window_bounds = array<i64: 256, 256>}, {transform_indices = @transform_7, window_bounds = array<i64: 1000, 256>}]} {
    %get3A = arith.constant 0 : index
    %get3A_0 = arith.constant 0 : index
    %get3A_1 = vector.load %arg5[%get3A, %get3A_0] : memref<1000x16xf32, #tpu.memory_space<vmem>>, vector<1000x1xf32>
    %max3A = arith.constant 1.000000e+00 : f32
    %max3A_2 = vector.broadcast %max3A : f32 to vector<1000x1xf32>
    %max3A_3 = arith.maximumf %get3A_1, %max3A_2 : vector<1000x1xf32>
    %div3A = arith.constant 1.000000e+00 : f32
    %div3A_4 = vector.broadcast %div3A : f32 to vector<1000x1xf32>
    %div3A_5 = arith.divf %div3A_4, %max3A_3 : vector<1000x1xf32>
    %get3A_6 = arith.constant 0 : index
    %get3A_7 = arith.constant 0 : index
    %get3A_8 = vector.load %arg1[%get3A_6, %get3A_7] : memref<1000x64xf32, #tpu.memory_space<vmem>>, vector<1000x64xf32>
    %get3A_9 = arith.constant 0 : index
    %get3A_10 = arith.constant 0 : index
    %get3A_11 = vector.load %arg2[%get3A_9, %get3A_10] : memref<1000x64xf32, #tpu.memory_space<vmem>>, vector<1000x64xf32>
    %get3A_12 = arith.constant 0 : index
    %get3A_13 = arith.constant 0 : index
    %get3A_14 = vector.load %arg3[%get3A_12, %get3A_13] : memref<1000x64xf32, #tpu.memory_space<vmem>>, vector<1000x64xf32>
    %get3A_15 = arith.constant 0 : index
    %get3A_16 = arith.constant 0 : index
    %get3A_17 = vector.load %arg4[%get3A_15, %get3A_16] : memref<1000x64xf32, #tpu.memory_space<vmem>>, vector<1000x64xf32>
    %concatenate3A = tpu.concatenate %get3A_8, %get3A_11, %get3A_14, %get3A_17 in 1 : vector<1000x64xf32>, vector<1000x64xf32>, vector<1000x64xf32>, vector<1000x64xf32> -> vector<1000x256xf32>
    %mul3A = vector.broadcast %div3A_5 : vector<1000x1xf32> to vector<1000x256xf32>
    %mul3A_18 = arith.mulf %concatenate3A, %mul3A : vector<1000x256xf32>
    %get3A_19 = arith.constant 0 : index
    %get3A_20 = arith.constant 0 : index
    %get3A_21 = vector.load %arg7[%get3A_19, %get3A_20] : memref<256x256xf32, #tpu.memory_space<vmem>>, vector<256x256xf32>
    %dot_general3A = arith.constant dense<0.000000e+00> : vector<1000x256xf32>
    %dot_general3A_22 = tpu.matmul %mul3A_18, %get3A_21, %dot_general3A {dimension_numbers = #tpu.dot_dimension_numbers<[1], [0], [0], [1], [0, 0, 1, 1], [], []>, transpose_lhs_hint = false} : vector<1000x256xf32>, vector<256x256xf32>, vector<1000x256xf32> -> vector<1000x256xf32>
    %get3A_23 = arith.constant 0 : index
    %get3A_24 = arith.constant 0 : index
    %get3A_25 = vector.load %arg6[%get3A_23, %get3A_24] : memref<1000x256xf32, #tpu.memory_space<vmem>>, vector<1000x256xf32>
    %add3A = arith.addf %dot_general3A_22, %get3A_25 : vector<1000x256xf32>
    %max3A_26 = arith.constant 0.000000e+00 : f32
    %max3A_27 = vector.broadcast %max3A_26 : f32 to vector<1000x256xf32>
    %max3A_28 = arith.maximumf %add3A, %max3A_27 : vector<1000x256xf32>
    %swap3A = arith.constant 0 : index
    %swap3A_29 = arith.constant 0 : index
    %swap3A_30 = vector.load %arg8[%swap3A, %swap3A_29] : memref<1000x256xf32, #tpu.memory_space<vmem>>, vector<1000x256xf32>
    tpu.vector_store %arg8[%swap3A, %swap3A_29], %max3A_28 {strides = array<i32>} : memref<1000x256xf32, #tpu.memory_space<vmem>>, vector<1000x256xf32>,
    return
  }
  func.func @transform_0(%arg0: i32) -> (i32, i32) {
    %c0_i32 = arith.constant 0 : i32
    %c0_i32_0 = arith.constant 0 : i32
    return %arg0, %c0_i32 : i32, i32
  }
  func.func @transform_1(%arg0: i32) -> (i32, i32) {
    %c0_i32 = arith.constant 0 : i32
    %c0_i32_0 = arith.constant 0 : i32
    return %arg0, %c0_i32 : i32, i32
  }
  func.func @transform_2(%arg0: i32) -> (i32, i32) {
    %c0_i32 = arith.constant 0 : i32
    %c0_i32_0 = arith.constant 0 : i32
    return %arg0, %c0_i32 : i32, i32
  }
  func.func @transform_3(%arg0: i32) -> (i32, i32) {
    %c0_i32 = arith.constant 0 : i32
    %c0_i32_0 = arith.constant 0 : i32
    return %arg0, %c0_i32 : i32, i32
  }
  func.func @transform_4(%arg0: i32) -> (i32, i32) {
    %c0_i32 = arith.constant 0 : i32
    %c0_i32_0 = arith.constant 0 : i32
    return %arg0, %c0_i32 : i32, i32
  }
  func.func @transform_5(%arg0: i32) -> (i32, i32) {
    %c0_i32 = arith.constant 0 : i32
    %c0_i32_0 = arith.constant 0 : i32
    return %arg0, %c0_i32 : i32, i32
  }
  func.func @transform_6(%arg0: i32) -> (i32, i32) {
    %c0_i32 = arith.constant 0 : i32
    %c0_i32_0 = arith.constant 0 : i32
    %c0_i32_1 = arith.constant 0 : i32
    return %c0_i32, %c0_i32_0 : i32, i32
  }
  func.func @transform_7(%arg0: i32) -> (i32, i32) {
    %c0_i32 = arith.constant 0 : i32
    %c0_i32_0 = arith.constant 0 : i32
    return %arg0, %c0_i32 : i32, i32
  }
}

</mosaic_0001>

<sc_bundles>
// kernel: kernel.11.cloned.1.call-start
scs
__scs_entry_jumppad:
0x0: {  	(pc) =	sbr.rel $0x88, $3  }
0x1: {  	(tag) =	ssettag $0x0;
	lr =	simm.s32 $0x1  }
0x2: {  	[smem:$0x3F99] =	sst lr;
	_ =	strace $0xD0000000  }
0x3: {  	_ = 	snop  }
0x4: {  	_ = 	snop  }
0x5: {  	_ = 	snop  }
0x6: {  	_ = 	snop  }
0x7: {  	_ = 	snop  }
__scs_overlays_trampoline_lowered:
0x8: {  	[smem:$0x3FA8] =	sst s0  }
0x9: {  	[smem:$0x3FA9] =	sst s1  }
0xa: {  	[smem:$0x3FAA] =	sst s2  }
0xb: {  	[smem:$0x3FAB] =	sst s3  }
0xc: {  	[smem:$0x3FAC] =	sst s4  }
0xd: {  	[smem:$0x3FAD] =	sst s5  }
0xe: {  	[smem:$0x3FAE] =	sst s6  }
0xf: {  	[smem:$0x3FAF] =	sst s7  }
0x10: {  	[smem:$0x3FB0] =	sst s8  }
0x11: {  	[smem:$0x3FB1] =	sst s9;
	s0 =	simm.s32 @!p0 $0x0  }
0x12: {  	s1 =	sld [smem:$0x3F97];
	s0 =	simm.s32 @p0 $0x1  }
0x13: {  	[smem:$0x3FB2] =	sst s0;
	s0 =	simm.s32 @!p1 $0x0  }
0x14: {  	s2 =	sld [smem:$0x3F96];
	s0 =	simm.s32 @p1 $0x1  }
0x15: {  	[smem:$0x3FB3] =	sst s0;
	s0 =	simm.s32 @!p2 $0x0  }
0x16: {  	s3 =	sld [smem:$0x3FDB];
	s0 =	simm.s32 @p2 $0x1  }
0x17: {  	s4 =	simm.s32 $0x1BF5;
	[smem:$0x3FB5] =	sst s0  }
0x18: {  	s0 =	sld [smem:$0x3F98];
	_ =	swait.ge [sflag:s4], $0x0  }
0x19: {  	s7 =	sld [smem:$0x3F99]  }
0x1a: {  	s8 =	sadd.s32 $0xFFFFE003, lr  }
0x1b: {  	s9 =	sadd.s32 $0xFFFFFEF7, lr;
	s5 =	simm.s32 $0xFFFFFFFF;
	p2 =	slt.u32 s8, $0xFFFFF086  }
0x1c: {  	p1 =	slt.u32 s9, $0xF7A;
	s5 =	simm.s32 @!p2 $0x0  }
0x1d: {  	s5 =	simm.s32 @p1 $0x1;
	p0 =	seq.s32 s7, s2  }
0x1e: {  	s7 =	smul.u32 @!p0 $0xF7A, s2;
	p2 =	seq.s32 @!p0 s5, $0x0  }
0x1f: {  	s9 =	smul.u32 $0xF7A, s1;
	s8 =	simm.s32 @!p0 $0x1BF5;
	p2 =	por !p2, p0  }
0x20: {  	[sflag:s8] =	ssyncset.s32 @!p0 $0xFFFFF086;
	s6 =	sadd.s32 @!p0 s3, s7;
	s7 =	simm.s32 @!p0 $0x108  }
0x21: {  	s3 =	sadd.s32 s3, s9;
	s6 =	sadd.s32 @!p0 $0x88, s6;
	s7 =	simm.s32 @p2 $0x1082  }
0x22: {  	[simem:s7], [sflag:s8] =	dma.local @!p0 [hbm:s6], $0xF7A  }
0x23: {  	s9 =	sor.u32 $0xD0000000, s2;
	s6 =	simm.s32 $0x108;
	_ =	swait.ge @!p0 [sflag:s8], $0x0  }
0x24: {  	s3 =	sadd.s32 $0x88, s3;
	s6 =	simm.s32 @!p1 $0x1082;
	[sflag:s4] =	ssyncset.s32 $0xFFFFF086  }
0x25: {  	[simem:s6], [sflag:s4] =	dma.local [hbm:s3], $0xF7A  }
0x26: {  	[smem:$0x3F99] =	sst s1;
	(tag) =	ssettag s2;
	_ =	strace s9  }
0x27: {  	s1 =	sld [smem:$0x3FA9]  }
0x28: {  	s2 =	sld [smem:$0x3FAA]  }
0x29: {  	s4 =	sld [smem:$0x3FAC]  }
0x2a: {  	p0 =	seq.s32 s5, $0x0;
	s5 =	sld [smem:$0x3FAD]  }
0x2b: {  	s6 =	sld [smem:$0x3FAE]  }
0x2c: {  	s7 =	sld [smem:$0x3FAF]  }
0x2d: {  	s3 =	simm.s32 $0x108;
	s8 =	sld [smem:$0x3FB0]  }
0x2e: {  	s3 =	simm.s32 @!p0 $0x1082;
	s9 =	sld [smem:$0x3FB1]  }
0x2f: {  	lr =	sadd.s32 s0, s3;
	s0 =	sld [smem:$0x3FA8]  }
0x30: {  	s3 =	sld [smem:$0x3FAB]  }
0x31: {  	[smem:$0x3FB4] =	sst s10  }
0x32: {  	s10 =	sld [smem:$0x3FB2];
	_ =	sdelay $0x3  }
0x33: {  	p0 =	seq.s32 s10, $0x1;
	s10 =	sld [smem:$0x3FB4];
	_ =	sdelay $0x3  }
0x34: {  	[smem:$0x3FB4] =	sst s10  }
0x35: {  	s10 =	sld [smem:$0x3FB3];
	_ =	sdelay $0x3  }
0x36: {  	p1 =	seq.s32 s10, $0x1;
	s10 =	sld [smem:$0x3FB4];
	_ =	sdelay $0x3  }
0x37: {  	[smem:$0x3FB4] =	sst s10  }
0x38: {  	s10 =	sld [smem:$0x3FB5]  }
0x39: {  	_ = 	snop;
	(pc) =	sbr.ind lr, $3  }
0x3a: {  	_ = 	snop  }
0x3b: {  	_ = 	snop  }
0x3c: {  	p2 =	seq.s32 s10, $0x1;
	s10 =	sld [smem:$0x3FB4]  }
0x3d: {  	_ =	shalt  }
0x3e: {  	_ =	shalt  }
0x3f: {  	_ =	shalt  }
0x40: {  	_ =	shalt  }
0x41: {  	_ =	shalt  }
0x42: {  	_ =	shalt  }
0x43: {  	_ =	shalt  }
0x44: {  	_ =	shalt  }
0x45: {  	_ =	shalt  }
0x46: {  	_ =	shalt  }
0x47: {  	_ =	shalt  }
0x48: {  	_ =	shalt  }
0x49: {  	_ =	shalt  }
0x4a: {  	_ =	shalt  }
0x4b: {  	_ =	shalt  }
0x4c: {  	_ =	shalt  }
0x4d: {  	_ =	shalt  }
0x4e: {  	_ =	shalt  }
0x4f: {  	_ =	shalt  }
0x50: {  	_ =	shalt  }
0x51: {  	_ =	shalt  }
0x52: {  	_ =	shalt  }
0x53: {  	_ =	shalt  }
0x54: {  	_ =	shalt  }
0x55: {  	_ =	shalt  }
0x56: {  	_ =	shalt  }
0x57: {  	_ =	shalt  }
0x58: {  	_ =	shalt  }
0x59: {  	_ =	shalt  }
0x5a: {  	_ =	shalt  }
0x5b: {  	_ =	shalt  }
0x5c: {  	_ =	shalt  }
0x5d: {  	_ =	shalt  }
0x5e: {  	_ =	shalt  }
0x5f: {  	_ =	shalt  }
0x60: {  	_ =	shalt  }
0x61: {  	_ =	shalt  }
0x62: {  	_ =	shalt  }
0x63: {  	_ =	shalt  }
0x64: {  	_ =	shalt  }
0x65: {  	_ =	shalt  }
0x66: {  	_ =	shalt  }
0x67: {  	_ =	shalt  }
0x68: {  	_ =	shalt  }
0x69: {  	_ =	shalt  }
0x6a: {  	_ =	shalt  }
0x6b: {  	_ =	shalt  }
0x6c: {  	_ =	shalt  }
0x6d: {  	_ =	shalt  }
0x6e: {  	_ =	shalt  }
0x6f: {  	_ =	shalt  }
0x70: {  	_ =	shalt  }
0x71: {  	_ =	shalt  }
0x72: {  	_ =	shalt  }
0x73: {  	_ =	shalt  }
0x74: {  	_ =	shalt  }
0x75: {  	_ =	shalt  }
0x76: {  	_ =	shalt  }
0x77: {  	_ =	shalt  }
0x78: {  	_ =	shalt  }
0x79: {  	_ =	shalt  }
0x7a: {  	_ =	shalt  }
0x7b: {  	_ =	shalt  }
0x7c: {  	_ =	shalt  }
0x7d: {  	_ =	shalt  }
0x7e: {  	_ =	shalt  }
0x7f: {  	_ =	shalt  }
0x80: {  	_ =	shalt  }
0x81: {  	_ =	shalt  }
0x82: {  	_ =	shalt  }
0x83: {  	_ =	shalt  }
0x84: {  	_ =	shalt  }
0x85: {  	_ =	shalt  }
0x86: {  	_ =	shalt  }
0x87: {  	_ =	shalt  }
.Lfunc_end0:
.L_simem_size_0:
called_computation.1_lowered:
.L_overlay_start_0:
0x88: {  	s2 =	sld [smem:$0x3FD9]  }
0x89: {  	s3 =	sld [smem:$0x3FFE];
	_ =	sdelay $0x1  }
0x8a: {  	s1 =	srdreg.scid  }
0x8b: {  	s0 =	sand.u32 $0x1, s1  }
0x8c: {  	s17 =	sshll.u32 s0, $0xA;
	s2 =	sadd.s32 s3, s2  }
0x8d: {  	s2 =	sadd.s32 s2, s17  }
0x8e: {  	[smem:$0x3FC0] =	sst s2  }
0x8f: {  	_ = 	snop  }
0x90: {  	s2 =	sld [smem:$0x3FD0];
	(tm) =	ssettm $0x1  }
0x91: {  	s18 =	sld [smem:$0x3FFB];
	_ =	sdelay $0x3  }
0x92: {  	_ =	strace s18  }
0x93: {  	s3 =	sld [smem:$0x3FFC];
	_ =	sdelay $0x3  }
0x94: {  	_ =	strace s3  }
0x95: {  	s3 =	sld [smem:$0x3FFD];
	_ =	sdelay $0x3  }
0x96: {  	_ =	strace s3  }
0x97: {  	_ =	strace $0x8FFFFFFF  }
0x98: {  	s19 =	sld [smem:$0x3FDB];
	_ =	sdelay $0x1  }
0x99: {  	s4 =	simm.s32 $_scs_section_size  }
0x9a: {  	s5 =	simm.s32 $_size__tile_overlayer_lowered;
	s6 =	simm.s32 $_tile_overlayer_lowered  }
0x9b: {  	s22 =	simm.s32 $0x1BFF;
	s21 =	sshll.u32 s6, $0x1;
	s3 =	sadd.s32 s4, s19  }
0x9c: {  	s7 =	simm.s32 $0x0;
	s20 =	sshll.u32 s5, $0x1;
	s5 =	sadd.s32 s21, s3  }
0x9d: {  	[timem:s7], [sflag:s22] =	dma.local [hbm:s5], s20  }
0x9e: {  	_ =	swait.ge [sflag:s22], s20  }
0x9f: {  	s4 =	ssub.s32 $0x0, s20;
	[sflag:s22] =	ssyncset.done $0x0  }
0xa0: {  	[sflag:s22] =	ssyncadd.s32 s4;
	_ =	sdelay $0x1  }
0xa1: {  	s23 =	simm.s32 $0x1B8B  }
0xa2: {  	_ =	swait.ge [sflag:s23], $0x1  }
0xa3: {  	[sflag:s23] =	ssyncset.done $0x0  }
0xa4: {  	s25 =	simm.s32 $0x1B8E;
	s24 =	sld [smem:$0x3FFE];
	[sflag:s23] =	ssyncadd.s32 $0xFFFFFFFF  }
0xa5: {  	s26 =	simm.s32 $execute0_lowered;
	[smem:$0x3FD2] =	sst s25  }
0xa6: {  	s5 =	sshll.u32 s26, $0x1;
	_ =	strace $0x80000049;
	[dreg:$0x1] =	wrdreg $0xFFFFFFFF  }
0xa7: {  	s28 =	simm.s32 $_size_execute0_lowered;
	s3 =	sadd.s32 s3, s5;
	[dreg:$0x0] =	wrdreg $0x0  }
0xa8: {  	s5 =	sshll.u32 s28, $0x1;
	[dreg:$0x2] =	wrdreg s3  }
0xa9: {  	[dreg:$0x3] =	wrdreg s5  }
0xaa: {  	[dreg:$0x4] =	wrdreg $0xC0  }
0xab: {  	_ =	task [dreg:s7], $0x5FFFF  }
0xac: {  	[dreg:$0x1] =	wrdreg $0xFFFFFFFF  }
0xad: {  	[dreg:$0x0] =	wrdreg $0x60  }
0xae: {  	[dreg:$0x2] =	wrdreg s24  }
0xaf: {  	[dreg:$0x3] =	wrdreg s2  }
0xb0: {  	[dreg:$0x4] =	wrdreg $0x120000  }
0xb1: {  	[dreg:$0x5] =	wrdreg $0x9  }
0xb2: {  	_ =	task.clear_ibuf [dreg:s7], $0x6FFFF;
	_ =	strace $0x90000049  }
0xb3: {  	s29 =	simm.s32 $0x9;
	_ =	strace $0x8000004B  }
0xb4: {  	_ =	swait.ge [sflag:s29], $0x1  }
0xb5: {  	[sflag:s29] =	ssyncadd.s32 $0xFFFFFFFF  }
0xb6: {  	_ =	strace $0x9000004B  }
0xb7: {  	_ =	sfence  }
0xb8: {  	s30 =	sld [smem:$0x0];
	_ =	sdelay $0x2  }
0xb9: {  	s31 =	sshll.u32 s1, $0xD;
	s1 =	sshrl.u32 s1, $0x2  }
0xba: {  	s3 =	sand.u32 $0x4000, s31;
	s1 =	sadd.s32 s1, s30  }
0xbb: {  	s0 =	sor.u32 s3, s0;
	s1 =	sshll.u32 s1, $0x11  }
0xbc: {  	s0 =	sor.u32 s1, s0  }
0xbd: {  	s0 =	sadd.s32 $0x8F2B, s0  }
0xbe: {  	[sflag:s0] =	ssyncadd.remote.s32 $0x1  }
0xbf: {  	_ =	sfence.sel $0xFFFF  }
0xc0: {  	[dreg:$0x0] =	wrdreg $0xFFFFFFFF;
	(pc) =	sbr.abs _section_cstart, $3  }
0xc1: {  	[dreg:$0x1] =	wrdreg $0xFFFFFFFF  }
0xc2: {  	_ =	task.clear_ibuf [dreg:s7], $0x2FFFF;
	_ =	strace $0x9FFFFFFF  }
0xc3: {  	(tm) =	ssettm $0x7FFFFFFF  }
tec
execute0_lowered:
.L_overlay_start_1:
0x0: {  	(tag) =	ssettag $0x1  }
0x1: {  	s0 =	rddreg [dreg:$0x0]  }
0x2: {  	s2 =	rddreg [dreg:$0x1]  }
0x3: {  	s1 =	rddreg [dreg:$0x2];
	s3 =	simm.s32 $0x0;
	s12 =	stileid.u32  }
0x4: {  	s9 =	srdreg.scid;
	s29 =	simm.s32 $0x9F80;
	s30 =	simm.s32 $0xE000  }
0x5: {  	s31 =	simm.s32 $0x0;
	[smem:$0x7FF] =	sst s3;
	s4 =	sadd.s32 $0x51600, s0  }
0x6: {  	s5 =	sadd.s32 $0x3DC00, s0;
	s8 =	smul.u32 $0xA00, s12;
	s6 =	sadd.s32 $0x16200, s0  }
0x7: {  	s7 =	sadd.s32 $0x2800, s0;
	s9 =	sand.u32 $0x1, s9;
	s10 =	sadd.s32 $0xBAC00, s0  }
0x8: {  	s18 =	sadd.s32 $0xA6C00, s0;
	s17 =	smul.u32 $0xA000, s12;
	_ =	strace $0x8000004A  }
0x9: {  	[dreg:$0x4] =	wrdreg s10;
	s22 =	ssub.s32 $0x2, s9;
	p0 =	seq.s32 s9, $0x1  }
0xa: {  	s8 =	sadd.s32 s8, s0;
	s11 =	sshrl.u32 s22, $0x1;
	s0 =	sadd.s32 $0x92C00, s0  }
0xb: {  	s24 =	sadd.s32 $0x2000, s17;
	s12 =	sadd.s32 s17, s1;
	s25 =	sadd.s32 $0x4000, s17  }
0xc: {  	s26 =	sadd.s32 $0x6000, s17;
	[dreg:$0x5] =	wrdreg s0;
	s0 =	ssub.s32 s22, s11  }
0xd: {  	s23 =	sadd.s32 $0x29C00, s8;
	s8 =	sadd.s32 $0x33C00, s8;
	s13 =	sadd.s32 s24, s1  }
0xe: {  	s22 =	sadd.s32 $0x8000, s17;
	s17 =	sshrl.u32 s17, $0x3;
	[dreg:$0x6] =	wrdreg s23  }
0xf: {  	s19 =	sshrl.u32 s24, $0x3;
	[dreg:$0x7] =	wrdreg s8;
	s28 =	sadd.s32 s2, s17  }
0x10: {  	s20 =	sshrl.u32 s25, $0x3;
	s8 =	sadd.s32 s2, s19;
	[dreg:$0x8] =	wrdreg s28  }
0x11: {  	s21 =	sshrl.u32 s26, $0x3;
	s10 =	sadd.s32 s2, s20;
	[dreg:$0x9] =	wrdreg s8  }
0x12: {  	s14 =	sadd.s32 s25, s1;
	s11 =	sadd.s32 s2, s21;
	[dreg:$0xa] =	wrdreg s10  }
0x13: {  	s15 =	sadd.s32 s26, s1;
	s23 =	sadd.s32 s18, s17;
	[dreg:$0xb] =	wrdreg s11  }
0x14: {  	s16 =	sadd.s32 s22, s1;
	s24 =	sadd.s32 s18, s19;
	[dreg:$0xd] =	wrdreg s23  }
0x15: {  	s22 =	sshrl.u32 s22, $0x3;
	s25 =	sadd.s32 s18, s20;
	[dreg:$0xe] =	wrdreg s24  }
.Ltmp0:
0x16: {  	s26 =	sadd.s32 s18, s21;
	[dreg:$0xf] =	wrdreg s25;
	(pc) =	sbr.rel .LBB2_1-.Ltmp0, $4  }
0x17: {  	s9 =	simm.s32 $0x10000;
	s2 =	sadd.s32 s2, s22;
	[dreg:$0x10] =	wrdreg s26  }
0x18: {  	s28 =	sadd.s32 s18, s22;
	s8 =	simm.s32 $0x2;
	s18 =	simm.s32 $0x80  }
0x19: {  	s23 =	simm.s32 $0xA000;
	s24 =	simm.s32 $0xC000;
	[dreg:$0xc] =	wrdreg s2  }
0x1a: {  	v0 =	vimm.f32 $0.0e+00;
	s25 =	simm.s32 $0x1;
	[dreg:$0x11] =	wrdreg s28;
	s2 =	smax.u32 s0, $0x1  }
.LBB2_8:
0x1b: {  	s10 =	sadd.s32 $0x80, s0;
	[sflag:s8] =	ssyncadd.s32 $0xFFFFE000  }
0x1c: {  	[tilespmem:s24], [sflag:$0x1] =	stream.indirect.gather [hbm4b:s5+s18], $0x40, s10, s18, $0xb8;
	[tilespmem:$0x1C000] =	vst v63  }
0x1d: {  	_ =	swait.ge [sflag:s25], $0x2000  }
0x1e: {  	[sflag:s25] =	ssyncset.done $0x0  }
0x1f: {  	s28 =	sadd.s32 $0x5000, s0;
	[sflag:s25] =	ssyncadd.s32 $0xFFFFE000  }
0x20: {  	[spmem:s1] =	stream.indirect.scatter.add.f32 [tilespmem:s23], [sflag:$0x2], $0x40, s28, s18, $0xb8;
	[tilespmem:$0x1C000] =	vst v63  }
0x21: {  	_ =	swait.ge [sflag:s8], $0x2000  }
0x22: {  	[sflag:s8] =	ssyncset.done $0x0  }
0x23: {  	s11 =	sadd.s32 $0x100, s0;
	[sflag:s8] =	ssyncadd.s32 $0xFFFFE000  }
0x24: {  	[tilespmem:s23], [sflag:$0x1] =	stream.indirect.gather [hbm4b:s5+s18], $0x40, s11, s18, $0xb8;
	[tilespmem:$0x1C000] =	vst v63  }
0x25: {  	_ =	swait.ge [sflag:s25], $0x2000  }
0x26: {  	[sflag:s25] =	ssyncset.done $0x0  }
0x27: {  	s26 =	sadd.s32 $0x5080, s0;
	[sflag:s25] =	ssyncadd.s32 $0xFFFFE000  }
0x28: {  	[spmem:s1] =	stream.indirect.scatter.add.f32 [tilespmem:s24], [sflag:$0x2], $0x40, s26, s18, $0xb8;
	[tilespmem:$0x1C000] =	vst v63  }
0x29: {  	_ =	swait.ge [sflag:s8], $0x2000  }
0x2a: {  	[sflag:s8] =	ssyncset.done $0x0  }
0x2b: {  	s28 =	simm.s32 $0x4F80;
	s0 =	rddreg [dreg:$0x4];
	[sflag:s8] =	ssyncadd.s32 $0xFFFFE000  }
0x2c: {  	[tilespmem:s24], [sflag:$0x1] =	stream.indirect.gather [hbm4b:s5+s18], $0x40, s28, s18, $0xb8;
	[tilespmem:$0x1C000] =	vst v63  }
.LBB2_14:
0x2d: {  	_ =	swait.ge [sflag:s25], $0x2000  }
0x2e: {  	[sflag:s25] =	ssyncset.done $0x0  }
0x2f: {  	s10 =	simm.s32 $0x9F00;
	[sflag:s25] =	ssyncadd.s32 $0xFFFFE000  }
0x30: {  	[spmem:s1] =	stream.indirect.scatter.add.f32 [tilespmem:s23], [sflag:$0x2], $0x40, s10, s18, $0xb8;
	[tilespmem:$0x1C000] =	vst v63  }
0x31: {  	_ =	swait.ge [sflag:s8], $0x2000  }
0x32: {  	[sflag:s8] =	ssyncset.done $0x0  }
0x33: {  	[sflag:s8] =	ssyncadd.s32 $0xFFFFE000  }
0x34: {  	_ =	swait.ge [sflag:s25], $0x2000  }
0x35: {  	[sflag:s25] =	ssyncset.done $0x0  }
0x36: {  	[sflag:s25] =	ssyncadd.s32 $0xFFFFE000  }
0x37: {  	[spmem:s1] =	stream.indirect.scatter.add.f32 [tilespmem:s24], [sflag:$0x2], $0x40, s29, s18, $0xb8;
	[tilespmem:$0x1C000] =	vst v63  }
0x38: {  	_ =	swait.ge [sflag:s8], $0x2000  }
0x39: {  	[sflag:s8] =	ssyncset.done $0x0  }
0x3a: {  	[sflag:s8] =	ssyncadd.s32 $0xFFFFE000  }
0x3b: {  	[bflag:$0x0] =	sbarrier.arrive $0xFFFF  }
0x3c: {  	[tilespmem:s30], [sflag:$0x2] =	stream.linear.gather [spmem:s12], $0x2000, $0x38;
	[tilespmem:$0x1C000] =	vst v63  }
0x3d: {  	_ =	swait.ge [sflag:s8], $0x2000  }
0x3e: {  	[sflag:s8] =	ssyncset.done $0x0  }
0x3f: {  	s26 =	sadd.s32 s0, s17;
	[sflag:s8] =	ssyncadd.s32 $0xFFFFE000  }
0x40: {  	[hbm4b:s26+s3] =	stream.linear.scatter [tilespmem:s30], [sflag:$0x2], $0x2000, $0x38;
	[tilespmem:$0x1C000] =	vst v63  }
0x41: {  	_ =	swait.ge [sflag:s8], $0x2000  }
0x42: {  	[sflag:s8] =	ssyncset.done $0x0  }
0x43: {  	[sflag:s8] =	ssyncadd.s32 $0xFFFFE000  }
0x44: {  	[tilespmem:s30], [sflag:$0x2] =	stream.linear.gather [spmem:s13], $0x2000, $0x38;
	[tilespmem:$0x1C000] =	vst v63  }
0x45: {  	_ =	swait.ge [sflag:s8], $0x2000  }
0x46: {  	[sflag:s8] =	ssyncset.done $0x0  }
0x47: {  	s28 =	sadd.s32 s0, s19;
	[sflag:s8] =	ssyncadd.s32 $0xFFFFE000  }
0x48: {  	[hbm4b:s28+s3] =	stream.linear.scatter [tilespmem:s30], [sflag:$0x2], $0x2000, $0x38;
	[tilespmem:$0x1C000] =	vst v63  }
0x49: {  	_ =	swait.ge [sflag:s8], $0x2000  }
0x4a: {  	[sflag:s8] =	ssyncset.done $0x0  }
0x4b: {  	[sflag:s8] =	ssyncadd.s32 $0xFFFFE000  }
0x4c: {  	[tilespmem:s30], [sflag:$0x2] =	stream.linear.gather [spmem:s14], $0x2000, $0x38;
	[tilespmem:$0x1C000] =	vst v63  }
0x4d: {  	_ =	swait.ge [sflag:s8], $0x2000  }
0x4e: {  	[sflag:s8] =	ssyncset.done $0x0  }
0x4f: {  	s11 =	sadd.s32 s0, s20;
	[sflag:s8] =	ssyncadd.s32 $0xFFFFE000  }
0x50: {  	[hbm4b:s11+s3] =	stream.linear.scatter [tilespmem:s30], [sflag:$0x2], $0x2000, $0x38;
	[tilespmem:$0x1C000] =	vst v63  }
0x51: {  	_ =	swait.ge [sflag:s8], $0x2000  }
0x52: {  	[sflag:s8] =	ssyncset.done $0x0  }
0x53: {  	[sflag:s8] =	ssyncadd.s32 $0xFFFFE000  }
0x54: {  	[tilespmem:s30], [sflag:$0x2] =	stream.linear.gather [spmem:s15], $0x2000, $0x38;
	[tilespmem:$0x1C000] =	vst v63  }
0x55: {  	_ =	swait.ge [sflag:s8], $0x2000  }
0x56: {  	[sflag:s8] =	ssyncset.done $0x0  }
0x57: {  	s26 =	sadd.s32 s0, s21;
	[sflag:s8] =	ssyncadd.s32 $0xFFFFE000  }
0x58: {  	[hbm4b:s26+s3] =	stream.linear.scatter [tilespmem:s30], [sflag:$0x2], $0x2000, $0x38;
	[tilespmem:$0x1C000] =	vst v63  }
0x59: {  	_ =	swait.ge [sflag:s8], $0x2000  }
0x5a: {  	[sflag:s8] =	ssyncset.done $0x0  }
0x5b: {  	[sflag:s8] =	ssyncadd.s32 $0xFFFFE000  }
0x5c: {  	[tilespmem:s30], [sflag:$0x2] =	stream.linear.gather [spmem:s16], $0x2000, $0x38;
	[tilespmem:$0x1C000] =	vst v63  }
0x5d: {  	s31 =	sadd.s32 $0x1, s31;
	_ =	swait.ge [sflag:s8], $0x2000  }
0x5e: {  	p1 =	sne.s32 s31, s2;
	[sflag:s8] =	ssyncset.done $0x0  }
.Ltmp1:
0x5f: {  	s28 =	sadd.s32 s0, s22;
	[sflag:s8] =	ssyncadd.s32 $0xFFFFE000;
	(pc) =	sbr.rel @!p1 .LBB2_15-.Ltmp1, $4  }
0x60: {  	[hbm4b:s28+s3] =	stream.linear.scatter [tilespmem:s30], [sflag:$0x2], $0x2000, $0x38;
	[tilespmem:$0x1C000] =	vst v63  }
0x61: {  	_ =	swait.ge [sflag:s8], $0x2000  }
0x62: {  	[sflag:s8] =	ssyncset.done $0x0  }
0x63: {  	[sflag:s8] =	ssyncadd.s32 $0xFFFFE000  }
.LBB2_1:
0x64: {  	s10 =	simm.s32 $0x100;
	s0 =	simm.s32 $0x0  }
.LBB2_2:
0x65: {  	p1 =	sne.s32 s10, $0x7F00;
	[tilespmem:s0+$0x10030] =	vst v0;
	s11 =	smov.u32 s10;
	s10 =	sadd.s32 $0x100, s10  }
.Ltmp2:
0x66: {  	[tilespmem:s0+$0x10020] =	vst v0;
	(pc) =	sbr.rel @p1 .LBB2_2-.Ltmp2, $3  }
0x67: {  	[tilespmem:s0+$0x10000] =	vst v0  }
0x68: {  	[tilespmem:s0+$0x10010] =	vst v0;
	_ =	sdelay $0x1  }
0x69: {  	s0 =	sshra.s32 s11, $0x2  }
0x6a: {  	[tilespmem:s0+$0x10030] =	vst v0  }
0x6b: {  	[tilespmem:s0+$0x10020] =	vst v0  }
0x6c: {  	[tilespmem:s0+$0x10000] =	vst v0  }
0x6d: {  	[tilespmem:s0+$0x10010] =	vst v0;
	s26 =	rddreg [dreg:$0x6]  }
0x6e: {  	[tilespmem:s3], [sflag:$0x2] =	stream.linear.gather [hbm4b:s26+s3], $0x5000, $0x38;
	[tilespmem:$0x1C000] =	vst v63  }
0x6f: {  	_ =	swait.ge [sflag:s8], $0x5000  }
0x70: {  	[sflag:s8] =	ssyncset.done $0x0  }
0x71: {  	s10 =	simm.s32 $0x5000;
	s28 =	rddreg [dreg:$0x7];
	[sflag:s8] =	ssyncadd.s32 $0xFFFFB000  }
0x72: {  	[tilespmem:s10], [sflag:$0x2] =	stream.linear.gather [hbm4b:s28+s3], $0x5000, $0x38;
	[tilespmem:$0x1C000] =	vst v63  }
0x73: {  	_ =	swait.ge [sflag:s8], $0x5000  }
0x74: {  	[sflag:s8] =	ssyncset.done $0x0  }
0x75: {  	[sflag:s8] =	ssyncadd.s32 $0xFFFFB000  }
0x76: {  	[spmem:s12] =	stream.linear.scatter [tilespmem:s9], [sflag:$0x2], $0x2000, $0x38;
	[tilespmem:$0x1C000] =	vst v63  }
0x77: {  	_ =	swait.ge [sflag:s8], $0x2000  }
0x78: {  	[sflag:s8] =	ssyncset.done $0x0  }
0x79: {  	[sflag:s8] =	ssyncadd.s32 $0xFFFFE000  }
0x7a: {  	[spmem:s13] =	stream.linear.scatter [tilespmem:s9], [sflag:$0x2], $0x2000, $0x38;
	[tilespmem:$0x1C000] =	vst v63  }
0x7b: {  	_ =	swait.ge [sflag:s8], $0x2000  }
0x7c: {  	[sflag:s8] =	ssyncset.done $0x0  }
0x7d: {  	[sflag:s8] =	ssyncadd.s32 $0xFFFFE000  }
0x7e: {  	[spmem:s14] =	stream.linear.scatter [tilespmem:s9], [sflag:$0x2], $0x2000, $0x38;
	[tilespmem:$0x1C000] =	vst v63  }
0x7f: {  	_ =	swait.ge [sflag:s8], $0x2000  }
0x80: {  	[sflag:s8] =	ssyncset.done $0x0  }
0x81: {  	[sflag:s8] =	ssyncadd.s32 $0xFFFFE000  }
0x82: {  	[spmem:s15] =	stream.linear.scatter [tilespmem:s9], [sflag:$0x2], $0x2000, $0x38;
	[tilespmem:$0x1C000] =	vst v63  }
0x83: {  	_ =	swait.ge [sflag:s8], $0x2000  }
0x84: {  	[sflag:s8] =	ssyncset.done $0x0  }
0x85: {  	[sflag:s8] =	ssyncadd.s32 $0xFFFFE000  }
0x86: {  	[spmem:s16] =	stream.linear.scatter [tilespmem:s9], [sflag:$0x2], $0x2000, $0x38;
	[tilespmem:$0x1C000] =	vst v63  }
.Ltmp3:
0x87: {  	_ =	swait.ge [sflag:s8], $0x2000;
	(pc) =	sbr.rel @!p0 .LBB2_4-.Ltmp3, $4  }
0x88: {  	[sflag:s8] =	ssyncset.done $0x0  }
0x89: {  	[sflag:s8] =	ssyncadd.s32 $0xFFFFE000  }
0x8a: {  	[bflag:$0x0] =	sbarrier.arrive $0xFFFF  }
0x8b: {  	s0 =	simm.s32 $0x0  }
0x8c: {  	[tilespmem:s23], [sflag:$0x1] =	stream.indirect.gather [hbm4b:s6+s18], $0x40, s0, s18, $0xb8;
	[tilespmem:$0x1C000] =	vst v63  }
0x8d: {  	s10 =	simm.s32 $0x80  }
0x8e: {  	[tilespmem:s24], [sflag:$0x1] =	stream.indirect.gather [hbm4b:s6+s18], $0x40, s10, s18, $0xb8;
	[tilespmem:$0x1C000] =	vst v63  }
0x8f: {  	_ =	swait.ge [sflag:s25], $0x2000  }
0x90: {  	[sflag:s25] =	ssyncset.done $0x0  }
0x91: {  	s11 =	simm.s32 $0x5000;
	[sflag:s25] =	ssyncadd.s32 $0xFFFFE000  }
0x92: {  	[spmem:s1] =	stream.indirect.scatter.add.f32 [tilespmem:s23], [sflag:$0x2], $0x40, s11, s18, $0xb8;
	[tilespmem:$0x1C000] =	vst v63  }
0x93: {  	_ =	swait.ge [sflag:s8], $0x2000  }
0x94: {  	[sflag:s8] =	ssyncset.done $0x0  }
0x95: {  	s26 =	simm.s32 $0x100;
	[sflag:s8] =	ssyncadd.s32 $0xFFFFE000  }
0x96: {  	[tilespmem:s23], [sflag:$0x1] =	stream.indirect.gather [hbm4b:s6+s18], $0x40, s26, s18, $0xb8;
	[tilespmem:$0x1C000] =	vst v63  }
0x97: {  	_ =	swait.ge [sflag:s25], $0x2000  }
0x98: {  	[sflag:s25] =	ssyncset.done $0x0  }
0x99: {  	s28 =	simm.s32 $0x5080;
	[sflag:s25] =	ssyncadd.s32 $0xFFFFE000  }
0x9a: {  	[spmem:s1] =	stream.indirect.scatter.add.f32 [tilespmem:s24], [sflag:$0x2], $0x40, s28, s18, $0xb8;
	[tilespmem:$0x1C000] =	vst v63  }
0x9b: {  	_ =	swait.ge [sflag:s8], $0x2000  }
0x9c: {  	s0 =	simm.s32 $0x100;
	s10 =	simm.s32 $0x800;
	[sflag:s8] =	ssyncset.done $0x0  }
.LBB2_10:
0x9d: {  	s11 =	sadd.s32 $0x80, s0  }
0x9e: {  	[sflag:s8] =	ssyncadd.s32 $0xFFFFE000;
	s26 =	smov.u32 s10;
	s28 =	sadd.s32 $0x400, s10  }
0x9f: {  	[tilespmem:s24], [sflag:$0x1] =	stream.indirect.gather [hbm4b:s6+s18], $0x40, s11, s18, $0xb8;
	[tilespmem:$0x1C000] =	vst v63  }
0xa0: {  	p1 =	sne.s32 s10, $0x13800;
	_ =	swait.ge [sflag:s25], $0x2000  }
0xa1: {  	[sflag:s25] =	ssyncset.done $0x0  }
0xa2: {  	s10 =	sadd.s32 $0x5000, s0;
	[sflag:s25] =	ssyncadd.s32 $0xFFFFE000  }
0xa3: {  	[spmem:s1] =	stream.indirect.scatter.add.f32 [tilespmem:s23], [sflag:$0x2], $0x40, s10, s18, $0xb8;
	[tilespmem:$0x1C000] =	vst v63  }
0xa4: {  	_ =	swait.ge [sflag:s8], $0x2000  }
0xa5: {  	[sflag:s8] =	ssyncset.done $0x0  }
0xa6: {  	s10 =	sadd.s32 $0x100, s0;
	[sflag:s8] =	ssyncadd.s32 $0xFFFFE000  }
0xa7: {  	[tilespmem:s23], [sflag:$0x1] =	stream.indirect.gather [hbm4b:s6+s18], $0x40, s10, s18, $0xb8;
	[tilespmem:$0x1C000] =	vst v63  }
0xa8: {  	_ =	swait.ge [sflag:s25], $0x2000  }
.Ltmp4:
0xa9: {  	[sflag:s25] =	ssyncset.done $0x0;
	(pc) =	sbr.rel @p1 .LBB2_10-.Ltmp4, $4  }
0xaa: {  	s0 =	sadd.s32 $0x5080, s0;
	[sflag:s25] =	ssyncadd.s32 $0xFFFFE000  }
0xab: {  	[spmem:s1] =	stream.indirect.scatter.add.f32 [tilespmem:s24], [sflag:$0x2], $0x40, s0, s18, $0xb8;
	[tilespmem:$0x1C000] =	vst v63  }
0xac: {  	_ =	swait.ge [sflag:s8], $0x2000  }
0xad: {  	s10 =	smov.u32 s28;
	s0 =	sshra.s32 s26, $0x2;
	[sflag:s8] =	ssyncset.done $0x0  }
0xae: {  	s10 =	sadd.s32 $0x80, s0;
	[sflag:s8] =	ssyncadd.s32 $0xFFFFE000  }
0xaf: {  	[tilespmem:s24], [sflag:$0x1] =	stream.indirect.gather [hbm4b:s6+s18], $0x40, s10, s18, $0xb8;
	[tilespmem:$0x1C000] =	vst v63  }
0xb0: {  	_ =	swait.ge [sflag:s25], $0x2000  }
0xb1: {  	[sflag:s25] =	ssyncset.done $0x0  }
0xb2: {  	s11 =	sadd.s32 $0x5000, s0;
	[sflag:s25] =	ssyncadd.s32 $0xFFFFE000  }
0xb3: {  	[spmem:s1] =	stream.indirect.scatter.add.f32 [tilespmem:s23], [sflag:$0x2], $0x40, s11, s18, $0xb8;
	[tilespmem:$0x1C000] =	vst v63  }
0xb4: {  	_ =	swait.ge [sflag:s8], $0x2000  }
0xb5: {  	[sflag:s8] =	ssyncset.done $0x0  }
0xb6: {  	s26 =	sadd.s32 $0x100, s0;
	[sflag:s8] =	ssyncadd.s32 $0xFFFFE000  }
0xb7: {  	[tilespmem:s23], [sflag:$0x1] =	stream.indirect.gather [hbm4b:s6+s18], $0x40, s26, s18, $0xb8;
	[tilespmem:$0x1C000] =	vst v63  }
0xb8: {  	_ =	swait.ge [sflag:s25], $0x2000  }
0xb9: {  	[sflag:s25] =	ssyncset.done $0x0  }
0xba: {  	s28 =	sadd.s32 $0x5080, s0;
	[sflag:s25] =	ssyncadd.s32 $0xFFFFE000  }
0xbb: {  	[spmem:s1] =	stream.indirect.scatter.add.f32 [tilespmem:s24], [sflag:$0x2], $0x40, s28, s18, $0xb8;
	[tilespmem:$0x1C000] =	vst v63  }
0xbc: {  	_ =	swait.ge [sflag:s8], $0x2000  }
0xbd: {  	[sflag:s8] =	ssyncset.done $0x0  }
0xbe: {  	s10 =	simm.s32 $0x4F80;
	[sflag:s8] =	ssyncadd.s32 $0xFFFFE000  }
0xbf: {  	[tilespmem:s24], [sflag:$0x1] =	stream.indirect.gather [hbm4b:s6+s18], $0x40, s10, s18, $0xb8;
	[tilespmem:$0x1C000] =	vst v63  }
0xc0: {  	_ =	swait.ge [sflag:s25], $0x2000  }
0xc1: {  	[sflag:s25] =	ssyncset.done $0x0  }
0xc2: {  	s11 =	simm.s32 $0x9F00;
	[sflag:s25] =	ssyncadd.s32 $0xFFFFE000  }
0xc3: {  	[spmem:s1] =	stream.indirect.scatter.add.f32 [tilespmem:s23], [sflag:$0x2], $0x40, s11, s18, $0xb8;
	[tilespmem:$0x1C000] =	vst v63  }
0xc4: {  	_ =	swait.ge [sflag:s8], $0x2000  }
0xc5: {  	[sflag:s8] =	ssyncset.done $0x0  }
0xc6: {  	[sflag:s8] =	ssyncadd.s32 $0xFFFFE000  }
0xc7: {  	_ =	swait.ge [sflag:s25], $0x2000  }
0xc8: {  	[sflag:s25] =	ssyncset.done $0x0  }
0xc9: {  	[sflag:s25] =	ssyncadd.s32 $0xFFFFE000  }
0xca: {  	[spmem:s1] =	stream.indirect.scatter.add.f32 [tilespmem:s24], [sflag:$0x2], $0x40, s29, s18, $0xb8;
	[tilespmem:$0x1C000] =	vst v63  }
0xcb: {  	_ =	swait.ge [sflag:s8], $0x2000  }
0xcc: {  	[sflag:s8] =	ssyncset.done $0x0  }
0xcd: {  	[sflag:s8] =	ssyncadd.s32 $0xFFFFE000  }
0xce: {  	[bflag:$0x0] =	sbarrier.arrive $0xFFFF  }
0xcf: {  	[tilespmem:s30], [sflag:$0x2] =	stream.linear.gather [spmem:s12], $0x2000, $0x38;
	[tilespmem:$0x1C000] =	vst v63  }
0xd0: {  	_ =	swait.ge [sflag:s8], $0x2000  }
0xd1: {  	[sflag:s8] =	ssyncset.done $0x0  }
0xd2: {  	s0 =	simm.s32 $0x0;
	s26 =	rddreg [dreg:$0xd];
	[sflag:s8] =	ssyncadd.s32 $0xFFFFE000  }
0xd3: {  	[hbm4b:s26+s0] =	stream.linear.scatter [tilespmem:s30], [sflag:$0x2], $0x2000, $0x38;
	[tilespmem:$0x1C000] =	vst v63  }
0xd4: {  	_ =	swait.ge [sflag:s8], $0x2000  }
0xd5: {  	[sflag:s8] =	ssyncset.done $0x0  }
0xd6: {  	[sflag:s8] =	ssyncadd.s32 $0xFFFFE000  }
0xd7: {  	[tilespmem:s30], [sflag:$0x2] =	stream.linear.gather [spmem:s13], $0x2000, $0x38;
	[tilespmem:$0x1C000] =	vst v63  }
0xd8: {  	_ =	swait.ge [sflag:s8], $0x2000  }
0xd9: {  	[sflag:s8] =	ssyncset.done $0x0  }
0xda: {  	s28 =	rddreg [dreg:$0xe];
	[sflag:s8] =	ssyncadd.s32 $0xFFFFE000  }
0xdb: {  	[hbm4b:s28+s0] =	stream.linear.scatter [tilespmem:s30], [sflag:$0x2], $0x2000, $0x38;
	[tilespmem:$0x1C000] =	vst v63  }
0xdc: {  	_ =	swait.ge [sflag:s8], $0x2000  }
0xdd: {  	[sflag:s8] =	ssyncset.done $0x0  }
0xde: {  	[sflag:s8] =	ssyncadd.s32 $0xFFFFE000  }
0xdf: {  	[tilespmem:s30], [sflag:$0x2] =	stream.linear.gather [spmem:s14], $0x2000, $0x38;
	[tilespmem:$0x1C000] =	vst v63  }
0xe0: {  	_ =	swait.ge [sflag:s8], $0x2000  }
0xe1: {  	[sflag:s8] =	ssyncset.done $0x0  }
0xe2: {  	s11 =	rddreg [dreg:$0xf];
	[sflag:s8] =	ssyncadd.s32 $0xFFFFE000  }
0xe3: {  	[hbm4b:s11+s0] =	stream.linear.scatter [tilespmem:s30], [sflag:$0x2], $0x2000, $0x38;
	[tilespmem:$0x1C000] =	vst v63  }
0xe4: {  	_ =	swait.ge [sflag:s8], $0x2000  }
0xe5: {  	[sflag:s8] =	ssyncset.done $0x0  }
0xe6: {  	[sflag:s8] =	ssyncadd.s32 $0xFFFFE000  }
0xe7: {  	[tilespmem:s30], [sflag:$0x2] =	stream.linear.gather [spmem:s15], $0x2000, $0x38;
	[tilespmem:$0x1C000] =	vst v63  }
0xe8: {  	_ =	swait.ge [sflag:s8], $0x2000  }
0xe9: {  	[sflag:s8] =	ssyncset.done $0x0  }
0xea: {  	s26 =	rddreg [dreg:$0x10];
	[sflag:s8] =	ssyncadd.s32 $0xFFFFE000  }
0xeb: {  	[hbm4b:s26+s0] =	stream.linear.scatter [tilespmem:s30], [sflag:$0x2], $0x2000, $0x38;
	[tilespmem:$0x1C000] =	vst v63  }
0xec: {  	_ =	swait.ge [sflag:s8], $0x2000  }
0xed: {  	[sflag:s8] =	ssyncset.done $0x0  }
0xee: {  	[sflag:s8] =	ssyncadd.s32 $0xFFFFE000  }
0xef: {  	[tilespmem:s30], [sflag:$0x2] =	stream.linear.gather [spmem:s16], $0x2000, $0x38;
	[tilespmem:$0x1C000] =	vst v63  }
0xf0: {  	_ =	swait.ge [sflag:s8], $0x2000  }
0xf1: {  	[sflag:s8] =	ssyncset.done $0x0  }
0xf2: {  	s28 =	rddreg [dreg:$0x11];
	[sflag:s8] =	ssyncadd.s32 $0xFFFFE000  }
0xf3: {  	[hbm4b:s28+s0] =	stream.linear.scatter [tilespmem:s30], [sflag:$0x2], $0x2000, $0x38;
	[tilespmem:$0x1C000] =	vst v63  }
0xf4: {  	_ =	swait.ge [sflag:s8], $0x2000  }
0xf5: {  	[sflag:s8] =	ssyncset.done $0x0  }
0xf6: {  	[sflag:s8] =	ssyncadd.s32 $0xFFFFE000  }
0xf7: {  	[spmem:s12] =	stream.linear.scatter [tilespmem:s9], [sflag:$0x2], $0x2000, $0x38;
	[tilespmem:$0x1C000] =	vst v63  }
0xf8: {  	_ =	swait.ge [sflag:s8], $0x2000  }
0xf9: {  	[sflag:s8] =	ssyncset.done $0x0  }
0xfa: {  	[sflag:s8] =	ssyncadd.s32 $0xFFFFE000  }
0xfb: {  	[spmem:s13] =	stream.linear.scatter [tilespmem:s9], [sflag:$0x2], $0x2000, $0x38;
	[tilespmem:$0x1C000] =	vst v63  }
0xfc: {  	_ =	swait.ge [sflag:s8], $0x2000  }
0xfd: {  	[sflag:s8] =	ssyncset.done $0x0  }
0xfe: {  	[sflag:s8] =	ssyncadd.s32 $0xFFFFE000  }
0xff: {  	[spmem:s14] =	stream.linear.scatter [tilespmem:s9], [sflag:$0x2], $0x2000, $0x38;
	[tilespmem:$0x1C000] =	vst v63  }
0x100: {  	_ =	swait.ge [sflag:s8], $0x2000  }
0x101: {  	[sflag:s8] =	ssyncset.done $0x0  }
0x102: {  	[sflag:s8] =	ssyncadd.s32 $0xFFFFE000  }
0x103: {  	[spmem:s15] =	stream.linear.scatter [tilespmem:s9], [sflag:$0x2], $0x2000, $0x38;
	[tilespmem:$0x1C000] =	vst v63  }
0x104: {  	_ =	swait.ge [sflag:s8], $0x2000  }
0x105: {  	[sflag:s8] =	ssyncset.done $0x0  }
0x106: {  	[sflag:s8] =	ssyncadd.s32 $0xFFFFE000  }
0x107: {  	[spmem:s16] =	stream.linear.scatter [tilespmem:s9], [sflag:$0x2], $0x2000, $0x38;
	[tilespmem:$0x1C000] =	vst v63  }
0x108: {  	_ =	swait.ge [sflag:s8], $0x2000  }
0x109: {  	[sflag:s8] =	ssyncset.done $0x0  }
0x10a: {  	[sflag:s8] =	ssyncadd.s32 $0xFFFFE000  }
0x10b: {  	[bflag:$0x0] =	sbarrier.arrive $0xFFFF  }
0x10c: {  	[tilespmem:s23], [sflag:$0x1] =	stream.indirect.gather [hbm4b:s7+s18], $0x40, s0, s18, $0xb8;
	[tilespmem:$0x1C000] =	vst v63  }
0x10d: {  	s10 =	simm.s32 $0x80  }
0x10e: {  	[tilespmem:s24], [sflag:$0x1] =	stream.indirect.gather [hbm4b:s7+s18], $0x40, s10, s18, $0xb8;
	[tilespmem:$0x1C000] =	vst v63  }
0x10f: {  	_ =	swait.ge [sflag:s25], $0x2000  }
0x110: {  	[sflag:s25] =	ssyncset.done $0x0  }
0x111: {  	s11 =	simm.s32 $0x5000;
	[sflag:s25] =	ssyncadd.s32 $0xFFFFE000  }
0x112: {  	[spmem:s1] =	stream.indirect.scatter.add.f32 [tilespmem:s23], [sflag:$0x2], $0x40, s11, s18, $0xb8;
	[tilespmem:$0x1C000] =	vst v63  }
0x113: {  	_ =	swait.ge [sflag:s8], $0x2000  }
0x114: {  	[sflag:s8] =	ssyncset.done $0x0  }
0x115: {  	s26 =	simm.s32 $0x100;
	[sflag:s8] =	ssyncadd.s32 $0xFFFFE000  }
0x116: {  	[tilespmem:s23], [sflag:$0x1] =	stream.indirect.gather [hbm4b:s7+s18], $0x40, s26, s18, $0xb8;
	[tilespmem:$0x1C000] =	vst v63  }
0x117: {  	_ =	swait.ge [sflag:s25], $0x2000  }
0x118: {  	[sflag:s25] =	ssyncset.done $0x0  }
0x119: {  	s28 =	simm.s32 $0x5080;
	[sflag:s25] =	ssyncadd.s32 $0xFFFFE000  }
0x11a: {  	[spmem:s1] =	stream.indirect.scatter.add.f32 [tilespmem:s24], [sflag:$0x2], $0x40, s28, s18, $0xb8;
	[tilespmem:$0x1C000] =	vst v63  }
0x11b: {  	_ =	swait.ge [sflag:s8], $0x2000  }
0x11c: {  	s0 =	simm.s32 $0x100;
	s10 =	simm.s32 $0x800;
	[sflag:s8] =	ssyncset.done $0x0  }
.LBB2_12:
0x11d: {  	s11 =	sadd.s32 $0x80, s0  }
0x11e: {  	[sflag:s8] =	ssyncadd.s32 $0xFFFFE000;
	s26 =	smov.u32 s10;
	s28 =	sadd.s32 $0x400, s10  }
0x11f: {  	[tilespmem:s24], [sflag:$0x1] =	stream.indirect.gather [hbm4b:s7+s18], $0x40, s11, s18, $0xb8;
	[tilespmem:$0x1C000] =	vst v63  }
0x120: {  	p1 =	sne.s32 s10, $0x13800;
	_ =	swait.ge [sflag:s25], $0x2000  }
0x121: {  	[sflag:s25] =	ssyncset.done $0x0  }
0x122: {  	s10 =	sadd.s32 $0x5000, s0;
	[sflag:s25] =	ssyncadd.s32 $0xFFFFE000  }
0x123: {  	[spmem:s1] =	stream.indirect.scatter.add.f32 [tilespmem:s23], [sflag:$0x2], $0x40, s10, s18, $0xb8;
	[tilespmem:$0x1C000] =	vst v63  }
0x124: {  	_ =	swait.ge [sflag:s8], $0x2000  }
0x125: {  	[sflag:s8] =	ssyncset.done $0x0  }
0x126: {  	s10 =	sadd.s32 $0x100, s0;
	[sflag:s8] =	ssyncadd.s32 $0xFFFFE000  }
0x127: {  	[tilespmem:s23], [sflag:$0x1] =	stream.indirect.gather [hbm4b:s7+s18], $0x40, s10, s18, $0xb8;
	[tilespmem:$0x1C000] =	vst v63  }
0x128: {  	_ =	swait.ge [sflag:s25], $0x2000  }
.Ltmp5:
0x129: {  	[sflag:s25] =	ssyncset.done $0x0;
	(pc) =	sbr.rel @p1 .LBB2_12-.Ltmp5, $4  }
0x12a: {  	s0 =	sadd.s32 $0x5080, s0;
	[sflag:s25] =	ssyncadd.s32 $0xFFFFE000  }
0x12b: {  	[spmem:s1] =	stream.indirect.scatter.add.f32 [tilespmem:s24], [sflag:$0x2], $0x40, s0, s18, $0xb8;
	[tilespmem:$0x1C000] =	vst v63  }
0x12c: {  	_ =	swait.ge [sflag:s8], $0x2000  }
0x12d: {  	s10 =	smov.u32 s28;
	s0 =	sshra.s32 s26, $0x2;
	[sflag:s8] =	ssyncset.done $0x0  }
0x12e: {  	s10 =	sadd.s32 $0x80, s0;
	[sflag:s8] =	ssyncadd.s32 $0xFFFFE000  }
0x12f: {  	[tilespmem:s24], [sflag:$0x1] =	stream.indirect.gather [hbm4b:s7+s18], $0x40, s10, s18, $0xb8;
	[tilespmem:$0x1C000] =	vst v63  }
0x130: {  	_ =	swait.ge [sflag:s25], $0x2000  }
0x131: {  	[sflag:s25] =	ssyncset.done $0x0  }
0x132: {  	s28 =	sadd.s32 $0x5000, s0;
	[sflag:s25] =	ssyncadd.s32 $0xFFFFE000  }
0x133: {  	[spmem:s1] =	stream.indirect.scatter.add.f32 [tilespmem:s23], [sflag:$0x2], $0x40, s28, s18, $0xb8;
	[tilespmem:$0x1C000] =	vst v63  }
0x134: {  	_ =	swait.ge [sflag:s8], $0x2000  }
0x135: {  	[sflag:s8] =	ssyncset.done $0x0  }
0x136: {  	s11 =	sadd.s32 $0x100, s0;
	[sflag:s8] =	ssyncadd.s32 $0xFFFFE000  }
0x137: {  	[tilespmem:s23], [sflag:$0x1] =	stream.indirect.gather [hbm4b:s7+s18], $0x40, s11, s18, $0xb8;
	[tilespmem:$0x1C000] =	vst v63  }
0x138: {  	_ =	swait.ge [sflag:s25], $0x2000  }
0x139: {  	[sflag:s25] =	ssyncset.done $0x0  }
0x13a: {  	s26 =	sadd.s32 $0x5080, s0;
	[sflag:s25] =	ssyncadd.s32 $0xFFFFE000  }
0x13b: {  	[spmem:s1] =	stream.indirect.scatter.add.f32 [tilespmem:s24], [sflag:$0x2], $0x40, s26, s18, $0xb8;
	[tilespmem:$0x1C000] =	vst v63  }
.Ltmp6:
0x13c: {  	_ = 	snop;
	(pc) =	sbr.rel .LBB2_14-.Ltmp6, $4  }
0x13d: {  	_ =	swait.ge [sflag:s8], $0x2000  }
0x13e: {  	[sflag:s8] =	ssyncset.done $0x0  }
0x13f: {  	s28 =	simm.s32 $0x4F80;
	s0 =	rddreg [dreg:$0x5];
	[sflag:s8] =	ssyncadd.s32 $0xFFFFE000  }
0x140: {  	[tilespmem:s24], [sflag:$0x1] =	stream.indirect.gather [hbm4b:s7+s18], $0x40, s28, s18, $0xb8;
	[tilespmem:$0x1C000] =	vst v63  }
.LBB2_4:
0x141: {  	[tilespmem:s23], [sflag:$0x1] =	stream.indirect.gather [hbm4b:s4+s18], $0x40, s0, s18, $0xb8;
	[tilespmem:$0x1C000] =	vst v63  }
0x142: {  	s10 =	simm.s32 $0x80  }
0x143: {  	[tilespmem:s24], [sflag:$0x1] =	stream.indirect.gather [hbm4b:s4+s18], $0x40, s10, s18, $0xb8;
	[tilespmem:$0x1C000] =	vst v63  }
0x144: {  	_ =	swait.ge [sflag:s25], $0x2000  }
0x145: {  	[sflag:s25] =	ssyncset.done $0x0  }
0x146: {  	s11 =	simm.s32 $0x5000;
	[sflag:s25] =	ssyncadd.s32 $0xFFFFE000  }
0x147: {  	[spmem:s1] =	stream.indirect.scatter.add.f32 [tilespmem:s23], [sflag:$0x2], $0x40, s11, s18, $0xb8;
	[tilespmem:$0x1C000] =	vst v63  }
0x148: {  	_ =	swait.ge [sflag:s8], $0x2000  }
0x149: {  	[sflag:s8] =	ssyncset.done $0x0  }
0x14a: {  	s26 =	simm.s32 $0x100;
	[sflag:s8] =	ssyncadd.s32 $0xFFFFE000  }
0x14b: {  	[tilespmem:s23], [sflag:$0x1] =	stream.indirect.gather [hbm4b:s4+s18], $0x40, s26, s18, $0xb8;
	[tilespmem:$0x1C000] =	vst v63  }
0x14c: {  	_ =	swait.ge [sflag:s25], $0x2000  }
0x14d: {  	[sflag:s25] =	ssyncset.done $0x0  }
0x14e: {  	s28 =	simm.s32 $0x5080;
	[sflag:s25] =	ssyncadd.s32 $0xFFFFE000  }
0x14f: {  	[spmem:s1] =	stream.indirect.scatter.add.f32 [tilespmem:s24], [sflag:$0x2], $0x40, s28, s18, $0xb8;
	[tilespmem:$0x1C000] =	vst v63  }
0x150: {  	_ =	swait.ge [sflag:s8], $0x2000  }
0x151: {  	s0 =	simm.s32 $0x100;
	s10 =	simm.s32 $0x800;
	[sflag:s8] =	ssyncset.done $0x0  }
.LBB2_5:
0x152: {  	s11 =	sadd.s32 $0x80, s0  }
0x153: {  	[sflag:s8] =	ssyncadd.s32 $0xFFFFE000;
	s26 =	smov.u32 s10;
	s28 =	sadd.s32 $0x400, s10  }
0x154: {  	[tilespmem:s24], [sflag:$0x1] =	stream.indirect.gather [hbm4b:s4+s18], $0x40, s11, s18, $0xb8;
	[tilespmem:$0x1C000] =	vst v63  }
0x155: {  	p1 =	sne.s32 s10, $0x13800;
	_ =	swait.ge [sflag:s25], $0x2000  }
0x156: {  	[sflag:s25] =	ssyncset.done $0x0  }
0x157: {  	s10 =	sadd.s32 $0x5000, s0;
	[sflag:s25] =	ssyncadd.s32 $0xFFFFE000  }
0x158: {  	[spmem:s1] =	stream.indirect.scatter.add.f32 [tilespmem:s23], [sflag:$0x2], $0x40, s10, s18, $0xb8;
	[tilespmem:$0x1C000] =	vst v63  }
0x159: {  	_ =	swait.ge [sflag:s8], $0x2000  }
0x15a: {  	[sflag:s8] =	ssyncset.done $0x0  }
0x15b: {  	s10 =	sadd.s32 $0x100, s0;
	[sflag:s8] =	ssyncadd.s32 $0xFFFFE000  }
0x15c: {  	[tilespmem:s23], [sflag:$0x1] =	stream.indirect.gather [hbm4b:s4+s18], $0x40, s10, s18, $0xb8;
	[tilespmem:$0x1C000] =	vst v63  }
0x15d: {  	_ =	swait.ge [sflag:s25], $0x2000  }
.Ltmp7:
0x15e: {  	[sflag:s25] =	ssyncset.done $0x0;
	(pc) =	sbr.rel @p1 .LBB2_5-.Ltmp7, $4  }
0x15f: {  	s0 =	sadd.s32 $0x5080, s0;
	[sflag:s25] =	ssyncadd.s32 $0xFFFFE000  }
0x160: {  	[spmem:s1] =	stream.indirect.scatter.add.f32 [tilespmem:s24], [sflag:$0x2], $0x40, s0, s18, $0xb8;
	[tilespmem:$0x1C000] =	vst v63  }
0x161: {  	_ =	swait.ge [sflag:s8], $0x2000  }
0x162: {  	s10 =	smov.u32 s28;
	s0 =	sshra.s32 s26, $0x2;
	[sflag:s8] =	ssyncset.done $0x0  }
0x163: {  	s10 =	sadd.s32 $0x80, s0;
	[sflag:s8] =	ssyncadd.s32 $0xFFFFE000  }
0x164: {  	[tilespmem:s24], [sflag:$0x1] =	stream.indirect.gather [hbm4b:s4+s18], $0x40, s10, s18, $0xb8;
	[tilespmem:$0x1C000] =	vst v63  }
0x165: {  	_ =	swait.ge [sflag:s25], $0x2000  }
0x166: {  	[sflag:s25] =	ssyncset.done $0x0  }
0x167: {  	s11 =	sadd.s32 $0x5000, s0;
	[sflag:s25] =	ssyncadd.s32 $0xFFFFE000  }
0x168: {  	[spmem:s1] =	stream.indirect.scatter.add.f32 [tilespmem:s23], [sflag:$0x2], $0x40, s11, s18, $0xb8;
	[tilespmem:$0x1C000] =	vst v63  }
0x169: {  	_ =	swait.ge [sflag:s8], $0x2000  }
0x16a: {  	[sflag:s8] =	ssyncset.done $0x0  }
0x16b: {  	s26 =	sadd.s32 $0x100, s0;
	[sflag:s8] =	ssyncadd.s32 $0xFFFFE000  }
0x16c: {  	[tilespmem:s23], [sflag:$0x1] =	stream.indirect.gather [hbm4b:s4+s18], $0x40, s26, s18, $0xb8;
	[tilespmem:$0x1C000] =	vst v63  }
0x16d: {  	_ =	swait.ge [sflag:s25], $0x2000  }
0x16e: {  	[sflag:s25] =	ssyncset.done $0x0  }
0x16f: {  	s28 =	sadd.s32 $0x5080, s0;
	[sflag:s25] =	ssyncadd.s32 $0xFFFFE000  }
0x170: {  	[spmem:s1] =	stream.indirect.scatter.add.f32 [tilespmem:s24], [sflag:$0x2], $0x40, s28, s18, $0xb8;
	[tilespmem:$0x1C000] =	vst v63  }
0x171: {  	_ =	swait.ge [sflag:s8], $0x2000  }
0x172: {  	[sflag:s8] =	ssyncset.done $0x0  }
0x173: {  	s10 =	simm.s32 $0x4F80;
	[sflag:s8] =	ssyncadd.s32 $0xFFFFE000  }
0x174: {  	[tilespmem:s24], [sflag:$0x1] =	stream.indirect.gather [hbm4b:s4+s18], $0x40, s10, s18, $0xb8;
	[tilespmem:$0x1C000] =	vst v63  }
0x175: {  	_ =	swait.ge [sflag:s25], $0x2000  }
0x176: {  	[sflag:s25] =	ssyncset.done $0x0  }
0x177: {  	s11 =	simm.s32 $0x9F00;
	[sflag:s25] =	ssyncadd.s32 $0xFFFFE000  }
0x178: {  	[spmem:s1] =	stream.indirect.scatter.add.f32 [tilespmem:s23], [sflag:$0x2], $0x40, s11, s18, $0xb8;
	[tilespmem:$0x1C000] =	vst v63  }
0x179: {  	_ =	swait.ge [sflag:s8], $0x2000  }
0x17a: {  	[sflag:s8] =	ssyncset.done $0x0  }
0x17b: {  	[sflag:s8] =	ssyncadd.s32 $0xFFFFE000  }
0x17c: {  	_ =	swait.ge [sflag:s25], $0x2000  }
0x17d: {  	[sflag:s25] =	ssyncset.done $0x0  }
0x17e: {  	[sflag:s25] =	ssyncadd.s32 $0xFFFFE000  }
0x17f: {  	[spmem:s1] =	stream.indirect.scatter.add.f32 [tilespmem:s24], [sflag:$0x2], $0x40, s29, s18, $0xb8;
	[tilespmem:$0x1C000] =	vst v63  }
0x180: {  	_ =	swait.ge [sflag:s8], $0x2000  }
0x181: {  	[sflag:s8] =	ssyncset.done $0x0  }
0x182: {  	[sflag:s8] =	ssyncadd.s32 $0xFFFFE000  }
0x183: {  	[bflag:$0x0] =	sbarrier.arrive $0xFFFF  }
0x184: {  	[tilespmem:s30], [sflag:$0x2] =	stream.linear.gather [spmem:s12], $0x2000, $0x38;
	[tilespmem:$0x1C000] =	vst v63  }
0x185: {  	_ =	swait.ge [sflag:s8], $0x2000  }
0x186: {  	[sflag:s8] =	ssyncset.done $0x0  }
0x187: {  	s0 =	simm.s32 $0x0;
	s26 =	rddreg [dreg:$0x8];
	[sflag:s8] =	ssyncadd.s32 $0xFFFFE000  }
0x188: {  	[hbm4b:s26+s0] =	stream.linear.scatter [tilespmem:s30], [sflag:$0x2], $0x2000, $0x38;
	[tilespmem:$0x1C000] =	vst v63  }
0x189: {  	_ =	swait.ge [sflag:s8], $0x2000  }
0x18a: {  	[sflag:s8] =	ssyncset.done $0x0  }
0x18b: {  	[sflag:s8] =	ssyncadd.s32 $0xFFFFE000  }
0x18c: {  	[tilespmem:s30], [sflag:$0x2] =	stream.linear.gather [spmem:s13], $0x2000, $0x38;
	[tilespmem:$0x1C000] =	vst v63  }
0x18d: {  	_ =	swait.ge [sflag:s8], $0x2000  }
0x18e: {  	[sflag:s8] =	ssyncset.done $0x0  }
0x18f: {  	s28 =	rddreg [dreg:$0x9];
	[sflag:s8] =	ssyncadd.s32 $0xFFFFE000  }
0x190: {  	[hbm4b:s28+s0] =	stream.linear.scatter [tilespmem:s30], [sflag:$0x2], $0x2000, $0x38;
	[tilespmem:$0x1C000] =	vst v63  }
0x191: {  	_ =	swait.ge [sflag:s8], $0x2000  }
0x192: {  	[sflag:s8] =	ssyncset.done $0x0  }
0x193: {  	[sflag:s8] =	ssyncadd.s32 $0xFFFFE000  }
0x194: {  	[tilespmem:s30], [sflag:$0x2] =	stream.linear.gather [spmem:s14], $0x2000, $0x38;
	[tilespmem:$0x1C000] =	vst v63  }
0x195: {  	_ =	swait.ge [sflag:s8], $0x2000  }
0x196: {  	[sflag:s8] =	ssyncset.done $0x0  }
0x197: {  	s11 =	rddreg [dreg:$0xa];
	[sflag:s8] =	ssyncadd.s32 $0xFFFFE000  }
0x198: {  	[hbm4b:s11+s0] =	stream.linear.scatter [tilespmem:s30], [sflag:$0x2], $0x2000, $0x38;
	[tilespmem:$0x1C000] =	vst v63  }
0x199: {  	_ =	swait.ge [sflag:s8], $0x2000  }
0x19a: {  	[sflag:s8] =	ssyncset.done $0x0  }
0x19b: {  	[sflag:s8] =	ssyncadd.s32 $0xFFFFE000  }
0x19c: {  	[tilespmem:s30], [sflag:$0x2] =	stream.linear.gather [spmem:s15], $0x2000, $0x38;
	[tilespmem:$0x1C000] =	vst v63  }
0x19d: {  	_ =	swait.ge [sflag:s8], $0x2000  }
0x19e: {  	[sflag:s8] =	ssyncset.done $0x0  }
0x19f: {  	s26 =	rddreg [dreg:$0xb];
	[sflag:s8] =	ssyncadd.s32 $0xFFFFE000  }
0x1a0: {  	[hbm4b:s26+s0] =	stream.linear.scatter [tilespmem:s30], [sflag:$0x2], $0x2000, $0x38;
	[tilespmem:$0x1C000] =	vst v63  }
0x1a1: {  	_ =	swait.ge [sflag:s8], $0x2000  }
0x1a2: {  	[sflag:s8] =	ssyncset.done $0x0  }
0x1a3: {  	[sflag:s8] =	ssyncadd.s32 $0xFFFFE000  }
0x1a4: {  	[tilespmem:s30], [sflag:$0x2] =	stream.linear.gather [spmem:s16], $0x2000, $0x38;
	[tilespmem:$0x1C000] =	vst v63  }
0x1a5: {  	_ =	swait.ge [sflag:s8], $0x2000  }
0x1a6: {  	[sflag:s8] =	ssyncset.done $0x0  }
0x1a7: {  	s28 =	rddreg [dreg:$0xc];
	[sflag:s8] =	ssyncadd.s32 $0xFFFFE000  }
0x1a8: {  	[hbm4b:s28+s0] =	stream.linear.scatter [tilespmem:s30], [sflag:$0x2], $0x2000, $0x38;
	[tilespmem:$0x1C000] =	vst v63  }
0x1a9: {  	_ =	swait.ge [sflag:s8], $0x2000  }
0x1aa: {  	[sflag:s8] =	ssyncset.done $0x0  }
0x1ab: {  	[sflag:s8] =	ssyncadd.s32 $0xFFFFE000  }
0x1ac: {  	[spmem:s12] =	stream.linear.scatter [tilespmem:s9], [sflag:$0x2], $0x2000, $0x38;
	[tilespmem:$0x1C000] =	vst v63  }
0x1ad: {  	_ =	swait.ge [sflag:s8], $0x2000  }
0x1ae: {  	[sflag:s8] =	ssyncset.done $0x0  }
0x1af: {  	[sflag:s8] =	ssyncadd.s32 $0xFFFFE000  }
0x1b0: {  	[spmem:s13] =	stream.linear.scatter [tilespmem:s9], [sflag:$0x2], $0x2000, $0x38;
	[tilespmem:$0x1C000] =	vst v63  }
0x1b1: {  	_ =	swait.ge [sflag:s8], $0x2000  }
0x1b2: {  	[sflag:s8] =	ssyncset.done $0x0  }
0x1b3: {  	[sflag:s8] =	ssyncadd.s32 $0xFFFFE000  }
0x1b4: {  	[spmem:s14] =	stream.linear.scatter [tilespmem:s9], [sflag:$0x2], $0x2000, $0x38;
	[tilespmem:$0x1C000] =	vst v63  }
0x1b5: {  	_ =	swait.ge [sflag:s8], $0x2000  }
0x1b6: {  	[sflag:s8] =	ssyncset.done $0x0  }
0x1b7: {  	[sflag:s8] =	ssyncadd.s32 $0xFFFFE000  }
0x1b8: {  	[spmem:s15] =	stream.linear.scatter [tilespmem:s9], [sflag:$0x2], $0x2000, $0x38;
	[tilespmem:$0x1C000] =	vst v63  }
0x1b9: {  	_ =	swait.ge [sflag:s8], $0x2000  }
0x1ba: {  	[sflag:s8] =	ssyncset.done $0x0  }
0x1bb: {  	[sflag:s8] =	ssyncadd.s32 $0xFFFFE000  }
0x1bc: {  	[spmem:s16] =	stream.linear.scatter [tilespmem:s9], [sflag:$0x2], $0x2000, $0x38;
	[tilespmem:$0x1C000] =	vst v63  }
0x1bd: {  	_ =	swait.ge [sflag:s8], $0x2000  }
0x1be: {  	[sflag:s8] =	ssyncset.done $0x0  }
0x1bf: {  	[sflag:s8] =	ssyncadd.s32 $0xFFFFE000  }
0x1c0: {  	[bflag:$0x0] =	sbarrier.arrive $0xFFFF  }
0x1c1: {  	[tilespmem:s23], [sflag:$0x1] =	stream.indirect.gather [hbm4b:s5+s18], $0x40, s0, s18, $0xb8;
	[tilespmem:$0x1C000] =	vst v63  }
0x1c2: {  	s10 =	simm.s32 $0x80  }
0x1c3: {  	[tilespmem:s24], [sflag:$0x1] =	stream.indirect.gather [hbm4b:s5+s18], $0x40, s10, s18, $0xb8;
	[tilespmem:$0x1C000] =	vst v63  }
0x1c4: {  	_ =	swait.ge [sflag:s25], $0x2000  }
0x1c5: {  	[sflag:s25] =	ssyncset.done $0x0  }
0x1c6: {  	s11 =	simm.s32 $0x5000;
	[sflag:s25] =	ssyncadd.s32 $0xFFFFE000  }
0x1c7: {  	[spmem:s1] =	stream.indirect.scatter.add.f32 [tilespmem:s23], [sflag:$0x2], $0x40, s11, s18, $0xb8;
	[tilespmem:$0x1C000] =	vst v63  }
0x1c8: {  	_ =	swait.ge [sflag:s8], $0x2000  }
0x1c9: {  	[sflag:s8] =	ssyncset.done $0x0  }
0x1ca: {  	s26 =	simm.s32 $0x100;
	[sflag:s8] =	ssyncadd.s32 $0xFFFFE000  }
0x1cb: {  	[tilespmem:s23], [sflag:$0x1] =	stream.indirect.gather [hbm4b:s5+s18], $0x40, s26, s18, $0xb8;
	[tilespmem:$0x1C000] =	vst v63  }
0x1cc: {  	_ =	swait.ge [sflag:s25], $0x2000  }
0x1cd: {  	[sflag:s25] =	ssyncset.done $0x0  }
0x1ce: {  	s28 =	simm.s32 $0x5080;
	[sflag:s25] =	ssyncadd.s32 $0xFFFFE000  }
0x1cf: {  	[spmem:s1] =	stream.indirect.scatter.add.f32 [tilespmem:s24], [sflag:$0x2], $0x40, s28, s18, $0xb8;
	[tilespmem:$0x1C000] =	vst v63  }
0x1d0: {  	_ =	swait.ge [sflag:s8], $0x2000  }
0x1d1: {  	s0 =	simm.s32 $0x100;
	s10 =	simm.s32 $0x800;
	[sflag:s8] =	ssyncset.done $0x0  }
.LBB2_7:
0x1d2: {  	s11 =	sadd.s32 $0x80, s0  }
0x1d3: {  	[sflag:s8] =	ssyncadd.s32 $0xFFFFE000;
	s26 =	smov.u32 s10;
	s28 =	sadd.s32 $0x400, s10  }
0x1d4: {  	[tilespmem:s24], [sflag:$0x1] =	stream.indirect.gather [hbm4b:s5+s18], $0x40, s11, s18, $0xb8;
	[tilespmem:$0x1C000] =	vst v63  }
0x1d5: {  	p1 =	sne.s32 s10, $0x13800;
	_ =	swait.ge [sflag:s25], $0x2000  }
0x1d6: {  	[sflag:s25] =	ssyncset.done $0x0  }
0x1d7: {  	s10 =	sadd.s32 $0x5000, s0;
	[sflag:s25] =	ssyncadd.s32 $0xFFFFE000  }
0x1d8: {  	[spmem:s1] =	stream.indirect.scatter.add.f32 [tilespmem:s23], [sflag:$0x2], $0x40, s10, s18, $0xb8;
	[tilespmem:$0x1C000] =	vst v63  }
0x1d9: {  	_ =	swait.ge [sflag:s8], $0x2000  }
0x1da: {  	[sflag:s8] =	ssyncset.done $0x0  }
0x1db: {  	s10 =	sadd.s32 $0x100, s0;
	[sflag:s8] =	ssyncadd.s32 $0xFFFFE000  }
0x1dc: {  	[tilespmem:s23], [sflag:$0x1] =	stream.indirect.gather [hbm4b:s5+s18], $0x40, s10, s18, $0xb8;
	[tilespmem:$0x1C000] =	vst v63  }
0x1dd: {  	_ =	swait.ge [sflag:s25], $0x2000  }
.Ltmp8:
0x1de: {  	[sflag:s25] =	ssyncset.done $0x0;
	(pc) =	sbr.rel @p1 .LBB2_7-.Ltmp8, $4  }
0x1df: {  	s0 =	sadd.s32 $0x5080, s0;
	[sflag:s25] =	ssyncadd.s32 $0xFFFFE000  }
0x1e0: {  	[spmem:s1] =	stream.indirect.scatter.add.f32 [tilespmem:s24], [sflag:$0x2], $0x40, s0, s18, $0xb8;
	[tilespmem:$0x1C000] =	vst v63  }
0x1e1: {  	_ =	swait.ge [sflag:s8], $0x2000  }
0x1e2: {  	s10 =	smov.u32 s28;
	s0 =	sshra.s32 s26, $0x2;
	[sflag:s8] =	ssyncset.done $0x0  }
.Ltmp9:
0x1e3: {  	_ = 	snop;
	(pc) =	sbr.rel .LBB2_8-.Ltmp9, $1  }
0x1e4: {  	_ =	sdelay $0x3  }
.LBB2_15:
0x1e5: {  	_ =	sfence.sel $0x180000  }
0x1e6: {  	[bflag:$0x0] =	sbarrier.arrive $0xFFFF  }
0x1e7: {  	_ =	strace $0x9000004A  }
0x1e8: {  	s0 =	stileid.u32;
	[bflag:$0x2] =	sbarrier.arrive $0xFFFF  }
0x1e9: {  	p0 =	sne.s32 s0, $0x0;
	s0 =	rddreg [dreg:$0x3]  }
0x1ea: {  	s0 =	sadd.s32 @!p0 $0x100000, s0  }
0x1eb: {  	[sflag:s0] =	ssyncadd.tile.s32 @!p0 $0x1;
	_ =	shalt  }
.Lfunc_end2:
_tile_overlayer_lowered:
.L_overlay_start_2:
0x1ec: {  	(tag) =	ssettag $0x2  }
0x1ed: {  	s0 =	rddreg [dreg:$0x0];
	s2 =	stileid.u32  }
0x1ee: {  	s1 =	rddreg [dreg:$0x1];
	p0 =	sne.s32 s2, $0x0  }
0x1ef: {  	s3 =	rddreg [dreg:$0x2];
	[bflag:$0x3] =	sbarrier.arrive $0xFFFF;
	s2 =	simm.s32 @!p0 $0x1C02  }
0x1f0: {  	[timem:s3], [sflag:s2] =	dma.local @!p0 [hbm:s0], s1  }
0x1f1: {  	s0 =	simm.s32 @!p0 $0x2  }
0x1f2: {  	_ =	swait.ge @!p0 [sflag:s0], s1  }
0x1f3: {  	s1 =	ssub.s32 @!p0 $0x0, s1;
	[sflag:s0] =	ssyncset.done @!p0 $0x0  }
0x1f4: {  	[sflag:s0] =	ssyncadd.s32 @!p0 s1  }
0x1f5: {  	[bflag:$0x3] =	sbarrier.arrive $0xFFFF  }
0x1f6: {  	_ =	shalt  }

// kernel: kernel.8.cloned.1.call-start
scs
__scs_entry_jumppad:
0x0: {  	(pc) =	sbr.rel $0x88, $3  }
0x1: {  	(tag) =	ssettag $0x0;
	lr =	simm.s32 $0x1  }
0x2: {  	[smem:$0x3F99] =	sst lr;
	_ =	strace $0xD0000000  }
0x3: {  	_ = 	snop  }
0x4: {  	_ = 	snop  }
0x5: {  	_ = 	snop  }
0x6: {  	_ = 	snop  }
0x7: {  	_ = 	snop  }
__scs_overlays_trampoline_lowered:
0x8: {  	[smem:$0x3FA8] =	sst s0  }
0x9: {  	[smem:$0x3FA9] =	sst s1  }
0xa: {  	[smem:$0x3FAA] =	sst s2  }
0xb: {  	[smem:$0x3FAB] =	sst s3  }
0xc: {  	[smem:$0x3FAC] =	sst s4  }
0xd: {  	[smem:$0x3FAD] =	sst s5  }
0xe: {  	[smem:$0x3FAE] =	sst s6  }
0xf: {  	[smem:$0x3FAF] =	sst s7  }
0x10: {  	[smem:$0x3FB0] =	sst s8  }
0x11: {  	[smem:$0x3FB1] =	sst s9;
	s0 =	simm.s32 @!p0 $0x0  }
0x12: {  	s1 =	sld [smem:$0x3F97];
	s0 =	simm.s32 @p0 $0x1  }
0x13: {  	[smem:$0x3FB2] =	sst s0;
	s0 =	simm.s32 @!p1 $0x0  }
0x14: {  	s2 =	sld [smem:$0x3F96];
	s0 =	simm.s32 @p1 $0x1  }
0x15: {  	[smem:$0x3FB3] =	sst s0;
	s0 =	simm.s32 @!p2 $0x0  }
0x16: {  	s3 =	sld [smem:$0x3FDB];
	s0 =	simm.s32 @p2 $0x1  }
0x17: {  	s4 =	simm.s32 $0x1BF5;
	[smem:$0x3FB5] =	sst s0  }
0x18: {  	s0 =	sld [smem:$0x3F98];
	_ =	swait.ge [sflag:s4], $0x0  }
0x19: {  	s7 =	sld [smem:$0x3F99]  }
0x1a: {  	s8 =	sadd.s32 $0xFFFFE003, lr  }
0x1b: {  	s9 =	sadd.s32 $0xFFFFFEF7, lr;
	s5 =	simm.s32 $0xFFFFFFFF;
	p2 =	slt.u32 s8, $0xFFFFF086  }
0x1c: {  	p1 =	slt.u32 s9, $0xF7A;
	s5 =	simm.s32 @!p2 $0x0  }
0x1d: {  	s5 =	simm.s32 @p1 $0x1;
	p0 =	seq.s32 s7, s2  }
0x1e: {  	s7 =	smul.u32 @!p0 $0xF7A, s2;
	p2 =	seq.s32 @!p0 s5, $0x0  }
0x1f: {  	s9 =	smul.u32 $0xF7A, s1;
	s8 =	simm.s32 @!p0 $0x1BF5;
	p2 =	por !p2, p0  }
0x20: {  	[sflag:s8] =	ssyncset.s32 @!p0 $0xFFFFF086;
	s6 =	sadd.s32 @!p0 s3, s7;
	s7 =	simm.s32 @!p0 $0x108  }
0x21: {  	s3 =	sadd.s32 s3, s9;
	s6 =	sadd.s32 @!p0 $0x88, s6;
	s7 =	simm.s32 @p2 $0x1082  }
0x22: {  	[simem:s7], [sflag:s8] =	dma.local @!p0 [hbm:s6], $0xF7A  }
0x23: {  	s9 =	sor.u32 $0xD0000000, s2;
	s6 =	simm.s32 $0x108;
	_ =	swait.ge @!p0 [sflag:s8], $0x0  }
0x24: {  	s3 =	sadd.s32 $0x88, s3;
	s6 =	simm.s32 @!p1 $0x1082;
	[sflag:s4] =	ssyncset.s32 $0xFFFFF086  }
0x25: {  	[simem:s6], [sflag:s4] =	dma.local [hbm:s3], $0xF7A  }
0x26: {  	[smem:$0x3F99] =	sst s1;
	(tag) =	ssettag s2;
	_ =	strace s9  }
0x27: {  	s1 =	sld [smem:$0x3FA9]  }
0x28: {  	s2 =	sld [smem:$0x3FAA]  }
0x29: {  	s4 =	sld [smem:$0x3FAC]  }
0x2a: {  	p0 =	seq.s32 s5, $0x0;
	s5 =	sld [smem:$0x3FAD]  }
0x2b: {  	s6 =	sld [smem:$0x3FAE]  }
0x2c: {  	s7 =	sld [smem:$0x3FAF]  }
0x2d: {  	s3 =	simm.s32 $0x108;
	s8 =	sld [smem:$0x3FB0]  }
0x2e: {  	s3 =	simm.s32 @!p0 $0x1082;
	s9 =	sld [smem:$0x3FB1]  }
0x2f: {  	lr =	sadd.s32 s0, s3;
	s0 =	sld [smem:$0x3FA8]  }
0x30: {  	s3 =	sld [smem:$0x3FAB]  }
0x31: {  	[smem:$0x3FB4] =	sst s10  }
0x32: {  	s10 =	sld [smem:$0x3FB2];
	_ =	sdelay $0x3  }
0x33: {  	p0 =	seq.s32 s10, $0x1;
	s10 =	sld [smem:$0x3FB4];
	_ =	sdelay $0x3  }
0x34: {  	[smem:$0x3FB4] =	sst s10  }
0x35: {  	s10 =	sld [smem:$0x3FB3];
	_ =	sdelay $0x3  }
0x36: {  	p1 =	seq.s32 s10, $0x1;
	s10 =	sld [smem:$0x3FB4];
	_ =	sdelay $0x3  }
0x37: {  	[smem:$0x3FB4] =	sst s10  }
0x38: {  	s10 =	sld [smem:$0x3FB5]  }
0x39: {  	_ = 	snop;
	(pc) =	sbr.ind lr, $3  }
0x3a: {  	_ = 	snop  }
0x3b: {  	_ = 	snop  }
0x3c: {  	p2 =	seq.s32 s10, $0x1;
	s10 =	sld [smem:$0x3FB4]  }
0x3d: {  	_ =	shalt  }
0x3e: {  	_ =	shalt  }
0x3f: {  	_ =	shalt  }
0x40: {  	_ =	shalt  }
0x41: {  	_ =	shalt  }
0x42: {  	_ =	shalt  }
0x43: {  	_ =	shalt  }
0x44: {  	_ =	shalt  }
0x45: {  	_ =	shalt  }
0x46: {  	_ =	shalt  }
0x47: {  	_ =	shalt  }
0x48: {  	_ =	shalt  }
0x49: {  	_ =	shalt  }
0x4a: {  	_ =	shalt  }
0x4b: {  	_ =	shalt  }
0x4c: {  	_ =	shalt  }
0x4d: {  	_ =	shalt  }
0x4e: {  	_ =	shalt  }
0x4f: {  	_ =	shalt  }
0x50: {  	_ =	shalt  }
0x51: {  	_ =	shalt  }
0x52: {  	_ =	shalt  }
0x53: {  	_ =	shalt  }
0x54: {  	_ =	shalt  }
0x55: {  	_ =	shalt  }
0x56: {  	_ =	shalt  }
0x57: {  	_ =	shalt  }
0x58: {  	_ =	shalt  }
0x59: {  	_ =	shalt  }
0x5a: {  	_ =	shalt  }
0x5b: {  	_ =	shalt  }
0x5c: {  	_ =	shalt  }
0x5d: {  	_ =	shalt  }
0x5e: {  	_ =	shalt  }
0x5f: {  	_ =	shalt  }
0x60: {  	_ =	shalt  }
0x61: {  	_ =	shalt  }
0x62: {  	_ =	shalt  }
0x63: {  	_ =	shalt  }
0x64: {  	_ =	shalt  }
0x65: {  	_ =	shalt  }
0x66: {  	_ =	shalt  }
0x67: {  	_ =	shalt  }
0x68: {  	_ =	shalt  }
0x69: {  	_ =	shalt  }
0x6a: {  	_ =	shalt  }
0x6b: {  	_ =	shalt  }
0x6c: {  	_ =	shalt  }
0x6d: {  	_ =	shalt  }
0x6e: {  	_ =	shalt  }
0x6f: {  	_ =	shalt  }
0x70: {  	_ =	shalt  }
0x71: {  	_ =	shalt  }
0x72: {  	_ =	shalt  }
0x73: {  	_ =	shalt  }
0x74: {  	_ =	shalt  }
0x75: {  	_ =	shalt  }
0x76: {  	_ =	shalt  }
0x77: {  	_ =	shalt  }
0x78: {  	_ =	shalt  }
0x79: {  	_ =	shalt  }
0x7a: {  	_ =	shalt  }
0x7b: {  	_ =	shalt  }
0x7c: {  	_ =	shalt  }
0x7d: {  	_ =	shalt  }
0x7e: {  	_ =	shalt  }
0x7f: {  	_ =	shalt  }
0x80: {  	_ =	shalt  }
0x81: {  	_ =	shalt  }
0x82: {  	_ =	shalt  }
0x83: {  	_ =	shalt  }
0x84: {  	_ =	shalt  }
0x85: {  	_ =	shalt  }
0x86: {  	_ =	shalt  }
0x87: {  	_ =	shalt  }
.Lfunc_end0:
.L_simem_size_0:
called_computation_lowered:
.L_overlay_start_0:
0x88: {  	s2 =	sld [smem:$0x3FD9]  }
0x89: {  	s3 =	sld [smem:$0x3FFE];
	_ =	sdelay $0x1  }
0x8a: {  	s1 =	srdreg.scid  }
0x8b: {  	s0 =	sand.u32 $0x1, s1  }
0x8c: {  	s16 =	sshll.u32 s0, $0xA;
	s2 =	sadd.s32 s3, s2  }
0x8d: {  	s2 =	sadd.s32 s2, s16  }
0x8e: {  	[smem:$0x3FC0] =	sst s2  }
0x8f: {  	_ = 	snop  }
0x90: {  	(tm) =	ssettm $0x1  }
0x91: {  	s17 =	sld [smem:$0x3FFB];
	_ =	sdelay $0x3  }
0x92: {  	_ =	strace s17  }
0x93: {  	s2 =	sld [smem:$0x3FFC];
	_ =	sdelay $0x3  }
0x94: {  	_ =	strace s2  }
0x95: {  	s2 =	sld [smem:$0x3FFD];
	_ =	sdelay $0x3  }
0x96: {  	_ =	strace s2  }
0x97: {  	_ =	strace $0x8FFFFFFF  }
0x98: {  	s18 =	sld [smem:$0x3FDB];
	_ =	sdelay $0x1  }
0x99: {  	s19 =	simm.s32 $_scs_section_size  }
0x9a: {  	s4 =	simm.s32 $_size__tile_overlayer_lowered;
	s5 =	simm.s32 $_tile_overlayer_lowered  }
0x9b: {  	s22 =	simm.s32 $0x1BFF;
	s21 =	sshll.u32 s5, $0x1;
	s2 =	sadd.s32 s19, s18  }
0x9c: {  	s6 =	simm.s32 $0x0;
	s20 =	sshll.u32 s4, $0x1;
	s4 =	sadd.s32 s21, s2  }
0x9d: {  	[timem:s6], [sflag:s22] =	dma.local [hbm:s4], s20  }
0x9e: {  	_ =	swait.ge [sflag:s22], s20  }
0x9f: {  	s3 =	ssub.s32 $0x0, s20;
	[sflag:s22] =	ssyncset.done $0x0  }
0xa0: {  	[sflag:s22] =	ssyncadd.s32 s3;
	_ =	sdelay $0x1  }
0xa1: {  	s23 =	simm.s32 $0x1B8B  }
0xa2: {  	_ =	swait.ge [sflag:s23], $0x1  }
0xa3: {  	[sflag:s23] =	ssyncset.done $0x0  }
0xa4: {  	s25 =	simm.s32 $0x1B8E;
	s24 =	sld [smem:$0x3FFE];
	[sflag:s23] =	ssyncadd.s32 $0xFFFFFFFF  }
0xa5: {  	s26 =	simm.s32 $execute0_lowered;
	[smem:$0x3FD2] =	sst s25  }
0xa6: {  	s4 =	sshll.u32 s26, $0x1;
	_ =	strace $0x80000046;
	[dreg:$0x1] =	wrdreg $0xFFFFFFFF  }
0xa7: {  	s28 =	simm.s32 $_size_execute0_lowered;
	s2 =	sadd.s32 s2, s4;
	[dreg:$0x0] =	wrdreg $0x0  }
0xa8: {  	s4 =	sshll.u32 s28, $0x1;
	[dreg:$0x2] =	wrdreg s2  }
0xa9: {  	[dreg:$0x3] =	wrdreg s4  }
0xaa: {  	[dreg:$0x4] =	wrdreg $0xC0  }
0xab: {  	_ =	task [dreg:s6], $0x5FFFF  }
0xac: {  	[dreg:$0x1] =	wrdreg $0xFFFFFFFF  }
0xad: {  	[dreg:$0x0] =	wrdreg $0x60  }
0xae: {  	[dreg:$0x2] =	wrdreg s24  }
0xaf: {  	[dreg:$0x3] =	wrdreg $0x110000  }
0xb0: {  	[dreg:$0x4] =	wrdreg $0x1B0000  }
0xb1: {  	[dreg:$0x5] =	wrdreg $0x9  }
0xb2: {  	_ =	task.clear_ibuf [dreg:s6], $0x6FFFF;
	_ =	strace $0x90000046  }
0xb3: {  	s29 =	simm.s32 $0x9;
	_ =	strace $0x80000048  }
0xb4: {  	_ =	swait.ge [sflag:s29], $0x1  }
0xb5: {  	[sflag:s29] =	ssyncadd.s32 $0xFFFFFFFF  }
0xb6: {  	_ =	strace $0x90000048  }
0xb7: {  	_ =	sfence  }
0xb8: {  	s30 =	sld [smem:$0x0];
	_ =	sdelay $0x2  }
0xb9: {  	s31 =	sshll.u32 s1, $0xD;
	s1 =	sshrl.u32 s1, $0x2  }
0xba: {  	s3 =	sand.u32 $0x4000, s31;
	s1 =	sadd.s32 s1, s30  }
0xbb: {  	s0 =	sor.u32 s3, s0;
	s1 =	sshll.u32 s1, $0x11  }
0xbc: {  	s0 =	sor.u32 s1, s0  }
0xbd: {  	s0 =	sadd.s32 $0x8F2B, s0  }
0xbe: {  	[sflag:s0] =	ssyncadd.remote.s32 $0x1  }
0xbf: {  	_ =	sfence.sel $0xFFFF  }
0xc0: {  	[dreg:$0x0] =	wrdreg $0xFFFFFFFF;
	(pc) =	sbr.abs _section_cstart, $3  }
0xc1: {  	[dreg:$0x1] =	wrdreg $0xFFFFFFFF  }
0xc2: {  	_ =	task.clear_ibuf [dreg:s6], $0x2FFFF;
	_ =	strace $0x9FFFFFFF  }
0xc3: {  	(tm) =	ssettm $0x7FFFFFFF  }
tec
execute0_lowered:
.L_overlay_start_1:
0x0: {  	(tag) =	ssettag $0x1  }
0x1: {  	s0 =	rddreg [dreg:$0x0]  }
0x2: {  	s1 =	rddreg [dreg:$0x1];
	s2 =	simm.s32 $0x0;
	s3 =	srdreg.scid  }
0x3: {  	s20 =	stileid.u32;
	[smem:$0x7FF] =	sst s2;
	s4 =	sadd.s32 $0x56C00, s0  }
0x4: {  	s3 =	sand.u32 $0x1, s3;
	s5 =	sadd.s32 $0x42C00, s0;
	s7 =	smul.u32 $0x280, s20  }
0x5: {  	s8 =	sadd.s32 $0x3DC00, s0;
	s10 =	smul.u32 $0xA000, s20;
	s6 =	ssub.s32 $0x2, s3  }
0x6: {  	s19 =	smul.u32 $0x2800, s20;
	p0 =	sne.s32 s3, $0x0;
	s9 =	sshrl.u32 s6, $0x1  }
0x7: {  	s11 =	sadd.s32 $0x100, s7;
	s12 =	sadd.s32 $0x180, s7;
	s13 =	sshrl.u32 s10, $0x3  }
0x8: {  	s6 =	ssub.s32 s6, s9;
	s9 =	sadd.s32 $0x80, s7;
	s14 =	sadd.s32 s5, s13  }
0x9: {  	s15 =	sshll.u32 s11, $0x3;
	s21 =	sadd.s32 s4, s13;
	[dreg:$0x4] =	wrdreg s14  }
0xa: {  	s28 =	sshll.u32 s12, $0x3;
	s26 =	sadd.s32 s5, s15;
	[dreg:$0x9] =	wrdreg s21  }
0xb: {  	s7 =	sadd.s32 $0x200, s7;
	s17 =	sadd.s32 s5, s28;
	[dreg:$0x6] =	wrdreg s26  }
0xc: {  	s13 =	sshll.u32 s12, $0x1;
	s23 =	sadd.s32 s4, s15;
	[dreg:$0x7] =	wrdreg s17  }
0xd: {  	s25 =	sshll.u32 s9, $0x3;
	s24 =	sadd.s32 s4, s28;
	[dreg:$0xb] =	wrdreg s23  }
0xe: {  	s18 =	sshll.u32 s7, $0x3;
	s14 =	sadd.s32 s8, s13;
	[dreg:$0xc] =	wrdreg s24  }
0xf: {  	s16 =	sadd.s32 s5, s25;
	s5 =	sadd.s32 s5, s18;
	[dreg:$0x11] =	wrdreg s14  }
0x10: {  	s22 =	sadd.s32 s4, s25;
	s4 =	sadd.s32 s4, s18;
	s18 =	rddreg [dreg:$0x2]  }
0x11: {  	s3 =	simm.s32 $0x9F80;
	s28 =	sshll.u32 s9, $0x1;
	[dreg:$0x5] =	wrdreg s16  }
0x12: {  	s15 =	smul.u32 $0xA00, s20;
	s20 =	sadd.s32 $0x16200, s0;
	[dreg:$0x8] =	wrdreg s5  }
0x13: {  	s21 =	sadd.s32 $0x2800, s0;
	s13 =	sshll.u32 s11, $0x4;
	[dreg:$0xa] =	wrdreg s22  }
0x14: {  	s25 =	sshrl.u32 s19, $0x3;
	s14 =	sshll.u32 s12, $0x4;
	[dreg:$0xd] =	wrdreg s4  }
0x15: {  	s26 =	sadd.s32 s8, s25;
	s4 =	sadd.s32 s8, s28;
	s5 =	sshll.u32 s11, $0x1  }
0x16: {  	s16 =	sshll.u32 s7, $0x1;
	s17 =	sadd.s32 s15, s0;
	s25 =	sshll.u32 s9, $0x6  }
0x17: {  	s28 =	sshll.u32 s12, $0x6;
	s30 =	sadd.s32 s13, s18;
	s31 =	sadd.s32 s14, s18  }
0x18: {  	s15 =	sshll.u32 s7, $0x4;
	s12 =	simm.s32 $0x1;
	[dreg:$0xe] =	wrdreg s26  }
0x19: {  	s13 =	simm.s32 $0x10000;
	[dreg:$0xf] =	wrdreg s4;
	s4 =	sadd.s32 s8, s5  }
0x1a: {  	s5 =	sadd.s32 s8, s16;
	s26 =	sshll.u32 s11, $0x6;
	s22 =	sadd.s32 s25, s1  }
0x1b: {  	s24 =	sadd.s32 s28, s1;
	s25 =	sadd.s32 s10, s1;
	s8 =	sshll.u32 s7, $0x6  }
0x1c: {  	s14 =	sadd.s32 s15, s18;
	s16 =	sadd.s32 $0x29C00, s17;
	s17 =	sadd.s32 $0x33C00, s17  }
0x1d: {  	s28 =	sadd.s32 s19, s18;
	s7 =	simm.s32 $0x2;
	[dreg:$0x10] =	wrdreg s4  }
0x1e: {  	s11 =	simm.s32 $0xC000;
	s19 =	simm.s32 $0x10800;
	[dreg:$0x12] =	wrdreg s5  }
0x1f: {  	s23 =	sadd.s32 s26, s1;
	s5 =	sshrl.u32 s10, $0x2;
	s26 =	sadd.s32 s8, s1  }
.Ltmp0:
0x20: {  	s10 =	sshll.u32 s9, $0x4;
	s9 =	simm.s32 $0x80;
	(pc) =	sbr.rel .LBB2_1-.Ltmp0, $4  }
0x21: {  	s8 =	simm.s32 $0x0;
	_ =	strace $0x80000047;
	[dreg:$0x15] =	wrdreg s16  }
0x22: {  	s0 =	sadd.s32 s5, s18;
	s29 =	sadd.s32 s10, s18;
	[dreg:$0x16] =	wrdreg s17  }
0x23: {  	[dreg:$0x14] =	wrdreg s28;
	s5 =	smax.u32 s6, $0x1;
	s6 =	simm.s32 $0xE000  }
0x24: {  	v0 =	vimm.f32 $0.0e+00;
	v1 =	vimm.f32 $1.000000000e+00;
	s10 =	simm.s32 $0xA000;
	[dreg:$0x13] =	wrdreg s0;
	s0 =	simm.s32 $0x9F00  }
.LBB2_13:
0x25: {  	s4 =	sadd.s32 $0x80, s15;
	[sflag:s7] =	ssyncadd.s32 $0xFFFFE000  }
0x26: {  	[tilespmem:s11], [sflag:$0x1] =	stream.indirect.gather [hbm4b:s21+s9], $0x40, s4, s9, $0xb8;
	[tilespmem:$0x1D800] =	vst v63  }
0x27: {  	_ =	swait.ge [sflag:s12], $0x2000  }
0x28: {  	[sflag:s12] =	ssyncset.done $0x0  }
0x29: {  	s17 =	sadd.s32 $0x5000, s15;
	[sflag:s12] =	ssyncadd.s32 $0xFFFFE000  }
0x2a: {  	[spmem:s1] =	stream.indirect.scatter.add.f32 [tilespmem:s10], [sflag:$0x2], $0x40, s17, s9, $0xb8;
	[tilespmem:$0x1D800] =	vst v63  }
0x2b: {  	_ =	swait.ge [sflag:s7], $0x2000  }
0x2c: {  	[sflag:s7] =	ssyncset.done $0x0  }
0x2d: {  	s28 =	sadd.s32 $0x100, s15;
	[sflag:s7] =	ssyncadd.s32 $0xFFFFE000  }
0x2e: {  	[tilespmem:s10], [sflag:$0x1] =	stream.indirect.gather [hbm4b:s21+s9], $0x40, s28, s9, $0xb8;
	[tilespmem:$0x1D800] =	vst v63  }
0x2f: {  	_ =	swait.ge [sflag:s12], $0x2000  }
0x30: {  	[sflag:s12] =	ssyncset.done $0x0  }
0x31: {  	s16 =	sadd.s32 $0x5080, s15;
	[sflag:s12] =	ssyncadd.s32 $0xFFFFE000  }
0x32: {  	[spmem:s1] =	stream.indirect.scatter.add.f32 [tilespmem:s11], [sflag:$0x2], $0x40, s16, s9, $0xb8;
	[tilespmem:$0x1D800] =	vst v63  }
0x33: {  	_ =	swait.ge [sflag:s7], $0x2000  }
0x34: {  	[sflag:s7] =	ssyncset.done $0x0  }
0x35: {  	s17 =	simm.s32 $0x4F80;
	[sflag:s7] =	ssyncadd.s32 $0xFFFFE000  }
0x36: {  	[tilespmem:s11], [sflag:$0x1] =	stream.indirect.gather [hbm4b:s21+s9], $0x40, s17, s9, $0xb8;
	[tilespmem:$0x1D800] =	vst v63  }
0x37: {  	_ =	swait.ge [sflag:s12], $0x2000  }
0x38: {  	[sflag:s12] =	ssyncset.done $0x0  }
0x39: {  	[sflag:s12] =	ssyncadd.s32 $0xFFFFE000  }
0x3a: {  	[spmem:s1] =	stream.indirect.scatter.add.f32 [tilespmem:s10], [sflag:$0x2], $0x40, s0, s9, $0xb8;
	[tilespmem:$0x1D800] =	vst v63  }
0x3b: {  	_ =	swait.ge [sflag:s7], $0x2000  }
0x3c: {  	[sflag:s7] =	ssyncset.done $0x0  }
0x3d: {  	[sflag:s7] =	ssyncadd.s32 $0xFFFFE000  }
0x3e: {  	_ =	swait.ge [sflag:s12], $0x2000  }
0x3f: {  	[sflag:s12] =	ssyncset.done $0x0  }
0x40: {  	[sflag:s12] =	ssyncadd.s32 $0xFFFFE000  }
0x41: {  	[spmem:s1] =	stream.indirect.scatter.add.f32 [tilespmem:s11], [sflag:$0x2], $0x40, s3, s9, $0xb8;
	[tilespmem:$0x1D800] =	vst v63  }
0x42: {  	_ =	swait.ge [sflag:s7], $0x2000  }
0x43: {  	[sflag:s7] =	ssyncset.done $0x0  }
0x44: {  	[sflag:s7] =	ssyncadd.s32 $0xFFFFE000  }
0x45: {  	[bflag:$0x0] =	sbarrier.arrive $0xFFFF  }
0x46: {  	[tilespmem:s6], [sflag:$0x2] =	stream.linear.gather [spmem:s25], $0x2000, $0x38;
	[tilespmem:$0x1D800] =	vst v63  }
0x47: {  	_ =	swait.ge [sflag:s7], $0x2000  }
0x48: {  	[sflag:s7] =	ssyncset.done $0x0  }
0x49: {  	s28 =	rddreg [dreg:$0x4];
	[sflag:s7] =	ssyncadd.s32 $0xFFFFE000  }
0x4a: {  	[hbm4b:s28+s2] =	stream.linear.scatter [tilespmem:s6], [sflag:$0x2], $0x2000, $0x38;
	[tilespmem:$0x1D800] =	vst v63  }
0x4b: {  	_ =	swait.ge [sflag:s7], $0x2000  }
0x4c: {  	[sflag:s7] =	ssyncset.done $0x0  }
0x4d: {  	[sflag:s7] =	ssyncadd.s32 $0xFFFFE000  }
0x4e: {  	[tilespmem:s6], [sflag:$0x2] =	stream.linear.gather [spmem:s22], $0x2000, $0x38;
	[tilespmem:$0x1D800] =	vst v63  }
0x4f: {  	_ =	swait.ge [sflag:s7], $0x2000  }
0x50: {  	[sflag:s7] =	ssyncset.done $0x0  }
0x51: {  	s15 =	rddreg [dreg:$0x5];
	[sflag:s7] =	ssyncadd.s32 $0xFFFFE000  }
0x52: {  	[hbm4b:s15+s2] =	stream.linear.scatter [tilespmem:s6], [sflag:$0x2], $0x2000, $0x38;
	[tilespmem:$0x1D800] =	vst v63  }
0x53: {  	_ =	swait.ge [sflag:s7], $0x2000  }
0x54: {  	[sflag:s7] =	ssyncset.done $0x0  }
0x55: {  	[sflag:s7] =	ssyncadd.s32 $0xFFFFE000  }
0x56: {  	[tilespmem:s6], [sflag:$0x2] =	stream.linear.gather [spmem:s23], $0x2000, $0x38;
	[tilespmem:$0x1D800] =	vst v63  }
0x57: {  	_ =	swait.ge [sflag:s7], $0x2000  }
0x58: {  	[sflag:s7] =	ssyncset.done $0x0  }
0x59: {  	s16 =	rddreg [dreg:$0x6];
	[sflag:s7] =	ssyncadd.s32 $0xFFFFE000  }
0x5a: {  	[hbm4b:s16+s2] =	stream.linear.scatter [tilespmem:s6], [sflag:$0x2], $0x2000, $0x38;
	[tilespmem:$0x1D800] =	vst v63  }
0x5b: {  	_ =	swait.ge [sflag:s7], $0x2000  }
0x5c: {  	[sflag:s7] =	ssyncset.done $0x0  }
0x5d: {  	[sflag:s7] =	ssyncadd.s32 $0xFFFFE000  }
0x5e: {  	[tilespmem:s6], [sflag:$0x2] =	stream.linear.gather [spmem:s24], $0x2000, $0x38;
	[tilespmem:$0x1D800] =	vst v63  }
0x5f: {  	_ =	swait.ge [sflag:s7], $0x2000  }
0x60: {  	[sflag:s7] =	ssyncset.done $0x0  }
0x61: {  	s17 =	rddreg [dreg:$0x7];
	[sflag:s7] =	ssyncadd.s32 $0xFFFFE000  }
0x62: {  	[hbm4b:s17+s2] =	stream.linear.scatter [tilespmem:s6], [sflag:$0x2], $0x2000, $0x38;
	[tilespmem:$0x1D800] =	vst v63  }
0x63: {  	_ =	swait.ge [sflag:s7], $0x2000  }
0x64: {  	[sflag:s7] =	ssyncset.done $0x0  }
0x65: {  	[sflag:s7] =	ssyncadd.s32 $0xFFFFE000  }
0x66: {  	[tilespmem:s6], [sflag:$0x2] =	stream.linear.gather [spmem:s26], $0x2000, $0x38;
	[tilespmem:$0x1D800] =	vst v63  }
0x67: {  	_ =	swait.ge [sflag:s7], $0x2000  }
0x68: {  	[sflag:s7] =	ssyncset.done $0x0  }
0x69: {  	s28 =	rddreg [dreg:$0x8];
	[sflag:s7] =	ssyncadd.s32 $0xFFFFE000  }
0x6a: {  	[hbm4b:s28+s2] =	stream.linear.scatter [tilespmem:s6], [sflag:$0x2], $0x2000, $0x38;
	[tilespmem:$0x1D800] =	vst v63  }
0x6b: {  	_ =	swait.ge [sflag:s7], $0x2000  }
0x6c: {  	[sflag:s7] =	ssyncset.done $0x0  }
0x6d: {  	[sflag:s7] =	ssyncadd.s32 $0xFFFFE000  }
.LBB2_14:
0x6e: {  	s8 =	sadd.s32 $0x1, s8  }
0x6f: {  	p1 =	sne.s32 s8, s5  }
.Ltmp1:
0x70: {  	_ = 	snop;
	(pc) =	sbr.rel @!p1 .LBB2_15-.Ltmp1, $1  }
0x71: {  	_ =	sdelay $0x3  }
.LBB2_1:
0x72: {  	s4 =	simm.s32 $0x100;
	s15 =	simm.s32 $0x0  }
.LBB2_2:
0x73: {  	p1 =	sne.s32 s4, $0x7F00;
	[tilespmem:s15+$0xE030] =	vst v0;
	s16 =	smov.u32 s4;
	s4 =	sadd.s32 $0x100, s4  }
.Ltmp2:
0x74: {  	[tilespmem:s15+$0xE020] =	vst v0;
	(pc) =	sbr.rel @p1 .LBB2_2-.Ltmp2, $3  }
0x75: {  	[tilespmem:s15+$0xE000] =	vst v0  }
0x76: {  	[tilespmem:s15+$0xE010] =	vst v0;
	_ =	sdelay $0x1  }
0x77: {  	s15 =	sshra.s32 s16, $0x2  }
0x78: {  	[tilespmem:s15+$0xE030] =	vst v0  }
0x79: {  	[tilespmem:s15+$0xE020] =	vst v0  }
0x7a: {  	[tilespmem:s15+$0xE000] =	vst v0  }
0x7b: {  	[tilespmem:s15+$0xE010] =	vst v0;
	s4 =	simm.s32 $0x40;
	s15 =	simm.s32 $0x0  }
.LBB2_4:
0x7c: {  	p1 =	sne.s32 s4, $0x1FC0;
	[tilespmem:s15+$0x10000] =	vst v1;
	s15 =	smov.u32 s4;
	s4 =	sadd.s32 $0x40, s4  }
.Ltmp3:
0x7d: {  	(pc) =	sbr.rel @p1 .LBB2_4-.Ltmp3, $2  }
0x7e: {  	_ =	sdelay $0x2  }
0x7f: {  	s15 =	sshra.s32 s15, $0x2  }
0x80: {  	[tilespmem:s15+$0x10000] =	vst v1;
	s4 =	simm.s32 $0x40;
	s15 =	simm.s32 $0x0  }
.LBB2_6:
0x81: {  	p1 =	sne.s32 s4, $0x1FC0;
	[tilespmem:s15+$0x10800] =	vst v0;
	s15 =	smov.u32 s4;
	s4 =	sadd.s32 $0x40, s4  }
.Ltmp4:
0x82: {  	(pc) =	sbr.rel @p1 .LBB2_6-.Ltmp4, $2  }
0x83: {  	_ =	sdelay $0x2  }
0x84: {  	s15 =	sshra.s32 s15, $0x2  }
0x85: {  	[tilespmem:s15+$0x10800] =	vst v0  }
0x86: {  	[spmem:s25] =	stream.linear.scatter [tilespmem:s6], [sflag:$0x2], $0x2000, $0x38;
	[tilespmem:$0x1D800] =	vst v63  }
0x87: {  	_ =	swait.ge [sflag:s7], $0x2000  }
0x88: {  	[sflag:s7] =	ssyncset.done $0x0  }
0x89: {  	[sflag:s7] =	ssyncadd.s32 $0xFFFFE000  }
0x8a: {  	[spmem:s22] =	stream.linear.scatter [tilespmem:s6], [sflag:$0x2], $0x2000, $0x38;
	[tilespmem:$0x1D800] =	vst v63  }
0x8b: {  	_ =	swait.ge [sflag:s7], $0x2000  }
0x8c: {  	[sflag:s7] =	ssyncset.done $0x0  }
0x8d: {  	[sflag:s7] =	ssyncadd.s32 $0xFFFFE000  }
0x8e: {  	[spmem:s23] =	stream.linear.scatter [tilespmem:s6], [sflag:$0x2], $0x2000, $0x38;
	[tilespmem:$0x1D800] =	vst v63  }
0x8f: {  	_ =	swait.ge [sflag:s7], $0x2000  }
0x90: {  	[sflag:s7] =	ssyncset.done $0x0  }
0x91: {  	[sflag:s7] =	ssyncadd.s32 $0xFFFFE000  }
0x92: {  	[spmem:s24] =	stream.linear.scatter [tilespmem:s6], [sflag:$0x2], $0x2000, $0x38;
	[tilespmem:$0x1D800] =	vst v63  }
0x93: {  	_ =	swait.ge [sflag:s7], $0x2000  }
0x94: {  	[sflag:s7] =	ssyncset.done $0x0  }
0x95: {  	[sflag:s7] =	ssyncadd.s32 $0xFFFFE000  }
0x96: {  	[spmem:s26] =	stream.linear.scatter [tilespmem:s6], [sflag:$0x2], $0x2000, $0x38;
	[tilespmem:$0x1D800] =	vst v63  }
0x97: {  	_ =	swait.ge [sflag:s7], $0x2000  }
0x98: {  	[sflag:s7] =	ssyncset.done $0x0  }
0x99: {  	s4 =	simm.s32 @!p0 $0x10800;
	s15 =	rddreg [dreg:$0x13];
	[sflag:s7] =	ssyncadd.s32 $0xFFFFE000  }
0x9a: {  	[spmem:s15] =	stream.linear.scatter @!p0 [tilespmem:s4], [sflag:$0x2], $0x800, $0x38;
	[tilespmem:$0x1D800] =	vst v63  }
0x9b: {  	s15 =	simm.s32 @!p0 $0x2  }
0x9c: {  	_ =	swait.ge @!p0 [sflag:s15], $0x800  }
0x9d: {  	[sflag:s15] =	ssyncset.done @!p0 $0x0  }
0x9e: {  	[sflag:s15] =	ssyncadd.s32 @!p0 $0xFFFFF800  }
0x9f: {  	[spmem:s29] =	stream.linear.scatter @!p0 [tilespmem:s4], [sflag:$0x2], $0x800, $0x38;
	[tilespmem:$0x1D800] =	vst v63  }
0xa0: {  	_ =	swait.ge @!p0 [sflag:s15], $0x800  }
0xa1: {  	[sflag:s15] =	ssyncset.done @!p0 $0x0  }
0xa2: {  	[sflag:s15] =	ssyncadd.s32 @!p0 $0xFFFFF800  }
0xa3: {  	[spmem:s30] =	stream.linear.scatter @!p0 [tilespmem:s4], [sflag:$0x2], $0x800, $0x38;
	[tilespmem:$0x1D800] =	vst v63  }
0xa4: {  	_ =	swait.ge @!p0 [sflag:s15], $0x800  }
0xa5: {  	[sflag:s15] =	ssyncset.done @!p0 $0x0  }
0xa6: {  	[sflag:s15] =	ssyncadd.s32 @!p0 $0xFFFFF800  }
0xa7: {  	[spmem:s31] =	stream.linear.scatter @!p0 [tilespmem:s4], [sflag:$0x2], $0x800, $0x38;
	[tilespmem:$0x1D800] =	vst v63  }
0xa8: {  	_ =	swait.ge @!p0 [sflag:s15], $0x800  }
0xa9: {  	[sflag:s15] =	ssyncset.done @!p0 $0x0  }
0xaa: {  	[sflag:s15] =	ssyncadd.s32 @!p0 $0xFFFFF800  }
0xab: {  	[spmem:s14] =	stream.linear.scatter @!p0 [tilespmem:s4], [sflag:$0x2], $0x800, $0x38;
	[tilespmem:$0x1D800] =	vst v63  }
0xac: {  	_ =	swait.ge @!p0 [sflag:s15], $0x800  }
0xad: {  	[sflag:s15] =	ssyncset.done @!p0 $0x0  }
0xae: {  	s16 =	rddreg [dreg:$0x15];
	[sflag:s15] =	ssyncadd.s32 @!p0 $0xFFFFF800  }
0xaf: {  	[tilespmem:s2], [sflag:$0x2] =	stream.linear.gather [hbm4b:s16+s2], $0x5000, $0x38;
	[tilespmem:$0x1D800] =	vst v63  }
0xb0: {  	_ =	swait.ge [sflag:s7], $0x5000  }
0xb1: {  	[sflag:s7] =	ssyncset.done $0x0  }
0xb2: {  	s17 =	simm.s32 $0x5000;
	s28 =	rddreg [dreg:$0x16];
	[sflag:s7] =	ssyncadd.s32 $0xFFFFB000  }
0xb3: {  	[tilespmem:s17], [sflag:$0x2] =	stream.linear.gather [hbm4b:s28+s2], $0x5000, $0x38;
	[tilespmem:$0x1D800] =	vst v63  }
.Ltmp5:
0xb4: {  	_ =	swait.ge [sflag:s7], $0x5000;
	(pc) =	sbr.rel @p0 .LBB2_11-.Ltmp5, $4  }
0xb5: {  	[sflag:s7] =	ssyncset.done $0x0  }
0xb6: {  	[sflag:s7] =	ssyncadd.s32 $0xFFFFB000  }
0xb7: {  	[bflag:$0x0] =	sbarrier.arrive $0xFFFF  }
0xb8: {  	s4 =	simm.s32 $0x0  }
0xb9: {  	[tilespmem:s10], [sflag:$0x1] =	stream.indirect.gather [hbm4b:s20+s9], $0x40, s4, s9, $0xb8;
	[tilespmem:$0x1D800] =	vst v63  }
0xba: {  	s15 =	simm.s32 $0x80  }
0xbb: {  	[tilespmem:s11], [sflag:$0x1] =	stream.indirect.gather [hbm4b:s20+s9], $0x40, s15, s9, $0xb8;
	[tilespmem:$0x1D800] =	vst v63  }
0xbc: {  	_ =	swait.ge [sflag:s12], $0x2000  }
0xbd: {  	[sflag:s12] =	ssyncset.done $0x0  }
0xbe: {  	s16 =	simm.s32 $0x5000;
	[sflag:s12] =	ssyncadd.s32 $0xFFFFE000  }
0xbf: {  	[spmem:s1] =	stream.indirect.scatter.add.f32 [tilespmem:s10], [sflag:$0x2], $0x40, s16, s9, $0xb8;
	[tilespmem:$0x1D800] =	vst v63  }
0xc0: {  	_ =	swait.ge [sflag:s7], $0x2000  }
0xc1: {  	[sflag:s7] =	ssyncset.done $0x0  }
0xc2: {  	[sflag:s7] =	ssyncadd.s32 $0xFFFFE000  }
0xc3: {  	[spmem:s18] =	stream.indirect.scatter.add.f32 [tilespmem:s13], [sflag:$0x2], $0x10, s16, s9, $0xb8;
	[tilespmem:$0x1D800] =	vst v63  }
0xc4: {  	_ =	swait.ge [sflag:s7], $0x800  }
0xc5: {  	[sflag:s7] =	ssyncset.done $0x0  }
0xc6: {  	s17 =	simm.s32 $0x100;
	[sflag:s7] =	ssyncadd.s32 $0xFFFFF800  }
0xc7: {  	[tilespmem:s10], [sflag:$0x1] =	stream.indirect.gather [hbm4b:s20+s9], $0x40, s17, s9, $0xb8;
	[tilespmem:$0x1D800] =	vst v63  }
0xc8: {  	_ =	swait.ge [sflag:s12], $0x2000  }
0xc9: {  	[sflag:s12] =	ssyncset.done $0x0  }
0xca: {  	s28 =	simm.s32 $0x5080;
	[sflag:s12] =	ssyncadd.s32 $0xFFFFE000  }
0xcb: {  	[spmem:s1] =	stream.indirect.scatter.add.f32 [tilespmem:s11], [sflag:$0x2], $0x40, s28, s9, $0xb8;
	[tilespmem:$0x1D800] =	vst v63  }
0xcc: {  	_ =	swait.ge [sflag:s7], $0x2000  }
0xcd: {  	[sflag:s7] =	ssyncset.done $0x0  }
0xce: {  	[sflag:s7] =	ssyncadd.s32 $0xFFFFE000  }
0xcf: {  	[spmem:s18] =	stream.indirect.scatter.add.f32 [tilespmem:s13], [sflag:$0x2], $0x10, s28, s9, $0xb8;
	[tilespmem:$0x1D800] =	vst v63  }
0xd0: {  	_ =	swait.ge [sflag:s7], $0x800  }
0xd1: {  	s4 =	simm.s32 $0x800;
	s15 =	simm.s32 $0x100;
	[sflag:s7] =	ssyncset.done $0x0  }
.LBB2_9:
0xd2: {  	s16 =	sadd.s32 $0x80, s15  }
0xd3: {  	[sflag:s7] =	ssyncadd.s32 $0xFFFFF800;
	s17 =	smov.u32 s4;
	s28 =	sadd.s32 $0x400, s4  }
0xd4: {  	[tilespmem:s11], [sflag:$0x1] =	stream.indirect.gather [hbm4b:s20+s9], $0x40, s16, s9, $0xb8;
	[tilespmem:$0x1D800] =	vst v63  }
0xd5: {  	p1 =	sne.s32 s4, $0x13800;
	_ =	swait.ge [sflag:s12], $0x2000  }
0xd6: {  	[sflag:s12] =	ssyncset.done $0x0  }
0xd7: {  	s4 =	sadd.s32 $0x5000, s15;
	[sflag:s12] =	ssyncadd.s32 $0xFFFFE000  }
0xd8: {  	[spmem:s1] =	stream.indirect.scatter.add.f32 [tilespmem:s10], [sflag:$0x2], $0x40, s4, s9, $0xb8;
	[tilespmem:$0x1D800] =	vst v63  }
0xd9: {  	_ =	swait.ge [sflag:s7], $0x2000  }
0xda: {  	[sflag:s7] =	ssyncset.done $0x0  }
0xdb: {  	[sflag:s7] =	ssyncadd.s32 $0xFFFFE000  }
0xdc: {  	[spmem:s18] =	stream.indirect.scatter.add.f32 [tilespmem:s13], [sflag:$0x2], $0x10, s4, s9, $0xb8;
	[tilespmem:$0x1D800] =	vst v63  }
0xdd: {  	_ =	swait.ge [sflag:s7], $0x800  }
0xde: {  	[sflag:s7] =	ssyncset.done $0x0  }
0xdf: {  	s4 =	sadd.s32 $0x100, s15;
	[sflag:s7] =	ssyncadd.s32 $0xFFFFF800  }
0xe0: {  	[tilespmem:s10], [sflag:$0x1] =	stream.indirect.gather [hbm4b:s20+s9], $0x40, s4, s9, $0xb8;
	[tilespmem:$0x1D800] =	vst v63  }
0xe1: {  	_ =	swait.ge [sflag:s12], $0x2000  }
0xe2: {  	[sflag:s12] =	ssyncset.done $0x0  }
0xe3: {  	s4 =	sadd.s32 $0x5080, s15;
	[sflag:s12] =	ssyncadd.s32 $0xFFFFE000  }
0xe4: {  	[spmem:s1] =	stream.indirect.scatter.add.f32 [tilespmem:s11], [sflag:$0x2], $0x40, s4, s9, $0xb8;
	[tilespmem:$0x1D800] =	vst v63  }
0xe5: {  	_ =	swait.ge [sflag:s7], $0x2000  }
.Ltmp6:
0xe6: {  	[sflag:s7] =	ssyncset.done $0x0;
	(pc) =	sbr.rel @p1 .LBB2_9-.Ltmp6, $4  }
0xe7: {  	[sflag:s7] =	ssyncadd.s32 $0xFFFFE000  }
0xe8: {  	[spmem:s18] =	stream.indirect.scatter.add.f32 [tilespmem:s13], [sflag:$0x2], $0x10, s4, s9, $0xb8;
	[tilespmem:$0x1D800] =	vst v63  }
0xe9: {  	_ =	swait.ge [sflag:s7], $0x800  }
0xea: {  	s15 =	sshra.s32 s17, $0x2;
	s4 =	smov.u32 s28;
	[sflag:s7] =	ssyncset.done $0x0  }
0xeb: {  	s4 =	sadd.s32 $0x80, s15;
	[sflag:s7] =	ssyncadd.s32 $0xFFFFF800  }
0xec: {  	[tilespmem:s11], [sflag:$0x1] =	stream.indirect.gather [hbm4b:s20+s9], $0x40, s4, s9, $0xb8;
	[tilespmem:$0x1D800] =	vst v63  }
0xed: {  	_ =	swait.ge [sflag:s12], $0x2000  }
0xee: {  	[sflag:s12] =	ssyncset.done $0x0  }
0xef: {  	s16 =	sadd.s32 $0x5000, s15;
	[sflag:s12] =	ssyncadd.s32 $0xFFFFE000  }
0xf0: {  	[spmem:s1] =	stream.indirect.scatter.add.f32 [tilespmem:s10], [sflag:$0x2], $0x40, s16, s9, $0xb8;
	[tilespmem:$0x1D800] =	vst v63  }
0xf1: {  	_ =	swait.ge [sflag:s7], $0x2000  }
0xf2: {  	[sflag:s7] =	ssyncset.done $0x0  }
0xf3: {  	[sflag:s7] =	ssyncadd.s32 $0xFFFFE000  }
0xf4: {  	[spmem:s18] =	stream.indirect.scatter.add.f32 [tilespmem:s13], [sflag:$0x2], $0x10, s16, s9, $0xb8;
	[tilespmem:$0x1D800] =	vst v63  }
0xf5: {  	_ =	swait.ge [sflag:s7], $0x800  }
0xf6: {  	[sflag:s7] =	ssyncset.done $0x0  }
0xf7: {  	s17 =	sadd.s32 $0x100, s15;
	[sflag:s7] =	ssyncadd.s32 $0xFFFFF800  }
0xf8: {  	[tilespmem:s10], [sflag:$0x1] =	stream.indirect.gather [hbm4b:s20+s9], $0x40, s17, s9, $0xb8;
	[tilespmem:$0x1D800] =	vst v63  }
0xf9: {  	_ =	swait.ge [sflag:s12], $0x2000  }
0xfa: {  	[sflag:s12] =	ssyncset.done $0x0  }
0xfb: {  	s28 =	sadd.s32 $0x5080, s15;
	[sflag:s12] =	ssyncadd.s32 $0xFFFFE000  }
0xfc: {  	[spmem:s1] =	stream.indirect.scatter.add.f32 [tilespmem:s11], [sflag:$0x2], $0x40, s28, s9, $0xb8;
	[tilespmem:$0x1D800] =	vst v63  }
0xfd: {  	_ =	swait.ge [sflag:s7], $0x2000  }
0xfe: {  	[sflag:s7] =	ssyncset.done $0x0  }
0xff: {  	[sflag:s7] =	ssyncadd.s32 $0xFFFFE000  }
0x100: {  	[spmem:s18] =	stream.indirect.scatter.add.f32 [tilespmem:s13], [sflag:$0x2], $0x10, s28, s9, $0xb8;
	[tilespmem:$0x1D800] =	vst v63  }
0x101: {  	_ =	swait.ge [sflag:s7], $0x800  }
0x102: {  	[sflag:s7] =	ssyncset.done $0x0  }
0x103: {  	s0 =	simm.s32 $0x4F80;
	[sflag:s7] =	ssyncadd.s32 $0xFFFFF800  }
0x104: {  	[tilespmem:s11], [sflag:$0x1] =	stream.indirect.gather [hbm4b:s20+s9], $0x40, s0, s9, $0xb8;
	[tilespmem:$0x1D800] =	vst v63  }
0x105: {  	_ =	swait.ge [sflag:s12], $0x2000  }
0x106: {  	[sflag:s12] =	ssyncset.done $0x0  }
0x107: {  	s3 =	simm.s32 $0x9F00;
	[sflag:s12] =	ssyncadd.s32 $0xFFFFE000  }
0x108: {  	[spmem:s1] =	stream.indirect.scatter.add.f32 [tilespmem:s10], [sflag:$0x2], $0x40, s3, s9, $0xb8;
	[tilespmem:$0x1D800] =	vst v63  }
0x109: {  	_ =	swait.ge [sflag:s7], $0x2000  }
0x10a: {  	[sflag:s7] =	ssyncset.done $0x0  }
0x10b: {  	[sflag:s7] =	ssyncadd.s32 $0xFFFFE000  }
0x10c: {  	[spmem:s18] =	stream.indirect.scatter.add.f32 [tilespmem:s13], [sflag:$0x2], $0x10, s3, s9, $0xb8;
	[tilespmem:$0x1D800] =	vst v63  }
0x10d: {  	_ =	swait.ge [sflag:s7], $0x800  }
0x10e: {  	[sflag:s7] =	ssyncset.done $0x0  }
0x10f: {  	[sflag:s7] =	ssyncadd.s32 $0xFFFFF800  }
0x110: {  	_ =	swait.ge [sflag:s12], $0x2000  }
0x111: {  	[sflag:s12] =	ssyncset.done $0x0  }
0x112: {  	s15 =	simm.s32 $0x9F80;
	[sflag:s12] =	ssyncadd.s32 $0xFFFFE000  }
0x113: {  	[spmem:s1] =	stream.indirect.scatter.add.f32 [tilespmem:s11], [sflag:$0x2], $0x40, s15, s9, $0xb8;
	[tilespmem:$0x1D800] =	vst v63  }
0x114: {  	_ =	swait.ge [sflag:s7], $0x2000  }
0x115: {  	[sflag:s7] =	ssyncset.done $0x0  }
0x116: {  	[sflag:s7] =	ssyncadd.s32 $0xFFFFE000  }
0x117: {  	[spmem:s18] =	stream.indirect.scatter.add.f32 [tilespmem:s13], [sflag:$0x2], $0x10, s15, s9, $0xb8;
	[tilespmem:$0x1D800] =	vst v63  }
0x118: {  	_ =	swait.ge [sflag:s7], $0x800  }
0x119: {  	[sflag:s7] =	ssyncset.done $0x0  }
0x11a: {  	[sflag:s7] =	ssyncadd.s32 $0xFFFFF800  }
0x11b: {  	[bflag:$0x0] =	sbarrier.arrive $0xFFFF  }
0x11c: {  	[tilespmem:s6], [sflag:$0x2] =	stream.linear.gather [spmem:s25], $0x2000, $0x38;
	[tilespmem:$0x1D800] =	vst v63  }
0x11d: {  	_ =	swait.ge [sflag:s7], $0x2000  }
0x11e: {  	[sflag:s7] =	ssyncset.done $0x0  }
0x11f: {  	s16 =	rddreg [dreg:$0x9];
	[sflag:s7] =	ssyncadd.s32 $0xFFFFE000  }
0x120: {  	[hbm4b:s16+s2] =	stream.linear.scatter [tilespmem:s6], [sflag:$0x2], $0x2000, $0x38;
	[tilespmem:$0x1D800] =	vst v63  }
0x121: {  	_ =	swait.ge [sflag:s7], $0x2000  }
0x122: {  	[sflag:s7] =	ssyncset.done $0x0  }
0x123: {  	[sflag:s7] =	ssyncadd.s32 $0xFFFFE000  }
0x124: {  	[tilespmem:s6], [sflag:$0x2] =	stream.linear.gather [spmem:s22], $0x2000, $0x38;
	[tilespmem:$0x1D800] =	vst v63  }
0x125: {  	_ =	swait.ge [sflag:s7], $0x2000  }
0x126: {  	[sflag:s7] =	ssyncset.done $0x0  }
0x127: {  	s17 =	rddreg [dreg:$0xa];
	[sflag:s7] =	ssyncadd.s32 $0xFFFFE000  }
0x128: {  	[hbm4b:s17+s2] =	stream.linear.scatter [tilespmem:s6], [sflag:$0x2], $0x2000, $0x38;
	[tilespmem:$0x1D800] =	vst v63  }
0x129: {  	_ =	swait.ge [sflag:s7], $0x2000  }
0x12a: {  	[sflag:s7] =	ssyncset.done $0x0  }
0x12b: {  	[sflag:s7] =	ssyncadd.s32 $0xFFFFE000  }
0x12c: {  	[tilespmem:s6], [sflag:$0x2] =	stream.linear.gather [spmem:s23], $0x2000, $0x38;
	[tilespmem:$0x1D800] =	vst v63  }
0x12d: {  	_ =	swait.ge [sflag:s7], $0x2000  }
0x12e: {  	[sflag:s7] =	ssyncset.done $0x0  }
0x12f: {  	s28 =	rddreg [dreg:$0xb];
	[sflag:s7] =	ssyncadd.s32 $0xFFFFE000  }
0x130: {  	[hbm4b:s28+s2] =	stream.linear.scatter [tilespmem:s6], [sflag:$0x2], $0x2000, $0x38;
	[tilespmem:$0x1D800] =	vst v63  }
0x131: {  	_ =	swait.ge [sflag:s7], $0x2000  }
0x132: {  	[sflag:s7] =	ssyncset.done $0x0  }
0x133: {  	[sflag:s7] =	ssyncadd.s32 $0xFFFFE000  }
0x134: {  	[tilespmem:s6], [sflag:$0x2] =	stream.linear.gather [spmem:s24], $0x2000, $0x38;
	[tilespmem:$0x1D800] =	vst v63  }
0x135: {  	_ =	swait.ge [sflag:s7], $0x2000  }
0x136: {  	[sflag:s7] =	ssyncset.done $0x0  }
0x137: {  	s15 =	rddreg [dreg:$0xc];
	[sflag:s7] =	ssyncadd.s32 $0xFFFFE000  }
0x138: {  	[hbm4b:s15+s2] =	stream.linear.scatter [tilespmem:s6], [sflag:$0x2], $0x2000, $0x38;
	[tilespmem:$0x1D800] =	vst v63  }
0x139: {  	_ =	swait.ge [sflag:s7], $0x2000  }
0x13a: {  	[sflag:s7] =	ssyncset.done $0x0  }
0x13b: {  	[sflag:s7] =	ssyncadd.s32 $0xFFFFE000  }
0x13c: {  	[tilespmem:s6], [sflag:$0x2] =	stream.linear.gather [spmem:s26], $0x2000, $0x38;
	[tilespmem:$0x1D800] =	vst v63  }
0x13d: {  	_ =	swait.ge [sflag:s7], $0x2000  }
0x13e: {  	[sflag:s7] =	ssyncset.done $0x0  }
0x13f: {  	s16 =	rddreg [dreg:$0xd];
	[sflag:s7] =	ssyncadd.s32 $0xFFFFE000  }
0x140: {  	[hbm4b:s16+s2] =	stream.linear.scatter [tilespmem:s6], [sflag:$0x2], $0x2000, $0x38;
	[tilespmem:$0x1D800] =	vst v63  }
0x141: {  	_ =	swait.ge [sflag:s7], $0x2000  }
0x142: {  	[sflag:s7] =	ssyncset.done $0x0  }
0x143: {  	s17 =	rddreg [dreg:$0x14];
	[sflag:s7] =	ssyncadd.s32 $0xFFFFE000  }
0x144: {  	[tilespmem:s19], [sflag:$0x2] =	stream.linear.gather [spmem:s17], $0x800, $0x38;
	[tilespmem:$0x1D800] =	vst v63  }
0x145: {  	_ =	swait.ge [sflag:s7], $0x800  }
0x146: {  	[sflag:s7] =	ssyncset.done $0x0  }
0x147: {  	s28 =	rddreg [dreg:$0xe];
	[sflag:s7] =	ssyncadd.s32 $0xFFFFF800  }
0x148: {  	[hbm4b:s28+s2] =	stream.linear.scatter [tilespmem:s19], [sflag:$0x2], $0x800, $0x38;
	[tilespmem:$0x1D800] =	vst v63  }
0x149: {  	_ =	swait.ge [sflag:s7], $0x800  }
0x14a: {  	[sflag:s7] =	ssyncset.done $0x0  }
0x14b: {  	[sflag:s7] =	ssyncadd.s32 $0xFFFFF800  }
0x14c: {  	[tilespmem:s19], [sflag:$0x2] =	stream.linear.gather [spmem:s29], $0x800, $0x38;
	[tilespmem:$0x1D800] =	vst v63  }
0x14d: {  	_ =	swait.ge [sflag:s7], $0x800  }
0x14e: {  	[sflag:s7] =	ssyncset.done $0x0  }
0x14f: {  	s15 =	rddreg [dreg:$0xf];
	[sflag:s7] =	ssyncadd.s32 $0xFFFFF800  }
0x150: {  	[hbm4b:s15+s2] =	stream.linear.scatter [tilespmem:s19], [sflag:$0x2], $0x800, $0x38;
	[tilespmem:$0x1D800] =	vst v63  }
0x151: {  	_ =	swait.ge [sflag:s7], $0x800  }
0x152: {  	[sflag:s7] =	ssyncset.done $0x0  }
0x153: {  	[sflag:s7] =	ssyncadd.s32 $0xFFFFF800  }
0x154: {  	[tilespmem:s19], [sflag:$0x2] =	stream.linear.gather [spmem:s30], $0x800, $0x38;
	[tilespmem:$0x1D800] =	vst v63  }
0x155: {  	_ =	swait.ge [sflag:s7], $0x800  }
0x156: {  	[sflag:s7] =	ssyncset.done $0x0  }
0x157: {  	s16 =	rddreg [dreg:$0x10];
	[sflag:s7] =	ssyncadd.s32 $0xFFFFF800  }
0x158: {  	[hbm4b:s16+s2] =	stream.linear.scatter [tilespmem:s19], [sflag:$0x2], $0x800, $0x38;
	[tilespmem:$0x1D800] =	vst v63  }
0x159: {  	_ =	swait.ge [sflag:s7], $0x800  }
0x15a: {  	[sflag:s7] =	ssyncset.done $0x0  }
0x15b: {  	[sflag:s7] =	ssyncadd.s32 $0xFFFFF800  }
0x15c: {  	[tilespmem:s19], [sflag:$0x2] =	stream.linear.gather [spmem:s31], $0x800, $0x38;
	[tilespmem:$0x1D800] =	vst v63  }
0x15d: {  	_ =	swait.ge [sflag:s7], $0x800  }
0x15e: {  	[sflag:s7] =	ssyncset.done $0x0  }
0x15f: {  	s17 =	rddreg [dreg:$0x11];
	[sflag:s7] =	ssyncadd.s32 $0xFFFFF800  }
0x160: {  	[hbm4b:s17+s2] =	stream.linear.scatter [tilespmem:s19], [sflag:$0x2], $0x800, $0x38;
	[tilespmem:$0x1D800] =	vst v63  }
0x161: {  	_ =	swait.ge [sflag:s7], $0x800  }
0x162: {  	[sflag:s7] =	ssyncset.done $0x0  }
0x163: {  	[sflag:s7] =	ssyncadd.s32 $0xFFFFF800  }
0x164: {  	[tilespmem:s19], [sflag:$0x2] =	stream.linear.gather [spmem:s14], $0x800, $0x38;
	[tilespmem:$0x1D800] =	vst v63  }
0x165: {  	_ =	swait.ge [sflag:s7], $0x800  }
0x166: {  	[sflag:s7] =	ssyncset.done $0x0  }
.Ltmp7:
0x167: {  	s28 =	rddreg [dreg:$0x12];
	[sflag:s7] =	ssyncadd.s32 $0xFFFFF800;
	(pc) =	sbr.rel .LBB2_14-.Ltmp7, $4  }
0x168: {  	[hbm4b:s28+s2] =	stream.linear.scatter [tilespmem:s19], [sflag:$0x2], $0x800, $0x38;
	[tilespmem:$0x1D800] =	vst v63  }
0x169: {  	_ =	swait.ge [sflag:s7], $0x800  }
0x16a: {  	[sflag:s7] =	ssyncset.done $0x0  }
0x16b: {  	s0 =	simm.s32 $0x9F00;
	s3 =	simm.s32 $0x9F80;
	[sflag:s7] =	ssyncadd.s32 $0xFFFFF800  }
.LBB2_11:
0x16c: {  	[tilespmem:s10], [sflag:$0x1] =	stream.indirect.gather [hbm4b:s21+s9], $0x40, s4, s9, $0xb8;
	[tilespmem:$0x1D800] =	vst v63  }
0x16d: {  	s15 =	simm.s32 $0x80  }
0x16e: {  	[tilespmem:s11], [sflag:$0x1] =	stream.indirect.gather [hbm4b:s21+s9], $0x40, s15, s9, $0xb8;
	[tilespmem:$0x1D800] =	vst v63  }
0x16f: {  	_ =	swait.ge [sflag:s12], $0x2000  }
0x170: {  	[sflag:s12] =	ssyncset.done $0x0  }
0x171: {  	s16 =	simm.s32 $0x5000;
	[sflag:s12] =	ssyncadd.s32 $0xFFFFE000  }
0x172: {  	[spmem:s1] =	stream.indirect.scatter.add.f32 [tilespmem:s10], [sflag:$0x2], $0x40, s16, s9, $0xb8;
	[tilespmem:$0x1D800] =	vst v63  }
0x173: {  	_ =	swait.ge [sflag:s7], $0x2000  }
0x174: {  	[sflag:s7] =	ssyncset.done $0x0  }
0x175: {  	s17 =	simm.s32 $0x100;
	[sflag:s7] =	ssyncadd.s32 $0xFFFFE000  }
0x176: {  	[tilespmem:s10], [sflag:$0x1] =	stream.indirect.gather [hbm4b:s21+s9], $0x40, s17, s9, $0xb8;
	[tilespmem:$0x1D800] =	vst v63  }
0x177: {  	_ =	swait.ge [sflag:s12], $0x2000  }
0x178: {  	[sflag:s12] =	ssyncset.done $0x0  }
0x179: {  	s28 =	simm.s32 $0x5080;
	[sflag:s12] =	ssyncadd.s32 $0xFFFFE000  }
0x17a: {  	[spmem:s1] =	stream.indirect.scatter.add.f32 [tilespmem:s11], [sflag:$0x2], $0x40, s28, s9, $0xb8;
	[tilespmem:$0x1D800] =	vst v63  }
0x17b: {  	_ =	swait.ge [sflag:s7], $0x2000  }
0x17c: {  	s4 =	simm.s32 $0x800;
	s15 =	simm.s32 $0x100;
	[sflag:s7] =	ssyncset.done $0x0  }
.LBB2_12:
0x17d: {  	s16 =	sadd.s32 $0x80, s15  }
0x17e: {  	[sflag:s7] =	ssyncadd.s32 $0xFFFFE000;
	s17 =	smov.u32 s4;
	s28 =	sadd.s32 $0x400, s4  }
0x17f: {  	[tilespmem:s11], [sflag:$0x1] =	stream.indirect.gather [hbm4b:s21+s9], $0x40, s16, s9, $0xb8;
	[tilespmem:$0x1D800] =	vst v63  }
0x180: {  	p1 =	sne.s32 s4, $0x13800;
	_ =	swait.ge [sflag:s12], $0x2000  }
0x181: {  	[sflag:s12] =	ssyncset.done $0x0  }
0x182: {  	s4 =	sadd.s32 $0x5000, s15;
	[sflag:s12] =	ssyncadd.s32 $0xFFFFE000  }
0x183: {  	[spmem:s1] =	stream.indirect.scatter.add.f32 [tilespmem:s10], [sflag:$0x2], $0x40, s4, s9, $0xb8;
	[tilespmem:$0x1D800] =	vst v63  }
0x184: {  	_ =	swait.ge [sflag:s7], $0x2000  }
0x185: {  	[sflag:s7] =	ssyncset.done $0x0  }
0x186: {  	s4 =	sadd.s32 $0x100, s15;
	[sflag:s7] =	ssyncadd.s32 $0xFFFFE000  }
0x187: {  	[tilespmem:s10], [sflag:$0x1] =	stream.indirect.gather [hbm4b:s21+s9], $0x40, s4, s9, $0xb8;
	[tilespmem:$0x1D800] =	vst v63  }
0x188: {  	_ =	swait.ge [sflag:s12], $0x2000  }
.Ltmp8:
0x189: {  	[sflag:s12] =	ssyncset.done $0x0;
	(pc) =	sbr.rel @p1 .LBB2_12-.Ltmp8, $4  }
0x18a: {  	s4 =	sadd.s32 $0x5080, s15;
	[sflag:s12] =	ssyncadd.s32 $0xFFFFE000  }
0x18b: {  	[spmem:s1] =	stream.indirect.scatter.add.f32 [tilespmem:s11], [sflag:$0x2], $0x40, s4, s9, $0xb8;
	[tilespmem:$0x1D800] =	vst v63  }
0x18c: {  	_ =	swait.ge [sflag:s7], $0x2000  }
0x18d: {  	s15 =	sshra.s32 s17, $0x2;
	s4 =	smov.u32 s28;
	[sflag:s7] =	ssyncset.done $0x0  }
.Ltmp9:
0x18e: {  	_ = 	snop;
	(pc) =	sbr.rel .LBB2_13-.Ltmp9, $1  }
0x18f: {  	_ =	sdelay $0x3  }
.LBB2_15:
0x190: {  	_ =	sfence.sel $0x180000  }
0x191: {  	[bflag:$0x0] =	sbarrier.arrive $0xFFFF  }
0x192: {  	_ =	strace $0x90000047  }
0x193: {  	s0 =	stileid.u32;
	[bflag:$0x2] =	sbarrier.arrive $0xFFFF  }
0x194: {  	p0 =	sne.s32 s0, $0x0;
	s0 =	rddreg [dreg:$0x3]  }
0x195: {  	s0 =	sadd.s32 @!p0 $0x100000, s0  }
0x196: {  	[sflag:s0] =	ssyncadd.tile.s32 @!p0 $0x1;
	_ =	shalt  }
.Lfunc_end2:
_tile_overlayer_lowered:
.L_overlay_start_2:
0x197: {  	(tag) =	ssettag $0x2  }
0x198: {  	s0 =	rddreg [dreg:$0x0];
	s2 =	stileid.u32  }
0x199: {  	s1 =	rddreg [dreg:$0x1];
	p0 =	sne.s32 s2, $0x0  }
0x19a: {  	s3 =	rddreg [dreg:$0x2];
	[bflag:$0x3] =	sbarrier.arrive $0xFFFF;
	s2 =	simm.s32 @!p0 $0x1C02  }
0x19b: {  	[timem:s3], [sflag:s2] =	dma.local @!p0 [hbm:s0], s1  }
0x19c: {  	s0 =	simm.s32 @!p0 $0x2  }
0x19d: {  	_ =	swait.ge @!p0 [sflag:s0], s1  }
0x19e: {  	s1 =	ssub.s32 @!p0 $0x0, s1;
	[sflag:s0] =	ssyncset.done @!p0 $0x0  }
0x19f: {  	[sflag:s0] =	ssyncadd.s32 @!p0 s1  }
0x1a0: {  	[bflag:$0x3] =	sbarrier.arrive $0xFFFF  }
0x1a1: {  	_ =	shalt  }

</sc_bundles>
